<compile_context>
chip_gen: v7x
topology: tpu7x:2x2x1
jax: 0.10.2.dev20260603
libtpu: 0.0.44.dev20260713+nightly
codegen_flags: <defaults>
</compile_context>

<pallas_src>
import functools

import jax
import jax.numpy as jnp
from jax import lax
from jax.experimental import pallas as pl
from jax.experimental.pallas import tpu as pltpu
from jax.experimental.pallas import tpu_sc as plsc

_IB = 128


def _fc_body(emb_ref, w_ref, b_ref, out_ref):
    out_ref[...] = (
        jnp.dot(emb_ref[...], w_ref[...], preferred_element_type=jnp.float32)
        + b_ref[...]
    )


def _project_table(emb_table, W, b):
    V, _ = emb_table.shape
    C = W.shape[1]
    return pl.pallas_call(
        _fc_body,
        out_shape=jax.ShapeDtypeStruct((V, C), jnp.float32),
    )(emb_table, W, b.reshape(1, C))


@functools.lru_cache(maxsize=None)
def _make_gather(V, Cp, N):
    info = plsc.get_sparse_core_info()
    NC, NS = info.num_cores, info.num_subcores
    NW = NC * NS
    K = 128 // Cp
    nblk = N // _IB
    blk_per_w = nblk // NW
    assert nblk * _IB == N and blk_per_w * NW == nblk and blk_per_w % K == 0
    nsteps = blk_per_w // K
    rows_per_step = _IB * K * Cp // 128
    mesh = plsc.VectorSubcoreMesh(core_axis_name="c", subcore_axis_name="s")

    assert nsteps % 2 == 0 and nsteps >= 4

    @functools.partial(
        pl.kernel,
        mesh=mesh,
        out_type=jax.ShapeDtypeStruct((N * Cp // 128, 128), jnp.float32),
        compiler_params=pltpu.CompilerParams(
            use_tc_tiling_on_sc=False, needs_layout_passes=False
        ),
        scratch_types=[
            pltpu.VMEM((2, K, _IB), jnp.int32),
            pltpu.VMEM((2, K, _IB, Cp), jnp.float32),
            pltpu.VMEM((2, 128, 128), jnp.float32),
            pltpu.SemaphoreType.DMA,
            pltpu.SemaphoreType.DMA,
            pltpu.SemaphoreType.DMA,
            pltpu.SemaphoreType.DMA,
            pltpu.SemaphoreType.DMA,
            pltpu.SemaphoreType.DMA,
        ],
    )
    def gather_kernel(table_hbm, idx_hbm, out_hbm, idx_v, rows_v, pack_v,
                      isem0, isem1, gsem0, gsem1, osem0, osem1):
        isems = (isem0, isem1)
        gsems = (gsem0, gsem1)
        osems = (osem0, osem1)
        wid = lax.axis_index("s") * NC + lax.axis_index("c")
        base = wid * blk_per_w

        def idx_copy(p, off):
            return pltpu.make_async_copy(
                idx_hbm.at[pl.ds(off, K)], idx_v.at[p], isems[p]
            )

        def gather_copy(p, j):
            return pltpu.make_async_copy(
                table_hbm.at[idx_v.at[p, j]], rows_v.at[p, j], gsems[p]
            )

        def out_copy(p, off):
            return pltpu.make_async_copy(
                pack_v.at[p],
                out_hbm.at[pl.ds(off * (_IB * Cp // 128), rows_per_step)],
                osems[p],
            )

        def repack(p):
            def body(t8, carry2):
                for j in range(K):
                    for u in range(8):
                        pack_v[p, j * 16 + t8, pl.ds(u * 16, 16)] = rows_v[
                            p, j, t8 * 8 + u, :
                        ]
                return carry2

            lax.fori_loop(0, 16, body, 0, unroll=False)

        idx_copy(0, base).start()
        idx_copy(0, base).wait()
        for j in range(K):
            gather_copy(0, j).start()
        idx_copy(1, base + K).start()

        def phase(p, i2):
            s = 2 * i2 + p
            off = base + s * K
            for j in range(K):
                gather_copy(p, j).wait()

            @pl.when(s + 1 < nsteps)
            def _():
                idx_copy(1 - p, base + (s + 1) * K).wait()
                for j in range(K):
                    gather_copy(1 - p, j).start()

            @pl.when(s + 2 < nsteps)
            def _():
                idx_copy(p, base + (s + 2) * K).start()

            @pl.when(s >= 2)
            def _():
                out_copy(p, base + (s - 2) * K).wait()

            repack(p)
            out_copy(p, off).start()

        def pair(i2, carry):
            phase(0, i2)
            phase(1, i2)
            return carry

        lax.fori_loop(0, nsteps // 2, pair, 0, unroll=False)
        out_copy(0, base + (nsteps - 2) * K).wait()
        out_copy(1, base + (nsteps - 1) * K).wait()

    return gather_kernel


def _tcompact_body(x_ref, out_ref):
    g2 = pl.program_id(1)
    d = g2 // 4
    colbase = 4096 * (g2 % 4)
    row = lax.broadcasted_iota(jnp.int32, (80, 128), 0)
    k = lax.broadcasted_iota(jnp.int32, (80, 128), 1)
    sel = (k == 16 * (row // 10) + row % 10).astype(jnp.float32)
    res = lax.dot_general(
        sel,
        x_ref[...],
        (((1,), (1,)), ((), ())),
        preferred_element_type=jnp.float32,
    )
    for u in range(8):
        out_ref[:, d, pl.ds(colbase + 512 * u, 512)] = res[
            10 * u : 10 * (u + 1), :
        ]


@functools.lru_cache(maxsize=None)
def _make_tcompact(L, B):
    N = L * B
    assert L % 8 == 0 and B % 4096 == 0
    return pl.pallas_call(
        _tcompact_body,
        grid=(L // 8, 32),
        in_specs=[pl.BlockSpec((512, 128), lambda i, j: (i * 32 + j, 0))],
        out_specs=pl.BlockSpec((10, 8, B), lambda i, j: (0, i, 0)),
        out_shape=jax.ShapeDtypeStruct((10, L, B), jnp.float32),
    )


def kernel(x, emb_table, W, b):
    B, L = x.shape
    V, C = emb_table.shape[0], W.shape[1]
    N = B * L
    Cp = 16
    Wp = jnp.pad(W, ((0, 0), (0, Cp - C)))
    bp = jnp.pad(b, (0, Cp - C))
    table = _project_table(emb_table, Wp, bp)
    xq = x.T.reshape(N // 4096, 8, 512).transpose(0, 2, 1)
    idx2d = xq.reshape(N // _IB, _IB).astype(jnp.int32)
    padded = _make_gather(V, Cp, N)(table, idx2d)
    packedT = _make_tcompact(L, B)(padded)
    return packedT.transpose(2, 1, 0)

# --- scband reference (transcript-rebuilt; emitter-appended) ---
"""Pipeline reference for scband-text-classifier-26671746908647 (READ-ONLY COPY).

The authoritative reference and input builder live on the scoring server;
editing this copy changes nothing except your own understanding.
"""

import jax, jax.numpy as jnp
import numpy as np

VOCAB = 10000
EMBED_DIM = 100
NUM_CLASSES = 10

def setup_inputs(seed: int = 0) -> dict:
    key = jax.random.key(seed)
    k1, k2, k3, k4 = jax.random.split(key, 4)
    x = jax.random.randint(k1, (16384, 200), 0, VOCAB, dtype=jnp.int64 if jax.config.jax_enable_x64 else jnp.int32)
    emb_table = jax.random.normal(k2, (VOCAB, EMBED_DIM), dtype=jnp.float32) * 0.02
    W = jax.random.normal(k3, (EMBED_DIM, NUM_CLASSES), dtype=jnp.float32) * (1.0 / np.sqrt(EMBED_DIM))
    b = jax.random.normal(k4, (NUM_CLASSES,), dtype=jnp.float32) * 0.01
    return {"x": x, "emb_table": emb_table, "W": W, "b": b}

def reference(x, emb_table, W, b):
    # embedding lookup (gather on SparseCore)
    embed = jnp.take(emb_table, x, axis=0)  # [B, L, embed_dim]
    # fc: linear projection to class logits
    out = jnp.dot(embed, W) + b  # [B, L, num_classes]
    return out

if __name__ == "__main__":
    import jax
    _d = setup_inputs()
    print(jax.jit(kernel)(*tuple(_d.values())))

</pallas_src>

<mosaic_0001>
#map = affine_map<(d0, d1) -> (0, 0)>
module attributes {stable_mosaic.version = 14 : i64} {
  func.func @gather_kernel(%arg0: i32, %arg1: i32, %arg2: memref<10000x16xf32, #tpu.memory_space<hbm>>, %arg3: memref<25600x128xi32, #tpu.memory_space<hbm>>, %arg4: memref<409600x128xf32, #tpu.memory_space<hbm>>, %arg5: memref<2x8x128xi32, #tpu.memory_space<vmem>>, %arg6: memref<2x8x128x16xf32, #tpu.memory_space<vmem>>, %arg7: memref<2x128x128xf32, #tpu.memory_space<vmem>>, %arg8: memref<!tpu.dma_semaphore, #tpu.memory_space<semaphore_mem>>, %arg9: memref<!tpu.dma_semaphore, #tpu.memory_space<semaphore_mem>>, %arg10: memref<!tpu.dma_semaphore, #tpu.memory_space<semaphore_mem>>, %arg11: memref<!tpu.dma_semaphore, #tpu.memory_space<semaphore_mem>>, %arg12: memref<!tpu.dma_semaphore, #tpu.memory_space<semaphore_mem>>, %arg13: memref<!tpu.dma_semaphore, #tpu.memory_space<semaphore_mem>>) attributes {dimension_semantics = [#tpu.dimension_semantics<core_parallel>, #tpu.dimension_semantics<subcore_parallel>], iteration_bounds = array<i64: 2, 16>, scalar_prefetch = 0 : i64, scratch_operands = 9 : i64, tpu.core_type = #tpu.core_type<sc_vector_subcore>, window_params = [{transform_indices = #map}, {transform_indices = #map}, {transform_indices = #map}]} {
    %mul3A = arith.constant 2 : i32
    %mul3A_0 = arith.muli %arg1, %mul3A : i32
    %add3A = arith.addi %mul3A_0, %arg0 : i32
    %mul3A_1 = arith.constant 800 : i32
    %mul3A_2 = arith.muli %add3A, %mul3A_1 : i32
    %dma_start3A = arith.constant 0 : i32
    %dma_start3A_3 = arith.constant 0 : i32
    %dma_start3A_4 = arith.constant 0 : i32
    %dma_start3A_5 = tpu.memref_slice %arg5[%dma_start3A, %dma_start3A_3, %dma_start3A_4] : memref<2x8x128xi32, #tpu.memory_space<vmem>> -> memref<1x8x128xi32, #tpu.memory_space<vmem>>
    %dma_start3A_6 = tpu.memref_squeeze %dma_start3A_5 : memref<1x8x128xi32, #tpu.memory_space<vmem>> -> memref<8x128xi32, #tpu.memory_space<vmem>>
    %dma_start3A_7 = arith.constant 0 : i32
    %dma_start3A_8 = tpu.memref_slice %arg3[%mul3A_2, %dma_start3A_7] : memref<25600x128xi32, #tpu.memory_space<hbm>> -> memref<8x128xi32, #tpu.memory_space<hbm>>
    %dma_start3A_9 = arith.constant 0 : i32
    %dma_start3A_10 = arith.constant 0 : i32
    %dma_start3A_11 = tpu.memref_slice %arg5[%dma_start3A, %dma_start3A_9, %dma_start3A_10] : memref<2x8x128xi32, #tpu.memory_space<vmem>> -> memref<1x8x128xi32, #tpu.memory_space<vmem>>
    %dma_start3A_12 = tpu.memref_squeeze %dma_start3A_11 : memref<1x8x128xi32, #tpu.memory_space<vmem>> -> memref<8x128xi32, #tpu.memory_space<vmem>>
    %dma_start3A_13 = arith.constant 0 : i32
    %dma_start3A_14 = tpu.memref_slice %arg3[%mul3A_2, %dma_start3A_13] : memref<25600x128xi32, #tpu.memory_space<hbm>> -> memref<8x128xi32, #tpu.memory_space<hbm>>
    tpu.enqueue_dma source(%dma_start3A_14 : memref<8x128xi32, #tpu.memory_space<hbm>>) target(%dma_start3A_12 : memref<8x128xi32, #tpu.memory_space<vmem>>) target_semaphore(%arg8 : memref<!tpu.dma_semaphore, #tpu.memory_space<semaphore_mem>>)
    %dma_wait3A = arith.constant 0 : i32
    %dma_wait3A_15 = arith.constant 0 : i32
    %dma_wait3A_16 = arith.constant 0 : i32
    %dma_wait3A_17 = tpu.memref_slice %arg5[%dma_wait3A, %dma_wait3A_15, %dma_wait3A_16] : memref<2x8x128xi32, #tpu.memory_space<vmem>> -> memref<1x8x128xi32, #tpu.memory_space<vmem>>
    %dma_wait3A_18 = tpu.memref_squeeze %dma_wait3A_17 : memref<1x8x128xi32, #tpu.memory_space<vmem>> -> memref<8x128xi32, #tpu.memory_space<vmem>>
    %dma_wait3A_19 = arith.constant 0 : i32
    %dma_wait3A_20 = tpu.memref_slice %arg3[%mul3A_2, %dma_wait3A_19] : memref<25600x128xi32, #tpu.memory_space<hbm>> -> memref<8x128xi32, #tpu.memory_space<hbm>>
    %dma_wait3A_21 = arith.constant 0 : i32
    %dma_wait3A_22 = arith.constant 0 : i32
    %dma_wait3A_23 = tpu.memref_slice %arg5[%dma_wait3A, %dma_wait3A_21, %dma_wait3A_22] : memref<2x8x128xi32, #tpu.memory_space<vmem>> -> memref<1x8x128xi32, #tpu.memory_space<vmem>>
    %dma_wait3A_24 = tpu.memref_squeeze %dma_wait3A_23 : memref<1x8x128xi32, #tpu.memory_space<vmem>> -> memref<8x128xi32, #tpu.memory_space<vmem>>
    %dma_wait3A_25 = arith.constant 0 : i32
    %dma_wait3A_26 = tpu.memref_slice %arg3[%mul3A_2, %dma_wait3A_25] : memref<25600x128xi32, #tpu.memory_space<hbm>> -> memref<8x128xi32, #tpu.memory_space<hbm>>
    tpu.wait_dma2 semaphore(%arg8 : memref<!tpu.dma_semaphore, #tpu.memory_space<semaphore_mem>>) src(%dma_wait3A_26 : memref<8x128xi32, #tpu.memory_space<hbm>>) dst(%dma_wait3A_24 : memref<8x128xi32, #tpu.memory_space<vmem>>)
    %dma_start3A_27 = arith.constant 0 : i32
    %dma_start3A_28 = arith.constant 0 : i32
    %dma_start3A_29 = arith.constant 0 : i32
    %dma_start3A_30 = arith.constant 0 : i32
    %dma_start3A_31 = arith.constant 0 : i32
    %dma_start3A_32 = arith.constant 0 : i32
    %dma_start3A_33 = tpu.memref_slice %arg6[%dma_start3A_29, %dma_start3A_30, %dma_start3A_31, %dma_start3A_32] : memref<2x8x128x16xf32, #tpu.memory_space<vmem>> -> memref<1x1x128x16xf32, #tpu.memory_space<vmem>>
    %dma_start3A_34 = tpu.memref_squeeze %dma_start3A_33 : memref<1x1x128x16xf32, #tpu.memory_space<vmem>> -> memref<128x16xf32, #tpu.memory_space<vmem>>
    %dma_start3A_35 = arith.constant 0 : i32
    %dma_start3A_36 = tpu.memref_slice %arg5[%dma_start3A_27, %dma_start3A_28, %dma_start3A_35] : memref<2x8x128xi32, #tpu.memory_space<vmem>> -> memref<1x1x128xi32, #tpu.memory_space<vmem>>
    %dma_start3A_37 = tpu.memref_squeeze %dma_start3A_36 : memref<1x1x128xi32, #tpu.memory_space<vmem>> -> memref<128xi32, #tpu.memory_space<vmem>>
    %dma_start3A_38 = arith.constant 0 : i32
    %dma_start3A_39 = arith.constant 0 : i32
    %dma_start3A_40 = tpu.memref_slice %arg2[%dma_start3A_38, %dma_start3A_39] : memref<10000x16xf32, #tpu.memory_space<hbm>> -> memref<10000x16xf32, #tpu.memory_space<hbm>>
    tpu.enqueue_indirect_dma source(%dma_start3A_40 : memref<10000x16xf32, #tpu.memory_space<hbm>>) target(%dma_start3A_34 : memref<128x16xf32, #tpu.memory_space<vmem>>) offsets(%dma_start3A_37 : memref<128xi32, #tpu.memory_space<vmem>>) semaphore(%arg10 : memref<!tpu.dma_semaphore, #tpu.memory_space<semaphore_mem>>)
    %dma_start3A_41 = arith.constant 0 : i32
    %dma_start3A_42 = arith.constant 1 : i32
    %dma_start3A_43 = arith.constant 0 : i32
    %dma_start3A_44 = arith.constant 1 : i32
    %dma_start3A_45 = arith.constant 0 : i32
    %dma_start3A_46 = arith.constant 0 : i32
    %dma_start3A_47 = tpu.memref_slice %arg6[%dma_start3A_43, %dma_start3A_44, %dma_start3A_45, %dma_start3A_46] : memref<2x8x128x16xf32, #tpu.memory_space<vmem>> -> memref<1x1x128x16xf32, #tpu.memory_space<vmem>>
    %dma_start3A_48 = tpu.memref_squeeze %dma_start3A_47 : memref<1x1x128x16xf32, #tpu.memory_space<vmem>> -> memref<128x16xf32, #tpu.memory_space<vmem>>
    %dma_start3A_49 = arith.constant 0 : i32
    %dma_start3A_50 = tpu.memref_slice %arg5[%dma_start3A_41, %dma_start3A_42, %dma_start3A_49] : memref<2x8x128xi32, #tpu.memory_space<vmem>> -> memref<1x1x128xi32, #tpu.memory_space<vmem>>
    %dma_start3A_51 = tpu.memref_squeeze %dma_start3A_50 : memref<1x1x128xi32, #tpu.memory_space<vmem>> -> memref<128xi32, #tpu.memory_space<vmem>>
    %dma_start3A_52 = arith.constant 0 : i32
    %dma_start3A_53 = arith.constant 0 : i32
    %dma_start3A_54 = tpu.memref_slice %arg2[%dma_start3A_52, %dma_start3A_53] : memref<10000x16xf32, #tpu.memory_space<hbm>> -> memref<10000x16xf32, #tpu.memory_space<hbm>>
    tpu.enqueue_indirect_dma source(%dma_start3A_54 : memref<10000x16xf32, #tpu.memory_space<hbm>>) target(%dma_start3A_48 : memref<128x16xf32, #tpu.memory_space<vmem>>) offsets(%dma_start3A_51 : memref<128xi32, #tpu.memory_space<vmem>>) semaphore(%arg10 : memref<!tpu.dma_semaphore, #tpu.memory_space<semaphore_mem>>)
    %dma_start3A_55 = arith.constant 0 : i32
    %dma_start3A_56 = arith.constant 2 : i32
    %dma_start3A_57 = arith.constant 0 : i32
    %dma_start3A_58 = arith.constant 2 : i32
    %dma_start3A_59 = arith.constant 0 : i32
    %dma_start3A_60 = arith.constant 0 : i32
    %dma_start3A_61 = tpu.memref_slice %arg6[%dma_start3A_57, %dma_start3A_58, %dma_start3A_59, %dma_start3A_60] : memref<2x8x128x16xf32, #tpu.memory_space<vmem>> -> memref<1x1x128x16xf32, #tpu.memory_space<vmem>>
    %dma_start3A_62 = tpu.memref_squeeze %dma_start3A_61 : memref<1x1x128x16xf32, #tpu.memory_space<vmem>> -> memref<128x16xf32, #tpu.memory_space<vmem>>
    %dma_start3A_63 = arith.constant 0 : i32
    %dma_start3A_64 = tpu.memref_slice %arg5[%dma_start3A_55, %dma_start3A_56, %dma_start3A_63] : memref<2x8x128xi32, #tpu.memory_space<vmem>> -> memref<1x1x128xi32, #tpu.memory_space<vmem>>
    %dma_start3A_65 = tpu.memref_squeeze %dma_start3A_64 : memref<1x1x128xi32, #tpu.memory_space<vmem>> -> memref<128xi32, #tpu.memory_space<vmem>>
    %dma_start3A_66 = arith.constant 0 : i32
    %dma_start3A_67 = arith.constant 0 : i32
    %dma_start3A_68 = tpu.memref_slice %arg2[%dma_start3A_66, %dma_start3A_67] : memref<10000x16xf32, #tpu.memory_space<hbm>> -> memref<10000x16xf32, #tpu.memory_space<hbm>>
    tpu.enqueue_indirect_dma source(%dma_start3A_68 : memref<10000x16xf32, #tpu.memory_space<hbm>>) target(%dma_start3A_62 : memref<128x16xf32, #tpu.memory_space<vmem>>) offsets(%dma_start3A_65 : memref<128xi32, #tpu.memory_space<vmem>>) semaphore(%arg10 : memref<!tpu.dma_semaphore, #tpu.memory_space<semaphore_mem>>)
    %dma_start3A_69 = arith.constant 0 : i32
    %dma_start3A_70 = arith.constant 3 : i32
    %dma_start3A_71 = arith.constant 0 : i32
    %dma_start3A_72 = arith.constant 3 : i32
    %dma_start3A_73 = arith.constant 0 : i32
    %dma_start3A_74 = arith.constant 0 : i32
    %dma_start3A_75 = tpu.memref_slice %arg6[%dma_start3A_71, %dma_start3A_72, %dma_start3A_73, %dma_start3A_74] : memref<2x8x128x16xf32, #tpu.memory_space<vmem>> -> memref<1x1x128x16xf32, #tpu.memory_space<vmem>>
    %dma_start3A_76 = tpu.memref_squeeze %dma_start3A_75 : memref<1x1x128x16xf32, #tpu.memory_space<vmem>> -> memref<128x16xf32, #tpu.memory_space<vmem>>
    %dma_start3A_77 = arith.constant 0 : i32
    %dma_start3A_78 = tpu.memref_slice %arg5[%dma_start3A_69, %dma_start3A_70, %dma_start3A_77] : memref<2x8x128xi32, #tpu.memory_space<vmem>> -> memref<1x1x128xi32, #tpu.memory_space<vmem>>
    %dma_start3A_79 = tpu.memref_squeeze %dma_start3A_78 : memref<1x1x128xi32, #tpu.memory_space<vmem>> -> memref<128xi32, #tpu.memory_space<vmem>>
    %dma_start3A_80 = arith.constant 0 : i32
    %dma_start3A_81 = arith.constant 0 : i32
    %dma_start3A_82 = tpu.memref_slice %arg2[%dma_start3A_80, %dma_start3A_81] : memref<10000x16xf32, #tpu.memory_space<hbm>> -> memref<10000x16xf32, #tpu.memory_space<hbm>>
    tpu.enqueue_indirect_dma source(%dma_start3A_82 : memref<10000x16xf32, #tpu.memory_space<hbm>>) target(%dma_start3A_76 : memref<128x16xf32, #tpu.memory_space<vmem>>) offsets(%dma_start3A_79 : memref<128xi32, #tpu.memory_space<vmem>>) semaphore(%arg10 : memref<!tpu.dma_semaphore, #tpu.memory_space<semaphore_mem>>)
    %dma_start3A_83 = arith.constant 0 : i32
    %dma_start3A_84 = arith.constant 4 : i32
    %dma_start3A_85 = arith.constant 0 : i32
    %dma_start3A_86 = arith.constant 4 : i32
    %dma_start3A_87 = arith.constant 0 : i32
    %dma_start3A_88 = arith.constant 0 : i32
    %dma_start3A_89 = tpu.memref_slice %arg6[%dma_start3A_85, %dma_start3A_86, %dma_start3A_87, %dma_start3A_88] : memref<2x8x128x16xf32, #tpu.memory_space<vmem>> -> memref<1x1x128x16xf32, #tpu.memory_space<vmem>>
    %dma_start3A_90 = tpu.memref_squeeze %dma_start3A_89 : memref<1x1x128x16xf32, #tpu.memory_space<vmem>> -> memref<128x16xf32, #tpu.memory_space<vmem>>
    %dma_start3A_91 = arith.constant 0 : i32
    %dma_start3A_92 = tpu.memref_slice %arg5[%dma_start3A_83, %dma_start3A_84, %dma_start3A_91] : memref<2x8x128xi32, #tpu.memory_space<vmem>> -> memref<1x1x128xi32, #tpu.memory_space<vmem>>
    %dma_start3A_93 = tpu.memref_squeeze %dma_start3A_92 : memref<1x1x128xi32, #tpu.memory_space<vmem>> -> memref<128xi32, #tpu.memory_space<vmem>>
    %dma_start3A_94 = arith.constant 0 : i32
    %dma_start3A_95 = arith.constant 0 : i32
    %dma_start3A_96 = tpu.memref_slice %arg2[%dma_start3A_94, %dma_start3A_95] : memref<10000x16xf32, #tpu.memory_space<hbm>> -> memref<10000x16xf32, #tpu.memory_space<hbm>>
    tpu.enqueue_indirect_dma source(%dma_start3A_96 : memref<10000x16xf32, #tpu.memory_space<hbm>>) target(%dma_start3A_90 : memref<128x16xf32, #tpu.memory_space<vmem>>) offsets(%dma_start3A_93 : memref<128xi32, #tpu.memory_space<vmem>>) semaphore(%arg10 : memref<!tpu.dma_semaphore, #tpu.memory_space<semaphore_mem>>)
    %dma_start3A_97 = arith.constant 0 : i32
    %dma_start3A_98 = arith.constant 5 : i32
    %dma_start3A_99 = arith.constant 0 : i32
    %dma_start3A_100 = arith.constant 5 : i32
    %dma_start3A_101 = arith.constant 0 : i32
    %dma_start3A_102 = arith.constant 0 : i32
    %dma_start3A_103 = tpu.memref_slice %arg6[%dma_start3A_99, %dma_start3A_100, %dma_start3A_101, %dma_start3A_102] : memref<2x8x128x16xf32, #tpu.memory_space<vmem>> -> memref<1x1x128x16xf32, #tpu.memory_space<vmem>>
    %dma_start3A_104 = tpu.memref_squeeze %dma_start3A_103 : memref<1x1x128x16xf32, #tpu.memory_space<vmem>> -> memref<128x16xf32, #tpu.memory_space<vmem>>
    %dma_start3A_105 = arith.constant 0 : i32
    %dma_start3A_106 = tpu.memref_slice %arg5[%dma_start3A_97, %dma_start3A_98, %dma_start3A_105] : memref<2x8x128xi32, #tpu.memory_space<vmem>> -> memref<1x1x128xi32, #tpu.memory_space<vmem>>
    %dma_start3A_107 = tpu.memref_squeeze %dma_start3A_106 : memref<1x1x128xi32, #tpu.memory_space<vmem>> -> memref<128xi32, #tpu.memory_space<vmem>>
    %dma_start3A_108 = arith.constant 0 : i32
    %dma_start3A_109 = arith.constant 0 : i32
    %dma_start3A_110 = tpu.memref_slice %arg2[%dma_start3A_108, %dma_start3A_109] : memref<10000x16xf32, #tpu.memory_space<hbm>> -> memref<10000x16xf32, #tpu.memory_space<hbm>>
    tpu.enqueue_indirect_dma source(%dma_start3A_110 : memref<10000x16xf32, #tpu.memory_space<hbm>>) target(%dma_start3A_104 : memref<128x16xf32, #tpu.memory_space<vmem>>) offsets(%dma_start3A_107 : memref<128xi32, #tpu.memory_space<vmem>>) semaphore(%arg10 : memref<!tpu.dma_semaphore, #tpu.memory_space<semaphore_mem>>)
    %dma_start3A_111 = arith.constant 0 : i32
    %dma_start3A_112 = arith.constant 6 : i32
    %dma_start3A_113 = arith.constant 0 : i32
    %dma_start3A_114 = arith.constant 6 : i32
    %dma_start3A_115 = arith.constant 0 : i32
    %dma_start3A_116 = arith.constant 0 : i32
    %dma_start3A_117 = tpu.memref_slice %arg6[%dma_start3A_113, %dma_start3A_114, %dma_start3A_115, %dma_start3A_116] : memref<2x8x128x16xf32, #tpu.memory_space<vmem>> -> memref<1x1x128x16xf32, #tpu.memory_space<vmem>>
    %dma_start3A_118 = tpu.memref_squeeze %dma_start3A_117 : memref<1x1x128x16xf32, #tpu.memory_space<vmem>> -> memref<128x16xf32, #tpu.memory_space<vmem>>
    %dma_start3A_119 = arith.constant 0 : i32
    %dma_start3A_120 = tpu.memref_slice %arg5[%dma_start3A_111, %dma_start3A_112, %dma_start3A_119] : memref<2x8x128xi32, #tpu.memory_space<vmem>> -> memref<1x1x128xi32, #tpu.memory_space<vmem>>
    %dma_start3A_121 = tpu.memref_squeeze %dma_start3A_120 : memref<1x1x128xi32, #tpu.memory_space<vmem>> -> memref<128xi32, #tpu.memory_space<vmem>>
    %dma_start3A_122 = arith.constant 0 : i32
    %dma_start3A_123 = arith.constant 0 : i32
    %dma_start3A_124 = tpu.memref_slice %arg2[%dma_start3A_122, %dma_start3A_123] : memref<10000x16xf32, #tpu.memory_space<hbm>> -> memref<10000x16xf32, #tpu.memory_space<hbm>>
    tpu.enqueue_indirect_dma source(%dma_start3A_124 : memref<10000x16xf32, #tpu.memory_space<hbm>>) target(%dma_start3A_118 : memref<128x16xf32, #tpu.memory_space<vmem>>) offsets(%dma_start3A_121 : memref<128xi32, #tpu.memory_space<vmem>>) semaphore(%arg10 : memref<!tpu.dma_semaphore, #tpu.memory_space<semaphore_mem>>)
    %dma_start3A_125 = arith.constant 0 : i32
    %dma_start3A_126 = arith.constant 7 : i32
    %dma_start3A_127 = arith.constant 0 : i32
    %dma_start3A_128 = arith.constant 7 : i32
    %dma_start3A_129 = arith.constant 0 : i32
    %dma_start3A_130 = arith.constant 0 : i32
    %dma_start3A_131 = tpu.memref_slice %arg6[%dma_start3A_127, %dma_start3A_128, %dma_start3A_129, %dma_start3A_130] : memref<2x8x128x16xf32, #tpu.memory_space<vmem>> -> memref<1x1x128x16xf32, #tpu.memory_space<vmem>>
    %dma_start3A_132 = tpu.memref_squeeze %dma_start3A_131 : memref<1x1x128x16xf32, #tpu.memory_space<vmem>> -> memref<128x16xf32, #tpu.memory_space<vmem>>
    %dma_start3A_133 = arith.constant 0 : i32
    %dma_start3A_134 = tpu.memref_slice %arg5[%dma_start3A_125, %dma_start3A_126, %dma_start3A_133] : memref<2x8x128xi32, #tpu.memory_space<vmem>> -> memref<1x1x128xi32, #tpu.memory_space<vmem>>
    %dma_start3A_135 = tpu.memref_squeeze %dma_start3A_134 : memref<1x1x128xi32, #tpu.memory_space<vmem>> -> memref<128xi32, #tpu.memory_space<vmem>>
    %dma_start3A_136 = arith.constant 0 : i32
    %dma_start3A_137 = arith.constant 0 : i32
    %dma_start3A_138 = tpu.memref_slice %arg2[%dma_start3A_136, %dma_start3A_137] : memref<10000x16xf32, #tpu.memory_space<hbm>> -> memref<10000x16xf32, #tpu.memory_space<hbm>>
    tpu.enqueue_indirect_dma source(%dma_start3A_138 : memref<10000x16xf32, #tpu.memory_space<hbm>>) target(%dma_start3A_132 : memref<128x16xf32, #tpu.memory_space<vmem>>) offsets(%dma_start3A_135 : memref<128xi32, #tpu.memory_space<vmem>>) semaphore(%arg10 : memref<!tpu.dma_semaphore, #tpu.memory_space<semaphore_mem>>)
    %add3A_139 = arith.constant 8 : i32
    %add3A_140 = arith.addi %mul3A_2, %add3A_139 : i32
    %dma_start3A_141 = arith.constant 1 : i32
    %dma_start3A_142 = arith.constant 0 : i32
    %dma_start3A_143 = arith.constant 0 : i32
    %dma_start3A_144 = tpu.memref_slice %arg5[%dma_start3A_141, %dma_start3A_142, %dma_start3A_143] : memref<2x8x128xi32, #tpu.memory_space<vmem>> -> memref<1x8x128xi32, #tpu.memory_space<vmem>>
    %dma_start3A_145 = tpu.memref_squeeze %dma_start3A_144 : memref<1x8x128xi32, #tpu.memory_space<vmem>> -> memref<8x128xi32, #tpu.memory_space<vmem>>
    %dma_start3A_146 = arith.constant 0 : i32
    %dma_start3A_147 = tpu.memref_slice %arg3[%add3A_140, %dma_start3A_146] : memref<25600x128xi32, #tpu.memory_space<hbm>> -> memref<8x128xi32, #tpu.memory_space<hbm>>
    %dma_start3A_148 = arith.constant 0 : i32
    %dma_start3A_149 = arith.constant 0 : i32
    %dma_start3A_150 = tpu.memref_slice %arg5[%dma_start3A_141, %dma_start3A_148, %dma_start3A_149] : memref<2x8x128xi32, #tpu.memory_space<vmem>> -> memref<1x8x128xi32, #tpu.memory_space<vmem>>
    %dma_start3A_151 = tpu.memref_squeeze %dma_start3A_150 : memref<1x8x128xi32, #tpu.memory_space<vmem>> -> memref<8x128xi32, #tpu.memory_space<vmem>>
    %dma_start3A_152 = arith.constant 0 : i32
    %dma_start3A_153 = tpu.memref_slice %arg3[%add3A_140, %dma_start3A_152] : memref<25600x128xi32, #tpu.memory_space<hbm>> -> memref<8x128xi32, #tpu.memory_space<hbm>>
    tpu.enqueue_dma source(%dma_start3A_153 : memref<8x128xi32, #tpu.memory_space<hbm>>) target(%dma_start3A_151 : memref<8x128xi32, #tpu.memory_space<vmem>>) target_semaphore(%arg9 : memref<!tpu.dma_semaphore, #tpu.memory_space<semaphore_mem>>)
    %scan3A = arith.constant 0 : i32
    %scan3A_154 = arith.constant 0 : i32
    %scan3A_155 = arith.constant 50 : i32
    %scan3A_156 = arith.addi %scan3A_154, %scan3A_155 : i32
    %scan3A_157 = arith.constant 1 : i32
    scf.for %scan3A_193 = %scan3A_154 to %scan3A_156 step %scan3A_157  : i32 {
      %mul3A_194 = arith.constant 2 : i32
      %mul3A_195 = arith.muli %mul3A_194, %scan3A_193 : i32
      %add3A_196 = arith.constant 0 : i32
      %add3A_197 = arith.addi %mul3A_195, %add3A_196 : i32
      %mul3A_198 = arith.constant 8 : i32
      %mul3A_199 = arith.muli %add3A_197, %mul3A_198 : i32
      %add3A_200 = arith.addi %mul3A_2, %mul3A_199 : i32
      %dma_wait3A_201 = arith.constant 0 : i32
      %dma_wait3A_202 = arith.constant 0 : i32
      %dma_wait3A_203 = arith.constant 0 : i32
      %dma_wait3A_204 = arith.constant 0 : i32
      %dma_wait3A_205 = arith.constant 0 : i32
      %dma_wait3A_206 = arith.constant 0 : i32
      %dma_wait3A_207 = tpu.memref_slice %arg6[%dma_wait3A_203, %dma_wait3A_204, %dma_wait3A_205, %dma_wait3A_206] : memref<2x8x128x16xf32, #tpu.memory_space<vmem>> -> memref<1x1x128x16xf32, #tpu.memory_space<vmem>>
      %dma_wait3A_208 = tpu.memref_squeeze %dma_wait3A_207 : memref<1x1x128x16xf32, #tpu.memory_space<vmem>> -> memref<128x16xf32, #tpu.memory_space<vmem>>
      %dma_wait3A_209 = arith.constant 0 : i32
      %dma_wait3A_210 = tpu.memref_slice %arg5[%dma_wait3A_201, %dma_wait3A_202, %dma_wait3A_209] : memref<2x8x128xi32, #tpu.memory_space<vmem>> -> memref<1x1x128xi32, #tpu.memory_space<vmem>>
      %dma_wait3A_211 = tpu.memref_squeeze %dma_wait3A_210 : memref<1x1x128xi32, #tpu.memory_space<vmem>> -> memref<128xi32, #tpu.memory_space<vmem>>
      %dma_wait3A_212 = arith.constant 0 : i32
      %dma_wait3A_213 = arith.constant 0 : i32
      %dma_wait3A_214 = tpu.memref_slice %arg2[%dma_wait3A_212, %dma_wait3A_213] : memref<10000x16xf32, #tpu.memory_space<hbm>> -> memref<10000x16xf32, #tpu.memory_space<hbm>>
      tpu.wait_indirect_dma semaphore(%arg10 : memref<!tpu.dma_semaphore, #tpu.memory_space<semaphore_mem>>) src(%dma_wait3A_214 : memref<10000x16xf32, #tpu.memory_space<hbm>>) dst(%dma_wait3A_208 : memref<128x16xf32, #tpu.memory_space<vmem>>)
      %dma_wait3A_215 = arith.constant 0 : i32
      %dma_wait3A_216 = arith.constant 1 : i32
      %dma_wait3A_217 = arith.constant 0 : i32
      %dma_wait3A_218 = arith.constant 1 : i32
      %dma_wait3A_219 = arith.constant 0 : i32
      %dma_wait3A_220 = arith.constant 0 : i32
      %dma_wait3A_221 = tpu.memref_slice %arg6[%dma_wait3A_217, %dma_wait3A_218, %dma_wait3A_219, %dma_wait3A_220] : memref<2x8x128x16xf32, #tpu.memory_space<vmem>> -> memref<1x1x128x16xf32, #tpu.memory_space<vmem>>
      %dma_wait3A_222 = tpu.memref_squeeze %dma_wait3A_221 : memref<1x1x128x16xf32, #tpu.memory_space<vmem>> -> memref<128x16xf32, #tpu.memory_space<vmem>>
      %dma_wait3A_223 = arith.constant 0 : i32
      %dma_wait3A_224 = tpu.memref_slice %arg5[%dma_wait3A_215, %dma_wait3A_216, %dma_wait3A_223] : memref<2x8x128xi32, #tpu.memory_space<vmem>> -> memref<1x1x128xi32, #tpu.memory_space<vmem>>
      %dma_wait3A_225 = tpu.memref_squeeze %dma_wait3A_224 : memref<1x1x128xi32, #tpu.memory_space<vmem>> -> memref<128xi32, #tpu.memory_space<vmem>>
      %dma_wait3A_226 = arith.constant 0 : i32
      %dma_wait3A_227 = arith.constant 0 : i32
      %dma_wait3A_228 = tpu.memref_slice %arg2[%dma_wait3A_226, %dma_wait3A_227] : memref<10000x16xf32, #tpu.memory_space<hbm>> -> memref<10000x16xf32, #tpu.memory_space<hbm>>
      tpu.wait_indirect_dma semaphore(%arg10 : memref<!tpu.dma_semaphore, #tpu.memory_space<semaphore_mem>>) src(%dma_wait3A_228 : memref<10000x16xf32, #tpu.memory_space<hbm>>) dst(%dma_wait3A_222 : memref<128x16xf32, #tpu.memory_space<vmem>>)
      %dma_wait3A_229 = arith.constant 0 : i32
      %dma_wait3A_230 = arith.constant 2 : i32
      %dma_wait3A_231 = arith.constant 0 : i32
      %dma_wait3A_232 = arith.constant 2 : i32
      %dma_wait3A_233 = arith.constant 0 : i32
      %dma_wait3A_234 = arith.constant 0 : i32
      %dma_wait3A_235 = tpu.memref_slice %arg6[%dma_wait3A_231, %dma_wait3A_232, %dma_wait3A_233, %dma_wait3A_234] : memref<2x8x128x16xf32, #tpu.memory_space<vmem>> -> memref<1x1x128x16xf32, #tpu.memory_space<vmem>>
      %dma_wait3A_236 = tpu.memref_squeeze %dma_wait3A_235 : memref<1x1x128x16xf32, #tpu.memory_space<vmem>> -> memref<128x16xf32, #tpu.memory_space<vmem>>
      %dma_wait3A_237 = arith.constant 0 : i32
      %dma_wait3A_238 = tpu.memref_slice %arg5[%dma_wait3A_229, %dma_wait3A_230, %dma_wait3A_237] : memref<2x8x128xi32, #tpu.memory_space<vmem>> -> memref<1x1x128xi32, #tpu.memory_space<vmem>>
      %dma_wait3A_239 = tpu.memref_squeeze %dma_wait3A_238 : memref<1x1x128xi32, #tpu.memory_space<vmem>> -> memref<128xi32, #tpu.memory_space<vmem>>
      %dma_wait3A_240 = arith.constant 0 : i32
      %dma_wait3A_241 = arith.constant 0 : i32
      %dma_wait3A_242 = tpu.memref_slice %arg2[%dma_wait3A_240, %dma_wait3A_241] : memref<10000x16xf32, #tpu.memory_space<hbm>> -> memref<10000x16xf32, #tpu.memory_space<hbm>>
      tpu.wait_indirect_dma semaphore(%arg10 : memref<!tpu.dma_semaphore, #tpu.memory_space<semaphore_mem>>) src(%dma_wait3A_242 : memref<10000x16xf32, #tpu.memory_space<hbm>>) dst(%dma_wait3A_236 : memref<128x16xf32, #tpu.memory_space<vmem>>)
      %dma_wait3A_243 = arith.constant 0 : i32
      %dma_wait3A_244 = arith.constant 3 : i32
      %dma_wait3A_245 = arith.constant 0 : i32
      %dma_wait3A_246 = arith.constant 3 : i32
      %dma_wait3A_247 = arith.constant 0 : i32
      %dma_wait3A_248 = arith.constant 0 : i32
      %dma_wait3A_249 = tpu.memref_slice %arg6[%dma_wait3A_245, %dma_wait3A_246, %dma_wait3A_247, %dma_wait3A_248] : memref<2x8x128x16xf32, #tpu.memory_space<vmem>> -> memref<1x1x128x16xf32, #tpu.memory_space<vmem>>
      %dma_wait3A_250 = tpu.memref_squeeze %dma_wait3A_249 : memref<1x1x128x16xf32, #tpu.memory_space<vmem>> -> memref<128x16xf32, #tpu.memory_space<vmem>>
      %dma_wait3A_251 = arith.constant 0 : i32
      %dma_wait3A_252 = tpu.memref_slice %arg5[%dma_wait3A_243, %dma_wait3A_244, %dma_wait3A_251] : memref<2x8x128xi32, #tpu.memory_space<vmem>> -> memref<1x1x128xi32, #tpu.memory_space<vmem>>
      %dma_wait3A_253 = tpu.memref_squeeze %dma_wait3A_252 : memref<1x1x128xi32, #tpu.memory_space<vmem>> -> memref<128xi32, #tpu.memory_space<vmem>>
      %dma_wait3A_254 = arith.constant 0 : i32
      %dma_wait3A_255 = arith.constant 0 : i32
      %dma_wait3A_256 = tpu.memref_slice %arg2[%dma_wait3A_254, %dma_wait3A_255] : memref<10000x16xf32, #tpu.memory_space<hbm>> -> memref<10000x16xf32, #tpu.memory_space<hbm>>
      tpu.wait_indirect_dma semaphore(%arg10 : memref<!tpu.dma_semaphore, #tpu.memory_space<semaphore_mem>>) src(%dma_wait3A_256 : memref<10000x16xf32, #tpu.memory_space<hbm>>) dst(%dma_wait3A_250 : memref<128x16xf32, #tpu.memory_space<vmem>>)
      %dma_wait3A_257 = arith.constant 0 : i32
      %dma_wait3A_258 = arith.constant 4 : i32
      %dma_wait3A_259 = arith.constant 0 : i32
      %dma_wait3A_260 = arith.constant 4 : i32
      %dma_wait3A_261 = arith.constant 0 : i32
      %dma_wait3A_262 = arith.constant 0 : i32
      %dma_wait3A_263 = tpu.memref_slice %arg6[%dma_wait3A_259, %dma_wait3A_260, %dma_wait3A_261, %dma_wait3A_262] : memref<2x8x128x16xf32, #tpu.memory_space<vmem>> -> memref<1x1x128x16xf32, #tpu.memory_space<vmem>>
      %dma_wait3A_264 = tpu.memref_squeeze %dma_wait3A_263 : memref<1x1x128x16xf32, #tpu.memory_space<vmem>> -> memref<128x16xf32, #tpu.memory_space<vmem>>
      %dma_wait3A_265 = arith.constant 0 : i32
      %dma_wait3A_266 = tpu.memref_slice %arg5[%dma_wait3A_257, %dma_wait3A_258, %dma_wait3A_265] : memref<2x8x128xi32, #tpu.memory_space<vmem>> -> memref<1x1x128xi32, #tpu.memory_space<vmem>>
      %dma_wait3A_267 = tpu.memref_squeeze %dma_wait3A_266 : memref<1x1x128xi32, #tpu.memory_space<vmem>> -> memref<128xi32, #tpu.memory_space<vmem>>
      %dma_wait3A_268 = arith.constant 0 : i32
      %dma_wait3A_269 = arith.constant 0 : i32
      %dma_wait3A_270 = tpu.memref_slice %arg2[%dma_wait3A_268, %dma_wait3A_269] : memref<10000x16xf32, #tpu.memory_space<hbm>> -> memref<10000x16xf32, #tpu.memory_space<hbm>>
      tpu.wait_indirect_dma semaphore(%arg10 : memref<!tpu.dma_semaphore, #tpu.memory_space<semaphore_mem>>) src(%dma_wait3A_270 : memref<10000x16xf32, #tpu.memory_space<hbm>>) dst(%dma_wait3A_264 : memref<128x16xf32, #tpu.memory_space<vmem>>)
      %dma_wait3A_271 = arith.constant 0 : i32
      %dma_wait3A_272 = arith.constant 5 : i32
      %dma_wait3A_273 = arith.constant 0 : i32
      %dma_wait3A_274 = arith.constant 5 : i32
      %dma_wait3A_275 = arith.constant 0 : i32
      %dma_wait3A_276 = arith.constant 0 : i32
      %dma_wait3A_277 = tpu.memref_slice %arg6[%dma_wait3A_273, %dma_wait3A_274, %dma_wait3A_275, %dma_wait3A_276] : memref<2x8x128x16xf32, #tpu.memory_space<vmem>> -> memref<1x1x128x16xf32, #tpu.memory_space<vmem>>
      %dma_wait3A_278 = tpu.memref_squeeze %dma_wait3A_277 : memref<1x1x128x16xf32, #tpu.memory_space<vmem>> -> memref<128x16xf32, #tpu.memory_space<vmem>>
      %dma_wait3A_279 = arith.constant 0 : i32
      %dma_wait3A_280 = tpu.memref_slice %arg5[%dma_wait3A_271, %dma_wait3A_272, %dma_wait3A_279] : memref<2x8x128xi32, #tpu.memory_space<vmem>> -> memref<1x1x128xi32, #tpu.memory_space<vmem>>
      %dma_wait3A_281 = tpu.memref_squeeze %dma_wait3A_280 : memref<1x1x128xi32, #tpu.memory_space<vmem>> -> memref<128xi32, #tpu.memory_space<vmem>>
      %dma_wait3A_282 = arith.constant 0 : i32
      %dma_wait3A_283 = arith.constant 0 : i32
      %dma_wait3A_284 = tpu.memref_slice %arg2[%dma_wait3A_282, %dma_wait3A_283] : memref<10000x16xf32, #tpu.memory_space<hbm>> -> memref<10000x16xf32, #tpu.memory_space<hbm>>
      tpu.wait_indirect_dma semaphore(%arg10 : memref<!tpu.dma_semaphore, #tpu.memory_space<semaphore_mem>>) src(%dma_wait3A_284 : memref<10000x16xf32, #tpu.memory_space<hbm>>) dst(%dma_wait3A_278 : memref<128x16xf32, #tpu.memory_space<vmem>>)
      %dma_wait3A_285 = arith.constant 0 : i32
      %dma_wait3A_286 = arith.constant 6 : i32
      %dma_wait3A_287 = arith.constant 0 : i32
      %dma_wait3A_288 = arith.constant 6 : i32
      %dma_wait3A_289 = arith.constant 0 : i32
      %dma_wait3A_290 = arith.constant 0 : i32
      %dma_wait3A_291 = tpu.memref_slice %arg6[%dma_wait3A_287, %dma_wait3A_288, %dma_wait3A_289, %dma_wait3A_290] : memref<2x8x128x16xf32, #tpu.memory_space<vmem>> -> memref<1x1x128x16xf32, #tpu.memory_space<vmem>>
      %dma_wait3A_292 = tpu.memref_squeeze %dma_wait3A_291 : memref<1x1x128x16xf32, #tpu.memory_space<vmem>> -> memref<128x16xf32, #tpu.memory_space<vmem>>
      %dma_wait3A_293 = arith.constant 0 : i32
      %dma_wait3A_294 = tpu.memref_slice %arg5[%dma_wait3A_285, %dma_wait3A_286, %dma_wait3A_293] : memref<2x8x128xi32, #tpu.memory_space<vmem>> -> memref<1x1x128xi32, #tpu.memory_space<vmem>>
      %dma_wait3A_295 = tpu.memref_squeeze %dma_wait3A_294 : memref<1x1x128xi32, #tpu.memory_space<vmem>> -> memref<128xi32, #tpu.memory_space<vmem>>
      %dma_wait3A_296 = arith.constant 0 : i32
      %dma_wait3A_297 = arith.constant 0 : i32
      %dma_wait3A_298 = tpu.memref_slice %arg2[%dma_wait3A_296, %dma_wait3A_297] : memref<10000x16xf32, #tpu.memory_space<hbm>> -> memref<10000x16xf32, #tpu.memory_space<hbm>>
      tpu.wait_indirect_dma semaphore(%arg10 : memref<!tpu.dma_semaphore, #tpu.memory_space<semaphore_mem>>) src(%dma_wait3A_298 : memref<10000x16xf32, #tpu.memory_space<hbm>>) dst(%dma_wait3A_292 : memref<128x16xf32, #tpu.memory_space<vmem>>)
      %dma_wait3A_299 = arith.constant 0 : i32
      %dma_wait3A_300 = arith.constant 7 : i32
      %dma_wait3A_301 = arith.constant 0 : i32
      %dma_wait3A_302 = arith.constant 7 : i32
      %dma_wait3A_303 = arith.constant 0 : i32
      %dma_wait3A_304 = arith.constant 0 : i32
      %dma_wait3A_305 = tpu.memref_slice %arg6[%dma_wait3A_301, %dma_wait3A_302, %dma_wait3A_303, %dma_wait3A_304] : memref<2x8x128x16xf32, #tpu.memory_space<vmem>> -> memref<1x1x128x16xf32, #tpu.memory_space<vmem>>
      %dma_wait3A_306 = tpu.memref_squeeze %dma_wait3A_305 : memref<1x1x128x16xf32, #tpu.memory_space<vmem>> -> memref<128x16xf32, #tpu.memory_space<vmem>>
      %dma_wait3A_307 = arith.constant 0 : i32
      %dma_wait3A_308 = tpu.memref_slice %arg5[%dma_wait3A_299, %dma_wait3A_300, %dma_wait3A_307] : memref<2x8x128xi32, #tpu.memory_space<vmem>> -> memref<1x1x128xi32, #tpu.memory_space<vmem>>
      %dma_wait3A_309 = tpu.memref_squeeze %dma_wait3A_308 : memref<1x1x128xi32, #tpu.memory_space<vmem>> -> memref<128xi32, #tpu.memory_space<vmem>>
      %dma_wait3A_310 = arith.constant 0 : i32
      %dma_wait3A_311 = arith.constant 0 : i32
      %dma_wait3A_312 = tpu.memref_slice %arg2[%dma_wait3A_310, %dma_wait3A_311] : memref<10000x16xf32, #tpu.memory_space<hbm>> -> memref<10000x16xf32, #tpu.memory_space<hbm>>
      tpu.wait_indirect_dma semaphore(%arg10 : memref<!tpu.dma_semaphore, #tpu.memory_space<semaphore_mem>>) src(%dma_wait3A_312 : memref<10000x16xf32, #tpu.memory_space<hbm>>) dst(%dma_wait3A_306 : memref<128x16xf32, #tpu.memory_space<vmem>>)
      %add3A_313 = arith.constant 1 : i32
      %add3A_314 = arith.addi %add3A_197, %add3A_313 : i32
      %lt3A = arith.constant 100 : i32
      %lt3A_315 = arith.cmpi slt, %add3A_314, %lt3A : i32
      %convert_element_type3A = arith.extui %lt3A_315 : i1 to i32
      %cond3A = arith.constant 0 : i32
      %cond3A_316 = arith.cmpi ne, %convert_element_type3A, %cond3A : i32
      scf.if %cond3A_316 {
        %add3A_508 = arith.constant 1 : i32
        %add3A_509 = arith.addi %add3A_197, %add3A_508 : i32
        %mul3A_510 = arith.constant 8 : i32
        %mul3A_511 = arith.muli %add3A_509, %mul3A_510 : i32
        %add3A_512 = arith.addi %mul3A_2, %mul3A_511 : i32
        %dma_wait3A_513 = arith.constant 1 : i32
        %dma_wait3A_514 = arith.constant 0 : i32
        %dma_wait3A_515 = arith.constant 0 : i32
        %dma_wait3A_516 = tpu.memref_slice %arg5[%dma_wait3A_513, %dma_wait3A_514, %dma_wait3A_515] : memref<2x8x128xi32, #tpu.memory_space<vmem>> -> memref<1x8x128xi32, #tpu.memory_space<vmem>>
        %dma_wait3A_517 = tpu.memref_squeeze %dma_wait3A_516 : memref<1x8x128xi32, #tpu.memory_space<vmem>> -> memref<8x128xi32, #tpu.memory_space<vmem>>
        %dma_wait3A_518 = arith.constant 0 : i32
        %dma_wait3A_519 = tpu.memref_slice %arg3[%add3A_512, %dma_wait3A_518] : memref<25600x128xi32, #tpu.memory_space<hbm>> -> memref<8x128xi32, #tpu.memory_space<hbm>>
        %dma_wait3A_520 = arith.constant 0 : i32
        %dma_wait3A_521 = arith.constant 0 : i32
        %dma_wait3A_522 = tpu.memref_slice %arg5[%dma_wait3A_513, %dma_wait3A_520, %dma_wait3A_521] : memref<2x8x128xi32, #tpu.memory_space<vmem>> -> memref<1x8x128xi32, #tpu.memory_space<vmem>>
        %dma_wait3A_523 = tpu.memref_squeeze %dma_wait3A_522 : memref<1x8x128xi32, #tpu.memory_space<vmem>> -> memref<8x128xi32, #tpu.memory_space<vmem>>
        %dma_wait3A_524 = arith.constant 0 : i32
        %dma_wait3A_525 = tpu.memref_slice %arg3[%add3A_512, %dma_wait3A_524] : memref<25600x128xi32, #tpu.memory_space<hbm>> -> memref<8x128xi32, #tpu.memory_space<hbm>>
        tpu.wait_dma2 semaphore(%arg9 : memref<!tpu.dma_semaphore, #tpu.memory_space<semaphore_mem>>) src(%dma_wait3A_525 : memref<8x128xi32, #tpu.memory_space<hbm>>) dst(%dma_wait3A_523 : memref<8x128xi32, #tpu.memory_space<vmem>>)
        %dma_start3A_526 = arith.constant 1 : i32
        %dma_start3A_527 = arith.constant 0 : i32
        %dma_start3A_528 = arith.constant 1 : i32
        %dma_start3A_529 = arith.constant 0 : i32
        %dma_start3A_530 = arith.constant 0 : i32
        %dma_start3A_531 = arith.constant 0 : i32
        %dma_start3A_532 = tpu.memref_slice %arg6[%dma_start3A_528, %dma_start3A_529, %dma_start3A_530, %dma_start3A_531] : memref<2x8x128x16xf32, #tpu.memory_space<vmem>> -> memref<1x1x128x16xf32, #tpu.memory_space<vmem>>
        %dma_start3A_533 = tpu.memref_squeeze %dma_start3A_532 : memref<1x1x128x16xf32, #tpu.memory_space<vmem>> -> memref<128x16xf32, #tpu.memory_space<vmem>>
        %dma_start3A_534 = arith.constant 0 : i32
        %dma_start3A_535 = tpu.memref_slice %arg5[%dma_start3A_526, %dma_start3A_527, %dma_start3A_534] : memref<2x8x128xi32, #tpu.memory_space<vmem>> -> memref<1x1x128xi32, #tpu.memory_space<vmem>>
        %dma_start3A_536 = tpu.memref_squeeze %dma_start3A_535 : memref<1x1x128xi32, #tpu.memory_space<vmem>> -> memref<128xi32, #tpu.memory_space<vmem>>
        %dma_start3A_537 = arith.constant 0 : i32
        %dma_start3A_538 = arith.constant 0 : i32
        %dma_start3A_539 = tpu.memref_slice %arg2[%dma_start3A_537, %dma_start3A_538] : memref<10000x16xf32, #tpu.memory_space<hbm>> -> memref<10000x16xf32, #tpu.memory_space<hbm>>
        tpu.enqueue_indirect_dma source(%dma_start3A_539 : memref<10000x16xf32, #tpu.memory_space<hbm>>) target(%dma_start3A_533 : memref<128x16xf32, #tpu.memory_space<vmem>>) offsets(%dma_start3A_536 : memref<128xi32, #tpu.memory_space<vmem>>) semaphore(%arg11 : memref<!tpu.dma_semaphore, #tpu.memory_space<semaphore_mem>>)
        %dma_start3A_540 = arith.constant 1 : i32
        %dma_start3A_541 = arith.constant 1 : i32
        %dma_start3A_542 = arith.constant 1 : i32
        %dma_start3A_543 = arith.constant 1 : i32
        %dma_start3A_544 = arith.constant 0 : i32
        %dma_start3A_545 = arith.constant 0 : i32
        %dma_start3A_546 = tpu.memref_slice %arg6[%dma_start3A_542, %dma_start3A_543, %dma_start3A_544, %dma_start3A_545] : memref<2x8x128x16xf32, #tpu.memory_space<vmem>> -> memref<1x1x128x16xf32, #tpu.memory_space<vmem>>
        %dma_start3A_547 = tpu.memref_squeeze %dma_start3A_546 : memref<1x1x128x16xf32, #tpu.memory_space<vmem>> -> memref<128x16xf32, #tpu.memory_space<vmem>>
        %dma_start3A_548 = arith.constant 0 : i32
        %dma_start3A_549 = tpu.memref_slice %arg5[%dma_start3A_540, %dma_start3A_541, %dma_start3A_548] : memref<2x8x128xi32, #tpu.memory_space<vmem>> -> memref<1x1x128xi32, #tpu.memory_space<vmem>>
        %dma_start3A_550 = tpu.memref_squeeze %dma_start3A_549 : memref<1x1x128xi32, #tpu.memory_space<vmem>> -> memref<128xi32, #tpu.memory_space<vmem>>
        %dma_start3A_551 = arith.constant 0 : i32
        %dma_start3A_552 = arith.constant 0 : i32
        %dma_start3A_553 = tpu.memref_slice %arg2[%dma_start3A_551, %dma_start3A_552] : memref<10000x16xf32, #tpu.memory_space<hbm>> -> memref<10000x16xf32, #tpu.memory_space<hbm>>
        tpu.enqueue_indirect_dma source(%dma_start3A_553 : memref<10000x16xf32, #tpu.memory_space<hbm>>) target(%dma_start3A_547 : memref<128x16xf32, #tpu.memory_space<vmem>>) offsets(%dma_start3A_550 : memref<128xi32, #tpu.memory_space<vmem>>) semaphore(%arg11 : memref<!tpu.dma_semaphore, #tpu.memory_space<semaphore_mem>>)
        %dma_start3A_554 = arith.constant 1 : i32
        %dma_start3A_555 = arith.constant 2 : i32
        %dma_start3A_556 = arith.constant 1 : i32
        %dma_start3A_557 = arith.constant 2 : i32
        %dma_start3A_558 = arith.constant 0 : i32
        %dma_start3A_559 = arith.constant 0 : i32
        %dma_start3A_560 = tpu.memref_slice %arg6[%dma_start3A_556, %dma_start3A_557, %dma_start3A_558, %dma_start3A_559] : memref<2x8x128x16xf32, #tpu.memory_space<vmem>> -> memref<1x1x128x16xf32, #tpu.memory_space<vmem>>
        %dma_start3A_561 = tpu.memref_squeeze %dma_start3A_560 : memref<1x1x128x16xf32, #tpu.memory_space<vmem>> -> memref<128x16xf32, #tpu.memory_space<vmem>>
        %dma_start3A_562 = arith.constant 0 : i32
        %dma_start3A_563 = tpu.memref_slice %arg5[%dma_start3A_554, %dma_start3A_555, %dma_start3A_562] : memref<2x8x128xi32, #tpu.memory_space<vmem>> -> memref<1x1x128xi32, #tpu.memory_space<vmem>>
        %dma_start3A_564 = tpu.memref_squeeze %dma_start3A_563 : memref<1x1x128xi32, #tpu.memory_space<vmem>> -> memref<128xi32, #tpu.memory_space<vmem>>
        %dma_start3A_565 = arith.constant 0 : i32
        %dma_start3A_566 = arith.constant 0 : i32
        %dma_start3A_567 = tpu.memref_slice %arg2[%dma_start3A_565, %dma_start3A_566] : memref<10000x16xf32, #tpu.memory_space<hbm>> -> memref<10000x16xf32, #tpu.memory_space<hbm>>
        tpu.enqueue_indirect_dma source(%dma_start3A_567 : memref<10000x16xf32, #tpu.memory_space<hbm>>) target(%dma_start3A_561 : memref<128x16xf32, #tpu.memory_space<vmem>>) offsets(%dma_start3A_564 : memref<128xi32, #tpu.memory_space<vmem>>) semaphore(%arg11 : memref<!tpu.dma_semaphore, #tpu.memory_space<semaphore_mem>>)
        %dma_start3A_568 = arith.constant 1 : i32
        %dma_start3A_569 = arith.constant 3 : i32
        %dma_start3A_570 = arith.constant 1 : i32
        %dma_start3A_571 = arith.constant 3 : i32
        %dma_start3A_572 = arith.constant 0 : i32
        %dma_start3A_573 = arith.constant 0 : i32
        %dma_start3A_574 = tpu.memref_slice %arg6[%dma_start3A_570, %dma_start3A_571, %dma_start3A_572, %dma_start3A_573] : memref<2x8x128x16xf32, #tpu.memory_space<vmem>> -> memref<1x1x128x16xf32, #tpu.memory_space<vmem>>
        %dma_start3A_575 = tpu.memref_squeeze %dma_start3A_574 : memref<1x1x128x16xf32, #tpu.memory_space<vmem>> -> memref<128x16xf32, #tpu.memory_space<vmem>>
        %dma_start3A_576 = arith.constant 0 : i32
        %dma_start3A_577 = tpu.memref_slice %arg5[%dma_start3A_568, %dma_start3A_569, %dma_start3A_576] : memref<2x8x128xi32, #tpu.memory_space<vmem>> -> memref<1x1x128xi32, #tpu.memory_space<vmem>>
        %dma_start3A_578 = tpu.memref_squeeze %dma_start3A_577 : memref<1x1x128xi32, #tpu.memory_space<vmem>> -> memref<128xi32, #tpu.memory_space<vmem>>
        %dma_start3A_579 = arith.constant 0 : i32
        %dma_start3A_580 = arith.constant 0 : i32
        %dma_start3A_581 = tpu.memref_slice %arg2[%dma_start3A_579, %dma_start3A_580] : memref<10000x16xf32, #tpu.memory_space<hbm>> -> memref<10000x16xf32, #tpu.memory_space<hbm>>
        tpu.enqueue_indirect_dma source(%dma_start3A_581 : memref<10000x16xf32, #tpu.memory_space<hbm>>) target(%dma_start3A_575 : memref<128x16xf32, #tpu.memory_space<vmem>>) offsets(%dma_start3A_578 : memref<128xi32, #tpu.memory_space<vmem>>) semaphore(%arg11 : memref<!tpu.dma_semaphore, #tpu.memory_space<semaphore_mem>>)
        %dma_start3A_582 = arith.constant 1 : i32
        %dma_start3A_583 = arith.constant 4 : i32
        %dma_start3A_584 = arith.constant 1 : i32
        %dma_start3A_585 = arith.constant 4 : i32
        %dma_start3A_586 = arith.constant 0 : i32
        %dma_start3A_587 = arith.constant 0 : i32
        %dma_start3A_588 = tpu.memref_slice %arg6[%dma_start3A_584, %dma_start3A_585, %dma_start3A_586, %dma_start3A_587] : memref<2x8x128x16xf32, #tpu.memory_space<vmem>> -> memref<1x1x128x16xf32, #tpu.memory_space<vmem>>
        %dma_start3A_589 = tpu.memref_squeeze %dma_start3A_588 : memref<1x1x128x16xf32, #tpu.memory_space<vmem>> -> memref<128x16xf32, #tpu.memory_space<vmem>>
        %dma_start3A_590 = arith.constant 0 : i32
        %dma_start3A_591 = tpu.memref_slice %arg5[%dma_start3A_582, %dma_start3A_583, %dma_start3A_590] : memref<2x8x128xi32, #tpu.memory_space<vmem>> -> memref<1x1x128xi32, #tpu.memory_space<vmem>>
        %dma_start3A_592 = tpu.memref_squeeze %dma_start3A_591 : memref<1x1x128xi32, #tpu.memory_space<vmem>> -> memref<128xi32, #tpu.memory_space<vmem>>
        %dma_start3A_593 = arith.constant 0 : i32
        %dma_start3A_594 = arith.constant 0 : i32
        %dma_start3A_595 = tpu.memref_slice %arg2[%dma_start3A_593, %dma_start3A_594] : memref<10000x16xf32, #tpu.memory_space<hbm>> -> memref<10000x16xf32, #tpu.memory_space<hbm>>
        tpu.enqueue_indirect_dma source(%dma_start3A_595 : memref<10000x16xf32, #tpu.memory_space<hbm>>) target(%dma_start3A_589 : memref<128x16xf32, #tpu.memory_space<vmem>>) offsets(%dma_start3A_592 : memref<128xi32, #tpu.memory_space<vmem>>) semaphore(%arg11 : memref<!tpu.dma_semaphore, #tpu.memory_space<semaphore_mem>>)
        %dma_start3A_596 = arith.constant 1 : i32
        %dma_start3A_597 = arith.constant 5 : i32
        %dma_start3A_598 = arith.constant 1 : i32
        %dma_start3A_599 = arith.constant 5 : i32
        %dma_start3A_600 = arith.constant 0 : i32
        %dma_start3A_601 = arith.constant 0 : i32
        %dma_start3A_602 = tpu.memref_slice %arg6[%dma_start3A_598, %dma_start3A_599, %dma_start3A_600, %dma_start3A_601] : memref<2x8x128x16xf32, #tpu.memory_space<vmem>> -> memref<1x1x128x16xf32, #tpu.memory_space<vmem>>
        %dma_start3A_603 = tpu.memref_squeeze %dma_start3A_602 : memref<1x1x128x16xf32, #tpu.memory_space<vmem>> -> memref<128x16xf32, #tpu.memory_space<vmem>>
        %dma_start3A_604 = arith.constant 0 : i32
        %dma_start3A_605 = tpu.memref_slice %arg5[%dma_start3A_596, %dma_start3A_597, %dma_start3A_604] : memref<2x8x128xi32, #tpu.memory_space<vmem>> -> memref<1x1x128xi32, #tpu.memory_space<vmem>>
        %dma_start3A_606 = tpu.memref_squeeze %dma_start3A_605 : memref<1x1x128xi32, #tpu.memory_space<vmem>> -> memref<128xi32, #tpu.memory_space<vmem>>
        %dma_start3A_607 = arith.constant 0 : i32
        %dma_start3A_608 = arith.constant 0 : i32
        %dma_start3A_609 = tpu.memref_slice %arg2[%dma_start3A_607, %dma_start3A_608] : memref<10000x16xf32, #tpu.memory_space<hbm>> -> memref<10000x16xf32, #tpu.memory_space<hbm>>
        tpu.enqueue_indirect_dma source(%dma_start3A_609 : memref<10000x16xf32, #tpu.memory_space<hbm>>) target(%dma_start3A_603 : memref<128x16xf32, #tpu.memory_space<vmem>>) offsets(%dma_start3A_606 : memref<128xi32, #tpu.memory_space<vmem>>) semaphore(%arg11 : memref<!tpu.dma_semaphore, #tpu.memory_space<semaphore_mem>>)
        %dma_start3A_610 = arith.constant 1 : i32
        %dma_start3A_611 = arith.constant 6 : i32
        %dma_start3A_612 = arith.constant 1 : i32
        %dma_start3A_613 = arith.constant 6 : i32
        %dma_start3A_614 = arith.constant 0 : i32
        %dma_start3A_615 = arith.constant 0 : i32
        %dma_start3A_616 = tpu.memref_slice %arg6[%dma_start3A_612, %dma_start3A_613, %dma_start3A_614, %dma_start3A_615] : memref<2x8x128x16xf32, #tpu.memory_space<vmem>> -> memref<1x1x128x16xf32, #tpu.memory_space<vmem>>
        %dma_start3A_617 = tpu.memref_squeeze %dma_start3A_616 : memref<1x1x128x16xf32, #tpu.memory_space<vmem>> -> memref<128x16xf32, #tpu.memory_space<vmem>>
        %dma_start3A_618 = arith.constant 0 : i32
        %dma_start3A_619 = tpu.memref_slice %arg5[%dma_start3A_610, %dma_start3A_611, %dma_start3A_618] : memref<2x8x128xi32, #tpu.memory_space<vmem>> -> memref<1x1x128xi32, #tpu.memory_space<vmem>>
        %dma_start3A_620 = tpu.memref_squeeze %dma_start3A_619 : memref<1x1x128xi32, #tpu.memory_space<vmem>> -> memref<128xi32, #tpu.memory_space<vmem>>
        %dma_start3A_621 = arith.constant 0 : i32
        %dma_start3A_622 = arith.constant 0 : i32
        %dma_start3A_623 = tpu.memref_slice %arg2[%dma_start3A_621, %dma_start3A_622] : memref<10000x16xf32, #tpu.memory_space<hbm>> -> memref<10000x16xf32, #tpu.memory_space<hbm>>
        tpu.enqueue_indirect_dma source(%dma_start3A_623 : memref<10000x16xf32, #tpu.memory_space<hbm>>) target(%dma_start3A_617 : memref<128x16xf32, #tpu.memory_space<vmem>>) offsets(%dma_start3A_620 : memref<128xi32, #tpu.memory_space<vmem>>) semaphore(%arg11 : memref<!tpu.dma_semaphore, #tpu.memory_space<semaphore_mem>>)
        %dma_start3A_624 = arith.constant 1 : i32
        %dma_start3A_625 = arith.constant 7 : i32
        %dma_start3A_626 = arith.constant 1 : i32
        %dma_start3A_627 = arith.constant 7 : i32
        %dma_start3A_628 = arith.constant 0 : i32
        %dma_start3A_629 = arith.constant 0 : i32
        %dma_start3A_630 = tpu.memref_slice %arg6[%dma_start3A_626, %dma_start3A_627, %dma_start3A_628, %dma_start3A_629] : memref<2x8x128x16xf32, #tpu.memory_space<vmem>> -> memref<1x1x128x16xf32, #tpu.memory_space<vmem>>
        %dma_start3A_631 = tpu.memref_squeeze %dma_start3A_630 : memref<1x1x128x16xf32, #tpu.memory_space<vmem>> -> memref<128x16xf32, #tpu.memory_space<vmem>>
        %dma_start3A_632 = arith.constant 0 : i32
        %dma_start3A_633 = tpu.memref_slice %arg5[%dma_start3A_624, %dma_start3A_625, %dma_start3A_632] : memref<2x8x128xi32, #tpu.memory_space<vmem>> -> memref<1x1x128xi32, #tpu.memory_space<vmem>>
        %dma_start3A_634 = tpu.memref_squeeze %dma_start3A_633 : memref<1x1x128xi32, #tpu.memory_space<vmem>> -> memref<128xi32, #tpu.memory_space<vmem>>
        %dma_start3A_635 = arith.constant 0 : i32
        %dma_start3A_636 = arith.constant 0 : i32
        %dma_start3A_637 = tpu.memref_slice %arg2[%dma_start3A_635, %dma_start3A_636] : memref<10000x16xf32, #tpu.memory_space<hbm>> -> memref<10000x16xf32, #tpu.memory_space<hbm>>
        tpu.enqueue_indirect_dma source(%dma_start3A_637 : memref<10000x16xf32, #tpu.memory_space<hbm>>) target(%dma_start3A_631 : memref<128x16xf32, #tpu.memory_space<vmem>>) offsets(%dma_start3A_634 : memref<128xi32, #tpu.memory_space<vmem>>) semaphore(%arg11 : memref<!tpu.dma_semaphore, #tpu.memory_space<semaphore_mem>>)
      } else {
      }
      %add3A_317 = arith.constant 2 : i32
      %add3A_318 = arith.addi %add3A_197, %add3A_317 : i32
      %lt3A_319 = arith.constant 100 : i32
      %lt3A_320 = arith.cmpi slt, %add3A_318, %lt3A_319 : i32
      %convert_element_type3A_321 = arith.extui %lt3A_320 : i1 to i32
      %cond3A_322 = arith.constant 0 : i32
      %cond3A_323 = arith.cmpi ne, %convert_element_type3A_321, %cond3A_322 : i32
      scf.if %cond3A_323 {
        %add3A_508 = arith.constant 2 : i32
        %add3A_509 = arith.addi %add3A_197, %add3A_508 : i32
        %mul3A_510 = arith.constant 8 : i32
        %mul3A_511 = arith.muli %add3A_509, %mul3A_510 : i32
        %add3A_512 = arith.addi %mul3A_2, %mul3A_511 : i32
        %dma_start3A_513 = arith.constant 0 : i32
        %dma_start3A_514 = arith.constant 0 : i32
        %dma_start3A_515 = arith.constant 0 : i32
        %dma_start3A_516 = tpu.memref_slice %arg5[%dma_start3A_513, %dma_start3A_514, %dma_start3A_515] : memref<2x8x128xi32, #tpu.memory_space<vmem>> -> memref<1x8x128xi32, #tpu.memory_space<vmem>>
        %dma_start3A_517 = tpu.memref_squeeze %dma_start3A_516 : memref<1x8x128xi32, #tpu.memory_space<vmem>> -> memref<8x128xi32, #tpu.memory_space<vmem>>
        %dma_start3A_518 = arith.constant 0 : i32
        %dma_start3A_519 = tpu.memref_slice %arg3[%add3A_512, %dma_start3A_518] : memref<25600x128xi32, #tpu.memory_space<hbm>> -> memref<8x128xi32, #tpu.memory_space<hbm>>
        %dma_start3A_520 = arith.constant 0 : i32
        %dma_start3A_521 = arith.constant 0 : i32
        %dma_start3A_522 = tpu.memref_slice %arg5[%dma_start3A_513, %dma_start3A_520, %dma_start3A_521] : memref<2x8x128xi32, #tpu.memory_space<vmem>> -> memref<1x8x128xi32, #tpu.memory_space<vmem>>
        %dma_start3A_523 = tpu.memref_squeeze %dma_start3A_522 : memref<1x8x128xi32, #tpu.memory_space<vmem>> -> memref<8x128xi32, #tpu.memory_space<vmem>>
        %dma_start3A_524 = arith.constant 0 : i32
        %dma_start3A_525 = tpu.memref_slice %arg3[%add3A_512, %dma_start3A_524] : memref<25600x128xi32, #tpu.memory_space<hbm>> -> memref<8x128xi32, #tpu.memory_space<hbm>>
        tpu.enqueue_dma source(%dma_start3A_525 : memref<8x128xi32, #tpu.memory_space<hbm>>) target(%dma_start3A_523 : memref<8x128xi32, #tpu.memory_space<vmem>>) target_semaphore(%arg8 : memref<!tpu.dma_semaphore, #tpu.memory_space<semaphore_mem>>)
      } else {
      }
      %ge3A = arith.constant 2 : i32
      %ge3A_324 = arith.cmpi sge, %add3A_197, %ge3A : i32
      %convert_element_type3A_325 = arith.extui %ge3A_324 : i1 to i32
      %cond3A_326 = arith.constant 0 : i32
      %cond3A_327 = arith.cmpi ne, %convert_element_type3A_325, %cond3A_326 : i32
      scf.if %cond3A_327 {
        %sub3A = arith.constant 2 : i32
        %sub3A_508 = arith.subi %add3A_197, %sub3A : i32
        %mul3A_509 = arith.constant 8 : i32
        %mul3A_510 = arith.muli %sub3A_508, %mul3A_509 : i32
        %add3A_511 = arith.addi %mul3A_2, %mul3A_510 : i32
        %mul3A_512 = arith.constant 16 : i32
        %mul3A_513 = arith.muli %add3A_511, %mul3A_512 : i32
        %dma_wait3A_514 = arith.constant 0 : i32
        %dma_wait3A_515 = arith.constant 0 : i32
        %dma_wait3A_516 = arith.constant 0 : i32
        %dma_wait3A_517 = tpu.memref_slice %arg7[%dma_wait3A_514, %dma_wait3A_515, %dma_wait3A_516] : memref<2x128x128xf32, #tpu.memory_space<vmem>> -> memref<1x128x128xf32, #tpu.memory_space<vmem>>
        %dma_wait3A_518 = tpu.memref_squeeze %dma_wait3A_517 : memref<1x128x128xf32, #tpu.memory_space<vmem>> -> memref<128x128xf32, #tpu.memory_space<vmem>>
        %dma_wait3A_519 = arith.constant 0 : i32
        %dma_wait3A_520 = tpu.memref_slice %arg4[%mul3A_513, %dma_wait3A_519] : memref<409600x128xf32, #tpu.memory_space<hbm>> -> memref<128x128xf32, #tpu.memory_space<hbm>>
        %dma_wait3A_521 = arith.constant 0 : i32
        %dma_wait3A_522 = tpu.memref_slice %arg4[%mul3A_513, %dma_wait3A_521] : memref<409600x128xf32, #tpu.memory_space<hbm>> -> memref<128x128xf32, #tpu.memory_space<hbm>>
        %dma_wait3A_523 = arith.constant 0 : i32
        %dma_wait3A_524 = arith.constant 0 : i32
        %dma_wait3A_525 = tpu.memref_slice %arg7[%dma_wait3A_514, %dma_wait3A_523, %dma_wait3A_524] : memref<2x128x128xf32, #tpu.memory_space<vmem>> -> memref<1x128x128xf32, #tpu.memory_space<vmem>>
        %dma_wait3A_526 = tpu.memref_squeeze %dma_wait3A_525 : memref<1x128x128xf32, #tpu.memory_space<vmem>> -> memref<128x128xf32, #tpu.memory_space<vmem>>
        tpu.wait_dma2 semaphore(%arg12 : memref<!tpu.dma_semaphore, #tpu.memory_space<semaphore_mem>>) src(%dma_wait3A_526 : memref<128x128xf32, #tpu.memory_space<vmem>>) dst(%dma_wait3A_522 : memref<128x128xf32, #tpu.memory_space<hbm>>)
      } else {
      }
      %scan3A_328 = arith.constant 0 : i32
      %scan3A_329 = arith.constant 0 : i32
      %scan3A_330 = arith.constant 16 : i32
      %scan3A_331 = arith.addi %scan3A_329, %scan3A_330 : i32
      %scan3A_332 = arith.constant 1 : i32
      scf.for %scan3A_508 = %scan3A_329 to %scan3A_331 step %scan3A_332  : i32 {
        %mul3A_509 = arith.constant 8 : i32
        %mul3A_510 = arith.muli %scan3A_508, %mul3A_509 : i32
        %add3A_511 = arith.constant 0 : i32
        %add3A_512 = arith.addi %mul3A_510, %add3A_511 : i32
        %get3A = arith.constant 0 : i32
        %get3A_513 = arith.constant 0 : i32
        %get3A_514 = arith.index_cast %get3A : i32 to index
        %get3A_515 = arith.index_cast %get3A_513 : i32 to index
        %get3A_516 = arith.index_cast %add3A_512 : i32 to index
        %get3A_517 = arith.constant 0 : index
        %get3A_518 = tpu.vector_load %arg6[%get3A_514, %get3A_515, %get3A_516, %get3A_517] {strides = array<i32>} : memref<2x8x128x16xf32, #tpu.memory_space<vmem>>, vector<16xf32>,
        %add3A_519 = arith.constant 0 : i32
        %add3A_520 = arith.addi %add3A_519, %scan3A_508 : i32
        %swap3A = arith.constant 0 : i32
        %swap3A_521 = arith.index_cast %swap3A : i32 to index
        %swap3A_522 = arith.index_cast %add3A_520 : i32 to index
        %swap3A_523 = arith.constant 0 : index
        %swap3A_524 = tpu.vector_load %arg7[%swap3A_521, %swap3A_522, %swap3A_523] {strides = array<i32>} : memref<2x128x128xf32, #tpu.memory_space<vmem>>, vector<16xf32>,
        tpu.vector_store %arg7[%swap3A_521, %swap3A_522, %swap3A_523], %get3A_518 {strides = array<i32>} : memref<2x128x128xf32, #tpu.memory_space<vmem>>, vector<16xf32>,
        %mul3A_525 = arith.constant 8 : i32
        %mul3A_526 = arith.muli %scan3A_508, %mul3A_525 : i32
        %add3A_527 = arith.constant 1 : i32
        %add3A_528 = arith.addi %mul3A_526, %add3A_527 : i32
        %get3A_529 = arith.constant 0 : i32
        %get3A_530 = arith.constant 0 : i32
        %get3A_531 = arith.index_cast %get3A_529 : i32 to index
        %get3A_532 = arith.index_cast %get3A_530 : i32 to index
        %get3A_533 = arith.index_cast %add3A_528 : i32 to index
        %get3A_534 = arith.constant 0 : index
        %get3A_535 = tpu.vector_load %arg6[%get3A_531, %get3A_532, %get3A_533, %get3A_534] {strides = array<i32>} : memref<2x8x128x16xf32, #tpu.memory_space<vmem>>, vector<16xf32>,
        %add3A_536 = arith.constant 0 : i32
        %add3A_537 = arith.addi %add3A_536, %scan3A_508 : i32
        %swap3A_538 = arith.constant 0 : i32
        %swap3A_539 = arith.index_cast %swap3A_538 : i32 to index
        %swap3A_540 = arith.index_cast %add3A_537 : i32 to index
        %swap3A_541 = arith.constant 16 : index
        %swap3A_542 = tpu.vector_load %arg7[%swap3A_539, %swap3A_540, %swap3A_541] {strides = array<i32>} : memref<2x128x128xf32, #tpu.memory_space<vmem>>, vector<16xf32>,
        tpu.vector_store %arg7[%swap3A_539, %swap3A_540, %swap3A_541], %get3A_535 {strides = array<i32>} : memref<2x128x128xf32, #tpu.memory_space<vmem>>, vector<16xf32>,
        %mul3A_543 = arith.constant 8 : i32
        %mul3A_544 = arith.muli %scan3A_508, %mul3A_543 : i32
        %add3A_545 = arith.constant 2 : i32
        %add3A_546 = arith.addi %mul3A_544, %add3A_545 : i32
        %get3A_547 = arith.constant 0 : i32
        %get3A_548 = arith.constant 0 : i32
        %get3A_549 = arith.index_cast %get3A_547 : i32 to index
        %get3A_550 = arith.index_cast %get3A_548 : i32 to index
        %get3A_551 = arith.index_cast %add3A_546 : i32 to index
        %get3A_552 = arith.constant 0 : index
        %get3A_553 = tpu.vector_load %arg6[%get3A_549, %get3A_550, %get3A_551, %get3A_552] {strides = array<i32>} : memref<2x8x128x16xf32, #tpu.memory_space<vmem>>, vector<16xf32>,
        %add3A_554 = arith.constant 0 : i32
        %add3A_555 = arith.addi %add3A_554, %scan3A_508 : i32
        %swap3A_556 = arith.constant 0 : i32
        %swap3A_557 = arith.index_cast %swap3A_556 : i32 to index
        %swap3A_558 = arith.index_cast %add3A_555 : i32 to index
        %swap3A_559 = arith.constant 32 : index
        %swap3A_560 = tpu.vector_load %arg7[%swap3A_557, %swap3A_558, %swap3A_559] {strides = array<i32>} : memref<2x128x128xf32, #tpu.memory_space<vmem>>, vector<16xf32>,
        tpu.vector_store %arg7[%swap3A_557, %swap3A_558, %swap3A_559], %get3A_553 {strides = array<i32>} : memref<2x128x128xf32, #tpu.memory_space<vmem>>, vector<16xf32>,
        %mul3A_561 = arith.constant 8 : i32
        %mul3A_562 = arith.muli %scan3A_508, %mul3A_561 : i32
        %add3A_563 = arith.constant 3 : i32
        %add3A_564 = arith.addi %mul3A_562, %add3A_563 : i32
        %get3A_565 = arith.constant 0 : i32
        %get3A_566 = arith.constant 0 : i32
        %get3A_567 = arith.index_cast %get3A_565 : i32 to index
        %get3A_568 = arith.index_cast %get3A_566 : i32 to index
        %get3A_569 = arith.index_cast %add3A_564 : i32 to index
        %get3A_570 = arith.constant 0 : index
        %get3A_571 = tpu.vector_load %arg6[%get3A_567, %get3A_568, %get3A_569, %get3A_570] {strides = array<i32>} : memref<2x8x128x16xf32, #tpu.memory_space<vmem>>, vector<16xf32>,
        %add3A_572 = arith.constant 0 : i32
        %add3A_573 = arith.addi %add3A_572, %scan3A_508 : i32
        %swap3A_574 = arith.constant 0 : i32
        %swap3A_575 = arith.index_cast %swap3A_574 : i32 to index
        %swap3A_576 = arith.index_cast %add3A_573 : i32 to index
        %swap3A_577 = arith.constant 48 : index
        %swap3A_578 = tpu.vector_load %arg7[%swap3A_575, %swap3A_576, %swap3A_577] {strides = array<i32>} : memref<2x128x128xf32, #tpu.memory_space<vmem>>, vector<16xf32>,
        tpu.vector_store %arg7[%swap3A_575, %swap3A_576, %swap3A_577], %get3A_571 {strides = array<i32>} : memref<2x128x128xf32, #tpu.memory_space<vmem>>, vector<16xf32>,
        %mul3A_579 = arith.constant 8 : i32
        %mul3A_580 = arith.muli %scan3A_508, %mul3A_579 : i32
        %add3A_581 = arith.constant 4 : i32
        %add3A_582 = arith.addi %mul3A_580, %add3A_581 : i32
        %get3A_583 = arith.constant 0 : i32
        %get3A_584 = arith.constant 0 : i32
        %get3A_585 = arith.index_cast %get3A_583 : i32 to index
        %get3A_586 = arith.index_cast %get3A_584 : i32 to index
        %get3A_587 = arith.index_cast %add3A_582 : i32 to index
        %get3A_588 = arith.constant 0 : index
        %get3A_589 = tpu.vector_load %arg6[%get3A_585, %get3A_586, %get3A_587, %get3A_588] {strides = array<i32>} : memref<2x8x128x16xf32, #tpu.memory_space<vmem>>, vector<16xf32>,
        %add3A_590 = arith.constant 0 : i32
        %add3A_591 = arith.addi %add3A_590, %scan3A_508 : i32
        %swap3A_592 = arith.constant 0 : i32
        %swap3A_593 = arith.index_cast %swap3A_592 : i32 to index
        %swap3A_594 = arith.index_cast %add3A_591 : i32 to index
        %swap3A_595 = arith.constant 64 : index
        %swap3A_596 = tpu.vector_load %arg7[%swap3A_593, %swap3A_594, %swap3A_595] {strides = array<i32>} : memref<2x128x128xf32, #tpu.memory_space<vmem>>, vector<16xf32>,
        tpu.vector_store %arg7[%swap3A_593, %swap3A_594, %swap3A_595], %get3A_589 {strides = array<i32>} : memref<2x128x128xf32, #tpu.memory_space<vmem>>, vector<16xf32>,
        %mul3A_597 = arith.constant 8 : i32
        %mul3A_598 = arith.muli %scan3A_508, %mul3A_597 : i32
        %add3A_599 = arith.constant 5 : i32
        %add3A_600 = arith.addi %mul3A_598, %add3A_599 : i32
        %get3A_601 = arith.constant 0 : i32
        %get3A_602 = arith.constant 0 : i32
        %get3A_603 = arith.index_cast %get3A_601 : i32 to index
        %get3A_604 = arith.index_cast %get3A_602 : i32 to index
        %get3A_605 = arith.index_cast %add3A_600 : i32 to index
        %get3A_606 = arith.constant 0 : index
        %get3A_607 = tpu.vector_load %arg6[%get3A_603, %get3A_604, %get3A_605, %get3A_606] {strides = array<i32>} : memref<2x8x128x16xf32, #tpu.memory_space<vmem>>, vector<16xf32>,
        %add3A_608 = arith.constant 0 : i32
        %add3A_609 = arith.addi %add3A_608, %scan3A_508 : i32
        %swap3A_610 = arith.constant 0 : i32
        %swap3A_611 = arith.index_cast %swap3A_610 : i32 to index
        %swap3A_612 = arith.index_cast %add3A_609 : i32 to index
        %swap3A_613 = arith.constant 80 : index
        %swap3A_614 = tpu.vector_load %arg7[%swap3A_611, %swap3A_612, %swap3A_613] {strides = array<i32>} : memref<2x128x128xf32, #tpu.memory_space<vmem>>, vector<16xf32>,
        tpu.vector_store %arg7[%swap3A_611, %swap3A_612, %swap3A_613], %get3A_607 {strides = array<i32>} : memref<2x128x128xf32, #tpu.memory_space<vmem>>, vector<16xf32>,
        %mul3A_615 = arith.constant 8 : i32
        %mul3A_616 = arith.muli %scan3A_508, %mul3A_615 : i32
        %add3A_617 = arith.constant 6 : i32
        %add3A_618 = arith.addi %mul3A_616, %add3A_617 : i32
        %get3A_619 = arith.constant 0 : i32
        %get3A_620 = arith.constant 0 : i32
        %get3A_621 = arith.index_cast %get3A_619 : i32 to index
        %get3A_622 = arith.index_cast %get3A_620 : i32 to index
        %get3A_623 = arith.index_cast %add3A_618 : i32 to index
        %get3A_624 = arith.constant 0 : index
        %get3A_625 = tpu.vector_load %arg6[%get3A_621, %get3A_622, %get3A_623, %get3A_624] {strides = array<i32>} : memref<2x8x128x16xf32, #tpu.memory_space<vmem>>, vector<16xf32>,
        %add3A_626 = arith.constant 0 : i32
        %add3A_627 = arith.addi %add3A_626, %scan3A_508 : i32
        %swap3A_628 = arith.constant 0 : i32
        %swap3A_629 = arith.index_cast %swap3A_628 : i32 to index
        %swap3A_630 = arith.index_cast %add3A_627 : i32 to index
        %swap3A_631 = arith.constant 96 : index
        %swap3A_632 = tpu.vector_load %arg7[%swap3A_629, %swap3A_630, %swap3A_631] {strides = array<i32>} : memref<2x128x128xf32, #tpu.memory_space<vmem>>, vector<16xf32>,
        tpu.vector_store %arg7[%swap3A_629, %swap3A_630, %swap3A_631], %get3A_625 {strides = array<i32>} : memref<2x128x128xf32, #tpu.memory_space<vmem>>, vector<16xf32>,
        %mul3A_633 = arith.constant 8 : i32
        %mul3A_634 = arith.muli %scan3A_508, %mul3A_633 : i32
        %add3A_635 = arith.constant 7 : i32
        %add3A_636 = arith.addi %mul3A_634, %add3A_635 : i32
        %get3A_637 = arith.constant 0 : i32
        %get3A_638 = arith.constant 0 : i32
        %get3A_639 = arith.index_cast %get3A_637 : i32 to index
        %get3A_640 = arith.index_cast %get3A_638 : i32 to index
        %get3A_641 = arith.index_cast %add3A_636 : i32 to index
        %get3A_642 = arith.constant 0 : index
        %get3A_643 = tpu.vector_load %arg6[%get3A_639, %get3A_640, %get3A_641, %get3A_642] {strides = array<i32>} : memref<2x8x128x16xf32, #tpu.memory_space<vmem>>, vector<16xf32>,
        %add3A_644 = arith.constant 0 : i32
        %add3A_645 = arith.addi %add3A_644, %scan3A_508 : i32
        %swap3A_646 = arith.constant 0 : i32
        %swap3A_647 = arith.index_cast %swap3A_646 : i32 to index
        %swap3A_648 = arith.index_cast %add3A_645 : i32 to index
        %swap3A_649 = arith.constant 112 : index
        %swap3A_650 = tpu.vector_load %arg7[%swap3A_647, %swap3A_648, %swap3A_649] {strides = array<i32>} : memref<2x128x128xf32, #tpu.memory_space<vmem>>, vector<16xf32>,
        tpu.vector_store %arg7[%swap3A_647, %swap3A_648, %swap3A_649], %get3A_643 {strides = array<i32>} : memref<2x128x128xf32, #tpu.memory_space<vmem>>, vector<16xf32>,
        %mul3A_651 = arith.constant 8 : i32
        %mul3A_652 = arith.muli %scan3A_508, %mul3A_651 : i32
        %add3A_653 = arith.constant 0 : i32
        %add3A_654 = arith.addi %mul3A_652, %add3A_653 : i32
        %get3A_655 = arith.constant 0 : i32
        %get3A_656 = arith.constant 1 : i32
        %get3A_657 = arith.index_cast %get3A_655 : i32 to index
        %get3A_658 = arith.index_cast %get3A_656 : i32 to index
        %get3A_659 = arith.index_cast %add3A_654 : i32 to index
        %get3A_660 = arith.constant 0 : index
        %get3A_661 = tpu.vector_load %arg6[%get3A_657, %get3A_658, %get3A_659, %get3A_660] {strides = array<i32>} : memref<2x8x128x16xf32, #tpu.memory_space<vmem>>, vector<16xf32>,
        %add3A_662 = arith.constant 16 : i32
        %add3A_663 = arith.addi %add3A_662, %scan3A_508 : i32
        %swap3A_664 = arith.constant 0 : i32
        %swap3A_665 = arith.index_cast %swap3A_664 : i32 to index
        %swap3A_666 = arith.index_cast %add3A_663 : i32 to index
        %swap3A_667 = arith.constant 0 : index
        %swap3A_668 = tpu.vector_load %arg7[%swap3A_665, %swap3A_666, %swap3A_667] {strides = array<i32>} : memref<2x128x128xf32, #tpu.memory_space<vmem>>, vector<16xf32>,
        tpu.vector_store %arg7[%swap3A_665, %swap3A_666, %swap3A_667], %get3A_661 {strides = array<i32>} : memref<2x128x128xf32, #tpu.memory_space<vmem>>, vector<16xf32>,
        %mul3A_669 = arith.constant 8 : i32
        %mul3A_670 = arith.muli %scan3A_508, %mul3A_669 : i32
        %add3A_671 = arith.constant 1 : i32
        %add3A_672 = arith.addi %mul3A_670, %add3A_671 : i32
        %get3A_673 = arith.constant 0 : i32
        %get3A_674 = arith.constant 1 : i32
        %get3A_675 = arith.index_cast %get3A_673 : i32 to index
        %get3A_676 = arith.index_cast %get3A_674 : i32 to index
        %get3A_677 = arith.index_cast %add3A_672 : i32 to index
        %get3A_678 = arith.constant 0 : index
        %get3A_679 = tpu.vector_load %arg6[%get3A_675, %get3A_676, %get3A_677, %get3A_678] {strides = array<i32>} : memref<2x8x128x16xf32, #tpu.memory_space<vmem>>, vector<16xf32>,
        %add3A_680 = arith.constant 16 : i32
        %add3A_681 = arith.addi %add3A_680, %scan3A_508 : i32
        %swap3A_682 = arith.constant 0 : i32
        %swap3A_683 = arith.index_cast %swap3A_682 : i32 to index
        %swap3A_684 = arith.index_cast %add3A_681 : i32 to index
        %swap3A_685 = arith.constant 16 : index
        %swap3A_686 = tpu.vector_load %arg7[%swap3A_683, %swap3A_684, %swap3A_685] {strides = array<i32>} : memref<2x128x128xf32, #tpu.memory_space<vmem>>, vector<16xf32>,
        tpu.vector_store %arg7[%swap3A_683, %swap3A_684, %swap3A_685], %get3A_679 {strides = array<i32>} : memref<2x128x128xf32, #tpu.memory_space<vmem>>, vector<16xf32>,
        %mul3A_687 = arith.constant 8 : i32
        %mul3A_688 = arith.muli %scan3A_508, %mul3A_687 : i32
        %add3A_689 = arith.constant 2 : i32
        %add3A_690 = arith.addi %mul3A_688, %add3A_689 : i32
        %get3A_691 = arith.constant 0 : i32
        %get3A_692 = arith.constant 1 : i32
        %get3A_693 = arith.index_cast %get3A_691 : i32 to index
        %get3A_694 = arith.index_cast %get3A_692 : i32 to index
        %get3A_695 = arith.index_cast %add3A_690 : i32 to index
        %get3A_696 = arith.constant 0 : index
        %get3A_697 = tpu.vector_load %arg6[%get3A_693, %get3A_694, %get3A_695, %get3A_696] {strides = array<i32>} : memref<2x8x128x16xf32, #tpu.memory_space<vmem>>, vector<16xf32>,
        %add3A_698 = arith.constant 16 : i32
        %add3A_699 = arith.addi %add3A_698, %scan3A_508 : i32
        %swap3A_700 = arith.constant 0 : i32
        %swap3A_701 = arith.index_cast %swap3A_700 : i32 to index
        %swap3A_702 = arith.index_cast %add3A_699 : i32 to index
        %swap3A_703 = arith.constant 32 : index
        %swap3A_704 = tpu.vector_load %arg7[%swap3A_701, %swap3A_702, %swap3A_703] {strides = array<i32>} : memref<2x128x128xf32, #tpu.memory_space<vmem>>, vector<16xf32>,
        tpu.vector_store %arg7[%swap3A_701, %swap3A_702, %swap3A_703], %get3A_697 {strides = array<i32>} : memref<2x128x128xf32, #tpu.memory_space<vmem>>, vector<16xf32>,
        %mul3A_705 = arith.constant 8 : i32
        %mul3A_706 = arith.muli %scan3A_508, %mul3A_705 : i32
        %add3A_707 = arith.constant 3 : i32
        %add3A_708 = arith.addi %mul3A_706, %add3A_707 : i32
        %get3A_709 = arith.constant 0 : i32
        %get3A_710 = arith.constant 1 : i32
        %get3A_711 = arith.index_cast %get3A_709 : i32 to index
        %get3A_712 = arith.index_cast %get3A_710 : i32 to index
        %get3A_713 = arith.index_cast %add3A_708 : i32 to index
        %get3A_714 = arith.constant 0 : index
        %get3A_715 = tpu.vector_load %arg6[%get3A_711, %get3A_712, %get3A_713, %get3A_714] {strides = array<i32>} : memref<2x8x128x16xf32, #tpu.memory_space<vmem>>, vector<16xf32>,
        %add3A_716 = arith.constant 16 : i32
        %add3A_717 = arith.addi %add3A_716, %scan3A_508 : i32
        %swap3A_718 = arith.constant 0 : i32
        %swap3A_719 = arith.index_cast %swap3A_718 : i32 to index
        %swap3A_720 = arith.index_cast %add3A_717 : i32 to index
        %swap3A_721 = arith.constant 48 : index
        %swap3A_722 = tpu.vector_load %arg7[%swap3A_719, %swap3A_720, %swap3A_721] {strides = array<i32>} : memref<2x128x128xf32, #tpu.memory_space<vmem>>, vector<16xf32>,
        tpu.vector_store %arg7[%swap3A_719, %swap3A_720, %swap3A_721], %get3A_715 {strides = array<i32>} : memref<2x128x128xf32, #tpu.memory_space<vmem>>, vector<16xf32>,
        %mul3A_723 = arith.constant 8 : i32
        %mul3A_724 = arith.muli %scan3A_508, %mul3A_723 : i32
        %add3A_725 = arith.constant 4 : i32
        %add3A_726 = arith.addi %mul3A_724, %add3A_725 : i32
        %get3A_727 = arith.constant 0 : i32
        %get3A_728 = arith.constant 1 : i32
        %get3A_729 = arith.index_cast %get3A_727 : i32 to index
        %get3A_730 = arith.index_cast %get3A_728 : i32 to index
        %get3A_731 = arith.index_cast %add3A_726 : i32 to index
        %get3A_732 = arith.constant 0 : index
        %get3A_733 = tpu.vector_load %arg6[%get3A_729, %get3A_730, %get3A_731, %get3A_732] {strides = array<i32>} : memref<2x8x128x16xf32, #tpu.memory_space<vmem>>, vector<16xf32>,
        %add3A_734 = arith.constant 16 : i32
        %add3A_735 = arith.addi %add3A_734, %scan3A_508 : i32
        %swap3A_736 = arith.constant 0 : i32
        %swap3A_737 = arith.index_cast %swap3A_736 : i32 to index
        %swap3A_738 = arith.index_cast %add3A_735 : i32 to index
        %swap3A_739 = arith.constant 64 : index
        %swap3A_740 = tpu.vector_load %arg7[%swap3A_737, %swap3A_738, %swap3A_739] {strides = array<i32>} : memref<2x128x128xf32, #tpu.memory_space<vmem>>, vector<16xf32>,
        tpu.vector_store %arg7[%swap3A_737, %swap3A_738, %swap3A_739], %get3A_733 {strides = array<i32>} : memref<2x128x128xf32, #tpu.memory_space<vmem>>, vector<16xf32>,
        %mul3A_741 = arith.constant 8 : i32
        %mul3A_742 = arith.muli %scan3A_508, %mul3A_741 : i32
        %add3A_743 = arith.constant 5 : i32
        %add3A_744 = arith.addi %mul3A_742, %add3A_743 : i32
        %get3A_745 = arith.constant 0 : i32
        %get3A_746 = arith.constant 1 : i32
        %get3A_747 = arith.index_cast %get3A_745 : i32 to index
        %get3A_748 = arith.index_cast %get3A_746 : i32 to index
        %get3A_749 = arith.index_cast %add3A_744 : i32 to index
        %get3A_750 = arith.constant 0 : index
        %get3A_751 = tpu.vector_load %arg6[%get3A_747, %get3A_748, %get3A_749, %get3A_750] {strides = array<i32>} : memref<2x8x128x16xf32, #tpu.memory_space<vmem>>, vector<16xf32>,
        %add3A_752 = arith.constant 16 : i32
        %add3A_753 = arith.addi %add3A_752, %scan3A_508 : i32
        %swap3A_754 = arith.constant 0 : i32
        %swap3A_755 = arith.index_cast %swap3A_754 : i32 to index
        %swap3A_756 = arith.index_cast %add3A_753 : i32 to index
        %swap3A_757 = arith.constant 80 : index
        %swap3A_758 = tpu.vector_load %arg7[%swap3A_755, %swap3A_756, %swap3A_757] {strides = array<i32>} : memref<2x128x128xf32, #tpu.memory_space<vmem>>, vector<16xf32>,
        tpu.vector_store %arg7[%swap3A_755, %swap3A_756, %swap3A_757], %get3A_751 {strides = array<i32>} : memref<2x128x128xf32, #tpu.memory_space<vmem>>, vector<16xf32>,
        %mul3A_759 = arith.constant 8 : i32
        %mul3A_760 = arith.muli %scan3A_508, %mul3A_759 : i32
        %add3A_761 = arith.constant 6 : i32
        %add3A_762 = arith.addi %mul3A_760, %add3A_761 : i32
        %get3A_763 = arith.constant 0 : i32
        %get3A_764 = arith.constant 1 : i32
        %get3A_765 = arith.index_cast %get3A_763 : i32 to index
        %get3A_766 = arith.index_cast %get3A_764 : i32 to index
        %get3A_767 = arith.index_cast %add3A_762 : i32 to index
        %get3A_768 = arith.constant 0 : index
        %get3A_769 = tpu.vector_load %arg6[%get3A_765, %get3A_766, %get3A_767, %get3A_768] {strides = array<i32>} : memref<2x8x128x16xf32, #tpu.memory_space<vmem>>, vector<16xf32>,
        %add3A_770 = arith.constant 16 : i32
        %add3A_771 = arith.addi %add3A_770, %scan3A_508 : i32
        %swap3A_772 = arith.constant 0 : i32
        %swap3A_773 = arith.index_cast %swap3A_772 : i32 to index
        %swap3A_774 = arith.index_cast %add3A_771 : i32 to index
        %swap3A_775 = arith.constant 96 : index
        %swap3A_776 = tpu.vector_load %arg7[%swap3A_773, %swap3A_774, %swap3A_775] {strides = array<i32>} : memref<2x128x128xf32, #tpu.memory_space<vmem>>, vector<16xf32>,
        tpu.vector_store %arg7[%swap3A_773, %swap3A_774, %swap3A_775], %get3A_769 {strides = array<i32>} : memref<2x128x128xf32, #tpu.memory_space<vmem>>, vector<16xf32>,
        %mul3A_777 = arith.constant 8 : i32
        %mul3A_778 = arith.muli %scan3A_508, %mul3A_777 : i32
        %add3A_779 = arith.constant 7 : i32
        %add3A_780 = arith.addi %mul3A_778, %add3A_779 : i32
        %get3A_781 = arith.constant 0 : i32
        %get3A_782 = arith.constant 1 : i32
        %get3A_783 = arith.index_cast %get3A_781 : i32 to index
        %get3A_784 = arith.index_cast %get3A_782 : i32 to index
        %get3A_785 = arith.index_cast %add3A_780 : i32 to index
        %get3A_786 = arith.constant 0 : index
        %get3A_787 = tpu.vector_load %arg6[%get3A_783, %get3A_784, %get3A_785, %get3A_786] {strides = array<i32>} : memref<2x8x128x16xf32, #tpu.memory_space<vmem>>, vector<16xf32>,
        %add3A_788 = arith.constant 16 : i32
        %add3A_789 = arith.addi %add3A_788, %scan3A_508 : i32
        %swap3A_790 = arith.constant 0 : i32
        %swap3A_791 = arith.index_cast %swap3A_790 : i32 to index
        %swap3A_792 = arith.index_cast %add3A_789 : i32 to index
        %swap3A_793 = arith.constant 112 : index
        %swap3A_794 = tpu.vector_load %arg7[%swap3A_791, %swap3A_792, %swap3A_793] {strides = array<i32>} : memref<2x128x128xf32, #tpu.memory_space<vmem>>, vector<16xf32>,
        tpu.vector_store %arg7[%swap3A_791, %swap3A_792, %swap3A_793], %get3A_787 {strides = array<i32>} : memref<2x128x128xf32, #tpu.memory_space<vmem>>, vector<16xf32>,
        %mul3A_795 = arith.constant 8 : i32
        %mul3A_796 = arith.muli %scan3A_508, %mul3A_795 : i32
        %add3A_797 = arith.constant 0 : i32
        %add3A_798 = arith.addi %mul3A_796, %add3A_797 : i32
        %get3A_799 = arith.constant 0 : i32
        %get3A_800 = arith.constant 2 : i32
        %get3A_801 = arith.index_cast %get3A_799 : i32 to index
        %get3A_802 = arith.index_cast %get3A_800 : i32 to index
        %get3A_803 = arith.index_cast %add3A_798 : i32 to index
        %get3A_804 = arith.constant 0 : index
        %get3A_805 = tpu.vector_load %arg6[%get3A_801, %get3A_802, %get3A_803, %get3A_804] {strides = array<i32>} : memref<2x8x128x16xf32, #tpu.memory_space<vmem>>, vector<16xf32>,
        %add3A_806 = arith.constant 32 : i32
        %add3A_807 = arith.addi %add3A_806, %scan3A_508 : i32
        %swap3A_808 = arith.constant 0 : i32
        %swap3A_809 = arith.index_cast %swap3A_808 : i32 to index
        %swap3A_810 = arith.index_cast %add3A_807 : i32 to index
        %swap3A_811 = arith.constant 0 : index
        %swap3A_812 = tpu.vector_load %arg7[%swap3A_809, %swap3A_810, %swap3A_811] {strides = array<i32>} : memref<2x128x128xf32, #tpu.memory_space<vmem>>, vector<16xf32>,
        tpu.vector_store %arg7[%swap3A_809, %swap3A_810, %swap3A_811], %get3A_805 {strides = array<i32>} : memref<2x128x128xf32, #tpu.memory_space<vmem>>, vector<16xf32>,
        %mul3A_813 = arith.constant 8 : i32
        %mul3A_814 = arith.muli %scan3A_508, %mul3A_813 : i32
        %add3A_815 = arith.constant 1 : i32
        %add3A_816 = arith.addi %mul3A_814, %add3A_815 : i32
        %get3A_817 = arith.constant 0 : i32
        %get3A_818 = arith.constant 2 : i32
        %get3A_819 = arith.index_cast %get3A_817 : i32 to index
        %get3A_820 = arith.index_cast %get3A_818 : i32 to index
        %get3A_821 = arith.index_cast %add3A_816 : i32 to index
        %get3A_822 = arith.constant 0 : index
        %get3A_823 = tpu.vector_load %arg6[%get3A_819, %get3A_820, %get3A_821, %get3A_822] {strides = array<i32>} : memref<2x8x128x16xf32, #tpu.memory_space<vmem>>, vector<16xf32>,
        %add3A_824 = arith.constant 32 : i32
        %add3A_825 = arith.addi %add3A_824, %scan3A_508 : i32
        %swap3A_826 = arith.constant 0 : i32
        %swap3A_827 = arith.index_cast %swap3A_826 : i32 to index
        %swap3A_828 = arith.index_cast %add3A_825 : i32 to index
        %swap3A_829 = arith.constant 16 : index
        %swap3A_830 = tpu.vector_load %arg7[%swap3A_827, %swap3A_828, %swap3A_829] {strides = array<i32>} : memref<2x128x128xf32, #tpu.memory_space<vmem>>, vector<16xf32>,
        tpu.vector_store %arg7[%swap3A_827, %swap3A_828, %swap3A_829], %get3A_823 {strides = array<i32>} : memref<2x128x128xf32, #tpu.memory_space<vmem>>, vector<16xf32>,
        %mul3A_831 = arith.constant 8 : i32
        %mul3A_832 = arith.muli %scan3A_508, %mul3A_831 : i32
        %add3A_833 = arith.constant 2 : i32
        %add3A_834 = arith.addi %mul3A_832, %add3A_833 : i32
        %get3A_835 = arith.constant 0 : i32
        %get3A_836 = arith.constant 2 : i32
        %get3A_837 = arith.index_cast %get3A_835 : i32 to index
        %get3A_838 = arith.index_cast %get3A_836 : i32 to index
        %get3A_839 = arith.index_cast %add3A_834 : i32 to index
        %get3A_840 = arith.constant 0 : index
        %get3A_841 = tpu.vector_load %arg6[%get3A_837, %get3A_838, %get3A_839, %get3A_840] {strides = array<i32>} : memref<2x8x128x16xf32, #tpu.memory_space<vmem>>, vector<16xf32>,
        %add3A_842 = arith.constant 32 : i32
        %add3A_843 = arith.addi %add3A_842, %scan3A_508 : i32
        %swap3A_844 = arith.constant 0 : i32
        %swap3A_845 = arith.index_cast %swap3A_844 : i32 to index
        %swap3A_846 = arith.index_cast %add3A_843 : i32 to index
        %swap3A_847 = arith.constant 32 : index
        %swap3A_848 = tpu.vector_load %arg7[%swap3A_845, %swap3A_846, %swap3A_847] {strides = array<i32>} : memref<2x128x128xf32, #tpu.memory_space<vmem>>, vector<16xf32>,
        tpu.vector_store %arg7[%swap3A_845, %swap3A_846, %swap3A_847], %get3A_841 {strides = array<i32>} : memref<2x128x128xf32, #tpu.memory_space<vmem>>, vector<16xf32>,
        %mul3A_849 = arith.constant 8 : i32
        %mul3A_850 = arith.muli %scan3A_508, %mul3A_849 : i32
        %add3A_851 = arith.constant 3 : i32
        %add3A_852 = arith.addi %mul3A_850, %add3A_851 : i32
        %get3A_853 = arith.constant 0 : i32
        %get3A_854 = arith.constant 2 : i32
        %get3A_855 = arith.index_cast %get3A_853 : i32 to index
        %get3A_856 = arith.index_cast %get3A_854 : i32 to index
        %get3A_857 = arith.index_cast %add3A_852 : i32 to index
        %get3A_858 = arith.constant 0 : index
        %get3A_859 = tpu.vector_load %arg6[%get3A_855, %get3A_856, %get3A_857, %get3A_858] {strides = array<i32>} : memref<2x8x128x16xf32, #tpu.memory_space<vmem>>, vector<16xf32>,
        %add3A_860 = arith.constant 32 : i32
        %add3A_861 = arith.addi %add3A_860, %scan3A_508 : i32
        %swap3A_862 = arith.constant 0 : i32
        %swap3A_863 = arith.index_cast %swap3A_862 : i32 to index
        %swap3A_864 = arith.index_cast %add3A_861 : i32 to index
        %swap3A_865 = arith.constant 48 : index
        %swap3A_866 = tpu.vector_load %arg7[%swap3A_863, %swap3A_864, %swap3A_865] {strides = array<i32>} : memref<2x128x128xf32, #tpu.memory_space<vmem>>, vector<16xf32>,
        tpu.vector_store %arg7[%swap3A_863, %swap3A_864, %swap3A_865], %get3A_859 {strides = array<i32>} : memref<2x128x128xf32, #tpu.memory_space<vmem>>, vector<16xf32>,
        %mul3A_867 = arith.constant 8 : i32
        %mul3A_868 = arith.muli %scan3A_508, %mul3A_867 : i32
        %add3A_869 = arith.constant 4 : i32
        %add3A_870 = arith.addi %mul3A_868, %add3A_869 : i32
        %get3A_871 = arith.constant 0 : i32
        %get3A_872 = arith.constant 2 : i32
        %get3A_873 = arith.index_cast %get3A_871 : i32 to index
        %get3A_874 = arith.index_cast %get3A_872 : i32 to index
        %get3A_875 = arith.index_cast %add3A_870 : i32 to index
        %get3A_876 = arith.constant 0 : index
        %get3A_877 = tpu.vector_load %arg6[%get3A_873, %get3A_874, %get3A_875, %get3A_876] {strides = array<i32>} : memref<2x8x128x16xf32, #tpu.memory_space<vmem>>, vector<16xf32>,
        %add3A_878 = arith.constant 32 : i32
        %add3A_879 = arith.addi %add3A_878, %scan3A_508 : i32
        %swap3A_880 = arith.constant 0 : i32
        %swap3A_881 = arith.index_cast %swap3A_880 : i32 to index
        %swap3A_882 = arith.index_cast %add3A_879 : i32 to index
        %swap3A_883 = arith.constant 64 : index
        %swap3A_884 = tpu.vector_load %arg7[%swap3A_881, %swap3A_882, %swap3A_883] {strides = array<i32>} : memref<2x128x128xf32, #tpu.memory_space<vmem>>, vector<16xf32>,
        tpu.vector_store %arg7[%swap3A_881, %swap3A_882, %swap3A_883], %get3A_877 {strides = array<i32>} : memref<2x128x128xf32, #tpu.memory_space<vmem>>, vector<16xf32>,
        %mul3A_885 = arith.constant 8 : i32
        %mul3A_886 = arith.muli %scan3A_508, %mul3A_885 : i32
        %add3A_887 = arith.constant 5 : i32
        %add3A_888 = arith.addi %mul3A_886, %add3A_887 : i32
        %get3A_889 = arith.constant 0 : i32
        %get3A_890 = arith.constant 2 : i32
        %get3A_891 = arith.index_cast %get3A_889 : i32 to index
        %get3A_892 = arith.index_cast %get3A_890 : i32 to index
        %get3A_893 = arith.index_cast %add3A_888 : i32 to index
        %get3A_894 = arith.constant 0 : index
        %get3A_895 = tpu.vector_load %arg6[%get3A_891, %get3A_892, %get3A_893, %get3A_894] {strides = array<i32>} : memref<2x8x128x16xf32, #tpu.memory_space<vmem>>, vector<16xf32>,
        %add3A_896 = arith.constant 32 : i32
        %add3A_897 = arith.addi %add3A_896, %scan3A_508 : i32
        %swap3A_898 = arith.constant 0 : i32
        %swap3A_899 = arith.index_cast %swap3A_898 : i32 to index
        %swap3A_900 = arith.index_cast %add3A_897 : i32 to index
        %swap3A_901 = arith.constant 80 : index
        %swap3A_902 = tpu.vector_load %arg7[%swap3A_899, %swap3A_900, %swap3A_901] {strides = array<i32>} : memref<2x128x128xf32, #tpu.memory_space<vmem>>, vector<16xf32>,
        tpu.vector_store %arg7[%swap3A_899, %swap3A_900, %swap3A_901], %get3A_895 {strides = array<i32>} : memref<2x128x128xf32, #tpu.memory_space<vmem>>, vector<16xf32>,
        %mul3A_903 = arith.constant 8 : i32
        %mul3A_904 = arith.muli %scan3A_508, %mul3A_903 : i32
        %add3A_905 = arith.constant 6 : i32
        %add3A_906 = arith.addi %mul3A_904, %add3A_905 : i32
        %get3A_907 = arith.constant 0 : i32
        %get3A_908 = arith.constant 2 : i32
        %get3A_909 = arith.index_cast %get3A_907 : i32 to index
        %get3A_910 = arith.index_cast %get3A_908 : i32 to index
        %get3A_911 = arith.index_cast %add3A_906 : i32 to index
        %get3A_912 = arith.constant 0 : index
        %get3A_913 = tpu.vector_load %arg6[%get3A_909, %get3A_910, %get3A_911, %get3A_912] {strides = array<i32>} : memref<2x8x128x16xf32, #tpu.memory_space<vmem>>, vector<16xf32>,
        %add3A_914 = arith.constant 32 : i32
        %add3A_915 = arith.addi %add3A_914, %scan3A_508 : i32
        %swap3A_916 = arith.constant 0 : i32
        %swap3A_917 = arith.index_cast %swap3A_916 : i32 to index
        %swap3A_918 = arith.index_cast %add3A_915 : i32 to index
        %swap3A_919 = arith.constant 96 : index
        %swap3A_920 = tpu.vector_load %arg7[%swap3A_917, %swap3A_918, %swap3A_919] {strides = array<i32>} : memref<2x128x128xf32, #tpu.memory_space<vmem>>, vector<16xf32>,
        tpu.vector_store %arg7[%swap3A_917, %swap3A_918, %swap3A_919], %get3A_913 {strides = array<i32>} : memref<2x128x128xf32, #tpu.memory_space<vmem>>, vector<16xf32>,
        %mul3A_921 = arith.constant 8 : i32
        %mul3A_922 = arith.muli %scan3A_508, %mul3A_921 : i32
        %add3A_923 = arith.constant 7 : i32
        %add3A_924 = arith.addi %mul3A_922, %add3A_923 : i32
        %get3A_925 = arith.constant 0 : i32
        %get3A_926 = arith.constant 2 : i32
        %get3A_927 = arith.index_cast %get3A_925 : i32 to index
        %get3A_928 = arith.index_cast %get3A_926 : i32 to index
        %get3A_929 = arith.index_cast %add3A_924 : i32 to index
        %get3A_930 = arith.constant 0 : index
        %get3A_931 = tpu.vector_load %arg6[%get3A_927, %get3A_928, %get3A_929, %get3A_930] {strides = array<i32>} : memref<2x8x128x16xf32, #tpu.memory_space<vmem>>, vector<16xf32>,
        %add3A_932 = arith.constant 32 : i32
        %add3A_933 = arith.addi %add3A_932, %scan3A_508 : i32
        %swap3A_934 = arith.constant 0 : i32
        %swap3A_935 = arith.index_cast %swap3A_934 : i32 to index
        %swap3A_936 = arith.index_cast %add3A_933 : i32 to index
        %swap3A_937 = arith.constant 112 : index
        %swap3A_938 = tpu.vector_load %arg7[%swap3A_935, %swap3A_936, %swap3A_937] {strides = array<i32>} : memref<2x128x128xf32, #tpu.memory_space<vmem>>, vector<16xf32>,
        tpu.vector_store %arg7[%swap3A_935, %swap3A_936, %swap3A_937], %get3A_931 {strides = array<i32>} : memref<2x128x128xf32, #tpu.memory_space<vmem>>, vector<16xf32>,
        %mul3A_939 = arith.constant 8 : i32
        %mul3A_940 = arith.muli %scan3A_508, %mul3A_939 : i32
        %add3A_941 = arith.constant 0 : i32
        %add3A_942 = arith.addi %mul3A_940, %add3A_941 : i32
        %get3A_943 = arith.constant 0 : i32
        %get3A_944 = arith.constant 3 : i32
        %get3A_945 = arith.index_cast %get3A_943 : i32 to index
        %get3A_946 = arith.index_cast %get3A_944 : i32 to index
        %get3A_947 = arith.index_cast %add3A_942 : i32 to index
        %get3A_948 = arith.constant 0 : index
        %get3A_949 = tpu.vector_load %arg6[%get3A_945, %get3A_946, %get3A_947, %get3A_948] {strides = array<i32>} : memref<2x8x128x16xf32, #tpu.memory_space<vmem>>, vector<16xf32>,
        %add3A_950 = arith.constant 48 : i32
        %add3A_951 = arith.addi %add3A_950, %scan3A_508 : i32
        %swap3A_952 = arith.constant 0 : i32
        %swap3A_953 = arith.index_cast %swap3A_952 : i32 to index
        %swap3A_954 = arith.index_cast %add3A_951 : i32 to index
        %swap3A_955 = arith.constant 0 : index
        %swap3A_956 = tpu.vector_load %arg7[%swap3A_953, %swap3A_954, %swap3A_955] {strides = array<i32>} : memref<2x128x128xf32, #tpu.memory_space<vmem>>, vector<16xf32>,
        tpu.vector_store %arg7[%swap3A_953, %swap3A_954, %swap3A_955], %get3A_949 {strides = array<i32>} : memref<2x128x128xf32, #tpu.memory_space<vmem>>, vector<16xf32>,
        %mul3A_957 = arith.constant 8 : i32
        %mul3A_958 = arith.muli %scan3A_508, %mul3A_957 : i32
        %add3A_959 = arith.constant 1 : i32
        %add3A_960 = arith.addi %mul3A_958, %add3A_959 : i32
        %get3A_961 = arith.constant 0 : i32
        %get3A_962 = arith.constant 3 : i32
        %get3A_963 = arith.index_cast %get3A_961 : i32 to index
        %get3A_964 = arith.index_cast %get3A_962 : i32 to index
        %get3A_965 = arith.index_cast %add3A_960 : i32 to index
        %get3A_966 = arith.constant 0 : index
        %get3A_967 = tpu.vector_load %arg6[%get3A_963, %get3A_964, %get3A_965, %get3A_966] {strides = array<i32>} : memref<2x8x128x16xf32, #tpu.memory_space<vmem>>, vector<16xf32>,
        %add3A_968 = arith.constant 48 : i32
        %add3A_969 = arith.addi %add3A_968, %scan3A_508 : i32
        %swap3A_970 = arith.constant 0 : i32
        %swap3A_971 = arith.index_cast %swap3A_970 : i32 to index
        %swap3A_972 = arith.index_cast %add3A_969 : i32 to index
        %swap3A_973 = arith.constant 16 : index
        %swap3A_974 = tpu.vector_load %arg7[%swap3A_971, %swap3A_972, %swap3A_973] {strides = array<i32>} : memref<2x128x128xf32, #tpu.memory_space<vmem>>, vector<16xf32>,
        tpu.vector_store %arg7[%swap3A_971, %swap3A_972, %swap3A_973], %get3A_967 {strides = array<i32>} : memref<2x128x128xf32, #tpu.memory_space<vmem>>, vector<16xf32>,
        %mul3A_975 = arith.constant 8 : i32
        %mul3A_976 = arith.muli %scan3A_508, %mul3A_975 : i32
        %add3A_977 = arith.constant 2 : i32
        %add3A_978 = arith.addi %mul3A_976, %add3A_977 : i32
        %get3A_979 = arith.constant 0 : i32
        %get3A_980 = arith.constant 3 : i32
        %get3A_981 = arith.index_cast %get3A_979 : i32 to index
        %get3A_982 = arith.index_cast %get3A_980 : i32 to index
        %get3A_983 = arith.index_cast %add3A_978 : i32 to index
        %get3A_984 = arith.constant 0 : index
        %get3A_985 = tpu.vector_load %arg6[%get3A_981, %get3A_982, %get3A_983, %get3A_984] {strides = array<i32>} : memref<2x8x128x16xf32, #tpu.memory_space<vmem>>, vector<16xf32>,
        %add3A_986 = arith.constant 48 : i32
        %add3A_987 = arith.addi %add3A_986, %scan3A_508 : i32
        %swap3A_988 = arith.constant 0 : i32
        %swap3A_989 = arith.index_cast %swap3A_988 : i32 to index
        %swap3A_990 = arith.index_cast %add3A_987 : i32 to index
        %swap3A_991 = arith.constant 32 : index
        %swap3A_992 = tpu.vector_load %arg7[%swap3A_989, %swap3A_990, %swap3A_991] {strides = array<i32>} : memref<2x128x128xf32, #tpu.memory_space<vmem>>, vector<16xf32>,
        tpu.vector_store %arg7[%swap3A_989, %swap3A_990, %swap3A_991], %get3A_985 {strides = array<i32>} : memref<2x128x128xf32, #tpu.memory_space<vmem>>, vector<16xf32>,
        %mul3A_993 = arith.constant 8 : i32
        %mul3A_994 = arith.muli %scan3A_508, %mul3A_993 : i32
        %add3A_995 = arith.constant 3 : i32
        %add3A_996 = arith.addi %mul3A_994, %add3A_995 : i32
        %get3A_997 = arith.constant 0 : i32
        %get3A_998 = arith.constant 3 : i32
        %get3A_999 = arith.index_cast %get3A_997 : i32 to index
        %get3A_1000 = arith.index_cast %get3A_998 : i32 to index
        %get3A_1001 = arith.index_cast %add3A_996 : i32 to index
        %get3A_1002 = arith.constant 0 : index
        %get3A_1003 = tpu.vector_load %arg6[%get3A_999, %get3A_1000, %get3A_1001, %get3A_1002] {strides = array<i32>} : memref<2x8x128x16xf32, #tpu.memory_space<vmem>>, vector<16xf32>,
        %add3A_1004 = arith.constant 48 : i32
        %add3A_1005 = arith.addi %add3A_1004, %scan3A_508 : i32
        %swap3A_1006 = arith.constant 0 : i32
        %swap3A_1007 = arith.index_cast %swap3A_1006 : i32 to index
        %swap3A_1008 = arith.index_cast %add3A_1005 : i32 to index
        %swap3A_1009 = arith.constant 48 : index
        %swap3A_1010 = tpu.vector_load %arg7[%swap3A_1007, %swap3A_1008, %swap3A_1009] {strides = array<i32>} : memref<2x128x128xf32, #tpu.memory_space<vmem>>, vector<16xf32>,
        tpu.vector_store %arg7[%swap3A_1007, %swap3A_1008, %swap3A_1009], %get3A_1003 {strides = array<i32>} : memref<2x128x128xf32, #tpu.memory_space<vmem>>, vector<16xf32>,
        %mul3A_1011 = arith.constant 8 : i32
        %mul3A_1012 = arith.muli %scan3A_508, %mul3A_1011 : i32
        %add3A_1013 = arith.constant 4 : i32
        %add3A_1014 = arith.addi %mul3A_1012, %add3A_1013 : i32
        %get3A_1015 = arith.constant 0 : i32
        %get3A_1016 = arith.constant 3 : i32
        %get3A_1017 = arith.index_cast %get3A_1015 : i32 to index
        %get3A_1018 = arith.index_cast %get3A_1016 : i32 to index
        %get3A_1019 = arith.index_cast %add3A_1014 : i32 to index
        %get3A_1020 = arith.constant 0 : index
        %get3A_1021 = tpu.vector_load %arg6[%get3A_1017, %get3A_1018, %get3A_1019, %get3A_1020] {strides = array<i32>} : memref<2x8x128x16xf32, #tpu.memory_space<vmem>>, vector<16xf32>,
        %add3A_1022 = arith.constant 48 : i32
        %add3A_1023 = arith.addi %add3A_1022, %scan3A_508 : i32
        %swap3A_1024 = arith.constant 0 : i32
        %swap3A_1025 = arith.index_cast %swap3A_1024 : i32 to index
        %swap3A_1026 = arith.index_cast %add3A_1023 : i32 to index
        %swap3A_1027 = arith.constant 64 : index
        %swap3A_1028 = tpu.vector_load %arg7[%swap3A_1025, %swap3A_1026, %swap3A_1027] {strides = array<i32>} : memref<2x128x128xf32, #tpu.memory_space<vmem>>, vector<16xf32>,
        tpu.vector_store %arg7[%swap3A_1025, %swap3A_1026, %swap3A_1027], %get3A_1021 {strides = array<i32>} : memref<2x128x128xf32, #tpu.memory_space<vmem>>, vector<16xf32>,
        %mul3A_1029 = arith.constant 8 : i32
        %mul3A_1030 = arith.muli %scan3A_508, %mul3A_1029 : i32
        %add3A_1031 = arith.constant 5 : i32
        %add3A_1032 = arith.addi %mul3A_1030, %add3A_1031 : i32
        %get3A_1033 = arith.constant 0 : i32
        %get3A_1034 = arith.constant 3 : i32
        %get3A_1035 = arith.index_cast %get3A_1033 : i32 to index
        %get3A_1036 = arith.index_cast %get3A_1034 : i32 to index
        %get3A_1037 = arith.index_cast %add3A_1032 : i32 to index
        %get3A_1038 = arith.constant 0 : index
        %get3A_1039 = tpu.vector_load %arg6[%get3A_1035, %get3A_1036, %get3A_1037, %get3A_1038] {strides = array<i32>} : memref<2x8x128x16xf32, #tpu.memory_space<vmem>>, vector<16xf32>,
        %add3A_1040 = arith.constant 48 : i32
        %add3A_1041 = arith.addi %add3A_1040, %scan3A_508 : i32
        %swap3A_1042 = arith.constant 0 : i32
        %swap3A_1043 = arith.index_cast %swap3A_1042 : i32 to index
        %swap3A_1044 = arith.index_cast %add3A_1041 : i32 to index
        %swap3A_1045 = arith.constant 80 : index
        %swap3A_1046 = tpu.vector_load %arg7[%swap3A_1043, %swap3A_1044, %swap3A_1045] {strides = array<i32>} : memref<2x128x128xf32, #tpu.memory_space<vmem>>, vector<16xf32>,
        tpu.vector_store %arg7[%swap3A_1043, %swap3A_1044, %swap3A_1045], %get3A_1039 {strides = array<i32>} : memref<2x128x128xf32, #tpu.memory_space<vmem>>, vector<16xf32>,
        %mul3A_1047 = arith.constant 8 : i32
        %mul3A_1048 = arith.muli %scan3A_508, %mul3A_1047 : i32
        %add3A_1049 = arith.constant 6 : i32
        %add3A_1050 = arith.addi %mul3A_1048, %add3A_1049 : i32
        %get3A_1051 = arith.constant 0 : i32
        %get3A_1052 = arith.constant 3 : i32
        %get3A_1053 = arith.index_cast %get3A_1051 : i32 to index
        %get3A_1054 = arith.index_cast %get3A_1052 : i32 to index
        %get3A_1055 = arith.index_cast %add3A_1050 : i32 to index
        %get3A_1056 = arith.constant 0 : index
        %get3A_1057 = tpu.vector_load %arg6[%get3A_1053, %get3A_1054, %get3A_1055, %get3A_1056] {strides = array<i32>} : memref<2x8x128x16xf32, #tpu.memory_space<vmem>>, vector<16xf32>,
        %add3A_1058 = arith.constant 48 : i32
        %add3A_1059 = arith.addi %add3A_1058, %scan3A_508 : i32
        %swap3A_1060 = arith.constant 0 : i32
        %swap3A_1061 = arith.index_cast %swap3A_1060 : i32 to index
        %swap3A_1062 = arith.index_cast %add3A_1059 : i32 to index
        %swap3A_1063 = arith.constant 96 : index
        %swap3A_1064 = tpu.vector_load %arg7[%swap3A_1061, %swap3A_1062, %swap3A_1063] {strides = array<i32>} : memref<2x128x128xf32, #tpu.memory_space<vmem>>, vector<16xf32>,
        tpu.vector_store %arg7[%swap3A_1061, %swap3A_1062, %swap3A_1063], %get3A_1057 {strides = array<i32>} : memref<2x128x128xf32, #tpu.memory_space<vmem>>, vector<16xf32>,
        %mul3A_1065 = arith.constant 8 : i32
        %mul3A_1066 = arith.muli %scan3A_508, %mul3A_1065 : i32
        %add3A_1067 = arith.constant 7 : i32
        %add3A_1068 = arith.addi %mul3A_1066, %add3A_1067 : i32
        %get3A_1069 = arith.constant 0 : i32
        %get3A_1070 = arith.constant 3 : i32
        %get3A_1071 = arith.index_cast %get3A_1069 : i32 to index
        %get3A_1072 = arith.index_cast %get3A_1070 : i32 to index
        %get3A_1073 = arith.index_cast %add3A_1068 : i32 to index
        %get3A_1074 = arith.constant 0 : index
        %get3A_1075 = tpu.vector_load %arg6[%get3A_1071, %get3A_1072, %get3A_1073, %get3A_1074] {strides = array<i32>} : memref<2x8x128x16xf32, #tpu.memory_space<vmem>>, vector<16xf32>,
        %add3A_1076 = arith.constant 48 : i32
        %add3A_1077 = arith.addi %add3A_1076, %scan3A_508 : i32
        %swap3A_1078 = arith.constant 0 : i32
        %swap3A_1079 = arith.index_cast %swap3A_1078 : i32 to index
        %swap3A_1080 = arith.index_cast %add3A_1077 : i32 to index
        %swap3A_1081 = arith.constant 112 : index
        %swap3A_1082 = tpu.vector_load %arg7[%swap3A_1079, %swap3A_1080, %swap3A_1081] {strides = array<i32>} : memref<2x128x128xf32, #tpu.memory_space<vmem>>, vector<16xf32>,
        tpu.vector_store %arg7[%swap3A_1079, %swap3A_1080, %swap3A_1081], %get3A_1075 {strides = array<i32>} : memref<2x128x128xf32, #tpu.memory_space<vmem>>, vector<16xf32>,
        %mul3A_1083 = arith.constant 8 : i32
        %mul3A_1084 = arith.muli %scan3A_508, %mul3A_1083 : i32
        %add3A_1085 = arith.constant 0 : i32
        %add3A_1086 = arith.addi %mul3A_1084, %add3A_1085 : i32
        %get3A_1087 = arith.constant 0 : i32
        %get3A_1088 = arith.constant 4 : i32
        %get3A_1089 = arith.index_cast %get3A_1087 : i32 to index
        %get3A_1090 = arith.index_cast %get3A_1088 : i32 to index
        %get3A_1091 = arith.index_cast %add3A_1086 : i32 to index
        %get3A_1092 = arith.constant 0 : index
        %get3A_1093 = tpu.vector_load %arg6[%get3A_1089, %get3A_1090, %get3A_1091, %get3A_1092] {strides = array<i32>} : memref<2x8x128x16xf32, #tpu.memory_space<vmem>>, vector<16xf32>,
        %add3A_1094 = arith.constant 64 : i32
        %add3A_1095 = arith.addi %add3A_1094, %scan3A_508 : i32
        %swap3A_1096 = arith.constant 0 : i32
        %swap3A_1097 = arith.index_cast %swap3A_1096 : i32 to index
        %swap3A_1098 = arith.index_cast %add3A_1095 : i32 to index
        %swap3A_1099 = arith.constant 0 : index
        %swap3A_1100 = tpu.vector_load %arg7[%swap3A_1097, %swap3A_1098, %swap3A_1099] {strides = array<i32>} : memref<2x128x128xf32, #tpu.memory_space<vmem>>, vector<16xf32>,
        tpu.vector_store %arg7[%swap3A_1097, %swap3A_1098, %swap3A_1099], %get3A_1093 {strides = array<i32>} : memref<2x128x128xf32, #tpu.memory_space<vmem>>, vector<16xf32>,
        %mul3A_1101 = arith.constant 8 : i32
        %mul3A_1102 = arith.muli %scan3A_508, %mul3A_1101 : i32
        %add3A_1103 = arith.constant 1 : i32
        %add3A_1104 = arith.addi %mul3A_1102, %add3A_1103 : i32
        %get3A_1105 = arith.constant 0 : i32
        %get3A_1106 = arith.constant 4 : i32
        %get3A_1107 = arith.index_cast %get3A_1105 : i32 to index
        %get3A_1108 = arith.index_cast %get3A_1106 : i32 to index
        %get3A_1109 = arith.index_cast %add3A_1104 : i32 to index
        %get3A_1110 = arith.constant 0 : index
        %get3A_1111 = tpu.vector_load %arg6[%get3A_1107, %get3A_1108, %get3A_1109, %get3A_1110] {strides = array<i32>} : memref<2x8x128x16xf32, #tpu.memory_space<vmem>>, vector<16xf32>,
        %add3A_1112 = arith.constant 64 : i32
        %add3A_1113 = arith.addi %add3A_1112, %scan3A_508 : i32
        %swap3A_1114 = arith.constant 0 : i32
        %swap3A_1115 = arith.index_cast %swap3A_1114 : i32 to index
        %swap3A_1116 = arith.index_cast %add3A_1113 : i32 to index
        %swap3A_1117 = arith.constant 16 : index
        %swap3A_1118 = tpu.vector_load %arg7[%swap3A_1115, %swap3A_1116, %swap3A_1117] {strides = array<i32>} : memref<2x128x128xf32, #tpu.memory_space<vmem>>, vector<16xf32>,
        tpu.vector_store %arg7[%swap3A_1115, %swap3A_1116, %swap3A_1117], %get3A_1111 {strides = array<i32>} : memref<2x128x128xf32, #tpu.memory_space<vmem>>, vector<16xf32>,
        %mul3A_1119 = arith.constant 8 : i32
        %mul3A_1120 = arith.muli %scan3A_508, %mul3A_1119 : i32
        %add3A_1121 = arith.constant 2 : i32
        %add3A_1122 = arith.addi %mul3A_1120, %add3A_1121 : i32
        %get3A_1123 = arith.constant 0 : i32
        %get3A_1124 = arith.constant 4 : i32
        %get3A_1125 = arith.index_cast %get3A_1123 : i32 to index
        %get3A_1126 = arith.index_cast %get3A_1124 : i32 to index
        %get3A_1127 = arith.index_cast %add3A_1122 : i32 to index
        %get3A_1128 = arith.constant 0 : index
        %get3A_1129 = tpu.vector_load %arg6[%get3A_1125, %get3A_1126, %get3A_1127, %get3A_1128] {strides = array<i32>} : memref<2x8x128x16xf32, #tpu.memory_space<vmem>>, vector<16xf32>,
        %add3A_1130 = arith.constant 64 : i32
        %add3A_1131 = arith.addi %add3A_1130, %scan3A_508 : i32
        %swap3A_1132 = arith.constant 0 : i32
        %swap3A_1133 = arith.index_cast %swap3A_1132 : i32 to index
        %swap3A_1134 = arith.index_cast %add3A_1131 : i32 to index
        %swap3A_1135 = arith.constant 32 : index
        %swap3A_1136 = tpu.vector_load %arg7[%swap3A_1133, %swap3A_1134, %swap3A_1135] {strides = array<i32>} : memref<2x128x128xf32, #tpu.memory_space<vmem>>, vector<16xf32>,
        tpu.vector_store %arg7[%swap3A_1133, %swap3A_1134, %swap3A_1135], %get3A_1129 {strides = array<i32>} : memref<2x128x128xf32, #tpu.memory_space<vmem>>, vector<16xf32>,
        %mul3A_1137 = arith.constant 8 : i32
        %mul3A_1138 = arith.muli %scan3A_508, %mul3A_1137 : i32
        %add3A_1139 = arith.constant 3 : i32
        %add3A_1140 = arith.addi %mul3A_1138, %add3A_1139 : i32
        %get3A_1141 = arith.constant 0 : i32
        %get3A_1142 = arith.constant 4 : i32
        %get3A_1143 = arith.index_cast %get3A_1141 : i32 to index
        %get3A_1144 = arith.index_cast %get3A_1142 : i32 to index
        %get3A_1145 = arith.index_cast %add3A_1140 : i32 to index
        %get3A_1146 = arith.constant 0 : index
        %get3A_1147 = tpu.vector_load %arg6[%get3A_1143, %get3A_1144, %get3A_1145, %get3A_1146] {strides = array<i32>} : memref<2x8x128x16xf32, #tpu.memory_space<vmem>>, vector<16xf32>,
        %add3A_1148 = arith.constant 64 : i32
        %add3A_1149 = arith.addi %add3A_1148, %scan3A_508 : i32
        %swap3A_1150 = arith.constant 0 : i32
        %swap3A_1151 = arith.index_cast %swap3A_1150 : i32 to index
        %swap3A_1152 = arith.index_cast %add3A_1149 : i32 to index
        %swap3A_1153 = arith.constant 48 : index
        %swap3A_1154 = tpu.vector_load %arg7[%swap3A_1151, %swap3A_1152, %swap3A_1153] {strides = array<i32>} : memref<2x128x128xf32, #tpu.memory_space<vmem>>, vector<16xf32>,
        tpu.vector_store %arg7[%swap3A_1151, %swap3A_1152, %swap3A_1153], %get3A_1147 {strides = array<i32>} : memref<2x128x128xf32, #tpu.memory_space<vmem>>, vector<16xf32>,
        %mul3A_1155 = arith.constant 8 : i32
        %mul3A_1156 = arith.muli %scan3A_508, %mul3A_1155 : i32
        %add3A_1157 = arith.constant 4 : i32
        %add3A_1158 = arith.addi %mul3A_1156, %add3A_1157 : i32
        %get3A_1159 = arith.constant 0 : i32
        %get3A_1160 = arith.constant 4 : i32
        %get3A_1161 = arith.index_cast %get3A_1159 : i32 to index
        %get3A_1162 = arith.index_cast %get3A_1160 : i32 to index
        %get3A_1163 = arith.index_cast %add3A_1158 : i32 to index
        %get3A_1164 = arith.constant 0 : index
        %get3A_1165 = tpu.vector_load %arg6[%get3A_1161, %get3A_1162, %get3A_1163, %get3A_1164] {strides = array<i32>} : memref<2x8x128x16xf32, #tpu.memory_space<vmem>>, vector<16xf32>,
        %add3A_1166 = arith.constant 64 : i32
        %add3A_1167 = arith.addi %add3A_1166, %scan3A_508 : i32
        %swap3A_1168 = arith.constant 0 : i32
        %swap3A_1169 = arith.index_cast %swap3A_1168 : i32 to index
        %swap3A_1170 = arith.index_cast %add3A_1167 : i32 to index
        %swap3A_1171 = arith.constant 64 : index
        %swap3A_1172 = tpu.vector_load %arg7[%swap3A_1169, %swap3A_1170, %swap3A_1171] {strides = array<i32>} : memref<2x128x128xf32, #tpu.memory_space<vmem>>, vector<16xf32>,
        tpu.vector_store %arg7[%swap3A_1169, %swap3A_1170, %swap3A_1171], %get3A_1165 {strides = array<i32>} : memref<2x128x128xf32, #tpu.memory_space<vmem>>, vector<16xf32>,
        %mul3A_1173 = arith.constant 8 : i32
        %mul3A_1174 = arith.muli %scan3A_508, %mul3A_1173 : i32
        %add3A_1175 = arith.constant 5 : i32
        %add3A_1176 = arith.addi %mul3A_1174, %add3A_1175 : i32
        %get3A_1177 = arith.constant 0 : i32
        %get3A_1178 = arith.constant 4 : i32
        %get3A_1179 = arith.index_cast %get3A_1177 : i32 to index
        %get3A_1180 = arith.index_cast %get3A_1178 : i32 to index
        %get3A_1181 = arith.index_cast %add3A_1176 : i32 to index
        %get3A_1182 = arith.constant 0 : index
        %get3A_1183 = tpu.vector_load %arg6[%get3A_1179, %get3A_1180, %get3A_1181, %get3A_1182] {strides = array<i32>} : memref<2x8x128x16xf32, #tpu.memory_space<vmem>>, vector<16xf32>,
        %add3A_1184 = arith.constant 64 : i32
        %add3A_1185 = arith.addi %add3A_1184, %scan3A_508 : i32
        %swap3A_1186 = arith.constant 0 : i32
        %swap3A_1187 = arith.index_cast %swap3A_1186 : i32 to index
        %swap3A_1188 = arith.index_cast %add3A_1185 : i32 to index
        %swap3A_1189 = arith.constant 80 : index
        %swap3A_1190 = tpu.vector_load %arg7[%swap3A_1187, %swap3A_1188, %swap3A_1189] {strides = array<i32>} : memref<2x128x128xf32, #tpu.memory_space<vmem>>, vector<16xf32>,
        tpu.vector_store %arg7[%swap3A_1187, %swap3A_1188, %swap3A_1189], %get3A_1183 {strides = array<i32>} : memref<2x128x128xf32, #tpu.memory_space<vmem>>, vector<16xf32>,
        %mul3A_1191 = arith.constant 8 : i32
        %mul3A_1192 = arith.muli %scan3A_508, %mul3A_1191 : i32
        %add3A_1193 = arith.constant 6 : i32
        %add3A_1194 = arith.addi %mul3A_1192, %add3A_1193 : i32
        %get3A_1195 = arith.constant 0 : i32
        %get3A_1196 = arith.constant 4 : i32
        %get3A_1197 = arith.index_cast %get3A_1195 : i32 to index
        %get3A_1198 = arith.index_cast %get3A_1196 : i32 to index
        %get3A_1199 = arith.index_cast %add3A_1194 : i32 to index
        %get3A_1200 = arith.constant 0 : index
        %get3A_1201 = tpu.vector_load %arg6[%get3A_1197, %get3A_1198, %get3A_1199, %get3A_1200] {strides = array<i32>} : memref<2x8x128x16xf32, #tpu.memory_space<vmem>>, vector<16xf32>,
        %add3A_1202 = arith.constant 64 : i32
        %add3A_1203 = arith.addi %add3A_1202, %scan3A_508 : i32
        %swap3A_1204 = arith.constant 0 : i32
        %swap3A_1205 = arith.index_cast %swap3A_1204 : i32 to index
        %swap3A_1206 = arith.index_cast %add3A_1203 : i32 to index
        %swap3A_1207 = arith.constant 96 : index
        %swap3A_1208 = tpu.vector_load %arg7[%swap3A_1205, %swap3A_1206, %swap3A_1207] {strides = array<i32>} : memref<2x128x128xf32, #tpu.memory_space<vmem>>, vector<16xf32>,
        tpu.vector_store %arg7[%swap3A_1205, %swap3A_1206, %swap3A_1207], %get3A_1201 {strides = array<i32>} : memref<2x128x128xf32, #tpu.memory_space<vmem>>, vector<16xf32>,
        %mul3A_1209 = arith.constant 8 : i32
        %mul3A_1210 = arith.muli %scan3A_508, %mul3A_1209 : i32
        %add3A_1211 = arith.constant 7 : i32
        %add3A_1212 = arith.addi %mul3A_1210, %add3A_1211 : i32
        %get3A_1213 = arith.constant 0 : i32
        %get3A_1214 = arith.constant 4 : i32
        %get3A_1215 = arith.index_cast %get3A_1213 : i32 to index
        %get3A_1216 = arith.index_cast %get3A_1214 : i32 to index
        %get3A_1217 = arith.index_cast %add3A_1212 : i32 to index
        %get3A_1218 = arith.constant 0 : index
        %get3A_1219 = tpu.vector_load %arg6[%get3A_1215, %get3A_1216, %get3A_1217, %get3A_1218] {strides = array<i32>} : memref<2x8x128x16xf32, #tpu.memory_space<vmem>>, vector<16xf32>,
        %add3A_1220 = arith.constant 64 : i32
        %add3A_1221 = arith.addi %add3A_1220, %scan3A_508 : i32
        %swap3A_1222 = arith.constant 0 : i32
        %swap3A_1223 = arith.index_cast %swap3A_1222 : i32 to index
        %swap3A_1224 = arith.index_cast %add3A_1221 : i32 to index
        %swap3A_1225 = arith.constant 112 : index
        %swap3A_1226 = tpu.vector_load %arg7[%swap3A_1223, %swap3A_1224, %swap3A_1225] {strides = array<i32>} : memref<2x128x128xf32, #tpu.memory_space<vmem>>, vector<16xf32>,
        tpu.vector_store %arg7[%swap3A_1223, %swap3A_1224, %swap3A_1225], %get3A_1219 {strides = array<i32>} : memref<2x128x128xf32, #tpu.memory_space<vmem>>, vector<16xf32>,
        %mul3A_1227 = arith.constant 8 : i32
        %mul3A_1228 = arith.muli %scan3A_508, %mul3A_1227 : i32
        %add3A_1229 = arith.constant 0 : i32
        %add3A_1230 = arith.addi %mul3A_1228, %add3A_1229 : i32
        %get3A_1231 = arith.constant 0 : i32
        %get3A_1232 = arith.constant 5 : i32
        %get3A_1233 = arith.index_cast %get3A_1231 : i32 to index
        %get3A_1234 = arith.index_cast %get3A_1232 : i32 to index
        %get3A_1235 = arith.index_cast %add3A_1230 : i32 to index
        %get3A_1236 = arith.constant 0 : index
        %get3A_1237 = tpu.vector_load %arg6[%get3A_1233, %get3A_1234, %get3A_1235, %get3A_1236] {strides = array<i32>} : memref<2x8x128x16xf32, #tpu.memory_space<vmem>>, vector<16xf32>,
        %add3A_1238 = arith.constant 80 : i32
        %add3A_1239 = arith.addi %add3A_1238, %scan3A_508 : i32
        %swap3A_1240 = arith.constant 0 : i32
        %swap3A_1241 = arith.index_cast %swap3A_1240 : i32 to index
        %swap3A_1242 = arith.index_cast %add3A_1239 : i32 to index
        %swap3A_1243 = arith.constant 0 : index
        %swap3A_1244 = tpu.vector_load %arg7[%swap3A_1241, %swap3A_1242, %swap3A_1243] {strides = array<i32>} : memref<2x128x128xf32, #tpu.memory_space<vmem>>, vector<16xf32>,
        tpu.vector_store %arg7[%swap3A_1241, %swap3A_1242, %swap3A_1243], %get3A_1237 {strides = array<i32>} : memref<2x128x128xf32, #tpu.memory_space<vmem>>, vector<16xf32>,
        %mul3A_1245 = arith.constant 8 : i32
        %mul3A_1246 = arith.muli %scan3A_508, %mul3A_1245 : i32
        %add3A_1247 = arith.constant 1 : i32
        %add3A_1248 = arith.addi %mul3A_1246, %add3A_1247 : i32
        %get3A_1249 = arith.constant 0 : i32
        %get3A_1250 = arith.constant 5 : i32
        %get3A_1251 = arith.index_cast %get3A_1249 : i32 to index
        %get3A_1252 = arith.index_cast %get3A_1250 : i32 to index
        %get3A_1253 = arith.index_cast %add3A_1248 : i32 to index
        %get3A_1254 = arith.constant 0 : index
        %get3A_1255 = tpu.vector_load %arg6[%get3A_1251, %get3A_1252, %get3A_1253, %get3A_1254] {strides = array<i32>} : memref<2x8x128x16xf32, #tpu.memory_space<vmem>>, vector<16xf32>,
        %add3A_1256 = arith.constant 80 : i32
        %add3A_1257 = arith.addi %add3A_1256, %scan3A_508 : i32
        %swap3A_1258 = arith.constant 0 : i32
        %swap3A_1259 = arith.index_cast %swap3A_1258 : i32 to index
        %swap3A_1260 = arith.index_cast %add3A_1257 : i32 to index
        %swap3A_1261 = arith.constant 16 : index
        %swap3A_1262 = tpu.vector_load %arg7[%swap3A_1259, %swap3A_1260, %swap3A_1261] {strides = array<i32>} : memref<2x128x128xf32, #tpu.memory_space<vmem>>, vector<16xf32>,
        tpu.vector_store %arg7[%swap3A_1259, %swap3A_1260, %swap3A_1261], %get3A_1255 {strides = array<i32>} : memref<2x128x128xf32, #tpu.memory_space<vmem>>, vector<16xf32>,
        %mul3A_1263 = arith.constant 8 : i32
        %mul3A_1264 = arith.muli %scan3A_508, %mul3A_1263 : i32
        %add3A_1265 = arith.constant 2 : i32
        %add3A_1266 = arith.addi %mul3A_1264, %add3A_1265 : i32
        %get3A_1267 = arith.constant 0 : i32
        %get3A_1268 = arith.constant 5 : i32
        %get3A_1269 = arith.index_cast %get3A_1267 : i32 to index
        %get3A_1270 = arith.index_cast %get3A_1268 : i32 to index
        %get3A_1271 = arith.index_cast %add3A_1266 : i32 to index
        %get3A_1272 = arith.constant 0 : index
        %get3A_1273 = tpu.vector_load %arg6[%get3A_1269, %get3A_1270, %get3A_1271, %get3A_1272] {strides = array<i32>} : memref<2x8x128x16xf32, #tpu.memory_space<vmem>>, vector<16xf32>,
        %add3A_1274 = arith.constant 80 : i32
        %add3A_1275 = arith.addi %add3A_1274, %scan3A_508 : i32
        %swap3A_1276 = arith.constant 0 : i32
        %swap3A_1277 = arith.index_cast %swap3A_1276 : i32 to index
        %swap3A_1278 = arith.index_cast %add3A_1275 : i32 to index
        %swap3A_1279 = arith.constant 32 : index
        %swap3A_1280 = tpu.vector_load %arg7[%swap3A_1277, %swap3A_1278, %swap3A_1279] {strides = array<i32>} : memref<2x128x128xf32, #tpu.memory_space<vmem>>, vector<16xf32>,
        tpu.vector_store %arg7[%swap3A_1277, %swap3A_1278, %swap3A_1279], %get3A_1273 {strides = array<i32>} : memref<2x128x128xf32, #tpu.memory_space<vmem>>, vector<16xf32>,
        %mul3A_1281 = arith.constant 8 : i32
        %mul3A_1282 = arith.muli %scan3A_508, %mul3A_1281 : i32
        %add3A_1283 = arith.constant 3 : i32
        %add3A_1284 = arith.addi %mul3A_1282, %add3A_1283 : i32
        %get3A_1285 = arith.constant 0 : i32
        %get3A_1286 = arith.constant 5 : i32
        %get3A_1287 = arith.index_cast %get3A_1285 : i32 to index
        %get3A_1288 = arith.index_cast %get3A_1286 : i32 to index
        %get3A_1289 = arith.index_cast %add3A_1284 : i32 to index
        %get3A_1290 = arith.constant 0 : index
        %get3A_1291 = tpu.vector_load %arg6[%get3A_1287, %get3A_1288, %get3A_1289, %get3A_1290] {strides = array<i32>} : memref<2x8x128x16xf32, #tpu.memory_space<vmem>>, vector<16xf32>,
        %add3A_1292 = arith.constant 80 : i32
        %add3A_1293 = arith.addi %add3A_1292, %scan3A_508 : i32
        %swap3A_1294 = arith.constant 0 : i32
        %swap3A_1295 = arith.index_cast %swap3A_1294 : i32 to index
        %swap3A_1296 = arith.index_cast %add3A_1293 : i32 to index
        %swap3A_1297 = arith.constant 48 : index
        %swap3A_1298 = tpu.vector_load %arg7[%swap3A_1295, %swap3A_1296, %swap3A_1297] {strides = array<i32>} : memref<2x128x128xf32, #tpu.memory_space<vmem>>, vector<16xf32>,
        tpu.vector_store %arg7[%swap3A_1295, %swap3A_1296, %swap3A_1297], %get3A_1291 {strides = array<i32>} : memref<2x128x128xf32, #tpu.memory_space<vmem>>, vector<16xf32>,
        %mul3A_1299 = arith.constant 8 : i32
        %mul3A_1300 = arith.muli %scan3A_508, %mul3A_1299 : i32
        %add3A_1301 = arith.constant 4 : i32
        %add3A_1302 = arith.addi %mul3A_1300, %add3A_1301 : i32
        %get3A_1303 = arith.constant 0 : i32
        %get3A_1304 = arith.constant 5 : i32
        %get3A_1305 = arith.index_cast %get3A_1303 : i32 to index
        %get3A_1306 = arith.index_cast %get3A_1304 : i32 to index
        %get3A_1307 = arith.index_cast %add3A_1302 : i32 to index
        %get3A_1308 = arith.constant 0 : index
        %get3A_1309 = tpu.vector_load %arg6[%get3A_1305, %get3A_1306, %get3A_1307, %get3A_1308] {strides = array<i32>} : memref<2x8x128x16xf32, #tpu.memory_space<vmem>>, vector<16xf32>,
        %add3A_1310 = arith.constant 80 : i32
        %add3A_1311 = arith.addi %add3A_1310, %scan3A_508 : i32
        %swap3A_1312 = arith.constant 0 : i32
        %swap3A_1313 = arith.index_cast %swap3A_1312 : i32 to index
        %swap3A_1314 = arith.index_cast %add3A_1311 : i32 to index
        %swap3A_1315 = arith.constant 64 : index
        %swap3A_1316 = tpu.vector_load %arg7[%swap3A_1313, %swap3A_1314, %swap3A_1315] {strides = array<i32>} : memref<2x128x128xf32, #tpu.memory_space<vmem>>, vector<16xf32>,
        tpu.vector_store %arg7[%swap3A_1313, %swap3A_1314, %swap3A_1315], %get3A_1309 {strides = array<i32>} : memref<2x128x128xf32, #tpu.memory_space<vmem>>, vector<16xf32>,
        %mul3A_1317 = arith.constant 8 : i32
        %mul3A_1318 = arith.muli %scan3A_508, %mul3A_1317 : i32
        %add3A_1319 = arith.constant 5 : i32
        %add3A_1320 = arith.addi %mul3A_1318, %add3A_1319 : i32
        %get3A_1321 = arith.constant 0 : i32
        %get3A_1322 = arith.constant 5 : i32
        %get3A_1323 = arith.index_cast %get3A_1321 : i32 to index
        %get3A_1324 = arith.index_cast %get3A_1322 : i32 to index
        %get3A_1325 = arith.index_cast %add3A_1320 : i32 to index
        %get3A_1326 = arith.constant 0 : index
        %get3A_1327 = tpu.vector_load %arg6[%get3A_1323, %get3A_1324, %get3A_1325, %get3A_1326] {strides = array<i32>} : memref<2x8x128x16xf32, #tpu.memory_space<vmem>>, vector<16xf32>,
        %add3A_1328 = arith.constant 80 : i32
        %add3A_1329 = arith.addi %add3A_1328, %scan3A_508 : i32
        %swap3A_1330 = arith.constant 0 : i32
        %swap3A_1331 = arith.index_cast %swap3A_1330 : i32 to index
        %swap3A_1332 = arith.index_cast %add3A_1329 : i32 to index
        %swap3A_1333 = arith.constant 80 : index
        %swap3A_1334 = tpu.vector_load %arg7[%swap3A_1331, %swap3A_1332, %swap3A_1333] {strides = array<i32>} : memref<2x128x128xf32, #tpu.memory_space<vmem>>, vector<16xf32>,
        tpu.vector_store %arg7[%swap3A_1331, %swap3A_1332, %swap3A_1333], %get3A_1327 {strides = array<i32>} : memref<2x128x128xf32, #tpu.memory_space<vmem>>, vector<16xf32>,
        %mul3A_1335 = arith.constant 8 : i32
        %mul3A_1336 = arith.muli %scan3A_508, %mul3A_1335 : i32
        %add3A_1337 = arith.constant 6 : i32
        %add3A_1338 = arith.addi %mul3A_1336, %add3A_1337 : i32
        %get3A_1339 = arith.constant 0 : i32
        %get3A_1340 = arith.constant 5 : i32
        %get3A_1341 = arith.index_cast %get3A_1339 : i32 to index
        %get3A_1342 = arith.index_cast %get3A_1340 : i32 to index
        %get3A_1343 = arith.index_cast %add3A_1338 : i32 to index
        %get3A_1344 = arith.constant 0 : index
        %get3A_1345 = tpu.vector_load %arg6[%get3A_1341, %get3A_1342, %get3A_1343, %get3A_1344] {strides = array<i32>} : memref<2x8x128x16xf32, #tpu.memory_space<vmem>>, vector<16xf32>,
        %add3A_1346 = arith.constant 80 : i32
        %add3A_1347 = arith.addi %add3A_1346, %scan3A_508 : i32
        %swap3A_1348 = arith.constant 0 : i32
        %swap3A_1349 = arith.index_cast %swap3A_1348 : i32 to index
        %swap3A_1350 = arith.index_cast %add3A_1347 : i32 to index
        %swap3A_1351 = arith.constant 96 : index
        %swap3A_1352 = tpu.vector_load %arg7[%swap3A_1349, %swap3A_1350, %swap3A_1351] {strides = array<i32>} : memref<2x128x128xf32, #tpu.memory_space<vmem>>, vector<16xf32>,
        tpu.vector_store %arg7[%swap3A_1349, %swap3A_1350, %swap3A_1351], %get3A_1345 {strides = array<i32>} : memref<2x128x128xf32, #tpu.memory_space<vmem>>, vector<16xf32>,
        %mul3A_1353 = arith.constant 8 : i32
        %mul3A_1354 = arith.muli %scan3A_508, %mul3A_1353 : i32
        %add3A_1355 = arith.constant 7 : i32
        %add3A_1356 = arith.addi %mul3A_1354, %add3A_1355 : i32
        %get3A_1357 = arith.constant 0 : i32
        %get3A_1358 = arith.constant 5 : i32
        %get3A_1359 = arith.index_cast %get3A_1357 : i32 to index
        %get3A_1360 = arith.index_cast %get3A_1358 : i32 to index
        %get3A_1361 = arith.index_cast %add3A_1356 : i32 to index
        %get3A_1362 = arith.constant 0 : index
        %get3A_1363 = tpu.vector_load %arg6[%get3A_1359, %get3A_1360, %get3A_1361, %get3A_1362] {strides = array<i32>} : memref<2x8x128x16xf32, #tpu.memory_space<vmem>>, vector<16xf32>,
        %add3A_1364 = arith.constant 80 : i32
        %add3A_1365 = arith.addi %add3A_1364, %scan3A_508 : i32
        %swap3A_1366 = arith.constant 0 : i32
        %swap3A_1367 = arith.index_cast %swap3A_1366 : i32 to index
        %swap3A_1368 = arith.index_cast %add3A_1365 : i32 to index
        %swap3A_1369 = arith.constant 112 : index
        %swap3A_1370 = tpu.vector_load %arg7[%swap3A_1367, %swap3A_1368, %swap3A_1369] {strides = array<i32>} : memref<2x128x128xf32, #tpu.memory_space<vmem>>, vector<16xf32>,
        tpu.vector_store %arg7[%swap3A_1367, %swap3A_1368, %swap3A_1369], %get3A_1363 {strides = array<i32>} : memref<2x128x128xf32, #tpu.memory_space<vmem>>, vector<16xf32>,
        %mul3A_1371 = arith.constant 8 : i32
        %mul3A_1372 = arith.muli %scan3A_508, %mul3A_1371 : i32
        %add3A_1373 = arith.constant 0 : i32
        %add3A_1374 = arith.addi %mul3A_1372, %add3A_1373 : i32
        %get3A_1375 = arith.constant 0 : i32
        %get3A_1376 = arith.constant 6 : i32
        %get3A_1377 = arith.index_cast %get3A_1375 : i32 to index
        %get3A_1378 = arith.index_cast %get3A_1376 : i32 to index
        %get3A_1379 = arith.index_cast %add3A_1374 : i32 to index
        %get3A_1380 = arith.constant 0 : index
        %get3A_1381 = tpu.vector_load %arg6[%get3A_1377, %get3A_1378, %get3A_1379, %get3A_1380] {strides = array<i32>} : memref<2x8x128x16xf32, #tpu.memory_space<vmem>>, vector<16xf32>,
        %add3A_1382 = arith.constant 96 : i32
        %add3A_1383 = arith.addi %add3A_1382, %scan3A_508 : i32
        %swap3A_1384 = arith.constant 0 : i32
        %swap3A_1385 = arith.index_cast %swap3A_1384 : i32 to index
        %swap3A_1386 = arith.index_cast %add3A_1383 : i32 to index
        %swap3A_1387 = arith.constant 0 : index
        %swap3A_1388 = tpu.vector_load %arg7[%swap3A_1385, %swap3A_1386, %swap3A_1387] {strides = array<i32>} : memref<2x128x128xf32, #tpu.memory_space<vmem>>, vector<16xf32>,
        tpu.vector_store %arg7[%swap3A_1385, %swap3A_1386, %swap3A_1387], %get3A_1381 {strides = array<i32>} : memref<2x128x128xf32, #tpu.memory_space<vmem>>, vector<16xf32>,
        %mul3A_1389 = arith.constant 8 : i32
        %mul3A_1390 = arith.muli %scan3A_508, %mul3A_1389 : i32
        %add3A_1391 = arith.constant 1 : i32
        %add3A_1392 = arith.addi %mul3A_1390, %add3A_1391 : i32
        %get3A_1393 = arith.constant 0 : i32
        %get3A_1394 = arith.constant 6 : i32
        %get3A_1395 = arith.index_cast %get3A_1393 : i32 to index
        %get3A_1396 = arith.index_cast %get3A_1394 : i32 to index
        %get3A_1397 = arith.index_cast %add3A_1392 : i32 to index
        %get3A_1398 = arith.constant 0 : index
        %get3A_1399 = tpu.vector_load %arg6[%get3A_1395, %get3A_1396, %get3A_1397, %get3A_1398] {strides = array<i32>} : memref<2x8x128x16xf32, #tpu.memory_space<vmem>>, vector<16xf32>,
        %add3A_1400 = arith.constant 96 : i32
        %add3A_1401 = arith.addi %add3A_1400, %scan3A_508 : i32
        %swap3A_1402 = arith.constant 0 : i32
        %swap3A_1403 = arith.index_cast %swap3A_1402 : i32 to index
        %swap3A_1404 = arith.index_cast %add3A_1401 : i32 to index
        %swap3A_1405 = arith.constant 16 : index
        %swap3A_1406 = tpu.vector_load %arg7[%swap3A_1403, %swap3A_1404, %swap3A_1405] {strides = array<i32>} : memref<2x128x128xf32, #tpu.memory_space<vmem>>, vector<16xf32>,
        tpu.vector_store %arg7[%swap3A_1403, %swap3A_1404, %swap3A_1405], %get3A_1399 {strides = array<i32>} : memref<2x128x128xf32, #tpu.memory_space<vmem>>, vector<16xf32>,
        %mul3A_1407 = arith.constant 8 : i32
        %mul3A_1408 = arith.muli %scan3A_508, %mul3A_1407 : i32
        %add3A_1409 = arith.constant 2 : i32
        %add3A_1410 = arith.addi %mul3A_1408, %add3A_1409 : i32
        %get3A_1411 = arith.constant 0 : i32
        %get3A_1412 = arith.constant 6 : i32
        %get3A_1413 = arith.index_cast %get3A_1411 : i32 to index
        %get3A_1414 = arith.index_cast %get3A_1412 : i32 to index
        %get3A_1415 = arith.index_cast %add3A_1410 : i32 to index
        %get3A_1416 = arith.constant 0 : index
        %get3A_1417 = tpu.vector_load %arg6[%get3A_1413, %get3A_1414, %get3A_1415, %get3A_1416] {strides = array<i32>} : memref<2x8x128x16xf32, #tpu.memory_space<vmem>>, vector<16xf32>,
        %add3A_1418 = arith.constant 96 : i32
        %add3A_1419 = arith.addi %add3A_1418, %scan3A_508 : i32
        %swap3A_1420 = arith.constant 0 : i32
        %swap3A_1421 = arith.index_cast %swap3A_1420 : i32 to index
        %swap3A_1422 = arith.index_cast %add3A_1419 : i32 to index
        %swap3A_1423 = arith.constant 32 : index
        %swap3A_1424 = tpu.vector_load %arg7[%swap3A_1421, %swap3A_1422, %swap3A_1423] {strides = array<i32>} : memref<2x128x128xf32, #tpu.memory_space<vmem>>, vector<16xf32>,
        tpu.vector_store %arg7[%swap3A_1421, %swap3A_1422, %swap3A_1423], %get3A_1417 {strides = array<i32>} : memref<2x128x128xf32, #tpu.memory_space<vmem>>, vector<16xf32>,
        %mul3A_1425 = arith.constant 8 : i32
        %mul3A_1426 = arith.muli %scan3A_508, %mul3A_1425 : i32
        %add3A_1427 = arith.constant 3 : i32
        %add3A_1428 = arith.addi %mul3A_1426, %add3A_1427 : i32
        %get3A_1429 = arith.constant 0 : i32
        %get3A_1430 = arith.constant 6 : i32
        %get3A_1431 = arith.index_cast %get3A_1429 : i32 to index
        %get3A_1432 = arith.index_cast %get3A_1430 : i32 to index
        %get3A_1433 = arith.index_cast %add3A_1428 : i32 to index
        %get3A_1434 = arith.constant 0 : index
        %get3A_1435 = tpu.vector_load %arg6[%get3A_1431, %get3A_1432, %get3A_1433, %get3A_1434] {strides = array<i32>} : memref<2x8x128x16xf32, #tpu.memory_space<vmem>>, vector<16xf32>,
        %add3A_1436 = arith.constant 96 : i32
        %add3A_1437 = arith.addi %add3A_1436, %scan3A_508 : i32
        %swap3A_1438 = arith.constant 0 : i32
        %swap3A_1439 = arith.index_cast %swap3A_1438 : i32 to index
        %swap3A_1440 = arith.index_cast %add3A_1437 : i32 to index
        %swap3A_1441 = arith.constant 48 : index
        %swap3A_1442 = tpu.vector_load %arg7[%swap3A_1439, %swap3A_1440, %swap3A_1441] {strides = array<i32>} : memref<2x128x128xf32, #tpu.memory_space<vmem>>, vector<16xf32>,
        tpu.vector_store %arg7[%swap3A_1439, %swap3A_1440, %swap3A_1441], %get3A_1435 {strides = array<i32>} : memref<2x128x128xf32, #tpu.memory_space<vmem>>, vector<16xf32>,
        %mul3A_1443 = arith.constant 8 : i32
        %mul3A_1444 = arith.muli %scan3A_508, %mul3A_1443 : i32
        %add3A_1445 = arith.constant 4 : i32
        %add3A_1446 = arith.addi %mul3A_1444, %add3A_1445 : i32
        %get3A_1447 = arith.constant 0 : i32
        %get3A_1448 = arith.constant 6 : i32
        %get3A_1449 = arith.index_cast %get3A_1447 : i32 to index
        %get3A_1450 = arith.index_cast %get3A_1448 : i32 to index
        %get3A_1451 = arith.index_cast %add3A_1446 : i32 to index
        %get3A_1452 = arith.constant 0 : index
        %get3A_1453 = tpu.vector_load %arg6[%get3A_1449, %get3A_1450, %get3A_1451, %get3A_1452] {strides = array<i32>} : memref<2x8x128x16xf32, #tpu.memory_space<vmem>>, vector<16xf32>,
        %add3A_1454 = arith.constant 96 : i32
        %add3A_1455 = arith.addi %add3A_1454, %scan3A_508 : i32
        %swap3A_1456 = arith.constant 0 : i32
        %swap3A_1457 = arith.index_cast %swap3A_1456 : i32 to index
        %swap3A_1458 = arith.index_cast %add3A_1455 : i32 to index
        %swap3A_1459 = arith.constant 64 : index
        %swap3A_1460 = tpu.vector_load %arg7[%swap3A_1457, %swap3A_1458, %swap3A_1459] {strides = array<i32>} : memref<2x128x128xf32, #tpu.memory_space<vmem>>, vector<16xf32>,
        tpu.vector_store %arg7[%swap3A_1457, %swap3A_1458, %swap3A_1459], %get3A_1453 {strides = array<i32>} : memref<2x128x128xf32, #tpu.memory_space<vmem>>, vector<16xf32>,
        %mul3A_1461 = arith.constant 8 : i32
        %mul3A_1462 = arith.muli %scan3A_508, %mul3A_1461 : i32
        %add3A_1463 = arith.constant 5 : i32
        %add3A_1464 = arith.addi %mul3A_1462, %add3A_1463 : i32
        %get3A_1465 = arith.constant 0 : i32
        %get3A_1466 = arith.constant 6 : i32
        %get3A_1467 = arith.index_cast %get3A_1465 : i32 to index
        %get3A_1468 = arith.index_cast %get3A_1466 : i32 to index
        %get3A_1469 = arith.index_cast %add3A_1464 : i32 to index
        %get3A_1470 = arith.constant 0 : index
        %get3A_1471 = tpu.vector_load %arg6[%get3A_1467, %get3A_1468, %get3A_1469, %get3A_1470] {strides = array<i32>} : memref<2x8x128x16xf32, #tpu.memory_space<vmem>>, vector<16xf32>,
        %add3A_1472 = arith.constant 96 : i32
        %add3A_1473 = arith.addi %add3A_1472, %scan3A_508 : i32
        %swap3A_1474 = arith.constant 0 : i32
        %swap3A_1475 = arith.index_cast %swap3A_1474 : i32 to index
        %swap3A_1476 = arith.index_cast %add3A_1473 : i32 to index
        %swap3A_1477 = arith.constant 80 : index
        %swap3A_1478 = tpu.vector_load %arg7[%swap3A_1475, %swap3A_1476, %swap3A_1477] {strides = array<i32>} : memref<2x128x128xf32, #tpu.memory_space<vmem>>, vector<16xf32>,
        tpu.vector_store %arg7[%swap3A_1475, %swap3A_1476, %swap3A_1477], %get3A_1471 {strides = array<i32>} : memref<2x128x128xf32, #tpu.memory_space<vmem>>, vector<16xf32>,
        %mul3A_1479 = arith.constant 8 : i32
        %mul3A_1480 = arith.muli %scan3A_508, %mul3A_1479 : i32
        %add3A_1481 = arith.constant 6 : i32
        %add3A_1482 = arith.addi %mul3A_1480, %add3A_1481 : i32
        %get3A_1483 = arith.constant 0 : i32
        %get3A_1484 = arith.constant 6 : i32
        %get3A_1485 = arith.index_cast %get3A_1483 : i32 to index
        %get3A_1486 = arith.index_cast %get3A_1484 : i32 to index
        %get3A_1487 = arith.index_cast %add3A_1482 : i32 to index
        %get3A_1488 = arith.constant 0 : index
        %get3A_1489 = tpu.vector_load %arg6[%get3A_1485, %get3A_1486, %get3A_1487, %get3A_1488] {strides = array<i32>} : memref<2x8x128x16xf32, #tpu.memory_space<vmem>>, vector<16xf32>,
        %add3A_1490 = arith.constant 96 : i32
        %add3A_1491 = arith.addi %add3A_1490, %scan3A_508 : i32
        %swap3A_1492 = arith.constant 0 : i32
        %swap3A_1493 = arith.index_cast %swap3A_1492 : i32 to index
        %swap3A_1494 = arith.index_cast %add3A_1491 : i32 to index
        %swap3A_1495 = arith.constant 96 : index
        %swap3A_1496 = tpu.vector_load %arg7[%swap3A_1493, %swap3A_1494, %swap3A_1495] {strides = array<i32>} : memref<2x128x128xf32, #tpu.memory_space<vmem>>, vector<16xf32>,
        tpu.vector_store %arg7[%swap3A_1493, %swap3A_1494, %swap3A_1495], %get3A_1489 {strides = array<i32>} : memref<2x128x128xf32, #tpu.memory_space<vmem>>, vector<16xf32>,
        %mul3A_1497 = arith.constant 8 : i32
        %mul3A_1498 = arith.muli %scan3A_508, %mul3A_1497 : i32
        %add3A_1499 = arith.constant 7 : i32
        %add3A_1500 = arith.addi %mul3A_1498, %add3A_1499 : i32
        %get3A_1501 = arith.constant 0 : i32
        %get3A_1502 = arith.constant 6 : i32
        %get3A_1503 = arith.index_cast %get3A_1501 : i32 to index
        %get3A_1504 = arith.index_cast %get3A_1502 : i32 to index
        %get3A_1505 = arith.index_cast %add3A_1500 : i32 to index
        %get3A_1506 = arith.constant 0 : index
        %get3A_1507 = tpu.vector_load %arg6[%get3A_1503, %get3A_1504, %get3A_1505, %get3A_1506] {strides = array<i32>} : memref<2x8x128x16xf32, #tpu.memory_space<vmem>>, vector<16xf32>,
        %add3A_1508 = arith.constant 96 : i32
        %add3A_1509 = arith.addi %add3A_1508, %scan3A_508 : i32
        %swap3A_1510 = arith.constant 0 : i32
        %swap3A_1511 = arith.index_cast %swap3A_1510 : i32 to index
        %swap3A_1512 = arith.index_cast %add3A_1509 : i32 to index
        %swap3A_1513 = arith.constant 112 : index
        %swap3A_1514 = tpu.vector_load %arg7[%swap3A_1511, %swap3A_1512, %swap3A_1513] {strides = array<i32>} : memref<2x128x128xf32, #tpu.memory_space<vmem>>, vector<16xf32>,
        tpu.vector_store %arg7[%swap3A_1511, %swap3A_1512, %swap3A_1513], %get3A_1507 {strides = array<i32>} : memref<2x128x128xf32, #tpu.memory_space<vmem>>, vector<16xf32>,
        %mul3A_1515 = arith.constant 8 : i32
        %mul3A_1516 = arith.muli %scan3A_508, %mul3A_1515 : i32
        %add3A_1517 = arith.constant 0 : i32
        %add3A_1518 = arith.addi %mul3A_1516, %add3A_1517 : i32
        %get3A_1519 = arith.constant 0 : i32
        %get3A_1520 = arith.constant 7 : i32
        %get3A_1521 = arith.index_cast %get3A_1519 : i32 to index
        %get3A_1522 = arith.index_cast %get3A_1520 : i32 to index
        %get3A_1523 = arith.index_cast %add3A_1518 : i32 to index
        %get3A_1524 = arith.constant 0 : index
        %get3A_1525 = tpu.vector_load %arg6[%get3A_1521, %get3A_1522, %get3A_1523, %get3A_1524] {strides = array<i32>} : memref<2x8x128x16xf32, #tpu.memory_space<vmem>>, vector<16xf32>,
        %add3A_1526 = arith.constant 112 : i32
        %add3A_1527 = arith.addi %add3A_1526, %scan3A_508 : i32
        %swap3A_1528 = arith.constant 0 : i32
        %swap3A_1529 = arith.index_cast %swap3A_1528 : i32 to index
        %swap3A_1530 = arith.index_cast %add3A_1527 : i32 to index
        %swap3A_1531 = arith.constant 0 : index
        %swap3A_1532 = tpu.vector_load %arg7[%swap3A_1529, %swap3A_1530, %swap3A_1531] {strides = array<i32>} : memref<2x128x128xf32, #tpu.memory_space<vmem>>, vector<16xf32>,
        tpu.vector_store %arg7[%swap3A_1529, %swap3A_1530, %swap3A_1531], %get3A_1525 {strides = array<i32>} : memref<2x128x128xf32, #tpu.memory_space<vmem>>, vector<16xf32>,
        %mul3A_1533 = arith.constant 8 : i32
        %mul3A_1534 = arith.muli %scan3A_508, %mul3A_1533 : i32
        %add3A_1535 = arith.constant 1 : i32
        %add3A_1536 = arith.addi %mul3A_1534, %add3A_1535 : i32
        %get3A_1537 = arith.constant 0 : i32
        %get3A_1538 = arith.constant 7 : i32
        %get3A_1539 = arith.index_cast %get3A_1537 : i32 to index
        %get3A_1540 = arith.index_cast %get3A_1538 : i32 to index
        %get3A_1541 = arith.index_cast %add3A_1536 : i32 to index
        %get3A_1542 = arith.constant 0 : index
        %get3A_1543 = tpu.vector_load %arg6[%get3A_1539, %get3A_1540, %get3A_1541, %get3A_1542] {strides = array<i32>} : memref<2x8x128x16xf32, #tpu.memory_space<vmem>>, vector<16xf32>,
        %add3A_1544 = arith.constant 112 : i32
        %add3A_1545 = arith.addi %add3A_1544, %scan3A_508 : i32
        %swap3A_1546 = arith.constant 0 : i32
        %swap3A_1547 = arith.index_cast %swap3A_1546 : i32 to index
        %swap3A_1548 = arith.index_cast %add3A_1545 : i32 to index
        %swap3A_1549 = arith.constant 16 : index
        %swap3A_1550 = tpu.vector_load %arg7[%swap3A_1547, %swap3A_1548, %swap3A_1549] {strides = array<i32>} : memref<2x128x128xf32, #tpu.memory_space<vmem>>, vector<16xf32>,
        tpu.vector_store %arg7[%swap3A_1547, %swap3A_1548, %swap3A_1549], %get3A_1543 {strides = array<i32>} : memref<2x128x128xf32, #tpu.memory_space<vmem>>, vector<16xf32>,
        %mul3A_1551 = arith.constant 8 : i32
        %mul3A_1552 = arith.muli %scan3A_508, %mul3A_1551 : i32
        %add3A_1553 = arith.constant 2 : i32
        %add3A_1554 = arith.addi %mul3A_1552, %add3A_1553 : i32
        %get3A_1555 = arith.constant 0 : i32
        %get3A_1556 = arith.constant 7 : i32
        %get3A_1557 = arith.index_cast %get3A_1555 : i32 to index
        %get3A_1558 = arith.index_cast %get3A_1556 : i32 to index
        %get3A_1559 = arith.index_cast %add3A_1554 : i32 to index
        %get3A_1560 = arith.constant 0 : index
        %get3A_1561 = tpu.vector_load %arg6[%get3A_1557, %get3A_1558, %get3A_1559, %get3A_1560] {strides = array<i32>} : memref<2x8x128x16xf32, #tpu.memory_space<vmem>>, vector<16xf32>,
        %add3A_1562 = arith.constant 112 : i32
        %add3A_1563 = arith.addi %add3A_1562, %scan3A_508 : i32
        %swap3A_1564 = arith.constant 0 : i32
        %swap3A_1565 = arith.index_cast %swap3A_1564 : i32 to index
        %swap3A_1566 = arith.index_cast %add3A_1563 : i32 to index
        %swap3A_1567 = arith.constant 32 : index
        %swap3A_1568 = tpu.vector_load %arg7[%swap3A_1565, %swap3A_1566, %swap3A_1567] {strides = array<i32>} : memref<2x128x128xf32, #tpu.memory_space<vmem>>, vector<16xf32>,
        tpu.vector_store %arg7[%swap3A_1565, %swap3A_1566, %swap3A_1567], %get3A_1561 {strides = array<i32>} : memref<2x128x128xf32, #tpu.memory_space<vmem>>, vector<16xf32>,
        %mul3A_1569 = arith.constant 8 : i32
        %mul3A_1570 = arith.muli %scan3A_508, %mul3A_1569 : i32
        %add3A_1571 = arith.constant 3 : i32
        %add3A_1572 = arith.addi %mul3A_1570, %add3A_1571 : i32
        %get3A_1573 = arith.constant 0 : i32
        %get3A_1574 = arith.constant 7 : i32
        %get3A_1575 = arith.index_cast %get3A_1573 : i32 to index
        %get3A_1576 = arith.index_cast %get3A_1574 : i32 to index
        %get3A_1577 = arith.index_cast %add3A_1572 : i32 to index
        %get3A_1578 = arith.constant 0 : index
        %get3A_1579 = tpu.vector_load %arg6[%get3A_1575, %get3A_1576, %get3A_1577, %get3A_1578] {strides = array<i32>} : memref<2x8x128x16xf32, #tpu.memory_space<vmem>>, vector<16xf32>,
        %add3A_1580 = arith.constant 112 : i32
        %add3A_1581 = arith.addi %add3A_1580, %scan3A_508 : i32
        %swap3A_1582 = arith.constant 0 : i32
        %swap3A_1583 = arith.index_cast %swap3A_1582 : i32 to index
        %swap3A_1584 = arith.index_cast %add3A_1581 : i32 to index
        %swap3A_1585 = arith.constant 48 : index
        %swap3A_1586 = tpu.vector_load %arg7[%swap3A_1583, %swap3A_1584, %swap3A_1585] {strides = array<i32>} : memref<2x128x128xf32, #tpu.memory_space<vmem>>, vector<16xf32>,
        tpu.vector_store %arg7[%swap3A_1583, %swap3A_1584, %swap3A_1585], %get3A_1579 {strides = array<i32>} : memref<2x128x128xf32, #tpu.memory_space<vmem>>, vector<16xf32>,
        %mul3A_1587 = arith.constant 8 : i32
        %mul3A_1588 = arith.muli %scan3A_508, %mul3A_1587 : i32
        %add3A_1589 = arith.constant 4 : i32
        %add3A_1590 = arith.addi %mul3A_1588, %add3A_1589 : i32
        %get3A_1591 = arith.constant 0 : i32
        %get3A_1592 = arith.constant 7 : i32
        %get3A_1593 = arith.index_cast %get3A_1591 : i32 to index
        %get3A_1594 = arith.index_cast %get3A_1592 : i32 to index
        %get3A_1595 = arith.index_cast %add3A_1590 : i32 to index
        %get3A_1596 = arith.constant 0 : index
        %get3A_1597 = tpu.vector_load %arg6[%get3A_1593, %get3A_1594, %get3A_1595, %get3A_1596] {strides = array<i32>} : memref<2x8x128x16xf32, #tpu.memory_space<vmem>>, vector<16xf32>,
        %add3A_1598 = arith.constant 112 : i32
        %add3A_1599 = arith.addi %add3A_1598, %scan3A_508 : i32
        %swap3A_1600 = arith.constant 0 : i32
        %swap3A_1601 = arith.index_cast %swap3A_1600 : i32 to index
        %swap3A_1602 = arith.index_cast %add3A_1599 : i32 to index
        %swap3A_1603 = arith.constant 64 : index
        %swap3A_1604 = tpu.vector_load %arg7[%swap3A_1601, %swap3A_1602, %swap3A_1603] {strides = array<i32>} : memref<2x128x128xf32, #tpu.memory_space<vmem>>, vector<16xf32>,
        tpu.vector_store %arg7[%swap3A_1601, %swap3A_1602, %swap3A_1603], %get3A_1597 {strides = array<i32>} : memref<2x128x128xf32, #tpu.memory_space<vmem>>, vector<16xf32>,
        %mul3A_1605 = arith.constant 8 : i32
        %mul3A_1606 = arith.muli %scan3A_508, %mul3A_1605 : i32
        %add3A_1607 = arith.constant 5 : i32
        %add3A_1608 = arith.addi %mul3A_1606, %add3A_1607 : i32
        %get3A_1609 = arith.constant 0 : i32
        %get3A_1610 = arith.constant 7 : i32
        %get3A_1611 = arith.index_cast %get3A_1609 : i32 to index
        %get3A_1612 = arith.index_cast %get3A_1610 : i32 to index
        %get3A_1613 = arith.index_cast %add3A_1608 : i32 to index
        %get3A_1614 = arith.constant 0 : index
        %get3A_1615 = tpu.vector_load %arg6[%get3A_1611, %get3A_1612, %get3A_1613, %get3A_1614] {strides = array<i32>} : memref<2x8x128x16xf32, #tpu.memory_space<vmem>>, vector<16xf32>,
        %add3A_1616 = arith.constant 112 : i32
        %add3A_1617 = arith.addi %add3A_1616, %scan3A_508 : i32
        %swap3A_1618 = arith.constant 0 : i32
        %swap3A_1619 = arith.index_cast %swap3A_1618 : i32 to index
        %swap3A_1620 = arith.index_cast %add3A_1617 : i32 to index
        %swap3A_1621 = arith.constant 80 : index
        %swap3A_1622 = tpu.vector_load %arg7[%swap3A_1619, %swap3A_1620, %swap3A_1621] {strides = array<i32>} : memref<2x128x128xf32, #tpu.memory_space<vmem>>, vector<16xf32>,
        tpu.vector_store %arg7[%swap3A_1619, %swap3A_1620, %swap3A_1621], %get3A_1615 {strides = array<i32>} : memref<2x128x128xf32, #tpu.memory_space<vmem>>, vector<16xf32>,
        %mul3A_1623 = arith.constant 8 : i32
        %mul3A_1624 = arith.muli %scan3A_508, %mul3A_1623 : i32
        %add3A_1625 = arith.constant 6 : i32
        %add3A_1626 = arith.addi %mul3A_1624, %add3A_1625 : i32
        %get3A_1627 = arith.constant 0 : i32
        %get3A_1628 = arith.constant 7 : i32
        %get3A_1629 = arith.index_cast %get3A_1627 : i32 to index
        %get3A_1630 = arith.index_cast %get3A_1628 : i32 to index
        %get3A_1631 = arith.index_cast %add3A_1626 : i32 to index
        %get3A_1632 = arith.constant 0 : index
        %get3A_1633 = tpu.vector_load %arg6[%get3A_1629, %get3A_1630, %get3A_1631, %get3A_1632] {strides = array<i32>} : memref<2x8x128x16xf32, #tpu.memory_space<vmem>>, vector<16xf32>,
        %add3A_1634 = arith.constant 112 : i32
        %add3A_1635 = arith.addi %add3A_1634, %scan3A_508 : i32
        %swap3A_1636 = arith.constant 0 : i32
        %swap3A_1637 = arith.index_cast %swap3A_1636 : i32 to index
        %swap3A_1638 = arith.index_cast %add3A_1635 : i32 to index
        %swap3A_1639 = arith.constant 96 : index
        %swap3A_1640 = tpu.vector_load %arg7[%swap3A_1637, %swap3A_1638, %swap3A_1639] {strides = array<i32>} : memref<2x128x128xf32, #tpu.memory_space<vmem>>, vector<16xf32>,
        tpu.vector_store %arg7[%swap3A_1637, %swap3A_1638, %swap3A_1639], %get3A_1633 {strides = array<i32>} : memref<2x128x128xf32, #tpu.memory_space<vmem>>, vector<16xf32>,
        %mul3A_1641 = arith.constant 8 : i32
        %mul3A_1642 = arith.muli %scan3A_508, %mul3A_1641 : i32
        %add3A_1643 = arith.constant 7 : i32
        %add3A_1644 = arith.addi %mul3A_1642, %add3A_1643 : i32
        %get3A_1645 = arith.constant 0 : i32
        %get3A_1646 = arith.constant 7 : i32
        %get3A_1647 = arith.index_cast %get3A_1645 : i32 to index
        %get3A_1648 = arith.index_cast %get3A_1646 : i32 to index
        %get3A_1649 = arith.index_cast %add3A_1644 : i32 to index
        %get3A_1650 = arith.constant 0 : index
        %get3A_1651 = tpu.vector_load %arg6[%get3A_1647, %get3A_1648, %get3A_1649, %get3A_1650] {strides = array<i32>} : memref<2x8x128x16xf32, #tpu.memory_space<vmem>>, vector<16xf32>,
        %add3A_1652 = arith.constant 112 : i32
        %add3A_1653 = arith.addi %add3A_1652, %scan3A_508 : i32
        %swap3A_1654 = arith.constant 0 : i32
        %swap3A_1655 = arith.index_cast %swap3A_1654 : i32 to index
        %swap3A_1656 = arith.index_cast %add3A_1653 : i32 to index
        %swap3A_1657 = arith.constant 112 : index
        %swap3A_1658 = tpu.vector_load %arg7[%swap3A_1655, %swap3A_1656, %swap3A_1657] {strides = array<i32>} : memref<2x128x128xf32, #tpu.memory_space<vmem>>, vector<16xf32>,
        tpu.vector_store %arg7[%swap3A_1655, %swap3A_1656, %swap3A_1657], %get3A_1651 {strides = array<i32>} : memref<2x128x128xf32, #tpu.memory_space<vmem>>, vector<16xf32>,
      }
      %scan3A_333 = arith.constant 16 : i32
      %mul3A_334 = arith.constant 16 : i32
      %mul3A_335 = arith.muli %add3A_200, %mul3A_334 : i32
      %dma_start3A_336 = arith.constant 0 : i32
      %dma_start3A_337 = arith.constant 0 : i32
      %dma_start3A_338 = arith.constant 0 : i32
      %dma_start3A_339 = tpu.memref_slice %arg7[%dma_start3A_336, %dma_start3A_337, %dma_start3A_338] : memref<2x128x128xf32, #tpu.memory_space<vmem>> -> memref<1x128x128xf32, #tpu.memory_space<vmem>>
      %dma_start3A_340 = tpu.memref_squeeze %dma_start3A_339 : memref<1x128x128xf32, #tpu.memory_space<vmem>> -> memref<128x128xf32, #tpu.memory_space<vmem>>
      %dma_start3A_341 = arith.constant 0 : i32
      %dma_start3A_342 = tpu.memref_slice %arg4[%mul3A_335, %dma_start3A_341] : memref<409600x128xf32, #tpu.memory_space<hbm>> -> memref<128x128xf32, #tpu.memory_space<hbm>>
      %dma_start3A_343 = arith.constant 0 : i32
      %dma_start3A_344 = tpu.memref_slice %arg4[%mul3A_335, %dma_start3A_343] : memref<409600x128xf32, #tpu.memory_space<hbm>> -> memref<128x128xf32, #tpu.memory_space<hbm>>
      %dma_start3A_345 = arith.constant 0 : i32
      %dma_start3A_346 = arith.constant 0 : i32
      %dma_start3A_347 = tpu.memref_slice %arg7[%dma_start3A_336, %dma_start3A_345, %dma_start3A_346] : memref<2x128x128xf32, #tpu.memory_space<vmem>> -> memref<1x128x128xf32, #tpu.memory_space<vmem>>
      %dma_start3A_348 = tpu.memref_squeeze %dma_start3A_347 : memref<1x128x128xf32, #tpu.memory_space<vmem>> -> memref<128x128xf32, #tpu.memory_space<vmem>>
      tpu.enqueue_dma source(%dma_start3A_348 : memref<128x128xf32, #tpu.memory_space<vmem>>) target(%dma_start3A_344 : memref<128x128xf32, #tpu.memory_space<hbm>>) target_semaphore(%arg12 : memref<!tpu.dma_semaphore, #tpu.memory_space<semaphore_mem>>)
      %mul3A_349 = arith.constant 2 : i32
      %mul3A_350 = arith.muli %mul3A_349, %scan3A_193 : i32
      %add3A_351 = arith.constant 1 : i32
      %add3A_352 = arith.addi %mul3A_350, %add3A_351 : i32
      %mul3A_353 = arith.constant 8 : i32
      %mul3A_354 = arith.muli %add3A_352, %mul3A_353 : i32
      %add3A_355 = arith.addi %mul3A_2, %mul3A_354 : i32
      %dma_wait3A_356 = arith.constant 1 : i32
      %dma_wait3A_357 = arith.constant 0 : i32
      %dma_wait3A_358 = arith.constant 1 : i32
      %dma_wait3A_359 = arith.constant 0 : i32
      %dma_wait3A_360 = arith.constant 0 : i32
      %dma_wait3A_361 = arith.constant 0 : i32
      %dma_wait3A_362 = tpu.memref_slice %arg6[%dma_wait3A_358, %dma_wait3A_359, %dma_wait3A_360, %dma_wait3A_361] : memref<2x8x128x16xf32, #tpu.memory_space<vmem>> -> memref<1x1x128x16xf32, #tpu.memory_space<vmem>>
      %dma_wait3A_363 = tpu.memref_squeeze %dma_wait3A_362 : memref<1x1x128x16xf32, #tpu.memory_space<vmem>> -> memref<128x16xf32, #tpu.memory_space<vmem>>
      %dma_wait3A_364 = arith.constant 0 : i32
      %dma_wait3A_365 = tpu.memref_slice %arg5[%dma_wait3A_356, %dma_wait3A_357, %dma_wait3A_364] : memref<2x8x128xi32, #tpu.memory_space<vmem>> -> memref<1x1x128xi32, #tpu.memory_space<vmem>>
      %dma_wait3A_366 = tpu.memref_squeeze %dma_wait3A_365 : memref<1x1x128xi32, #tpu.memory_space<vmem>> -> memref<128xi32, #tpu.memory_space<vmem>>
      %dma_wait3A_367 = arith.constant 0 : i32
      %dma_wait3A_368 = arith.constant 0 : i32
      %dma_wait3A_369 = tpu.memref_slice %arg2[%dma_wait3A_367, %dma_wait3A_368] : memref<10000x16xf32, #tpu.memory_space<hbm>> -> memref<10000x16xf32, #tpu.memory_space<hbm>>
      tpu.wait_indirect_dma semaphore(%arg11 : memref<!tpu.dma_semaphore, #tpu.memory_space<semaphore_mem>>) src(%dma_wait3A_369 : memref<10000x16xf32, #tpu.memory_space<hbm>>) dst(%dma_wait3A_363 : memref<128x16xf32, #tpu.memory_space<vmem>>)
      %dma_wait3A_370 = arith.constant 1 : i32
      %dma_wait3A_371 = arith.constant 1 : i32
      %dma_wait3A_372 = arith.constant 1 : i32
      %dma_wait3A_373 = arith.constant 1 : i32
      %dma_wait3A_374 = arith.constant 0 : i32
      %dma_wait3A_375 = arith.constant 0 : i32
      %dma_wait3A_376 = tpu.memref_slice %arg6[%dma_wait3A_372, %dma_wait3A_373, %dma_wait3A_374, %dma_wait3A_375] : memref<2x8x128x16xf32, #tpu.memory_space<vmem>> -> memref<1x1x128x16xf32, #tpu.memory_space<vmem>>
      %dma_wait3A_377 = tpu.memref_squeeze %dma_wait3A_376 : memref<1x1x128x16xf32, #tpu.memory_space<vmem>> -> memref<128x16xf32, #tpu.memory_space<vmem>>
      %dma_wait3A_378 = arith.constant 0 : i32
      %dma_wait3A_379 = tpu.memref_slice %arg5[%dma_wait3A_370, %dma_wait3A_371, %dma_wait3A_378] : memref<2x8x128xi32, #tpu.memory_space<vmem>> -> memref<1x1x128xi32, #tpu.memory_space<vmem>>
      %dma_wait3A_380 = tpu.memref_squeeze %dma_wait3A_379 : memref<1x1x128xi32, #tpu.memory_space<vmem>> -> memref<128xi32, #tpu.memory_space<vmem>>
      %dma_wait3A_381 = arith.constant 0 : i32
      %dma_wait3A_382 = arith.constant 0 : i32
      %dma_wait3A_383 = tpu.memref_slice %arg2[%dma_wait3A_381, %dma_wait3A_382] : memref<10000x16xf32, #tpu.memory_space<hbm>> -> memref<10000x16xf32, #tpu.memory_space<hbm>>
      tpu.wait_indirect_dma semaphore(%arg11 : memref<!tpu.dma_semaphore, #tpu.memory_space<semaphore_mem>>) src(%dma_wait3A_383 : memref<10000x16xf32, #tpu.memory_space<hbm>>) dst(%dma_wait3A_377 : memref<128x16xf32, #tpu.memory_space<vmem>>)
      %dma_wait3A_384 = arith.constant 1 : i32
      %dma_wait3A_385 = arith.constant 2 : i32
      %dma_wait3A_386 = arith.constant 1 : i32
      %dma_wait3A_387 = arith.constant 2 : i32
      %dma_wait3A_388 = arith.constant 0 : i32
      %dma_wait3A_389 = arith.constant 0 : i32
      %dma_wait3A_390 = tpu.memref_slice %arg6[%dma_wait3A_386, %dma_wait3A_387, %dma_wait3A_388, %dma_wait3A_389] : memref<2x8x128x16xf32, #tpu.memory_space<vmem>> -> memref<1x1x128x16xf32, #tpu.memory_space<vmem>>
      %dma_wait3A_391 = tpu.memref_squeeze %dma_wait3A_390 : memref<1x1x128x16xf32, #tpu.memory_space<vmem>> -> memref<128x16xf32, #tpu.memory_space<vmem>>
      %dma_wait3A_392 = arith.constant 0 : i32
      %dma_wait3A_393 = tpu.memref_slice %arg5[%dma_wait3A_384, %dma_wait3A_385, %dma_wait3A_392] : memref<2x8x128xi32, #tpu.memory_space<vmem>> -> memref<1x1x128xi32, #tpu.memory_space<vmem>>
      %dma_wait3A_394 = tpu.memref_squeeze %dma_wait3A_393 : memref<1x1x128xi32, #tpu.memory_space<vmem>> -> memref<128xi32, #tpu.memory_space<vmem>>
      %dma_wait3A_395 = arith.constant 0 : i32
      %dma_wait3A_396 = arith.constant 0 : i32
      %dma_wait3A_397 = tpu.memref_slice %arg2[%dma_wait3A_395, %dma_wait3A_396] : memref<10000x16xf32, #tpu.memory_space<hbm>> -> memref<10000x16xf32, #tpu.memory_space<hbm>>
      tpu.wait_indirect_dma semaphore(%arg11 : memref<!tpu.dma_semaphore, #tpu.memory_space<semaphore_mem>>) src(%dma_wait3A_397 : memref<10000x16xf32, #tpu.memory_space<hbm>>) dst(%dma_wait3A_391 : memref<128x16xf32, #tpu.memory_space<vmem>>)
      %dma_wait3A_398 = arith.constant 1 : i32
      %dma_wait3A_399 = arith.constant 3 : i32
      %dma_wait3A_400 = arith.constant 1 : i32
      %dma_wait3A_401 = arith.constant 3 : i32
      %dma_wait3A_402 = arith.constant 0 : i32
      %dma_wait3A_403 = arith.constant 0 : i32
      %dma_wait3A_404 = tpu.memref_slice %arg6[%dma_wait3A_400, %dma_wait3A_401, %dma_wait3A_402, %dma_wait3A_403] : memref<2x8x128x16xf32, #tpu.memory_space<vmem>> -> memref<1x1x128x16xf32, #tpu.memory_space<vmem>>
      %dma_wait3A_405 = tpu.memref_squeeze %dma_wait3A_404 : memref<1x1x128x16xf32, #tpu.memory_space<vmem>> -> memref<128x16xf32, #tpu.memory_space<vmem>>
      %dma_wait3A_406 = arith.constant 0 : i32
      %dma_wait3A_407 = tpu.memref_slice %arg5[%dma_wait3A_398, %dma_wait3A_399, %dma_wait3A_406] : memref<2x8x128xi32, #tpu.memory_space<vmem>> -> memref<1x1x128xi32, #tpu.memory_space<vmem>>
      %dma_wait3A_408 = tpu.memref_squeeze %dma_wait3A_407 : memref<1x1x128xi32, #tpu.memory_space<vmem>> -> memref<128xi32, #tpu.memory_space<vmem>>
      %dma_wait3A_409 = arith.constant 0 : i32
      %dma_wait3A_410 = arith.constant 0 : i32
      %dma_wait3A_411 = tpu.memref_slice %arg2[%dma_wait3A_409, %dma_wait3A_410] : memref<10000x16xf32, #tpu.memory_space<hbm>> -> memref<10000x16xf32, #tpu.memory_space<hbm>>
      tpu.wait_indirect_dma semaphore(%arg11 : memref<!tpu.dma_semaphore, #tpu.memory_space<semaphore_mem>>) src(%dma_wait3A_411 : memref<10000x16xf32, #tpu.memory_space<hbm>>) dst(%dma_wait3A_405 : memref<128x16xf32, #tpu.memory_space<vmem>>)
      %dma_wait3A_412 = arith.constant 1 : i32
      %dma_wait3A_413 = arith.constant 4 : i32
      %dma_wait3A_414 = arith.constant 1 : i32
      %dma_wait3A_415 = arith.constant 4 : i32
      %dma_wait3A_416 = arith.constant 0 : i32
      %dma_wait3A_417 = arith.constant 0 : i32
      %dma_wait3A_418 = tpu.memref_slice %arg6[%dma_wait3A_414, %dma_wait3A_415, %dma_wait3A_416, %dma_wait3A_417] : memref<2x8x128x16xf32, #tpu.memory_space<vmem>> -> memref<1x1x128x16xf32, #tpu.memory_space<vmem>>
      %dma_wait3A_419 = tpu.memref_squeeze %dma_wait3A_418 : memref<1x1x128x16xf32, #tpu.memory_space<vmem>> -> memref<128x16xf32, #tpu.memory_space<vmem>>
      %dma_wait3A_420 = arith.constant 0 : i32
      %dma_wait3A_421 = tpu.memref_slice %arg5[%dma_wait3A_412, %dma_wait3A_413, %dma_wait3A_420] : memref<2x8x128xi32, #tpu.memory_space<vmem>> -> memref<1x1x128xi32, #tpu.memory_space<vmem>>
      %dma_wait3A_422 = tpu.memref_squeeze %dma_wait3A_421 : memref<1x1x128xi32, #tpu.memory_space<vmem>> -> memref<128xi32, #tpu.memory_space<vmem>>
      %dma_wait3A_423 = arith.constant 0 : i32
      %dma_wait3A_424 = arith.constant 0 : i32
      %dma_wait3A_425 = tpu.memref_slice %arg2[%dma_wait3A_423, %dma_wait3A_424] : memref<10000x16xf32, #tpu.memory_space<hbm>> -> memref<10000x16xf32, #tpu.memory_space<hbm>>
      tpu.wait_indirect_dma semaphore(%arg11 : memref<!tpu.dma_semaphore, #tpu.memory_space<semaphore_mem>>) src(%dma_wait3A_425 : memref<10000x16xf32, #tpu.memory_space<hbm>>) dst(%dma_wait3A_419 : memref<128x16xf32, #tpu.memory_space<vmem>>)
      %dma_wait3A_426 = arith.constant 1 : i32
      %dma_wait3A_427 = arith.constant 5 : i32
      %dma_wait3A_428 = arith.constant 1 : i32
      %dma_wait3A_429 = arith.constant 5 : i32
      %dma_wait3A_430 = arith.constant 0 : i32
      %dma_wait3A_431 = arith.constant 0 : i32
      %dma_wait3A_432 = tpu.memref_slice %arg6[%dma_wait3A_428, %dma_wait3A_429, %dma_wait3A_430, %dma_wait3A_431] : memref<2x8x128x16xf32, #tpu.memory_space<vmem>> -> memref<1x1x128x16xf32, #tpu.memory_space<vmem>>
      %dma_wait3A_433 = tpu.memref_squeeze %dma_wait3A_432 : memref<1x1x128x16xf32, #tpu.memory_space<vmem>> -> memref<128x16xf32, #tpu.memory_space<vmem>>
      %dma_wait3A_434 = arith.constant 0 : i32
      %dma_wait3A_435 = tpu.memref_slice %arg5[%dma_wait3A_426, %dma_wait3A_427, %dma_wait3A_434] : memref<2x8x128xi32, #tpu.memory_space<vmem>> -> memref<1x1x128xi32, #tpu.memory_space<vmem>>
      %dma_wait3A_436 = tpu.memref_squeeze %dma_wait3A_435 : memref<1x1x128xi32, #tpu.memory_space<vmem>> -> memref<128xi32, #tpu.memory_space<vmem>>
      %dma_wait3A_437 = arith.constant 0 : i32
      %dma_wait3A_438 = arith.constant 0 : i32
      %dma_wait3A_439 = tpu.memref_slice %arg2[%dma_wait3A_437, %dma_wait3A_438] : memref<10000x16xf32, #tpu.memory_space<hbm>> -> memref<10000x16xf32, #tpu.memory_space<hbm>>
      tpu.wait_indirect_dma semaphore(%arg11 : memref<!tpu.dma_semaphore, #tpu.memory_space<semaphore_mem>>) src(%dma_wait3A_439 : memref<10000x16xf32, #tpu.memory_space<hbm>>) dst(%dma_wait3A_433 : memref<128x16xf32, #tpu.memory_space<vmem>>)
      %dma_wait3A_440 = arith.constant 1 : i32
      %dma_wait3A_441 = arith.constant 6 : i32
      %dma_wait3A_442 = arith.constant 1 : i32
      %dma_wait3A_443 = arith.constant 6 : i32
      %dma_wait3A_444 = arith.constant 0 : i32
      %dma_wait3A_445 = arith.constant 0 : i32
      %dma_wait3A_446 = tpu.memref_slice %arg6[%dma_wait3A_442, %dma_wait3A_443, %dma_wait3A_444, %dma_wait3A_445] : memref<2x8x128x16xf32, #tpu.memory_space<vmem>> -> memref<1x1x128x16xf32, #tpu.memory_space<vmem>>
      %dma_wait3A_447 = tpu.memref_squeeze %dma_wait3A_446 : memref<1x1x128x16xf32, #tpu.memory_space<vmem>> -> memref<128x16xf32, #tpu.memory_space<vmem>>
      %dma_wait3A_448 = arith.constant 0 : i32
      %dma_wait3A_449 = tpu.memref_slice %arg5[%dma_wait3A_440, %dma_wait3A_441, %dma_wait3A_448] : memref<2x8x128xi32, #tpu.memory_space<vmem>> -> memref<1x1x128xi32, #tpu.memory_space<vmem>>
      %dma_wait3A_450 = tpu.memref_squeeze %dma_wait3A_449 : memref<1x1x128xi32, #tpu.memory_space<vmem>> -> memref<128xi32, #tpu.memory_space<vmem>>
      %dma_wait3A_451 = arith.constant 0 : i32
      %dma_wait3A_452 = arith.constant 0 : i32
      %dma_wait3A_453 = tpu.memref_slice %arg2[%dma_wait3A_451, %dma_wait3A_452] : memref<10000x16xf32, #tpu.memory_space<hbm>> -> memref<10000x16xf32, #tpu.memory_space<hbm>>
      tpu.wait_indirect_dma semaphore(%arg11 : memref<!tpu.dma_semaphore, #tpu.memory_space<semaphore_mem>>) src(%dma_wait3A_453 : memref<10000x16xf32, #tpu.memory_space<hbm>>) dst(%dma_wait3A_447 : memref<128x16xf32, #tpu.memory_space<vmem>>)
      %dma_wait3A_454 = arith.constant 1 : i32
      %dma_wait3A_455 = arith.constant 7 : i32
      %dma_wait3A_456 = arith.constant 1 : i32
      %dma_wait3A_457 = arith.constant 7 : i32
      %dma_wait3A_458 = arith.constant 0 : i32
      %dma_wait3A_459 = arith.constant 0 : i32
      %dma_wait3A_460 = tpu.memref_slice %arg6[%dma_wait3A_456, %dma_wait3A_457, %dma_wait3A_458, %dma_wait3A_459] : memref<2x8x128x16xf32, #tpu.memory_space<vmem>> -> memref<1x1x128x16xf32, #tpu.memory_space<vmem>>
      %dma_wait3A_461 = tpu.memref_squeeze %dma_wait3A_460 : memref<1x1x128x16xf32, #tpu.memory_space<vmem>> -> memref<128x16xf32, #tpu.memory_space<vmem>>
      %dma_wait3A_462 = arith.constant 0 : i32
      %dma_wait3A_463 = tpu.memref_slice %arg5[%dma_wait3A_454, %dma_wait3A_455, %dma_wait3A_462] : memref<2x8x128xi32, #tpu.memory_space<vmem>> -> memref<1x1x128xi32, #tpu.memory_space<vmem>>
      %dma_wait3A_464 = tpu.memref_squeeze %dma_wait3A_463 : memref<1x1x128xi32, #tpu.memory_space<vmem>> -> memref<128xi32, #tpu.memory_space<vmem>>
      %dma_wait3A_465 = arith.constant 0 : i32
      %dma_wait3A_466 = arith.constant 0 : i32
      %dma_wait3A_467 = tpu.memref_slice %arg2[%dma_wait3A_465, %dma_wait3A_466] : memref<10000x16xf32, #tpu.memory_space<hbm>> -> memref<10000x16xf32, #tpu.memory_space<hbm>>
      tpu.wait_indirect_dma semaphore(%arg11 : memref<!tpu.dma_semaphore, #tpu.memory_space<semaphore_mem>>) src(%dma_wait3A_467 : memref<10000x16xf32, #tpu.memory_space<hbm>>) dst(%dma_wait3A_461 : memref<128x16xf32, #tpu.memory_space<vmem>>)
      %add3A_468 = arith.constant 1 : i32
      %add3A_469 = arith.addi %add3A_352, %add3A_468 : i32
      %lt3A_470 = arith.constant 100 : i32
      %lt3A_471 = arith.cmpi slt, %add3A_469, %lt3A_470 : i32
      %convert_element_type3A_472 = arith.extui %lt3A_471 : i1 to i32
      %cond3A_473 = arith.constant 0 : i32
      %cond3A_474 = arith.cmpi ne, %convert_element_type3A_472, %cond3A_473 : i32
      scf.if %cond3A_474 {
        %add3A_508 = arith.constant 1 : i32
        %add3A_509 = arith.addi %add3A_352, %add3A_508 : i32
        %mul3A_510 = arith.constant 8 : i32
        %mul3A_511 = arith.muli %add3A_509, %mul3A_510 : i32
        %add3A_512 = arith.addi %mul3A_2, %mul3A_511 : i32
        %dma_wait3A_513 = arith.constant 0 : i32
        %dma_wait3A_514 = arith.constant 0 : i32
        %dma_wait3A_515 = arith.constant 0 : i32
        %dma_wait3A_516 = tpu.memref_slice %arg5[%dma_wait3A_513, %dma_wait3A_514, %dma_wait3A_515] : memref<2x8x128xi32, #tpu.memory_space<vmem>> -> memref<1x8x128xi32, #tpu.memory_space<vmem>>
        %dma_wait3A_517 = tpu.memref_squeeze %dma_wait3A_516 : memref<1x8x128xi32, #tpu.memory_space<vmem>> -> memref<8x128xi32, #tpu.memory_space<vmem>>
        %dma_wait3A_518 = arith.constant 0 : i32
        %dma_wait3A_519 = tpu.memref_slice %arg3[%add3A_512, %dma_wait3A_518] : memref<25600x128xi32, #tpu.memory_space<hbm>> -> memref<8x128xi32, #tpu.memory_space<hbm>>
        %dma_wait3A_520 = arith.constant 0 : i32
        %dma_wait3A_521 = arith.constant 0 : i32
        %dma_wait3A_522 = tpu.memref_slice %arg5[%dma_wait3A_513, %dma_wait3A_520, %dma_wait3A_521] : memref<2x8x128xi32, #tpu.memory_space<vmem>> -> memref<1x8x128xi32, #tpu.memory_space<vmem>>
        %dma_wait3A_523 = tpu.memref_squeeze %dma_wait3A_522 : memref<1x8x128xi32, #tpu.memory_space<vmem>> -> memref<8x128xi32, #tpu.memory_space<vmem>>
        %dma_wait3A_524 = arith.constant 0 : i32
        %dma_wait3A_525 = tpu.memref_slice %arg3[%add3A_512, %dma_wait3A_524] : memref<25600x128xi32, #tpu.memory_space<hbm>> -> memref<8x128xi32, #tpu.memory_space<hbm>>
        tpu.wait_dma2 semaphore(%arg8 : memref<!tpu.dma_semaphore, #tpu.memory_space<semaphore_mem>>) src(%dma_wait3A_525 : memref<8x128xi32, #tpu.memory_space<hbm>>) dst(%dma_wait3A_523 : memref<8x128xi32, #tpu.memory_space<vmem>>)
        %dma_start3A_526 = arith.constant 0 : i32
        %dma_start3A_527 = arith.constant 0 : i32
        %dma_start3A_528 = arith.constant 0 : i32
        %dma_start3A_529 = arith.constant 0 : i32
        %dma_start3A_530 = arith.constant 0 : i32
        %dma_start3A_531 = arith.constant 0 : i32
        %dma_start3A_532 = tpu.memref_slice %arg6[%dma_start3A_528, %dma_start3A_529, %dma_start3A_530, %dma_start3A_531] : memref<2x8x128x16xf32, #tpu.memory_space<vmem>> -> memref<1x1x128x16xf32, #tpu.memory_space<vmem>>
        %dma_start3A_533 = tpu.memref_squeeze %dma_start3A_532 : memref<1x1x128x16xf32, #tpu.memory_space<vmem>> -> memref<128x16xf32, #tpu.memory_space<vmem>>
        %dma_start3A_534 = arith.constant 0 : i32
        %dma_start3A_535 = tpu.memref_slice %arg5[%dma_start3A_526, %dma_start3A_527, %dma_start3A_534] : memref<2x8x128xi32, #tpu.memory_space<vmem>> -> memref<1x1x128xi32, #tpu.memory_space<vmem>>
        %dma_start3A_536 = tpu.memref_squeeze %dma_start3A_535 : memref<1x1x128xi32, #tpu.memory_space<vmem>> -> memref<128xi32, #tpu.memory_space<vmem>>
        %dma_start3A_537 = arith.constant 0 : i32
        %dma_start3A_538 = arith.constant 0 : i32
        %dma_start3A_539 = tpu.memref_slice %arg2[%dma_start3A_537, %dma_start3A_538] : memref<10000x16xf32, #tpu.memory_space<hbm>> -> memref<10000x16xf32, #tpu.memory_space<hbm>>
        tpu.enqueue_indirect_dma source(%dma_start3A_539 : memref<10000x16xf32, #tpu.memory_space<hbm>>) target(%dma_start3A_533 : memref<128x16xf32, #tpu.memory_space<vmem>>) offsets(%dma_start3A_536 : memref<128xi32, #tpu.memory_space<vmem>>) semaphore(%arg10 : memref<!tpu.dma_semaphore, #tpu.memory_space<semaphore_mem>>)
        %dma_start3A_540 = arith.constant 0 : i32
        %dma_start3A_541 = arith.constant 1 : i32
        %dma_start3A_542 = arith.constant 0 : i32
        %dma_start3A_543 = arith.constant 1 : i32
        %dma_start3A_544 = arith.constant 0 : i32
        %dma_start3A_545 = arith.constant 0 : i32
        %dma_start3A_546 = tpu.memref_slice %arg6[%dma_start3A_542, %dma_start3A_543, %dma_start3A_544, %dma_start3A_545] : memref<2x8x128x16xf32, #tpu.memory_space<vmem>> -> memref<1x1x128x16xf32, #tpu.memory_space<vmem>>
        %dma_start3A_547 = tpu.memref_squeeze %dma_start3A_546 : memref<1x1x128x16xf32, #tpu.memory_space<vmem>> -> memref<128x16xf32, #tpu.memory_space<vmem>>
        %dma_start3A_548 = arith.constant 0 : i32
        %dma_start3A_549 = tpu.memref_slice %arg5[%dma_start3A_540, %dma_start3A_541, %dma_start3A_548] : memref<2x8x128xi32, #tpu.memory_space<vmem>> -> memref<1x1x128xi32, #tpu.memory_space<vmem>>
        %dma_start3A_550 = tpu.memref_squeeze %dma_start3A_549 : memref<1x1x128xi32, #tpu.memory_space<vmem>> -> memref<128xi32, #tpu.memory_space<vmem>>
        %dma_start3A_551 = arith.constant 0 : i32
        %dma_start3A_552 = arith.constant 0 : i32
        %dma_start3A_553 = tpu.memref_slice %arg2[%dma_start3A_551, %dma_start3A_552] : memref<10000x16xf32, #tpu.memory_space<hbm>> -> memref<10000x16xf32, #tpu.memory_space<hbm>>
        tpu.enqueue_indirect_dma source(%dma_start3A_553 : memref<10000x16xf32, #tpu.memory_space<hbm>>) target(%dma_start3A_547 : memref<128x16xf32, #tpu.memory_space<vmem>>) offsets(%dma_start3A_550 : memref<128xi32, #tpu.memory_space<vmem>>) semaphore(%arg10 : memref<!tpu.dma_semaphore, #tpu.memory_space<semaphore_mem>>)
        %dma_start3A_554 = arith.constant 0 : i32
        %dma_start3A_555 = arith.constant 2 : i32
        %dma_start3A_556 = arith.constant 0 : i32
        %dma_start3A_557 = arith.constant 2 : i32
        %dma_start3A_558 = arith.constant 0 : i32
        %dma_start3A_559 = arith.constant 0 : i32
        %dma_start3A_560 = tpu.memref_slice %arg6[%dma_start3A_556, %dma_start3A_557, %dma_start3A_558, %dma_start3A_559] : memref<2x8x128x16xf32, #tpu.memory_space<vmem>> -> memref<1x1x128x16xf32, #tpu.memory_space<vmem>>
        %dma_start3A_561 = tpu.memref_squeeze %dma_start3A_560 : memref<1x1x128x16xf32, #tpu.memory_space<vmem>> -> memref<128x16xf32, #tpu.memory_space<vmem>>
        %dma_start3A_562 = arith.constant 0 : i32
        %dma_start3A_563 = tpu.memref_slice %arg5[%dma_start3A_554, %dma_start3A_555, %dma_start3A_562] : memref<2x8x128xi32, #tpu.memory_space<vmem>> -> memref<1x1x128xi32, #tpu.memory_space<vmem>>
        %dma_start3A_564 = tpu.memref_squeeze %dma_start3A_563 : memref<1x1x128xi32, #tpu.memory_space<vmem>> -> memref<128xi32, #tpu.memory_space<vmem>>
        %dma_start3A_565 = arith.constant 0 : i32
        %dma_start3A_566 = arith.constant 0 : i32
        %dma_start3A_567 = tpu.memref_slice %arg2[%dma_start3A_565, %dma_start3A_566] : memref<10000x16xf32, #tpu.memory_space<hbm>> -> memref<10000x16xf32, #tpu.memory_space<hbm>>
        tpu.enqueue_indirect_dma source(%dma_start3A_567 : memref<10000x16xf32, #tpu.memory_space<hbm>>) target(%dma_start3A_561 : memref<128x16xf32, #tpu.memory_space<vmem>>) offsets(%dma_start3A_564 : memref<128xi32, #tpu.memory_space<vmem>>) semaphore(%arg10 : memref<!tpu.dma_semaphore, #tpu.memory_space<semaphore_mem>>)
        %dma_start3A_568 = arith.constant 0 : i32
        %dma_start3A_569 = arith.constant 3 : i32
        %dma_start3A_570 = arith.constant 0 : i32
        %dma_start3A_571 = arith.constant 3 : i32
        %dma_start3A_572 = arith.constant 0 : i32
        %dma_start3A_573 = arith.constant 0 : i32
        %dma_start3A_574 = tpu.memref_slice %arg6[%dma_start3A_570, %dma_start3A_571, %dma_start3A_572, %dma_start3A_573] : memref<2x8x128x16xf32, #tpu.memory_space<vmem>> -> memref<1x1x128x16xf32, #tpu.memory_space<vmem>>
        %dma_start3A_575 = tpu.memref_squeeze %dma_start3A_574 : memref<1x1x128x16xf32, #tpu.memory_space<vmem>> -> memref<128x16xf32, #tpu.memory_space<vmem>>
        %dma_start3A_576 = arith.constant 0 : i32
        %dma_start3A_577 = tpu.memref_slice %arg5[%dma_start3A_568, %dma_start3A_569, %dma_start3A_576] : memref<2x8x128xi32, #tpu.memory_space<vmem>> -> memref<1x1x128xi32, #tpu.memory_space<vmem>>
        %dma_start3A_578 = tpu.memref_squeeze %dma_start3A_577 : memref<1x1x128xi32, #tpu.memory_space<vmem>> -> memref<128xi32, #tpu.memory_space<vmem>>
        %dma_start3A_579 = arith.constant 0 : i32
        %dma_start3A_580 = arith.constant 0 : i32
        %dma_start3A_581 = tpu.memref_slice %arg2[%dma_start3A_579, %dma_start3A_580] : memref<10000x16xf32, #tpu.memory_space<hbm>> -> memref<10000x16xf32, #tpu.memory_space<hbm>>
        tpu.enqueue_indirect_dma source(%dma_start3A_581 : memref<10000x16xf32, #tpu.memory_space<hbm>>) target(%dma_start3A_575 : memref<128x16xf32, #tpu.memory_space<vmem>>) offsets(%dma_start3A_578 : memref<128xi32, #tpu.memory_space<vmem>>) semaphore(%arg10 : memref<!tpu.dma_semaphore, #tpu.memory_space<semaphore_mem>>)
        %dma_start3A_582 = arith.constant 0 : i32
        %dma_start3A_583 = arith.constant 4 : i32
        %dma_start3A_584 = arith.constant 0 : i32
        %dma_start3A_585 = arith.constant 4 : i32
        %dma_start3A_586 = arith.constant 0 : i32
        %dma_start3A_587 = arith.constant 0 : i32
        %dma_start3A_588 = tpu.memref_slice %arg6[%dma_start3A_584, %dma_start3A_585, %dma_start3A_586, %dma_start3A_587] : memref<2x8x128x16xf32, #tpu.memory_space<vmem>> -> memref<1x1x128x16xf32, #tpu.memory_space<vmem>>
        %dma_start3A_589 = tpu.memref_squeeze %dma_start3A_588 : memref<1x1x128x16xf32, #tpu.memory_space<vmem>> -> memref<128x16xf32, #tpu.memory_space<vmem>>
        %dma_start3A_590 = arith.constant 0 : i32
        %dma_start3A_591 = tpu.memref_slice %arg5[%dma_start3A_582, %dma_start3A_583, %dma_start3A_590] : memref<2x8x128xi32, #tpu.memory_space<vmem>> -> memref<1x1x128xi32, #tpu.memory_space<vmem>>
        %dma_start3A_592 = tpu.memref_squeeze %dma_start3A_591 : memref<1x1x128xi32, #tpu.memory_space<vmem>> -> memref<128xi32, #tpu.memory_space<vmem>>
        %dma_start3A_593 = arith.constant 0 : i32
        %dma_start3A_594 = arith.constant 0 : i32
        %dma_start3A_595 = tpu.memref_slice %arg2[%dma_start3A_593, %dma_start3A_594] : memref<10000x16xf32, #tpu.memory_space<hbm>> -> memref<10000x16xf32, #tpu.memory_space<hbm>>
        tpu.enqueue_indirect_dma source(%dma_start3A_595 : memref<10000x16xf32, #tpu.memory_space<hbm>>) target(%dma_start3A_589 : memref<128x16xf32, #tpu.memory_space<vmem>>) offsets(%dma_start3A_592 : memref<128xi32, #tpu.memory_space<vmem>>) semaphore(%arg10 : memref<!tpu.dma_semaphore, #tpu.memory_space<semaphore_mem>>)
        %dma_start3A_596 = arith.constant 0 : i32
        %dma_start3A_597 = arith.constant 5 : i32
        %dma_start3A_598 = arith.constant 0 : i32
        %dma_start3A_599 = arith.constant 5 : i32
        %dma_start3A_600 = arith.constant 0 : i32
        %dma_start3A_601 = arith.constant 0 : i32
        %dma_start3A_602 = tpu.memref_slice %arg6[%dma_start3A_598, %dma_start3A_599, %dma_start3A_600, %dma_start3A_601] : memref<2x8x128x16xf32, #tpu.memory_space<vmem>> -> memref<1x1x128x16xf32, #tpu.memory_space<vmem>>
        %dma_start3A_603 = tpu.memref_squeeze %dma_start3A_602 : memref<1x1x128x16xf32, #tpu.memory_space<vmem>> -> memref<128x16xf32, #tpu.memory_space<vmem>>
        %dma_start3A_604 = arith.constant 0 : i32
        %dma_start3A_605 = tpu.memref_slice %arg5[%dma_start3A_596, %dma_start3A_597, %dma_start3A_604] : memref<2x8x128xi32, #tpu.memory_space<vmem>> -> memref<1x1x128xi32, #tpu.memory_space<vmem>>
        %dma_start3A_606 = tpu.memref_squeeze %dma_start3A_605 : memref<1x1x128xi32, #tpu.memory_space<vmem>> -> memref<128xi32, #tpu.memory_space<vmem>>
        %dma_start3A_607 = arith.constant 0 : i32
        %dma_start3A_608 = arith.constant 0 : i32
        %dma_start3A_609 = tpu.memref_slice %arg2[%dma_start3A_607, %dma_start3A_608] : memref<10000x16xf32, #tpu.memory_space<hbm>> -> memref<10000x16xf32, #tpu.memory_space<hbm>>
        tpu.enqueue_indirect_dma source(%dma_start3A_609 : memref<10000x16xf32, #tpu.memory_space<hbm>>) target(%dma_start3A_603 : memref<128x16xf32, #tpu.memory_space<vmem>>) offsets(%dma_start3A_606 : memref<128xi32, #tpu.memory_space<vmem>>) semaphore(%arg10 : memref<!tpu.dma_semaphore, #tpu.memory_space<semaphore_mem>>)
        %dma_start3A_610 = arith.constant 0 : i32
        %dma_start3A_611 = arith.constant 6 : i32
        %dma_start3A_612 = arith.constant 0 : i32
        %dma_start3A_613 = arith.constant 6 : i32
        %dma_start3A_614 = arith.constant 0 : i32
        %dma_start3A_615 = arith.constant 0 : i32
        %dma_start3A_616 = tpu.memref_slice %arg6[%dma_start3A_612, %dma_start3A_613, %dma_start3A_614, %dma_start3A_615] : memref<2x8x128x16xf32, #tpu.memory_space<vmem>> -> memref<1x1x128x16xf32, #tpu.memory_space<vmem>>
        %dma_start3A_617 = tpu.memref_squeeze %dma_start3A_616 : memref<1x1x128x16xf32, #tpu.memory_space<vmem>> -> memref<128x16xf32, #tpu.memory_space<vmem>>
        %dma_start3A_618 = arith.constant 0 : i32
        %dma_start3A_619 = tpu.memref_slice %arg5[%dma_start3A_610, %dma_start3A_611, %dma_start3A_618] : memref<2x8x128xi32, #tpu.memory_space<vmem>> -> memref<1x1x128xi32, #tpu.memory_space<vmem>>
        %dma_start3A_620 = tpu.memref_squeeze %dma_start3A_619 : memref<1x1x128xi32, #tpu.memory_space<vmem>> -> memref<128xi32, #tpu.memory_space<vmem>>
        %dma_start3A_621 = arith.constant 0 : i32
        %dma_start3A_622 = arith.constant 0 : i32
        %dma_start3A_623 = tpu.memref_slice %arg2[%dma_start3A_621, %dma_start3A_622] : memref<10000x16xf32, #tpu.memory_space<hbm>> -> memref<10000x16xf32, #tpu.memory_space<hbm>>
        tpu.enqueue_indirect_dma source(%dma_start3A_623 : memref<10000x16xf32, #tpu.memory_space<hbm>>) target(%dma_start3A_617 : memref<128x16xf32, #tpu.memory_space<vmem>>) offsets(%dma_start3A_620 : memref<128xi32, #tpu.memory_space<vmem>>) semaphore(%arg10 : memref<!tpu.dma_semaphore, #tpu.memory_space<semaphore_mem>>)
        %dma_start3A_624 = arith.constant 0 : i32
        %dma_start3A_625 = arith.constant 7 : i32
        %dma_start3A_626 = arith.constant 0 : i32
        %dma_start3A_627 = arith.constant 7 : i32
        %dma_start3A_628 = arith.constant 0 : i32
        %dma_start3A_629 = arith.constant 0 : i32
        %dma_start3A_630 = tpu.memref_slice %arg6[%dma_start3A_626, %dma_start3A_627, %dma_start3A_628, %dma_start3A_629] : memref<2x8x128x16xf32, #tpu.memory_space<vmem>> -> memref<1x1x128x16xf32, #tpu.memory_space<vmem>>
        %dma_start3A_631 = tpu.memref_squeeze %dma_start3A_630 : memref<1x1x128x16xf32, #tpu.memory_space<vmem>> -> memref<128x16xf32, #tpu.memory_space<vmem>>
        %dma_start3A_632 = arith.constant 0 : i32
        %dma_start3A_633 = tpu.memref_slice %arg5[%dma_start3A_624, %dma_start3A_625, %dma_start3A_632] : memref<2x8x128xi32, #tpu.memory_space<vmem>> -> memref<1x1x128xi32, #tpu.memory_space<vmem>>
        %dma_start3A_634 = tpu.memref_squeeze %dma_start3A_633 : memref<1x1x128xi32, #tpu.memory_space<vmem>> -> memref<128xi32, #tpu.memory_space<vmem>>
        %dma_start3A_635 = arith.constant 0 : i32
        %dma_start3A_636 = arith.constant 0 : i32
        %dma_start3A_637 = tpu.memref_slice %arg2[%dma_start3A_635, %dma_start3A_636] : memref<10000x16xf32, #tpu.memory_space<hbm>> -> memref<10000x16xf32, #tpu.memory_space<hbm>>
        tpu.enqueue_indirect_dma source(%dma_start3A_637 : memref<10000x16xf32, #tpu.memory_space<hbm>>) target(%dma_start3A_631 : memref<128x16xf32, #tpu.memory_space<vmem>>) offsets(%dma_start3A_634 : memref<128xi32, #tpu.memory_space<vmem>>) semaphore(%arg10 : memref<!tpu.dma_semaphore, #tpu.memory_space<semaphore_mem>>)
      } else {
      }
      %add3A_475 = arith.constant 2 : i32
      %add3A_476 = arith.addi %add3A_352, %add3A_475 : i32
      %lt3A_477 = arith.constant 100 : i32
      %lt3A_478 = arith.cmpi slt, %add3A_476, %lt3A_477 : i32
      %convert_element_type3A_479 = arith.extui %lt3A_478 : i1 to i32
      %cond3A_480 = arith.constant 0 : i32
      %cond3A_481 = arith.cmpi ne, %convert_element_type3A_479, %cond3A_480 : i32
      scf.if %cond3A_481 {
        %add3A_508 = arith.constant 2 : i32
        %add3A_509 = arith.addi %add3A_352, %add3A_508 : i32
        %mul3A_510 = arith.constant 8 : i32
        %mul3A_511 = arith.muli %add3A_509, %mul3A_510 : i32
        %add3A_512 = arith.addi %mul3A_2, %mul3A_511 : i32
        %dma_start3A_513 = arith.constant 1 : i32
        %dma_start3A_514 = arith.constant 0 : i32
        %dma_start3A_515 = arith.constant 0 : i32
        %dma_start3A_516 = tpu.memref_slice %arg5[%dma_start3A_513, %dma_start3A_514, %dma_start3A_515] : memref<2x8x128xi32, #tpu.memory_space<vmem>> -> memref<1x8x128xi32, #tpu.memory_space<vmem>>
        %dma_start3A_517 = tpu.memref_squeeze %dma_start3A_516 : memref<1x8x128xi32, #tpu.memory_space<vmem>> -> memref<8x128xi32, #tpu.memory_space<vmem>>
        %dma_start3A_518 = arith.constant 0 : i32
        %dma_start3A_519 = tpu.memref_slice %arg3[%add3A_512, %dma_start3A_518] : memref<25600x128xi32, #tpu.memory_space<hbm>> -> memref<8x128xi32, #tpu.memory_space<hbm>>
        %dma_start3A_520 = arith.constant 0 : i32
        %dma_start3A_521 = arith.constant 0 : i32
        %dma_start3A_522 = tpu.memref_slice %arg5[%dma_start3A_513, %dma_start3A_520, %dma_start3A_521] : memref<2x8x128xi32, #tpu.memory_space<vmem>> -> memref<1x8x128xi32, #tpu.memory_space<vmem>>
        %dma_start3A_523 = tpu.memref_squeeze %dma_start3A_522 : memref<1x8x128xi32, #tpu.memory_space<vmem>> -> memref<8x128xi32, #tpu.memory_space<vmem>>
        %dma_start3A_524 = arith.constant 0 : i32
        %dma_start3A_525 = tpu.memref_slice %arg3[%add3A_512, %dma_start3A_524] : memref<25600x128xi32, #tpu.memory_space<hbm>> -> memref<8x128xi32, #tpu.memory_space<hbm>>
        tpu.enqueue_dma source(%dma_start3A_525 : memref<8x128xi32, #tpu.memory_space<hbm>>) target(%dma_start3A_523 : memref<8x128xi32, #tpu.memory_space<vmem>>) target_semaphore(%arg9 : memref<!tpu.dma_semaphore, #tpu.memory_space<semaphore_mem>>)
      } else {
      }
      %ge3A_482 = arith.constant 2 : i32
      %ge3A_483 = arith.cmpi sge, %add3A_352, %ge3A_482 : i32
      %convert_element_type3A_484 = arith.extui %ge3A_483 : i1 to i32
      %cond3A_485 = arith.constant 0 : i32
      %cond3A_486 = arith.cmpi ne, %convert_element_type3A_484, %cond3A_485 : i32
      scf.if %cond3A_486 {
        %sub3A = arith.constant 2 : i32
        %sub3A_508 = arith.subi %add3A_352, %sub3A : i32
        %mul3A_509 = arith.constant 8 : i32
        %mul3A_510 = arith.muli %sub3A_508, %mul3A_509 : i32
        %add3A_511 = arith.addi %mul3A_2, %mul3A_510 : i32
        %mul3A_512 = arith.constant 16 : i32
        %mul3A_513 = arith.muli %add3A_511, %mul3A_512 : i32
        %dma_wait3A_514 = arith.constant 1 : i32
        %dma_wait3A_515 = arith.constant 0 : i32
        %dma_wait3A_516 = arith.constant 0 : i32
        %dma_wait3A_517 = tpu.memref_slice %arg7[%dma_wait3A_514, %dma_wait3A_515, %dma_wait3A_516] : memref<2x128x128xf32, #tpu.memory_space<vmem>> -> memref<1x128x128xf32, #tpu.memory_space<vmem>>
        %dma_wait3A_518 = tpu.memref_squeeze %dma_wait3A_517 : memref<1x128x128xf32, #tpu.memory_space<vmem>> -> memref<128x128xf32, #tpu.memory_space<vmem>>
        %dma_wait3A_519 = arith.constant 0 : i32
        %dma_wait3A_520 = tpu.memref_slice %arg4[%mul3A_513, %dma_wait3A_519] : memref<409600x128xf32, #tpu.memory_space<hbm>> -> memref<128x128xf32, #tpu.memory_space<hbm>>
        %dma_wait3A_521 = arith.constant 0 : i32
        %dma_wait3A_522 = tpu.memref_slice %arg4[%mul3A_513, %dma_wait3A_521] : memref<409600x128xf32, #tpu.memory_space<hbm>> -> memref<128x128xf32, #tpu.memory_space<hbm>>
        %dma_wait3A_523 = arith.constant 0 : i32
        %dma_wait3A_524 = arith.constant 0 : i32
        %dma_wait3A_525 = tpu.memref_slice %arg7[%dma_wait3A_514, %dma_wait3A_523, %dma_wait3A_524] : memref<2x128x128xf32, #tpu.memory_space<vmem>> -> memref<1x128x128xf32, #tpu.memory_space<vmem>>
        %dma_wait3A_526 = tpu.memref_squeeze %dma_wait3A_525 : memref<1x128x128xf32, #tpu.memory_space<vmem>> -> memref<128x128xf32, #tpu.memory_space<vmem>>
        tpu.wait_dma2 semaphore(%arg13 : memref<!tpu.dma_semaphore, #tpu.memory_space<semaphore_mem>>) src(%dma_wait3A_526 : memref<128x128xf32, #tpu.memory_space<vmem>>) dst(%dma_wait3A_522 : memref<128x128xf32, #tpu.memory_space<hbm>>)
      } else {
      }
      %scan3A_487 = arith.constant 0 : i32
      %scan3A_488 = arith.constant 0 : i32
      %scan3A_489 = arith.constant 16 : i32
      %scan3A_490 = arith.addi %scan3A_488, %scan3A_489 : i32
      %scan3A_491 = arith.constant 1 : i32
      scf.for %scan3A_508 = %scan3A_488 to %scan3A_490 step %scan3A_491  : i32 {
        %mul3A_509 = arith.constant 8 : i32
        %mul3A_510 = arith.muli %scan3A_508, %mul3A_509 : i32
        %add3A_511 = arith.constant 0 : i32
        %add3A_512 = arith.addi %mul3A_510, %add3A_511 : i32
        %get3A = arith.constant 1 : i32
        %get3A_513 = arith.constant 0 : i32
        %get3A_514 = arith.index_cast %get3A : i32 to index
        %get3A_515 = arith.index_cast %get3A_513 : i32 to index
        %get3A_516 = arith.index_cast %add3A_512 : i32 to index
        %get3A_517 = arith.constant 0 : index
        %get3A_518 = tpu.vector_load %arg6[%get3A_514, %get3A_515, %get3A_516, %get3A_517] {strides = array<i32>} : memref<2x8x128x16xf32, #tpu.memory_space<vmem>>, vector<16xf32>,
        %add3A_519 = arith.constant 0 : i32
        %add3A_520 = arith.addi %add3A_519, %scan3A_508 : i32
        %swap3A = arith.constant 1 : i32
        %swap3A_521 = arith.index_cast %swap3A : i32 to index
        %swap3A_522 = arith.index_cast %add3A_520 : i32 to index
        %swap3A_523 = arith.constant 0 : index
        %swap3A_524 = tpu.vector_load %arg7[%swap3A_521, %swap3A_522, %swap3A_523] {strides = array<i32>} : memref<2x128x128xf32, #tpu.memory_space<vmem>>, vector<16xf32>,
        tpu.vector_store %arg7[%swap3A_521, %swap3A_522, %swap3A_523], %get3A_518 {strides = array<i32>} : memref<2x128x128xf32, #tpu.memory_space<vmem>>, vector<16xf32>,
        %mul3A_525 = arith.constant 8 : i32
        %mul3A_526 = arith.muli %scan3A_508, %mul3A_525 : i32
        %add3A_527 = arith.constant 1 : i32
        %add3A_528 = arith.addi %mul3A_526, %add3A_527 : i32
        %get3A_529 = arith.constant 1 : i32
        %get3A_530 = arith.constant 0 : i32
        %get3A_531 = arith.index_cast %get3A_529 : i32 to index
        %get3A_532 = arith.index_cast %get3A_530 : i32 to index
        %get3A_533 = arith.index_cast %add3A_528 : i32 to index
        %get3A_534 = arith.constant 0 : index
        %get3A_535 = tpu.vector_load %arg6[%get3A_531, %get3A_532, %get3A_533, %get3A_534] {strides = array<i32>} : memref<2x8x128x16xf32, #tpu.memory_space<vmem>>, vector<16xf32>,
        %add3A_536 = arith.constant 0 : i32
        %add3A_537 = arith.addi %add3A_536, %scan3A_508 : i32
        %swap3A_538 = arith.constant 1 : i32
        %swap3A_539 = arith.index_cast %swap3A_538 : i32 to index
        %swap3A_540 = arith.index_cast %add3A_537 : i32 to index
        %swap3A_541 = arith.constant 16 : index
        %swap3A_542 = tpu.vector_load %arg7[%swap3A_539, %swap3A_540, %swap3A_541] {strides = array<i32>} : memref<2x128x128xf32, #tpu.memory_space<vmem>>, vector<16xf32>,
        tpu.vector_store %arg7[%swap3A_539, %swap3A_540, %swap3A_541], %get3A_535 {strides = array<i32>} : memref<2x128x128xf32, #tpu.memory_space<vmem>>, vector<16xf32>,
        %mul3A_543 = arith.constant 8 : i32
        %mul3A_544 = arith.muli %scan3A_508, %mul3A_543 : i32
        %add3A_545 = arith.constant 2 : i32
        %add3A_546 = arith.addi %mul3A_544, %add3A_545 : i32
        %get3A_547 = arith.constant 1 : i32
        %get3A_548 = arith.constant 0 : i32
        %get3A_549 = arith.index_cast %get3A_547 : i32 to index
        %get3A_550 = arith.index_cast %get3A_548 : i32 to index
        %get3A_551 = arith.index_cast %add3A_546 : i32 to index
        %get3A_552 = arith.constant 0 : index
        %get3A_553 = tpu.vector_load %arg6[%get3A_549, %get3A_550, %get3A_551, %get3A_552] {strides = array<i32>} : memref<2x8x128x16xf32, #tpu.memory_space<vmem>>, vector<16xf32>,
        %add3A_554 = arith.constant 0 : i32
        %add3A_555 = arith.addi %add3A_554, %scan3A_508 : i32
        %swap3A_556 = arith.constant 1 : i32
        %swap3A_557 = arith.index_cast %swap3A_556 : i32 to index
        %swap3A_558 = arith.index_cast %add3A_555 : i32 to index
        %swap3A_559 = arith.constant 32 : index
        %swap3A_560 = tpu.vector_load %arg7[%swap3A_557, %swap3A_558, %swap3A_559] {strides = array<i32>} : memref<2x128x128xf32, #tpu.memory_space<vmem>>, vector<16xf32>,
        tpu.vector_store %arg7[%swap3A_557, %swap3A_558, %swap3A_559], %get3A_553 {strides = array<i32>} : memref<2x128x128xf32, #tpu.memory_space<vmem>>, vector<16xf32>,
        %mul3A_561 = arith.constant 8 : i32
        %mul3A_562 = arith.muli %scan3A_508, %mul3A_561 : i32
        %add3A_563 = arith.constant 3 : i32
        %add3A_564 = arith.addi %mul3A_562, %add3A_563 : i32
        %get3A_565 = arith.constant 1 : i32
        %get3A_566 = arith.constant 0 : i32
        %get3A_567 = arith.index_cast %get3A_565 : i32 to index
        %get3A_568 = arith.index_cast %get3A_566 : i32 to index
        %get3A_569 = arith.index_cast %add3A_564 : i32 to index
        %get3A_570 = arith.constant 0 : index
        %get3A_571 = tpu.vector_load %arg6[%get3A_567, %get3A_568, %get3A_569, %get3A_570] {strides = array<i32>} : memref<2x8x128x16xf32, #tpu.memory_space<vmem>>, vector<16xf32>,
        %add3A_572 = arith.constant 0 : i32
        %add3A_573 = arith.addi %add3A_572, %scan3A_508 : i32
        %swap3A_574 = arith.constant 1 : i32
        %swap3A_575 = arith.index_cast %swap3A_574 : i32 to index
        %swap3A_576 = arith.index_cast %add3A_573 : i32 to index
        %swap3A_577 = arith.constant 48 : index
        %swap3A_578 = tpu.vector_load %arg7[%swap3A_575, %swap3A_576, %swap3A_577] {strides = array<i32>} : memref<2x128x128xf32, #tpu.memory_space<vmem>>, vector<16xf32>,
        tpu.vector_store %arg7[%swap3A_575, %swap3A_576, %swap3A_577], %get3A_571 {strides = array<i32>} : memref<2x128x128xf32, #tpu.memory_space<vmem>>, vector<16xf32>,
        %mul3A_579 = arith.constant 8 : i32
        %mul3A_580 = arith.muli %scan3A_508, %mul3A_579 : i32
        %add3A_581 = arith.constant 4 : i32
        %add3A_582 = arith.addi %mul3A_580, %add3A_581 : i32
        %get3A_583 = arith.constant 1 : i32
        %get3A_584 = arith.constant 0 : i32
        %get3A_585 = arith.index_cast %get3A_583 : i32 to index
        %get3A_586 = arith.index_cast %get3A_584 : i32 to index
        %get3A_587 = arith.index_cast %add3A_582 : i32 to index
        %get3A_588 = arith.constant 0 : index
        %get3A_589 = tpu.vector_load %arg6[%get3A_585, %get3A_586, %get3A_587, %get3A_588] {strides = array<i32>} : memref<2x8x128x16xf32, #tpu.memory_space<vmem>>, vector<16xf32>,
        %add3A_590 = arith.constant 0 : i32
        %add3A_591 = arith.addi %add3A_590, %scan3A_508 : i32
        %swap3A_592 = arith.constant 1 : i32
        %swap3A_593 = arith.index_cast %swap3A_592 : i32 to index
        %swap3A_594 = arith.index_cast %add3A_591 : i32 to index
        %swap3A_595 = arith.constant 64 : index
        %swap3A_596 = tpu.vector_load %arg7[%swap3A_593, %swap3A_594, %swap3A_595] {strides = array<i32>} : memref<2x128x128xf32, #tpu.memory_space<vmem>>, vector<16xf32>,
        tpu.vector_store %arg7[%swap3A_593, %swap3A_594, %swap3A_595], %get3A_589 {strides = array<i32>} : memref<2x128x128xf32, #tpu.memory_space<vmem>>, vector<16xf32>,
        %mul3A_597 = arith.constant 8 : i32
        %mul3A_598 = arith.muli %scan3A_508, %mul3A_597 : i32
        %add3A_599 = arith.constant 5 : i32
        %add3A_600 = arith.addi %mul3A_598, %add3A_599 : i32
        %get3A_601 = arith.constant 1 : i32
        %get3A_602 = arith.constant 0 : i32
        %get3A_603 = arith.index_cast %get3A_601 : i32 to index
        %get3A_604 = arith.index_cast %get3A_602 : i32 to index
        %get3A_605 = arith.index_cast %add3A_600 : i32 to index
        %get3A_606 = arith.constant 0 : index
        %get3A_607 = tpu.vector_load %arg6[%get3A_603, %get3A_604, %get3A_605, %get3A_606] {strides = array<i32>} : memref<2x8x128x16xf32, #tpu.memory_space<vmem>>, vector<16xf32>,
        %add3A_608 = arith.constant 0 : i32
        %add3A_609 = arith.addi %add3A_608, %scan3A_508 : i32
        %swap3A_610 = arith.constant 1 : i32
        %swap3A_611 = arith.index_cast %swap3A_610 : i32 to index
        %swap3A_612 = arith.index_cast %add3A_609 : i32 to index
        %swap3A_613 = arith.constant 80 : index
        %swap3A_614 = tpu.vector_load %arg7[%swap3A_611, %swap3A_612, %swap3A_613] {strides = array<i32>} : memref<2x128x128xf32, #tpu.memory_space<vmem>>, vector<16xf32>,
        tpu.vector_store %arg7[%swap3A_611, %swap3A_612, %swap3A_613], %get3A_607 {strides = array<i32>} : memref<2x128x128xf32, #tpu.memory_space<vmem>>, vector<16xf32>,
        %mul3A_615 = arith.constant 8 : i32
        %mul3A_616 = arith.muli %scan3A_508, %mul3A_615 : i32
        %add3A_617 = arith.constant 6 : i32
        %add3A_618 = arith.addi %mul3A_616, %add3A_617 : i32
        %get3A_619 = arith.constant 1 : i32
        %get3A_620 = arith.constant 0 : i32
        %get3A_621 = arith.index_cast %get3A_619 : i32 to index
        %get3A_622 = arith.index_cast %get3A_620 : i32 to index
        %get3A_623 = arith.index_cast %add3A_618 : i32 to index
        %get3A_624 = arith.constant 0 : index
        %get3A_625 = tpu.vector_load %arg6[%get3A_621, %get3A_622, %get3A_623, %get3A_624] {strides = array<i32>} : memref<2x8x128x16xf32, #tpu.memory_space<vmem>>, vector<16xf32>,
        %add3A_626 = arith.constant 0 : i32
        %add3A_627 = arith.addi %add3A_626, %scan3A_508 : i32
        %swap3A_628 = arith.constant 1 : i32
        %swap3A_629 = arith.index_cast %swap3A_628 : i32 to index
        %swap3A_630 = arith.index_cast %add3A_627 : i32 to index
        %swap3A_631 = arith.constant 96 : index
        %swap3A_632 = tpu.vector_load %arg7[%swap3A_629, %swap3A_630, %swap3A_631] {strides = array<i32>} : memref<2x128x128xf32, #tpu.memory_space<vmem>>, vector<16xf32>,
        tpu.vector_store %arg7[%swap3A_629, %swap3A_630, %swap3A_631], %get3A_625 {strides = array<i32>} : memref<2x128x128xf32, #tpu.memory_space<vmem>>, vector<16xf32>,
        %mul3A_633 = arith.constant 8 : i32
        %mul3A_634 = arith.muli %scan3A_508, %mul3A_633 : i32
        %add3A_635 = arith.constant 7 : i32
        %add3A_636 = arith.addi %mul3A_634, %add3A_635 : i32
        %get3A_637 = arith.constant 1 : i32
        %get3A_638 = arith.constant 0 : i32
        %get3A_639 = arith.index_cast %get3A_637 : i32 to index
        %get3A_640 = arith.index_cast %get3A_638 : i32 to index
        %get3A_641 = arith.index_cast %add3A_636 : i32 to index
        %get3A_642 = arith.constant 0 : index
        %get3A_643 = tpu.vector_load %arg6[%get3A_639, %get3A_640, %get3A_641, %get3A_642] {strides = array<i32>} : memref<2x8x128x16xf32, #tpu.memory_space<vmem>>, vector<16xf32>,
        %add3A_644 = arith.constant 0 : i32
        %add3A_645 = arith.addi %add3A_644, %scan3A_508 : i32
        %swap3A_646 = arith.constant 1 : i32
        %swap3A_647 = arith.index_cast %swap3A_646 : i32 to index
        %swap3A_648 = arith.index_cast %add3A_645 : i32 to index
        %swap3A_649 = arith.constant 112 : index
        %swap3A_650 = tpu.vector_load %arg7[%swap3A_647, %swap3A_648, %swap3A_649] {strides = array<i32>} : memref<2x128x128xf32, #tpu.memory_space<vmem>>, vector<16xf32>,
        tpu.vector_store %arg7[%swap3A_647, %swap3A_648, %swap3A_649], %get3A_643 {strides = array<i32>} : memref<2x128x128xf32, #tpu.memory_space<vmem>>, vector<16xf32>,
        %mul3A_651 = arith.constant 8 : i32
        %mul3A_652 = arith.muli %scan3A_508, %mul3A_651 : i32
        %add3A_653 = arith.constant 0 : i32
        %add3A_654 = arith.addi %mul3A_652, %add3A_653 : i32
        %get3A_655 = arith.constant 1 : i32
        %get3A_656 = arith.constant 1 : i32
        %get3A_657 = arith.index_cast %get3A_655 : i32 to index
        %get3A_658 = arith.index_cast %get3A_656 : i32 to index
        %get3A_659 = arith.index_cast %add3A_654 : i32 to index
        %get3A_660 = arith.constant 0 : index
        %get3A_661 = tpu.vector_load %arg6[%get3A_657, %get3A_658, %get3A_659, %get3A_660] {strides = array<i32>} : memref<2x8x128x16xf32, #tpu.memory_space<vmem>>, vector<16xf32>,
        %add3A_662 = arith.constant 16 : i32
        %add3A_663 = arith.addi %add3A_662, %scan3A_508 : i32
        %swap3A_664 = arith.constant 1 : i32
        %swap3A_665 = arith.index_cast %swap3A_664 : i32 to index
        %swap3A_666 = arith.index_cast %add3A_663 : i32 to index
        %swap3A_667 = arith.constant 0 : index
        %swap3A_668 = tpu.vector_load %arg7[%swap3A_665, %swap3A_666, %swap3A_667] {strides = array<i32>} : memref<2x128x128xf32, #tpu.memory_space<vmem>>, vector<16xf32>,
        tpu.vector_store %arg7[%swap3A_665, %swap3A_666, %swap3A_667], %get3A_661 {strides = array<i32>} : memref<2x128x128xf32, #tpu.memory_space<vmem>>, vector<16xf32>,
        %mul3A_669 = arith.constant 8 : i32
        %mul3A_670 = arith.muli %scan3A_508, %mul3A_669 : i32
        %add3A_671 = arith.constant 1 : i32
        %add3A_672 = arith.addi %mul3A_670, %add3A_671 : i32
        %get3A_673 = arith.constant 1 : i32
        %get3A_674 = arith.constant 1 : i32
        %get3A_675 = arith.index_cast %get3A_673 : i32 to index
        %get3A_676 = arith.index_cast %get3A_674 : i32 to index
        %get3A_677 = arith.index_cast %add3A_672 : i32 to index
        %get3A_678 = arith.constant 0 : index
        %get3A_679 = tpu.vector_load %arg6[%get3A_675, %get3A_676, %get3A_677, %get3A_678] {strides = array<i32>} : memref<2x8x128x16xf32, #tpu.memory_space<vmem>>, vector<16xf32>,
        %add3A_680 = arith.constant 16 : i32
        %add3A_681 = arith.addi %add3A_680, %scan3A_508 : i32
        %swap3A_682 = arith.constant 1 : i32
        %swap3A_683 = arith.index_cast %swap3A_682 : i32 to index
        %swap3A_684 = arith.index_cast %add3A_681 : i32 to index
        %swap3A_685 = arith.constant 16 : index
        %swap3A_686 = tpu.vector_load %arg7[%swap3A_683, %swap3A_684, %swap3A_685] {strides = array<i32>} : memref<2x128x128xf32, #tpu.memory_space<vmem>>, vector<16xf32>,
        tpu.vector_store %arg7[%swap3A_683, %swap3A_684, %swap3A_685], %get3A_679 {strides = array<i32>} : memref<2x128x128xf32, #tpu.memory_space<vmem>>, vector<16xf32>,
        %mul3A_687 = arith.constant 8 : i32
        %mul3A_688 = arith.muli %scan3A_508, %mul3A_687 : i32
        %add3A_689 = arith.constant 2 : i32
        %add3A_690 = arith.addi %mul3A_688, %add3A_689 : i32
        %get3A_691 = arith.constant 1 : i32
        %get3A_692 = arith.constant 1 : i32
        %get3A_693 = arith.index_cast %get3A_691 : i32 to index
        %get3A_694 = arith.index_cast %get3A_692 : i32 to index
        %get3A_695 = arith.index_cast %add3A_690 : i32 to index
        %get3A_696 = arith.constant 0 : index
        %get3A_697 = tpu.vector_load %arg6[%get3A_693, %get3A_694, %get3A_695, %get3A_696] {strides = array<i32>} : memref<2x8x128x16xf32, #tpu.memory_space<vmem>>, vector<16xf32>,
        %add3A_698 = arith.constant 16 : i32
        %add3A_699 = arith.addi %add3A_698, %scan3A_508 : i32
        %swap3A_700 = arith.constant 1 : i32
        %swap3A_701 = arith.index_cast %swap3A_700 : i32 to index
        %swap3A_702 = arith.index_cast %add3A_699 : i32 to index
        %swap3A_703 = arith.constant 32 : index
        %swap3A_704 = tpu.vector_load %arg7[%swap3A_701, %swap3A_702, %swap3A_703] {strides = array<i32>} : memref<2x128x128xf32, #tpu.memory_space<vmem>>, vector<16xf32>,
        tpu.vector_store %arg7[%swap3A_701, %swap3A_702, %swap3A_703], %get3A_697 {strides = array<i32>} : memref<2x128x128xf32, #tpu.memory_space<vmem>>, vector<16xf32>,
        %mul3A_705 = arith.constant 8 : i32
        %mul3A_706 = arith.muli %scan3A_508, %mul3A_705 : i32
        %add3A_707 = arith.constant 3 : i32
        %add3A_708 = arith.addi %mul3A_706, %add3A_707 : i32
        %get3A_709 = arith.constant 1 : i32
        %get3A_710 = arith.constant 1 : i32
        %get3A_711 = arith.index_cast %get3A_709 : i32 to index
        %get3A_712 = arith.index_cast %get3A_710 : i32 to index
        %get3A_713 = arith.index_cast %add3A_708 : i32 to index
        %get3A_714 = arith.constant 0 : index
        %get3A_715 = tpu.vector_load %arg6[%get3A_711, %get3A_712, %get3A_713, %get3A_714] {strides = array<i32>} : memref<2x8x128x16xf32, #tpu.memory_space<vmem>>, vector<16xf32>,
        %add3A_716 = arith.constant 16 : i32
        %add3A_717 = arith.addi %add3A_716, %scan3A_508 : i32
        %swap3A_718 = arith.constant 1 : i32
        %swap3A_719 = arith.index_cast %swap3A_718 : i32 to index
        %swap3A_720 = arith.index_cast %add3A_717 : i32 to index
        %swap3A_721 = arith.constant 48 : index
        %swap3A_722 = tpu.vector_load %arg7[%swap3A_719, %swap3A_720, %swap3A_721] {strides = array<i32>} : memref<2x128x128xf32, #tpu.memory_space<vmem>>, vector<16xf32>,
        tpu.vector_store %arg7[%swap3A_719, %swap3A_720, %swap3A_721], %get3A_715 {strides = array<i32>} : memref<2x128x128xf32, #tpu.memory_space<vmem>>, vector<16xf32>,
        %mul3A_723 = arith.constant 8 : i32
        %mul3A_724 = arith.muli %scan3A_508, %mul3A_723 : i32
        %add3A_725 = arith.constant 4 : i32
        %add3A_726 = arith.addi %mul3A_724, %add3A_725 : i32
        %get3A_727 = arith.constant 1 : i32
        %get3A_728 = arith.constant 1 : i32
        %get3A_729 = arith.index_cast %get3A_727 : i32 to index
        %get3A_730 = arith.index_cast %get3A_728 : i32 to index
        %get3A_731 = arith.index_cast %add3A_726 : i32 to index
        %get3A_732 = arith.constant 0 : index
        %get3A_733 = tpu.vector_load %arg6[%get3A_729, %get3A_730, %get3A_731, %get3A_732] {strides = array<i32>} : memref<2x8x128x16xf32, #tpu.memory_space<vmem>>, vector<16xf32>,
        %add3A_734 = arith.constant 16 : i32
        %add3A_735 = arith.addi %add3A_734, %scan3A_508 : i32
        %swap3A_736 = arith.constant 1 : i32
        %swap3A_737 = arith.index_cast %swap3A_736 : i32 to index
        %swap3A_738 = arith.index_cast %add3A_735 : i32 to index
        %swap3A_739 = arith.constant 64 : index
        %swap3A_740 = tpu.vector_load %arg7[%swap3A_737, %swap3A_738, %swap3A_739] {strides = array<i32>} : memref<2x128x128xf32, #tpu.memory_space<vmem>>, vector<16xf32>,
        tpu.vector_store %arg7[%swap3A_737, %swap3A_738, %swap3A_739], %get3A_733 {strides = array<i32>} : memref<2x128x128xf32, #tpu.memory_space<vmem>>, vector<16xf32>,
        %mul3A_741 = arith.constant 8 : i32
        %mul3A_742 = arith.muli %scan3A_508, %mul3A_741 : i32
        %add3A_743 = arith.constant 5 : i32
        %add3A_744 = arith.addi %mul3A_742, %add3A_743 : i32
        %get3A_745 = arith.constant 1 : i32
        %get3A_746 = arith.constant 1 : i32
        %get3A_747 = arith.index_cast %get3A_745 : i32 to index
        %get3A_748 = arith.index_cast %get3A_746 : i32 to index
        %get3A_749 = arith.index_cast %add3A_744 : i32 to index
        %get3A_750 = arith.constant 0 : index
        %get3A_751 = tpu.vector_load %arg6[%get3A_747, %get3A_748, %get3A_749, %get3A_750] {strides = array<i32>} : memref<2x8x128x16xf32, #tpu.memory_space<vmem>>, vector<16xf32>,
        %add3A_752 = arith.constant 16 : i32
        %add3A_753 = arith.addi %add3A_752, %scan3A_508 : i32
        %swap3A_754 = arith.constant 1 : i32
        %swap3A_755 = arith.index_cast %swap3A_754 : i32 to index
        %swap3A_756 = arith.index_cast %add3A_753 : i32 to index
        %swap3A_757 = arith.constant 80 : index
        %swap3A_758 = tpu.vector_load %arg7[%swap3A_755, %swap3A_756, %swap3A_757] {strides = array<i32>} : memref<2x128x128xf32, #tpu.memory_space<vmem>>, vector<16xf32>,
        tpu.vector_store %arg7[%swap3A_755, %swap3A_756, %swap3A_757], %get3A_751 {strides = array<i32>} : memref<2x128x128xf32, #tpu.memory_space<vmem>>, vector<16xf32>,
        %mul3A_759 = arith.constant 8 : i32
        %mul3A_760 = arith.muli %scan3A_508, %mul3A_759 : i32
        %add3A_761 = arith.constant 6 : i32
        %add3A_762 = arith.addi %mul3A_760, %add3A_761 : i32
        %get3A_763 = arith.constant 1 : i32
        %get3A_764 = arith.constant 1 : i32
        %get3A_765 = arith.index_cast %get3A_763 : i32 to index
        %get3A_766 = arith.index_cast %get3A_764 : i32 to index
        %get3A_767 = arith.index_cast %add3A_762 : i32 to index
        %get3A_768 = arith.constant 0 : index
        %get3A_769 = tpu.vector_load %arg6[%get3A_765, %get3A_766, %get3A_767, %get3A_768] {strides = array<i32>} : memref<2x8x128x16xf32, #tpu.memory_space<vmem>>, vector<16xf32>,
        %add3A_770 = arith.constant 16 : i32
        %add3A_771 = arith.addi %add3A_770, %scan3A_508 : i32
        %swap3A_772 = arith.constant 1 : i32
        %swap3A_773 = arith.index_cast %swap3A_772 : i32 to index
        %swap3A_774 = arith.index_cast %add3A_771 : i32 to index
        %swap3A_775 = arith.constant 96 : index
        %swap3A_776 = tpu.vector_load %arg7[%swap3A_773, %swap3A_774, %swap3A_775] {strides = array<i32>} : memref<2x128x128xf32, #tpu.memory_space<vmem>>, vector<16xf32>,
        tpu.vector_store %arg7[%swap3A_773, %swap3A_774, %swap3A_775], %get3A_769 {strides = array<i32>} : memref<2x128x128xf32, #tpu.memory_space<vmem>>, vector<16xf32>,
        %mul3A_777 = arith.constant 8 : i32
        %mul3A_778 = arith.muli %scan3A_508, %mul3A_777 : i32
        %add3A_779 = arith.constant 7 : i32
        %add3A_780 = arith.addi %mul3A_778, %add3A_779 : i32
        %get3A_781 = arith.constant 1 : i32
        %get3A_782 = arith.constant 1 : i32
        %get3A_783 = arith.index_cast %get3A_781 : i32 to index
        %get3A_784 = arith.index_cast %get3A_782 : i32 to index
        %get3A_785 = arith.index_cast %add3A_780 : i32 to index
        %get3A_786 = arith.constant 0 : index
        %get3A_787 = tpu.vector_load %arg6[%get3A_783, %get3A_784, %get3A_785, %get3A_786] {strides = array<i32>} : memref<2x8x128x16xf32, #tpu.memory_space<vmem>>, vector<16xf32>,
        %add3A_788 = arith.constant 16 : i32
        %add3A_789 = arith.addi %add3A_788, %scan3A_508 : i32
        %swap3A_790 = arith.constant 1 : i32
        %swap3A_791 = arith.index_cast %swap3A_790 : i32 to index
        %swap3A_792 = arith.index_cast %add3A_789 : i32 to index
        %swap3A_793 = arith.constant 112 : index
        %swap3A_794 = tpu.vector_load %arg7[%swap3A_791, %swap3A_792, %swap3A_793] {strides = array<i32>} : memref<2x128x128xf32, #tpu.memory_space<vmem>>, vector<16xf32>,
        tpu.vector_store %arg7[%swap3A_791, %swap3A_792, %swap3A_793], %get3A_787 {strides = array<i32>} : memref<2x128x128xf32, #tpu.memory_space<vmem>>, vector<16xf32>,
        %mul3A_795 = arith.constant 8 : i32
        %mul3A_796 = arith.muli %scan3A_508, %mul3A_795 : i32
        %add3A_797 = arith.constant 0 : i32
        %add3A_798 = arith.addi %mul3A_796, %add3A_797 : i32
        %get3A_799 = arith.constant 1 : i32
        %get3A_800 = arith.constant 2 : i32
        %get3A_801 = arith.index_cast %get3A_799 : i32 to index
        %get3A_802 = arith.index_cast %get3A_800 : i32 to index
        %get3A_803 = arith.index_cast %add3A_798 : i32 to index
        %get3A_804 = arith.constant 0 : index
        %get3A_805 = tpu.vector_load %arg6[%get3A_801, %get3A_802, %get3A_803, %get3A_804] {strides = array<i32>} : memref<2x8x128x16xf32, #tpu.memory_space<vmem>>, vector<16xf32>,
        %add3A_806 = arith.constant 32 : i32
        %add3A_807 = arith.addi %add3A_806, %scan3A_508 : i32
        %swap3A_808 = arith.constant 1 : i32
        %swap3A_809 = arith.index_cast %swap3A_808 : i32 to index
        %swap3A_810 = arith.index_cast %add3A_807 : i32 to index
        %swap3A_811 = arith.constant 0 : index
        %swap3A_812 = tpu.vector_load %arg7[%swap3A_809, %swap3A_810, %swap3A_811] {strides = array<i32>} : memref<2x128x128xf32, #tpu.memory_space<vmem>>, vector<16xf32>,
        tpu.vector_store %arg7[%swap3A_809, %swap3A_810, %swap3A_811], %get3A_805 {strides = array<i32>} : memref<2x128x128xf32, #tpu.memory_space<vmem>>, vector<16xf32>,
        %mul3A_813 = arith.constant 8 : i32
        %mul3A_814 = arith.muli %scan3A_508, %mul3A_813 : i32
        %add3A_815 = arith.constant 1 : i32
        %add3A_816 = arith.addi %mul3A_814, %add3A_815 : i32
        %get3A_817 = arith.constant 1 : i32
        %get3A_818 = arith.constant 2 : i32
        %get3A_819 = arith.index_cast %get3A_817 : i32 to index
        %get3A_820 = arith.index_cast %get3A_818 : i32 to index
        %get3A_821 = arith.index_cast %add3A_816 : i32 to index
        %get3A_822 = arith.constant 0 : index
        %get3A_823 = tpu.vector_load %arg6[%get3A_819, %get3A_820, %get3A_821, %get3A_822] {strides = array<i32>} : memref<2x8x128x16xf32, #tpu.memory_space<vmem>>, vector<16xf32>,
        %add3A_824 = arith.constant 32 : i32
        %add3A_825 = arith.addi %add3A_824, %scan3A_508 : i32
        %swap3A_826 = arith.constant 1 : i32
        %swap3A_827 = arith.index_cast %swap3A_826 : i32 to index
        %swap3A_828 = arith.index_cast %add3A_825 : i32 to index
        %swap3A_829 = arith.constant 16 : index
        %swap3A_830 = tpu.vector_load %arg7[%swap3A_827, %swap3A_828, %swap3A_829] {strides = array<i32>} : memref<2x128x128xf32, #tpu.memory_space<vmem>>, vector<16xf32>,
        tpu.vector_store %arg7[%swap3A_827, %swap3A_828, %swap3A_829], %get3A_823 {strides = array<i32>} : memref<2x128x128xf32, #tpu.memory_space<vmem>>, vector<16xf32>,
        %mul3A_831 = arith.constant 8 : i32
        %mul3A_832 = arith.muli %scan3A_508, %mul3A_831 : i32
        %add3A_833 = arith.constant 2 : i32
        %add3A_834 = arith.addi %mul3A_832, %add3A_833 : i32
        %get3A_835 = arith.constant 1 : i32
        %get3A_836 = arith.constant 2 : i32
        %get3A_837 = arith.index_cast %get3A_835 : i32 to index
        %get3A_838 = arith.index_cast %get3A_836 : i32 to index
        %get3A_839 = arith.index_cast %add3A_834 : i32 to index
        %get3A_840 = arith.constant 0 : index
        %get3A_841 = tpu.vector_load %arg6[%get3A_837, %get3A_838, %get3A_839, %get3A_840] {strides = array<i32>} : memref<2x8x128x16xf32, #tpu.memory_space<vmem>>, vector<16xf32>,
        %add3A_842 = arith.constant 32 : i32
        %add3A_843 = arith.addi %add3A_842, %scan3A_508 : i32
        %swap3A_844 = arith.constant 1 : i32
        %swap3A_845 = arith.index_cast %swap3A_844 : i32 to index
        %swap3A_846 = arith.index_cast %add3A_843 : i32 to index
        %swap3A_847 = arith.constant 32 : index
        %swap3A_848 = tpu.vector_load %arg7[%swap3A_845, %swap3A_846, %swap3A_847] {strides = array<i32>} : memref<2x128x128xf32, #tpu.memory_space<vmem>>, vector<16xf32>,
        tpu.vector_store %arg7[%swap3A_845, %swap3A_846, %swap3A_847], %get3A_841 {strides = array<i32>} : memref<2x128x128xf32, #tpu.memory_space<vmem>>, vector<16xf32>,
        %mul3A_849 = arith.constant 8 : i32
        %mul3A_850 = arith.muli %scan3A_508, %mul3A_849 : i32
        %add3A_851 = arith.constant 3 : i32
        %add3A_852 = arith.addi %mul3A_850, %add3A_851 : i32
        %get3A_853 = arith.constant 1 : i32
        %get3A_854 = arith.constant 2 : i32
        %get3A_855 = arith.index_cast %get3A_853 : i32 to index
        %get3A_856 = arith.index_cast %get3A_854 : i32 to index
        %get3A_857 = arith.index_cast %add3A_852 : i32 to index
        %get3A_858 = arith.constant 0 : index
        %get3A_859 = tpu.vector_load %arg6[%get3A_855, %get3A_856, %get3A_857, %get3A_858] {strides = array<i32>} : memref<2x8x128x16xf32, #tpu.memory_space<vmem>>, vector<16xf32>,
        %add3A_860 = arith.constant 32 : i32
        %add3A_861 = arith.addi %add3A_860, %scan3A_508 : i32
        %swap3A_862 = arith.constant 1 : i32
        %swap3A_863 = arith.index_cast %swap3A_862 : i32 to index
        %swap3A_864 = arith.index_cast %add3A_861 : i32 to index
        %swap3A_865 = arith.constant 48 : index
        %swap3A_866 = tpu.vector_load %arg7[%swap3A_863, %swap3A_864, %swap3A_865] {strides = array<i32>} : memref<2x128x128xf32, #tpu.memory_space<vmem>>, vector<16xf32>,
        tpu.vector_store %arg7[%swap3A_863, %swap3A_864, %swap3A_865], %get3A_859 {strides = array<i32>} : memref<2x128x128xf32, #tpu.memory_space<vmem>>, vector<16xf32>,
        %mul3A_867 = arith.constant 8 : i32
        %mul3A_868 = arith.muli %scan3A_508, %mul3A_867 : i32
        %add3A_869 = arith.constant 4 : i32
        %add3A_870 = arith.addi %mul3A_868, %add3A_869 : i32
        %get3A_871 = arith.constant 1 : i32
        %get3A_872 = arith.constant 2 : i32
        %get3A_873 = arith.index_cast %get3A_871 : i32 to index
        %get3A_874 = arith.index_cast %get3A_872 : i32 to index
        %get3A_875 = arith.index_cast %add3A_870 : i32 to index
        %get3A_876 = arith.constant 0 : index
        %get3A_877 = tpu.vector_load %arg6[%get3A_873, %get3A_874, %get3A_875, %get3A_876] {strides = array<i32>} : memref<2x8x128x16xf32, #tpu.memory_space<vmem>>, vector<16xf32>,
        %add3A_878 = arith.constant 32 : i32
        %add3A_879 = arith.addi %add3A_878, %scan3A_508 : i32
        %swap3A_880 = arith.constant 1 : i32
        %swap3A_881 = arith.index_cast %swap3A_880 : i32 to index
        %swap3A_882 = arith.index_cast %add3A_879 : i32 to index
        %swap3A_883 = arith.constant 64 : index
        %swap3A_884 = tpu.vector_load %arg7[%swap3A_881, %swap3A_882, %swap3A_883] {strides = array<i32>} : memref<2x128x128xf32, #tpu.memory_space<vmem>>, vector<16xf32>,
        tpu.vector_store %arg7[%swap3A_881, %swap3A_882, %swap3A_883], %get3A_877 {strides = array<i32>} : memref<2x128x128xf32, #tpu.memory_space<vmem>>, vector<16xf32>,
        %mul3A_885 = arith.constant 8 : i32
        %mul3A_886 = arith.muli %scan3A_508, %mul3A_885 : i32
        %add3A_887 = arith.constant 5 : i32
        %add3A_888 = arith.addi %mul3A_886, %add3A_887 : i32
        %get3A_889 = arith.constant 1 : i32
        %get3A_890 = arith.constant 2 : i32
        %get3A_891 = arith.index_cast %get3A_889 : i32 to index
        %get3A_892 = arith.index_cast %get3A_890 : i32 to index
        %get3A_893 = arith.index_cast %add3A_888 : i32 to index
        %get3A_894 = arith.constant 0 : index
        %get3A_895 = tpu.vector_load %arg6[%get3A_891, %get3A_892, %get3A_893, %get3A_894] {strides = array<i32>} : memref<2x8x128x16xf32, #tpu.memory_space<vmem>>, vector<16xf32>,
        %add3A_896 = arith.constant 32 : i32
        %add3A_897 = arith.addi %add3A_896, %scan3A_508 : i32
        %swap3A_898 = arith.constant 1 : i32
        %swap3A_899 = arith.index_cast %swap3A_898 : i32 to index
        %swap3A_900 = arith.index_cast %add3A_897 : i32 to index
        %swap3A_901 = arith.constant 80 : index
        %swap3A_902 = tpu.vector_load %arg7[%swap3A_899, %swap3A_900, %swap3A_901] {strides = array<i32>} : memref<2x128x128xf32, #tpu.memory_space<vmem>>, vector<16xf32>,
        tpu.vector_store %arg7[%swap3A_899, %swap3A_900, %swap3A_901], %get3A_895 {strides = array<i32>} : memref<2x128x128xf32, #tpu.memory_space<vmem>>, vector<16xf32>,
        %mul3A_903 = arith.constant 8 : i32
        %mul3A_904 = arith.muli %scan3A_508, %mul3A_903 : i32
        %add3A_905 = arith.constant 6 : i32
        %add3A_906 = arith.addi %mul3A_904, %add3A_905 : i32
        %get3A_907 = arith.constant 1 : i32
        %get3A_908 = arith.constant 2 : i32
        %get3A_909 = arith.index_cast %get3A_907 : i32 to index
        %get3A_910 = arith.index_cast %get3A_908 : i32 to index
        %get3A_911 = arith.index_cast %add3A_906 : i32 to index
        %get3A_912 = arith.constant 0 : index
        %get3A_913 = tpu.vector_load %arg6[%get3A_909, %get3A_910, %get3A_911, %get3A_912] {strides = array<i32>} : memref<2x8x128x16xf32, #tpu.memory_space<vmem>>, vector<16xf32>,
        %add3A_914 = arith.constant 32 : i32
        %add3A_915 = arith.addi %add3A_914, %scan3A_508 : i32
        %swap3A_916 = arith.constant 1 : i32
        %swap3A_917 = arith.index_cast %swap3A_916 : i32 to index
        %swap3A_918 = arith.index_cast %add3A_915 : i32 to index
        %swap3A_919 = arith.constant 96 : index
        %swap3A_920 = tpu.vector_load %arg7[%swap3A_917, %swap3A_918, %swap3A_919] {strides = array<i32>} : memref<2x128x128xf32, #tpu.memory_space<vmem>>, vector<16xf32>,
        tpu.vector_store %arg7[%swap3A_917, %swap3A_918, %swap3A_919], %get3A_913 {strides = array<i32>} : memref<2x128x128xf32, #tpu.memory_space<vmem>>, vector<16xf32>,
        %mul3A_921 = arith.constant 8 : i32
        %mul3A_922 = arith.muli %scan3A_508, %mul3A_921 : i32
        %add3A_923 = arith.constant 7 : i32
        %add3A_924 = arith.addi %mul3A_922, %add3A_923 : i32
        %get3A_925 = arith.constant 1 : i32
        %get3A_926 = arith.constant 2 : i32
        %get3A_927 = arith.index_cast %get3A_925 : i32 to index
        %get3A_928 = arith.index_cast %get3A_926 : i32 to index
        %get3A_929 = arith.index_cast %add3A_924 : i32 to index
        %get3A_930 = arith.constant 0 : index
        %get3A_931 = tpu.vector_load %arg6[%get3A_927, %get3A_928, %get3A_929, %get3A_930] {strides = array<i32>} : memref<2x8x128x16xf32, #tpu.memory_space<vmem>>, vector<16xf32>,
        %add3A_932 = arith.constant 32 : i32
        %add3A_933 = arith.addi %add3A_932, %scan3A_508 : i32
        %swap3A_934 = arith.constant 1 : i32
        %swap3A_935 = arith.index_cast %swap3A_934 : i32 to index
        %swap3A_936 = arith.index_cast %add3A_933 : i32 to index
        %swap3A_937 = arith.constant 112 : index
        %swap3A_938 = tpu.vector_load %arg7[%swap3A_935, %swap3A_936, %swap3A_937] {strides = array<i32>} : memref<2x128x128xf32, #tpu.memory_space<vmem>>, vector<16xf32>,
        tpu.vector_store %arg7[%swap3A_935, %swap3A_936, %swap3A_937], %get3A_931 {strides = array<i32>} : memref<2x128x128xf32, #tpu.memory_space<vmem>>, vector<16xf32>,
        %mul3A_939 = arith.constant 8 : i32
        %mul3A_940 = arith.muli %scan3A_508, %mul3A_939 : i32
        %add3A_941 = arith.constant 0 : i32
        %add3A_942 = arith.addi %mul3A_940, %add3A_941 : i32
        %get3A_943 = arith.constant 1 : i32
        %get3A_944 = arith.constant 3 : i32
        %get3A_945 = arith.index_cast %get3A_943 : i32 to index
        %get3A_946 = arith.index_cast %get3A_944 : i32 to index
        %get3A_947 = arith.index_cast %add3A_942 : i32 to index
        %get3A_948 = arith.constant 0 : index
        %get3A_949 = tpu.vector_load %arg6[%get3A_945, %get3A_946, %get3A_947, %get3A_948] {strides = array<i32>} : memref<2x8x128x16xf32, #tpu.memory_space<vmem>>, vector<16xf32>,
        %add3A_950 = arith.constant 48 : i32
        %add3A_951 = arith.addi %add3A_950, %scan3A_508 : i32
        %swap3A_952 = arith.constant 1 : i32
        %swap3A_953 = arith.index_cast %swap3A_952 : i32 to index
        %swap3A_954 = arith.index_cast %add3A_951 : i32 to index
        %swap3A_955 = arith.constant 0 : index
        %swap3A_956 = tpu.vector_load %arg7[%swap3A_953, %swap3A_954, %swap3A_955] {strides = array<i32>} : memref<2x128x128xf32, #tpu.memory_space<vmem>>, vector<16xf32>,
        tpu.vector_store %arg7[%swap3A_953, %swap3A_954, %swap3A_955], %get3A_949 {strides = array<i32>} : memref<2x128x128xf32, #tpu.memory_space<vmem>>, vector<16xf32>,
        %mul3A_957 = arith.constant 8 : i32
        %mul3A_958 = arith.muli %scan3A_508, %mul3A_957 : i32
        %add3A_959 = arith.constant 1 : i32
        %add3A_960 = arith.addi %mul3A_958, %add3A_959 : i32
        %get3A_961 = arith.constant 1 : i32
        %get3A_962 = arith.constant 3 : i32
        %get3A_963 = arith.index_cast %get3A_961 : i32 to index
        %get3A_964 = arith.index_cast %get3A_962 : i32 to index
        %get3A_965 = arith.index_cast %add3A_960 : i32 to index
        %get3A_966 = arith.constant 0 : index
        %get3A_967 = tpu.vector_load %arg6[%get3A_963, %get3A_964, %get3A_965, %get3A_966] {strides = array<i32>} : memref<2x8x128x16xf32, #tpu.memory_space<vmem>>, vector<16xf32>,
        %add3A_968 = arith.constant 48 : i32
        %add3A_969 = arith.addi %add3A_968, %scan3A_508 : i32
        %swap3A_970 = arith.constant 1 : i32
        %swap3A_971 = arith.index_cast %swap3A_970 : i32 to index
        %swap3A_972 = arith.index_cast %add3A_969 : i32 to index
        %swap3A_973 = arith.constant 16 : index
        %swap3A_974 = tpu.vector_load %arg7[%swap3A_971, %swap3A_972, %swap3A_973] {strides = array<i32>} : memref<2x128x128xf32, #tpu.memory_space<vmem>>, vector<16xf32>,
        tpu.vector_store %arg7[%swap3A_971, %swap3A_972, %swap3A_973], %get3A_967 {strides = array<i32>} : memref<2x128x128xf32, #tpu.memory_space<vmem>>, vector<16xf32>,
        %mul3A_975 = arith.constant 8 : i32
        %mul3A_976 = arith.muli %scan3A_508, %mul3A_975 : i32
        %add3A_977 = arith.constant 2 : i32
        %add3A_978 = arith.addi %mul3A_976, %add3A_977 : i32
        %get3A_979 = arith.constant 1 : i32
        %get3A_980 = arith.constant 3 : i32
        %get3A_981 = arith.index_cast %get3A_979 : i32 to index
        %get3A_982 = arith.index_cast %get3A_980 : i32 to index
        %get3A_983 = arith.index_cast %add3A_978 : i32 to index
        %get3A_984 = arith.constant 0 : index
        %get3A_985 = tpu.vector_load %arg6[%get3A_981, %get3A_982, %get3A_983, %get3A_984] {strides = array<i32>} : memref<2x8x128x16xf32, #tpu.memory_space<vmem>>, vector<16xf32>,
        %add3A_986 = arith.constant 48 : i32
        %add3A_987 = arith.addi %add3A_986, %scan3A_508 : i32
        %swap3A_988 = arith.constant 1 : i32
        %swap3A_989 = arith.index_cast %swap3A_988 : i32 to index
        %swap3A_990 = arith.index_cast %add3A_987 : i32 to index
        %swap3A_991 = arith.constant 32 : index
        %swap3A_992 = tpu.vector_load %arg7[%swap3A_989, %swap3A_990, %swap3A_991] {strides = array<i32>} : memref<2x128x128xf32, #tpu.memory_space<vmem>>, vector<16xf32>,
        tpu.vector_store %arg7[%swap3A_989, %swap3A_990, %swap3A_991], %get3A_985 {strides = array<i32>} : memref<2x128x128xf32, #tpu.memory_space<vmem>>, vector<16xf32>,
        %mul3A_993 = arith.constant 8 : i32
        %mul3A_994 = arith.muli %scan3A_508, %mul3A_993 : i32
        %add3A_995 = arith.constant 3 : i32
        %add3A_996 = arith.addi %mul3A_994, %add3A_995 : i32
        %get3A_997 = arith.constant 1 : i32
        %get3A_998 = arith.constant 3 : i32
        %get3A_999 = arith.index_cast %get3A_997 : i32 to index
        %get3A_1000 = arith.index_cast %get3A_998 : i32 to index
        %get3A_1001 = arith.index_cast %add3A_996 : i32 to index
        %get3A_1002 = arith.constant 0 : index
        %get3A_1003 = tpu.vector_load %arg6[%get3A_999, %get3A_1000, %get3A_1001, %get3A_1002] {strides = array<i32>} : memref<2x8x128x16xf32, #tpu.memory_space<vmem>>, vector<16xf32>,
        %add3A_1004 = arith.constant 48 : i32
        %add3A_1005 = arith.addi %add3A_1004, %scan3A_508 : i32
        %swap3A_1006 = arith.constant 1 : i32
        %swap3A_1007 = arith.index_cast %swap3A_1006 : i32 to index
        %swap3A_1008 = arith.index_cast %add3A_1005 : i32 to index
        %swap3A_1009 = arith.constant 48 : index
        %swap3A_1010 = tpu.vector_load %arg7[%swap3A_1007, %swap3A_1008, %swap3A_1009] {strides = array<i32>} : memref<2x128x128xf32, #tpu.memory_space<vmem>>, vector<16xf32>,
        tpu.vector_store %arg7[%swap3A_1007, %swap3A_1008, %swap3A_1009], %get3A_1003 {strides = array<i32>} : memref<2x128x128xf32, #tpu.memory_space<vmem>>, vector<16xf32>,
        %mul3A_1011 = arith.constant 8 : i32
        %mul3A_1012 = arith.muli %scan3A_508, %mul3A_1011 : i32
        %add3A_1013 = arith.constant 4 : i32
        %add3A_1014 = arith.addi %mul3A_1012, %add3A_1013 : i32
        %get3A_1015 = arith.constant 1 : i32
        %get3A_1016 = arith.constant 3 : i32
        %get3A_1017 = arith.index_cast %get3A_1015 : i32 to index
        %get3A_1018 = arith.index_cast %get3A_1016 : i32 to index
        %get3A_1019 = arith.index_cast %add3A_1014 : i32 to index
        %get3A_1020 = arith.constant 0 : index
        %get3A_1021 = tpu.vector_load %arg6[%get3A_1017, %get3A_1018, %get3A_1019, %get3A_1020] {strides = array<i32>} : memref<2x8x128x16xf32, #tpu.memory_space<vmem>>, vector<16xf32>,
        %add3A_1022 = arith.constant 48 : i32
        %add3A_1023 = arith.addi %add3A_1022, %scan3A_508 : i32
        %swap3A_1024 = arith.constant 1 : i32
        %swap3A_1025 = arith.index_cast %swap3A_1024 : i32 to index
        %swap3A_1026 = arith.index_cast %add3A_1023 : i32 to index
        %swap3A_1027 = arith.constant 64 : index
        %swap3A_1028 = tpu.vector_load %arg7[%swap3A_1025, %swap3A_1026, %swap3A_1027] {strides = array<i32>} : memref<2x128x128xf32, #tpu.memory_space<vmem>>, vector<16xf32>,
        tpu.vector_store %arg7[%swap3A_1025, %swap3A_1026, %swap3A_1027], %get3A_1021 {strides = array<i32>} : memref<2x128x128xf32, #tpu.memory_space<vmem>>, vector<16xf32>,
        %mul3A_1029 = arith.constant 8 : i32
        %mul3A_1030 = arith.muli %scan3A_508, %mul3A_1029 : i32
        %add3A_1031 = arith.constant 5 : i32
        %add3A_1032 = arith.addi %mul3A_1030, %add3A_1031 : i32
        %get3A_1033 = arith.constant 1 : i32
        %get3A_1034 = arith.constant 3 : i32
        %get3A_1035 = arith.index_cast %get3A_1033 : i32 to index
        %get3A_1036 = arith.index_cast %get3A_1034 : i32 to index
        %get3A_1037 = arith.index_cast %add3A_1032 : i32 to index
        %get3A_1038 = arith.constant 0 : index
        %get3A_1039 = tpu.vector_load %arg6[%get3A_1035, %get3A_1036, %get3A_1037, %get3A_1038] {strides = array<i32>} : memref<2x8x128x16xf32, #tpu.memory_space<vmem>>, vector<16xf32>,
        %add3A_1040 = arith.constant 48 : i32
        %add3A_1041 = arith.addi %add3A_1040, %scan3A_508 : i32
        %swap3A_1042 = arith.constant 1 : i32
        %swap3A_1043 = arith.index_cast %swap3A_1042 : i32 to index
        %swap3A_1044 = arith.index_cast %add3A_1041 : i32 to index
        %swap3A_1045 = arith.constant 80 : index
        %swap3A_1046 = tpu.vector_load %arg7[%swap3A_1043, %swap3A_1044, %swap3A_1045] {strides = array<i32>} : memref<2x128x128xf32, #tpu.memory_space<vmem>>, vector<16xf32>,
        tpu.vector_store %arg7[%swap3A_1043, %swap3A_1044, %swap3A_1045], %get3A_1039 {strides = array<i32>} : memref<2x128x128xf32, #tpu.memory_space<vmem>>, vector<16xf32>,
        %mul3A_1047 = arith.constant 8 : i32
        %mul3A_1048 = arith.muli %scan3A_508, %mul3A_1047 : i32
        %add3A_1049 = arith.constant 6 : i32
        %add3A_1050 = arith.addi %mul3A_1048, %add3A_1049 : i32
        %get3A_1051 = arith.constant 1 : i32
        %get3A_1052 = arith.constant 3 : i32
        %get3A_1053 = arith.index_cast %get3A_1051 : i32 to index
        %get3A_1054 = arith.index_cast %get3A_1052 : i32 to index
        %get3A_1055 = arith.index_cast %add3A_1050 : i32 to index
        %get3A_1056 = arith.constant 0 : index
        %get3A_1057 = tpu.vector_load %arg6[%get3A_1053, %get3A_1054, %get3A_1055, %get3A_1056] {strides = array<i32>} : memref<2x8x128x16xf32, #tpu.memory_space<vmem>>, vector<16xf32>,
        %add3A_1058 = arith.constant 48 : i32
        %add3A_1059 = arith.addi %add3A_1058, %scan3A_508 : i32
        %swap3A_1060 = arith.constant 1 : i32
        %swap3A_1061 = arith.index_cast %swap3A_1060 : i32 to index
        %swap3A_1062 = arith.index_cast %add3A_1059 : i32 to index
        %swap3A_1063 = arith.constant 96 : index
        %swap3A_1064 = tpu.vector_load %arg7[%swap3A_1061, %swap3A_1062, %swap3A_1063] {strides = array<i32>} : memref<2x128x128xf32, #tpu.memory_space<vmem>>, vector<16xf32>,
        tpu.vector_store %arg7[%swap3A_1061, %swap3A_1062, %swap3A_1063], %get3A_1057 {strides = array<i32>} : memref<2x128x128xf32, #tpu.memory_space<vmem>>, vector<16xf32>,
        %mul3A_1065 = arith.constant 8 : i32
        %mul3A_1066 = arith.muli %scan3A_508, %mul3A_1065 : i32
        %add3A_1067 = arith.constant 7 : i32
        %add3A_1068 = arith.addi %mul3A_1066, %add3A_1067 : i32
        %get3A_1069 = arith.constant 1 : i32
        %get3A_1070 = arith.constant 3 : i32
        %get3A_1071 = arith.index_cast %get3A_1069 : i32 to index
        %get3A_1072 = arith.index_cast %get3A_1070 : i32 to index
        %get3A_1073 = arith.index_cast %add3A_1068 : i32 to index
        %get3A_1074 = arith.constant 0 : index
        %get3A_1075 = tpu.vector_load %arg6[%get3A_1071, %get3A_1072, %get3A_1073, %get3A_1074] {strides = array<i32>} : memref<2x8x128x16xf32, #tpu.memory_space<vmem>>, vector<16xf32>,
        %add3A_1076 = arith.constant 48 : i32
        %add3A_1077 = arith.addi %add3A_1076, %scan3A_508 : i32
        %swap3A_1078 = arith.constant 1 : i32
        %swap3A_1079 = arith.index_cast %swap3A_1078 : i32 to index
        %swap3A_1080 = arith.index_cast %add3A_1077 : i32 to index
        %swap3A_1081 = arith.constant 112 : index
        %swap3A_1082 = tpu.vector_load %arg7[%swap3A_1079, %swap3A_1080, %swap3A_1081] {strides = array<i32>} : memref<2x128x128xf32, #tpu.memory_space<vmem>>, vector<16xf32>,
        tpu.vector_store %arg7[%swap3A_1079, %swap3A_1080, %swap3A_1081], %get3A_1075 {strides = array<i32>} : memref<2x128x128xf32, #tpu.memory_space<vmem>>, vector<16xf32>,
        %mul3A_1083 = arith.constant 8 : i32
        %mul3A_1084 = arith.muli %scan3A_508, %mul3A_1083 : i32
        %add3A_1085 = arith.constant 0 : i32
        %add3A_1086 = arith.addi %mul3A_1084, %add3A_1085 : i32
        %get3A_1087 = arith.constant 1 : i32
        %get3A_1088 = arith.constant 4 : i32
        %get3A_1089 = arith.index_cast %get3A_1087 : i32 to index
        %get3A_1090 = arith.index_cast %get3A_1088 : i32 to index
        %get3A_1091 = arith.index_cast %add3A_1086 : i32 to index
        %get3A_1092 = arith.constant 0 : index
        %get3A_1093 = tpu.vector_load %arg6[%get3A_1089, %get3A_1090, %get3A_1091, %get3A_1092] {strides = array<i32>} : memref<2x8x128x16xf32, #tpu.memory_space<vmem>>, vector<16xf32>,
        %add3A_1094 = arith.constant 64 : i32
        %add3A_1095 = arith.addi %add3A_1094, %scan3A_508 : i32
        %swap3A_1096 = arith.constant 1 : i32
        %swap3A_1097 = arith.index_cast %swap3A_1096 : i32 to index
        %swap3A_1098 = arith.index_cast %add3A_1095 : i32 to index
        %swap3A_1099 = arith.constant 0 : index
        %swap3A_1100 = tpu.vector_load %arg7[%swap3A_1097, %swap3A_1098, %swap3A_1099] {strides = array<i32>} : memref<2x128x128xf32, #tpu.memory_space<vmem>>, vector<16xf32>,
        tpu.vector_store %arg7[%swap3A_1097, %swap3A_1098, %swap3A_1099], %get3A_1093 {strides = array<i32>} : memref<2x128x128xf32, #tpu.memory_space<vmem>>, vector<16xf32>,
        %mul3A_1101 = arith.constant 8 : i32
        %mul3A_1102 = arith.muli %scan3A_508, %mul3A_1101 : i32
        %add3A_1103 = arith.constant 1 : i32
        %add3A_1104 = arith.addi %mul3A_1102, %add3A_1103 : i32
        %get3A_1105 = arith.constant 1 : i32
        %get3A_1106 = arith.constant 4 : i32
        %get3A_1107 = arith.index_cast %get3A_1105 : i32 to index
        %get3A_1108 = arith.index_cast %get3A_1106 : i32 to index
        %get3A_1109 = arith.index_cast %add3A_1104 : i32 to index
        %get3A_1110 = arith.constant 0 : index
        %get3A_1111 = tpu.vector_load %arg6[%get3A_1107, %get3A_1108, %get3A_1109, %get3A_1110] {strides = array<i32>} : memref<2x8x128x16xf32, #tpu.memory_space<vmem>>, vector<16xf32>,
        %add3A_1112 = arith.constant 64 : i32
        %add3A_1113 = arith.addi %add3A_1112, %scan3A_508 : i32
        %swap3A_1114 = arith.constant 1 : i32
        %swap3A_1115 = arith.index_cast %swap3A_1114 : i32 to index
        %swap3A_1116 = arith.index_cast %add3A_1113 : i32 to index
        %swap3A_1117 = arith.constant 16 : index
        %swap3A_1118 = tpu.vector_load %arg7[%swap3A_1115, %swap3A_1116, %swap3A_1117] {strides = array<i32>} : memref<2x128x128xf32, #tpu.memory_space<vmem>>, vector<16xf32>,
        tpu.vector_store %arg7[%swap3A_1115, %swap3A_1116, %swap3A_1117], %get3A_1111 {strides = array<i32>} : memref<2x128x128xf32, #tpu.memory_space<vmem>>, vector<16xf32>,
        %mul3A_1119 = arith.constant 8 : i32
        %mul3A_1120 = arith.muli %scan3A_508, %mul3A_1119 : i32
        %add3A_1121 = arith.constant 2 : i32
        %add3A_1122 = arith.addi %mul3A_1120, %add3A_1121 : i32
        %get3A_1123 = arith.constant 1 : i32
        %get3A_1124 = arith.constant 4 : i32
        %get3A_1125 = arith.index_cast %get3A_1123 : i32 to index
        %get3A_1126 = arith.index_cast %get3A_1124 : i32 to index
        %get3A_1127 = arith.index_cast %add3A_1122 : i32 to index
        %get3A_1128 = arith.constant 0 : index
        %get3A_1129 = tpu.vector_load %arg6[%get3A_1125, %get3A_1126, %get3A_1127, %get3A_1128] {strides = array<i32>} : memref<2x8x128x16xf32, #tpu.memory_space<vmem>>, vector<16xf32>,
        %add3A_1130 = arith.constant 64 : i32
        %add3A_1131 = arith.addi %add3A_1130, %scan3A_508 : i32
        %swap3A_1132 = arith.constant 1 : i32
        %swap3A_1133 = arith.index_cast %swap3A_1132 : i32 to index
        %swap3A_1134 = arith.index_cast %add3A_1131 : i32 to index
        %swap3A_1135 = arith.constant 32 : index
        %swap3A_1136 = tpu.vector_load %arg7[%swap3A_1133, %swap3A_1134, %swap3A_1135] {strides = array<i32>} : memref<2x128x128xf32, #tpu.memory_space<vmem>>, vector<16xf32>,
        tpu.vector_store %arg7[%swap3A_1133, %swap3A_1134, %swap3A_1135], %get3A_1129 {strides = array<i32>} : memref<2x128x128xf32, #tpu.memory_space<vmem>>, vector<16xf32>,
        %mul3A_1137 = arith.constant 8 : i32
        %mul3A_1138 = arith.muli %scan3A_508, %mul3A_1137 : i32
        %add3A_1139 = arith.constant 3 : i32
        %add3A_1140 = arith.addi %mul3A_1138, %add3A_1139 : i32
        %get3A_1141 = arith.constant 1 : i32
        %get3A_1142 = arith.constant 4 : i32
        %get3A_1143 = arith.index_cast %get3A_1141 : i32 to index
        %get3A_1144 = arith.index_cast %get3A_1142 : i32 to index
        %get3A_1145 = arith.index_cast %add3A_1140 : i32 to index
        %get3A_1146 = arith.constant 0 : index
        %get3A_1147 = tpu.vector_load %arg6[%get3A_1143, %get3A_1144, %get3A_1145, %get3A_1146] {strides = array<i32>} : memref<2x8x128x16xf32, #tpu.memory_space<vmem>>, vector<16xf32>,
        %add3A_1148 = arith.constant 64 : i32
        %add3A_1149 = arith.addi %add3A_1148, %scan3A_508 : i32
        %swap3A_1150 = arith.constant 1 : i32
        %swap3A_1151 = arith.index_cast %swap3A_1150 : i32 to index
        %swap3A_1152 = arith.index_cast %add3A_1149 : i32 to index
        %swap3A_1153 = arith.constant 48 : index
        %swap3A_1154 = tpu.vector_load %arg7[%swap3A_1151, %swap3A_1152, %swap3A_1153] {strides = array<i32>} : memref<2x128x128xf32, #tpu.memory_space<vmem>>, vector<16xf32>,
        tpu.vector_store %arg7[%swap3A_1151, %swap3A_1152, %swap3A_1153], %get3A_1147 {strides = array<i32>} : memref<2x128x128xf32, #tpu.memory_space<vmem>>, vector<16xf32>,
        %mul3A_1155 = arith.constant 8 : i32
        %mul3A_1156 = arith.muli %scan3A_508, %mul3A_1155 : i32
        %add3A_1157 = arith.constant 4 : i32
        %add3A_1158 = arith.addi %mul3A_1156, %add3A_1157 : i32
        %get3A_1159 = arith.constant 1 : i32
        %get3A_1160 = arith.constant 4 : i32
        %get3A_1161 = arith.index_cast %get3A_1159 : i32 to index
        %get3A_1162 = arith.index_cast %get3A_1160 : i32 to index
        %get3A_1163 = arith.index_cast %add3A_1158 : i32 to index
        %get3A_1164 = arith.constant 0 : index
        %get3A_1165 = tpu.vector_load %arg6[%get3A_1161, %get3A_1162, %get3A_1163, %get3A_1164] {strides = array<i32>} : memref<2x8x128x16xf32, #tpu.memory_space<vmem>>, vector<16xf32>,
        %add3A_1166 = arith.constant 64 : i32
        %add3A_1167 = arith.addi %add3A_1166, %scan3A_508 : i32
        %swap3A_1168 = arith.constant 1 : i32
        %swap3A_1169 = arith.index_cast %swap3A_1168 : i32 to index
        %swap3A_1170 = arith.index_cast %add3A_1167 : i32 to index
        %swap3A_1171 = arith.constant 64 : index
        %swap3A_1172 = tpu.vector_load %arg7[%swap3A_1169, %swap3A_1170, %swap3A_1171] {strides = array<i32>} : memref<2x128x128xf32, #tpu.memory_space<vmem>>, vector<16xf32>,
        tpu.vector_store %arg7[%swap3A_1169, %swap3A_1170, %swap3A_1171], %get3A_1165 {strides = array<i32>} : memref<2x128x128xf32, #tpu.memory_space<vmem>>, vector<16xf32>,
        %mul3A_1173 = arith.constant 8 : i32
        %mul3A_1174 = arith.muli %scan3A_508, %mul3A_1173 : i32
        %add3A_1175 = arith.constant 5 : i32
        %add3A_1176 = arith.addi %mul3A_1174, %add3A_1175 : i32
        %get3A_1177 = arith.constant 1 : i32
        %get3A_1178 = arith.constant 4 : i32
        %get3A_1179 = arith.index_cast %get3A_1177 : i32 to index
        %get3A_1180 = arith.index_cast %get3A_1178 : i32 to index
        %get3A_1181 = arith.index_cast %add3A_1176 : i32 to index
        %get3A_1182 = arith.constant 0 : index
        %get3A_1183 = tpu.vector_load %arg6[%get3A_1179, %get3A_1180, %get3A_1181, %get3A_1182] {strides = array<i32>} : memref<2x8x128x16xf32, #tpu.memory_space<vmem>>, vector<16xf32>,
        %add3A_1184 = arith.constant 64 : i32
        %add3A_1185 = arith.addi %add3A_1184, %scan3A_508 : i32
        %swap3A_1186 = arith.constant 1 : i32
        %swap3A_1187 = arith.index_cast %swap3A_1186 : i32 to index
        %swap3A_1188 = arith.index_cast %add3A_1185 : i32 to index
        %swap3A_1189 = arith.constant 80 : index
        %swap3A_1190 = tpu.vector_load %arg7[%swap3A_1187, %swap3A_1188, %swap3A_1189] {strides = array<i32>} : memref<2x128x128xf32, #tpu.memory_space<vmem>>, vector<16xf32>,
        tpu.vector_store %arg7[%swap3A_1187, %swap3A_1188, %swap3A_1189], %get3A_1183 {strides = array<i32>} : memref<2x128x128xf32, #tpu.memory_space<vmem>>, vector<16xf32>,
        %mul3A_1191 = arith.constant 8 : i32
        %mul3A_1192 = arith.muli %scan3A_508, %mul3A_1191 : i32
        %add3A_1193 = arith.constant 6 : i32
        %add3A_1194 = arith.addi %mul3A_1192, %add3A_1193 : i32
        %get3A_1195 = arith.constant 1 : i32
        %get3A_1196 = arith.constant 4 : i32
        %get3A_1197 = arith.index_cast %get3A_1195 : i32 to index
        %get3A_1198 = arith.index_cast %get3A_1196 : i32 to index
        %get3A_1199 = arith.index_cast %add3A_1194 : i32 to index
        %get3A_1200 = arith.constant 0 : index
        %get3A_1201 = tpu.vector_load %arg6[%get3A_1197, %get3A_1198, %get3A_1199, %get3A_1200] {strides = array<i32>} : memref<2x8x128x16xf32, #tpu.memory_space<vmem>>, vector<16xf32>,
        %add3A_1202 = arith.constant 64 : i32
        %add3A_1203 = arith.addi %add3A_1202, %scan3A_508 : i32
        %swap3A_1204 = arith.constant 1 : i32
        %swap3A_1205 = arith.index_cast %swap3A_1204 : i32 to index
        %swap3A_1206 = arith.index_cast %add3A_1203 : i32 to index
        %swap3A_1207 = arith.constant 96 : index
        %swap3A_1208 = tpu.vector_load %arg7[%swap3A_1205, %swap3A_1206, %swap3A_1207] {strides = array<i32>} : memref<2x128x128xf32, #tpu.memory_space<vmem>>, vector<16xf32>,
        tpu.vector_store %arg7[%swap3A_1205, %swap3A_1206, %swap3A_1207], %get3A_1201 {strides = array<i32>} : memref<2x128x128xf32, #tpu.memory_space<vmem>>, vector<16xf32>,
        %mul3A_1209 = arith.constant 8 : i32
        %mul3A_1210 = arith.muli %scan3A_508, %mul3A_1209 : i32
        %add3A_1211 = arith.constant 7 : i32
        %add3A_1212 = arith.addi %mul3A_1210, %add3A_1211 : i32
        %get3A_1213 = arith.constant 1 : i32
        %get3A_1214 = arith.constant 4 : i32
        %get3A_1215 = arith.index_cast %get3A_1213 : i32 to index
        %get3A_1216 = arith.index_cast %get3A_1214 : i32 to index
        %get3A_1217 = arith.index_cast %add3A_1212 : i32 to index
        %get3A_1218 = arith.constant 0 : index
        %get3A_1219 = tpu.vector_load %arg6[%get3A_1215, %get3A_1216, %get3A_1217, %get3A_1218] {strides = array<i32>} : memref<2x8x128x16xf32, #tpu.memory_space<vmem>>, vector<16xf32>,
        %add3A_1220 = arith.constant 64 : i32
        %add3A_1221 = arith.addi %add3A_1220, %scan3A_508 : i32
        %swap3A_1222 = arith.constant 1 : i32
        %swap3A_1223 = arith.index_cast %swap3A_1222 : i32 to index
        %swap3A_1224 = arith.index_cast %add3A_1221 : i32 to index
        %swap3A_1225 = arith.constant 112 : index
        %swap3A_1226 = tpu.vector_load %arg7[%swap3A_1223, %swap3A_1224, %swap3A_1225] {strides = array<i32>} : memref<2x128x128xf32, #tpu.memory_space<vmem>>, vector<16xf32>,
        tpu.vector_store %arg7[%swap3A_1223, %swap3A_1224, %swap3A_1225], %get3A_1219 {strides = array<i32>} : memref<2x128x128xf32, #tpu.memory_space<vmem>>, vector<16xf32>,
        %mul3A_1227 = arith.constant 8 : i32
        %mul3A_1228 = arith.muli %scan3A_508, %mul3A_1227 : i32
        %add3A_1229 = arith.constant 0 : i32
        %add3A_1230 = arith.addi %mul3A_1228, %add3A_1229 : i32
        %get3A_1231 = arith.constant 1 : i32
        %get3A_1232 = arith.constant 5 : i32
        %get3A_1233 = arith.index_cast %get3A_1231 : i32 to index
        %get3A_1234 = arith.index_cast %get3A_1232 : i32 to index
        %get3A_1235 = arith.index_cast %add3A_1230 : i32 to index
        %get3A_1236 = arith.constant 0 : index
        %get3A_1237 = tpu.vector_load %arg6[%get3A_1233, %get3A_1234, %get3A_1235, %get3A_1236] {strides = array<i32>} : memref<2x8x128x16xf32, #tpu.memory_space<vmem>>, vector<16xf32>,
        %add3A_1238 = arith.constant 80 : i32
        %add3A_1239 = arith.addi %add3A_1238, %scan3A_508 : i32
        %swap3A_1240 = arith.constant 1 : i32
        %swap3A_1241 = arith.index_cast %swap3A_1240 : i32 to index
        %swap3A_1242 = arith.index_cast %add3A_1239 : i32 to index
        %swap3A_1243 = arith.constant 0 : index
        %swap3A_1244 = tpu.vector_load %arg7[%swap3A_1241, %swap3A_1242, %swap3A_1243] {strides = array<i32>} : memref<2x128x128xf32, #tpu.memory_space<vmem>>, vector<16xf32>,
        tpu.vector_store %arg7[%swap3A_1241, %swap3A_1242, %swap3A_1243], %get3A_1237 {strides = array<i32>} : memref<2x128x128xf32, #tpu.memory_space<vmem>>, vector<16xf32>,
        %mul3A_1245 = arith.constant 8 : i32
        %mul3A_1246 = arith.muli %scan3A_508, %mul3A_1245 : i32
        %add3A_1247 = arith.constant 1 : i32
        %add3A_1248 = arith.addi %mul3A_1246, %add3A_1247 : i32
        %get3A_1249 = arith.constant 1 : i32
        %get3A_1250 = arith.constant 5 : i32
        %get3A_1251 = arith.index_cast %get3A_1249 : i32 to index
        %get3A_1252 = arith.index_cast %get3A_1250 : i32 to index
        %get3A_1253 = arith.index_cast %add3A_1248 : i32 to index
        %get3A_1254 = arith.constant 0 : index
        %get3A_1255 = tpu.vector_load %arg6[%get3A_1251, %get3A_1252, %get3A_1253, %get3A_1254] {strides = array<i32>} : memref<2x8x128x16xf32, #tpu.memory_space<vmem>>, vector<16xf32>,
        %add3A_1256 = arith.constant 80 : i32
        %add3A_1257 = arith.addi %add3A_1256, %scan3A_508 : i32
        %swap3A_1258 = arith.constant 1 : i32
        %swap3A_1259 = arith.index_cast %swap3A_1258 : i32 to index
        %swap3A_1260 = arith.index_cast %add3A_1257 : i32 to index
        %swap3A_1261 = arith.constant 16 : index
        %swap3A_1262 = tpu.vector_load %arg7[%swap3A_1259, %swap3A_1260, %swap3A_1261] {strides = array<i32>} : memref<2x128x128xf32, #tpu.memory_space<vmem>>, vector<16xf32>,
        tpu.vector_store %arg7[%swap3A_1259, %swap3A_1260, %swap3A_1261], %get3A_1255 {strides = array<i32>} : memref<2x128x128xf32, #tpu.memory_space<vmem>>, vector<16xf32>,
        %mul3A_1263 = arith.constant 8 : i32
        %mul3A_1264 = arith.muli %scan3A_508, %mul3A_1263 : i32
        %add3A_1265 = arith.constant 2 : i32
        %add3A_1266 = arith.addi %mul3A_1264, %add3A_1265 : i32
        %get3A_1267 = arith.constant 1 : i32
        %get3A_1268 = arith.constant 5 : i32
        %get3A_1269 = arith.index_cast %get3A_1267 : i32 to index
        %get3A_1270 = arith.index_cast %get3A_1268 : i32 to index
        %get3A_1271 = arith.index_cast %add3A_1266 : i32 to index
        %get3A_1272 = arith.constant 0 : index
        %get3A_1273 = tpu.vector_load %arg6[%get3A_1269, %get3A_1270, %get3A_1271, %get3A_1272] {strides = array<i32>} : memref<2x8x128x16xf32, #tpu.memory_space<vmem>>, vector<16xf32>,
        %add3A_1274 = arith.constant 80 : i32
        %add3A_1275 = arith.addi %add3A_1274, %scan3A_508 : i32
        %swap3A_1276 = arith.constant 1 : i32
        %swap3A_1277 = arith.index_cast %swap3A_1276 : i32 to index
        %swap3A_1278 = arith.index_cast %add3A_1275 : i32 to index
        %swap3A_1279 = arith.constant 32 : index
        %swap3A_1280 = tpu.vector_load %arg7[%swap3A_1277, %swap3A_1278, %swap3A_1279] {strides = array<i32>} : memref<2x128x128xf32, #tpu.memory_space<vmem>>, vector<16xf32>,
        tpu.vector_store %arg7[%swap3A_1277, %swap3A_1278, %swap3A_1279], %get3A_1273 {strides = array<i32>} : memref<2x128x128xf32, #tpu.memory_space<vmem>>, vector<16xf32>,
        %mul3A_1281 = arith.constant 8 : i32
        %mul3A_1282 = arith.muli %scan3A_508, %mul3A_1281 : i32
        %add3A_1283 = arith.constant 3 : i32
        %add3A_1284 = arith.addi %mul3A_1282, %add3A_1283 : i32
        %get3A_1285 = arith.constant 1 : i32
        %get3A_1286 = arith.constant 5 : i32
        %get3A_1287 = arith.index_cast %get3A_1285 : i32 to index
        %get3A_1288 = arith.index_cast %get3A_1286 : i32 to index
        %get3A_1289 = arith.index_cast %add3A_1284 : i32 to index
        %get3A_1290 = arith.constant 0 : index
        %get3A_1291 = tpu.vector_load %arg6[%get3A_1287, %get3A_1288, %get3A_1289, %get3A_1290] {strides = array<i32>} : memref<2x8x128x16xf32, #tpu.memory_space<vmem>>, vector<16xf32>,
        %add3A_1292 = arith.constant 80 : i32
        %add3A_1293 = arith.addi %add3A_1292, %scan3A_508 : i32
        %swap3A_1294 = arith.constant 1 : i32
        %swap3A_1295 = arith.index_cast %swap3A_1294 : i32 to index
        %swap3A_1296 = arith.index_cast %add3A_1293 : i32 to index
        %swap3A_1297 = arith.constant 48 : index
        %swap3A_1298 = tpu.vector_load %arg7[%swap3A_1295, %swap3A_1296, %swap3A_1297] {strides = array<i32>} : memref<2x128x128xf32, #tpu.memory_space<vmem>>, vector<16xf32>,
        tpu.vector_store %arg7[%swap3A_1295, %swap3A_1296, %swap3A_1297], %get3A_1291 {strides = array<i32>} : memref<2x128x128xf32, #tpu.memory_space<vmem>>, vector<16xf32>,
        %mul3A_1299 = arith.constant 8 : i32
        %mul3A_1300 = arith.muli %scan3A_508, %mul3A_1299 : i32
        %add3A_1301 = arith.constant 4 : i32
        %add3A_1302 = arith.addi %mul3A_1300, %add3A_1301 : i32
        %get3A_1303 = arith.constant 1 : i32
        %get3A_1304 = arith.constant 5 : i32
        %get3A_1305 = arith.index_cast %get3A_1303 : i32 to index
        %get3A_1306 = arith.index_cast %get3A_1304 : i32 to index
        %get3A_1307 = arith.index_cast %add3A_1302 : i32 to index
        %get3A_1308 = arith.constant 0 : index
        %get3A_1309 = tpu.vector_load %arg6[%get3A_1305, %get3A_1306, %get3A_1307, %get3A_1308] {strides = array<i32>} : memref<2x8x128x16xf32, #tpu.memory_space<vmem>>, vector<16xf32>,
        %add3A_1310 = arith.constant 80 : i32
        %add3A_1311 = arith.addi %add3A_1310, %scan3A_508 : i32
        %swap3A_1312 = arith.constant 1 : i32
        %swap3A_1313 = arith.index_cast %swap3A_1312 : i32 to index
        %swap3A_1314 = arith.index_cast %add3A_1311 : i32 to index
        %swap3A_1315 = arith.constant 64 : index
        %swap3A_1316 = tpu.vector_load %arg7[%swap3A_1313, %swap3A_1314, %swap3A_1315] {strides = array<i32>} : memref<2x128x128xf32, #tpu.memory_space<vmem>>, vector<16xf32>,
        tpu.vector_store %arg7[%swap3A_1313, %swap3A_1314, %swap3A_1315], %get3A_1309 {strides = array<i32>} : memref<2x128x128xf32, #tpu.memory_space<vmem>>, vector<16xf32>,
        %mul3A_1317 = arith.constant 8 : i32
        %mul3A_1318 = arith.muli %scan3A_508, %mul3A_1317 : i32
        %add3A_1319 = arith.constant 5 : i32
        %add3A_1320 = arith.addi %mul3A_1318, %add3A_1319 : i32
        %get3A_1321 = arith.constant 1 : i32
        %get3A_1322 = arith.constant 5 : i32
        %get3A_1323 = arith.index_cast %get3A_1321 : i32 to index
        %get3A_1324 = arith.index_cast %get3A_1322 : i32 to index
        %get3A_1325 = arith.index_cast %add3A_1320 : i32 to index
        %get3A_1326 = arith.constant 0 : index
        %get3A_1327 = tpu.vector_load %arg6[%get3A_1323, %get3A_1324, %get3A_1325, %get3A_1326] {strides = array<i32>} : memref<2x8x128x16xf32, #tpu.memory_space<vmem>>, vector<16xf32>,
        %add3A_1328 = arith.constant 80 : i32
        %add3A_1329 = arith.addi %add3A_1328, %scan3A_508 : i32
        %swap3A_1330 = arith.constant 1 : i32
        %swap3A_1331 = arith.index_cast %swap3A_1330 : i32 to index
        %swap3A_1332 = arith.index_cast %add3A_1329 : i32 to index
        %swap3A_1333 = arith.constant 80 : index
        %swap3A_1334 = tpu.vector_load %arg7[%swap3A_1331, %swap3A_1332, %swap3A_1333] {strides = array<i32>} : memref<2x128x128xf32, #tpu.memory_space<vmem>>, vector<16xf32>,
        tpu.vector_store %arg7[%swap3A_1331, %swap3A_1332, %swap3A_1333], %get3A_1327 {strides = array<i32>} : memref<2x128x128xf32, #tpu.memory_space<vmem>>, vector<16xf32>,
        %mul3A_1335 = arith.constant 8 : i32
        %mul3A_1336 = arith.muli %scan3A_508, %mul3A_1335 : i32
        %add3A_1337 = arith.constant 6 : i32
        %add3A_1338 = arith.addi %mul3A_1336, %add3A_1337 : i32
        %get3A_1339 = arith.constant 1 : i32
        %get3A_1340 = arith.constant 5 : i32
        %get3A_1341 = arith.index_cast %get3A_1339 : i32 to index
        %get3A_1342 = arith.index_cast %get3A_1340 : i32 to index
        %get3A_1343 = arith.index_cast %add3A_1338 : i32 to index
        %get3A_1344 = arith.constant 0 : index
        %get3A_1345 = tpu.vector_load %arg6[%get3A_1341, %get3A_1342, %get3A_1343, %get3A_1344] {strides = array<i32>} : memref<2x8x128x16xf32, #tpu.memory_space<vmem>>, vector<16xf32>,
        %add3A_1346 = arith.constant 80 : i32
        %add3A_1347 = arith.addi %add3A_1346, %scan3A_508 : i32
        %swap3A_1348 = arith.constant 1 : i32
        %swap3A_1349 = arith.index_cast %swap3A_1348 : i32 to index
        %swap3A_1350 = arith.index_cast %add3A_1347 : i32 to index
        %swap3A_1351 = arith.constant 96 : index
        %swap3A_1352 = tpu.vector_load %arg7[%swap3A_1349, %swap3A_1350, %swap3A_1351] {strides = array<i32>} : memref<2x128x128xf32, #tpu.memory_space<vmem>>, vector<16xf32>,
        tpu.vector_store %arg7[%swap3A_1349, %swap3A_1350, %swap3A_1351], %get3A_1345 {strides = array<i32>} : memref<2x128x128xf32, #tpu.memory_space<vmem>>, vector<16xf32>,
        %mul3A_1353 = arith.constant 8 : i32
        %mul3A_1354 = arith.muli %scan3A_508, %mul3A_1353 : i32
        %add3A_1355 = arith.constant 7 : i32
        %add3A_1356 = arith.addi %mul3A_1354, %add3A_1355 : i32
        %get3A_1357 = arith.constant 1 : i32
        %get3A_1358 = arith.constant 5 : i32
        %get3A_1359 = arith.index_cast %get3A_1357 : i32 to index
        %get3A_1360 = arith.index_cast %get3A_1358 : i32 to index
        %get3A_1361 = arith.index_cast %add3A_1356 : i32 to index
        %get3A_1362 = arith.constant 0 : index
        %get3A_1363 = tpu.vector_load %arg6[%get3A_1359, %get3A_1360, %get3A_1361, %get3A_1362] {strides = array<i32>} : memref<2x8x128x16xf32, #tpu.memory_space<vmem>>, vector<16xf32>,
        %add3A_1364 = arith.constant 80 : i32
        %add3A_1365 = arith.addi %add3A_1364, %scan3A_508 : i32
        %swap3A_1366 = arith.constant 1 : i32
        %swap3A_1367 = arith.index_cast %swap3A_1366 : i32 to index
        %swap3A_1368 = arith.index_cast %add3A_1365 : i32 to index
        %swap3A_1369 = arith.constant 112 : index
        %swap3A_1370 = tpu.vector_load %arg7[%swap3A_1367, %swap3A_1368, %swap3A_1369] {strides = array<i32>} : memref<2x128x128xf32, #tpu.memory_space<vmem>>, vector<16xf32>,
        tpu.vector_store %arg7[%swap3A_1367, %swap3A_1368, %swap3A_1369], %get3A_1363 {strides = array<i32>} : memref<2x128x128xf32, #tpu.memory_space<vmem>>, vector<16xf32>,
        %mul3A_1371 = arith.constant 8 : i32
        %mul3A_1372 = arith.muli %scan3A_508, %mul3A_1371 : i32
        %add3A_1373 = arith.constant 0 : i32
        %add3A_1374 = arith.addi %mul3A_1372, %add3A_1373 : i32
        %get3A_1375 = arith.constant 1 : i32
        %get3A_1376 = arith.constant 6 : i32
        %get3A_1377 = arith.index_cast %get3A_1375 : i32 to index
        %get3A_1378 = arith.index_cast %get3A_1376 : i32 to index
        %get3A_1379 = arith.index_cast %add3A_1374 : i32 to index
        %get3A_1380 = arith.constant 0 : index
        %get3A_1381 = tpu.vector_load %arg6[%get3A_1377, %get3A_1378, %get3A_1379, %get3A_1380] {strides = array<i32>} : memref<2x8x128x16xf32, #tpu.memory_space<vmem>>, vector<16xf32>,
        %add3A_1382 = arith.constant 96 : i32
        %add3A_1383 = arith.addi %add3A_1382, %scan3A_508 : i32
        %swap3A_1384 = arith.constant 1 : i32
        %swap3A_1385 = arith.index_cast %swap3A_1384 : i32 to index
        %swap3A_1386 = arith.index_cast %add3A_1383 : i32 to index
        %swap3A_1387 = arith.constant 0 : index
        %swap3A_1388 = tpu.vector_load %arg7[%swap3A_1385, %swap3A_1386, %swap3A_1387] {strides = array<i32>} : memref<2x128x128xf32, #tpu.memory_space<vmem>>, vector<16xf32>,
        tpu.vector_store %arg7[%swap3A_1385, %swap3A_1386, %swap3A_1387], %get3A_1381 {strides = array<i32>} : memref<2x128x128xf32, #tpu.memory_space<vmem>>, vector<16xf32>,
        %mul3A_1389 = arith.constant 8 : i32
        %mul3A_1390 = arith.muli %scan3A_508, %mul3A_1389 : i32
        %add3A_1391 = arith.constant 1 : i32
        %add3A_1392 = arith.addi %mul3A_1390, %add3A_1391 : i32
        %get3A_1393 = arith.constant 1 : i32
        %get3A_1394 = arith.constant 6 : i32
        %get3A_1395 = arith.index_cast %get3A_1393 : i32 to index
        %get3A_1396 = arith.index_cast %get3A_1394 : i32 to index
        %get3A_1397 = arith.index_cast %add3A_1392 : i32 to index
        %get3A_1398 = arith.constant 0 : index
        %get3A_1399 = tpu.vector_load %arg6[%get3A_1395, %get3A_1396, %get3A_1397, %get3A_1398] {strides = array<i32>} : memref<2x8x128x16xf32, #tpu.memory_space<vmem>>, vector<16xf32>,
        %add3A_1400 = arith.constant 96 : i32
        %add3A_1401 = arith.addi %add3A_1400, %scan3A_508 : i32
        %swap3A_1402 = arith.constant 1 : i32
        %swap3A_1403 = arith.index_cast %swap3A_1402 : i32 to index
        %swap3A_1404 = arith.index_cast %add3A_1401 : i32 to index
        %swap3A_1405 = arith.constant 16 : index
        %swap3A_1406 = tpu.vector_load %arg7[%swap3A_1403, %swap3A_1404, %swap3A_1405] {strides = array<i32>} : memref<2x128x128xf32, #tpu.memory_space<vmem>>, vector<16xf32>,
        tpu.vector_store %arg7[%swap3A_1403, %swap3A_1404, %swap3A_1405], %get3A_1399 {strides = array<i32>} : memref<2x128x128xf32, #tpu.memory_space<vmem>>, vector<16xf32>,
        %mul3A_1407 = arith.constant 8 : i32
        %mul3A_1408 = arith.muli %scan3A_508, %mul3A_1407 : i32
        %add3A_1409 = arith.constant 2 : i32
        %add3A_1410 = arith.addi %mul3A_1408, %add3A_1409 : i32
        %get3A_1411 = arith.constant 1 : i32
        %get3A_1412 = arith.constant 6 : i32
        %get3A_1413 = arith.index_cast %get3A_1411 : i32 to index
        %get3A_1414 = arith.index_cast %get3A_1412 : i32 to index
        %get3A_1415 = arith.index_cast %add3A_1410 : i32 to index
        %get3A_1416 = arith.constant 0 : index
        %get3A_1417 = tpu.vector_load %arg6[%get3A_1413, %get3A_1414, %get3A_1415, %get3A_1416] {strides = array<i32>} : memref<2x8x128x16xf32, #tpu.memory_space<vmem>>, vector<16xf32>,
        %add3A_1418 = arith.constant 96 : i32
        %add3A_1419 = arith.addi %add3A_1418, %scan3A_508 : i32
        %swap3A_1420 = arith.constant 1 : i32
        %swap3A_1421 = arith.index_cast %swap3A_1420 : i32 to index
        %swap3A_1422 = arith.index_cast %add3A_1419 : i32 to index
        %swap3A_1423 = arith.constant 32 : index
        %swap3A_1424 = tpu.vector_load %arg7[%swap3A_1421, %swap3A_1422, %swap3A_1423] {strides = array<i32>} : memref<2x128x128xf32, #tpu.memory_space<vmem>>, vector<16xf32>,
        tpu.vector_store %arg7[%swap3A_1421, %swap3A_1422, %swap3A_1423], %get3A_1417 {strides = array<i32>} : memref<2x128x128xf32, #tpu.memory_space<vmem>>, vector<16xf32>,
        %mul3A_1425 = arith.constant 8 : i32
        %mul3A_1426 = arith.muli %scan3A_508, %mul3A_1425 : i32
        %add3A_1427 = arith.constant 3 : i32
        %add3A_1428 = arith.addi %mul3A_1426, %add3A_1427 : i32
        %get3A_1429 = arith.constant 1 : i32
        %get3A_1430 = arith.constant 6 : i32
        %get3A_1431 = arith.index_cast %get3A_1429 : i32 to index
        %get3A_1432 = arith.index_cast %get3A_1430 : i32 to index
        %get3A_1433 = arith.index_cast %add3A_1428 : i32 to index
        %get3A_1434 = arith.constant 0 : index
        %get3A_1435 = tpu.vector_load %arg6[%get3A_1431, %get3A_1432, %get3A_1433, %get3A_1434] {strides = array<i32>} : memref<2x8x128x16xf32, #tpu.memory_space<vmem>>, vector<16xf32>,
        %add3A_1436 = arith.constant 96 : i32
        %add3A_1437 = arith.addi %add3A_1436, %scan3A_508 : i32
        %swap3A_1438 = arith.constant 1 : i32
        %swap3A_1439 = arith.index_cast %swap3A_1438 : i32 to index
        %swap3A_1440 = arith.index_cast %add3A_1437 : i32 to index
        %swap3A_1441 = arith.constant 48 : index
        %swap3A_1442 = tpu.vector_load %arg7[%swap3A_1439, %swap3A_1440, %swap3A_1441] {strides = array<i32>} : memref<2x128x128xf32, #tpu.memory_space<vmem>>, vector<16xf32>,
        tpu.vector_store %arg7[%swap3A_1439, %swap3A_1440, %swap3A_1441], %get3A_1435 {strides = array<i32>} : memref<2x128x128xf32, #tpu.memory_space<vmem>>, vector<16xf32>,
        %mul3A_1443 = arith.constant 8 : i32
        %mul3A_1444 = arith.muli %scan3A_508, %mul3A_1443 : i32
        %add3A_1445 = arith.constant 4 : i32
        %add3A_1446 = arith.addi %mul3A_1444, %add3A_1445 : i32
        %get3A_1447 = arith.constant 1 : i32
        %get3A_1448 = arith.constant 6 : i32
        %get3A_1449 = arith.index_cast %get3A_1447 : i32 to index
        %get3A_1450 = arith.index_cast %get3A_1448 : i32 to index
        %get3A_1451 = arith.index_cast %add3A_1446 : i32 to index
        %get3A_1452 = arith.constant 0 : index
        %get3A_1453 = tpu.vector_load %arg6[%get3A_1449, %get3A_1450, %get3A_1451, %get3A_1452] {strides = array<i32>} : memref<2x8x128x16xf32, #tpu.memory_space<vmem>>, vector<16xf32>,
        %add3A_1454 = arith.constant 96 : i32
        %add3A_1455 = arith.addi %add3A_1454, %scan3A_508 : i32
        %swap3A_1456 = arith.constant 1 : i32
        %swap3A_1457 = arith.index_cast %swap3A_1456 : i32 to index
        %swap3A_1458 = arith.index_cast %add3A_1455 : i32 to index
        %swap3A_1459 = arith.constant 64 : index
        %swap3A_1460 = tpu.vector_load %arg7[%swap3A_1457, %swap3A_1458, %swap3A_1459] {strides = array<i32>} : memref<2x128x128xf32, #tpu.memory_space<vmem>>, vector<16xf32>,
        tpu.vector_store %arg7[%swap3A_1457, %swap3A_1458, %swap3A_1459], %get3A_1453 {strides = array<i32>} : memref<2x128x128xf32, #tpu.memory_space<vmem>>, vector<16xf32>,
        %mul3A_1461 = arith.constant 8 : i32
        %mul3A_1462 = arith.muli %scan3A_508, %mul3A_1461 : i32
        %add3A_1463 = arith.constant 5 : i32
        %add3A_1464 = arith.addi %mul3A_1462, %add3A_1463 : i32
        %get3A_1465 = arith.constant 1 : i32
        %get3A_1466 = arith.constant 6 : i32
        %get3A_1467 = arith.index_cast %get3A_1465 : i32 to index
        %get3A_1468 = arith.index_cast %get3A_1466 : i32 to index
        %get3A_1469 = arith.index_cast %add3A_1464 : i32 to index
        %get3A_1470 = arith.constant 0 : index
        %get3A_1471 = tpu.vector_load %arg6[%get3A_1467, %get3A_1468, %get3A_1469, %get3A_1470] {strides = array<i32>} : memref<2x8x128x16xf32, #tpu.memory_space<vmem>>, vector<16xf32>,
        %add3A_1472 = arith.constant 96 : i32
        %add3A_1473 = arith.addi %add3A_1472, %scan3A_508 : i32
        %swap3A_1474 = arith.constant 1 : i32
        %swap3A_1475 = arith.index_cast %swap3A_1474 : i32 to index
        %swap3A_1476 = arith.index_cast %add3A_1473 : i32 to index
        %swap3A_1477 = arith.constant 80 : index
        %swap3A_1478 = tpu.vector_load %arg7[%swap3A_1475, %swap3A_1476, %swap3A_1477] {strides = array<i32>} : memref<2x128x128xf32, #tpu.memory_space<vmem>>, vector<16xf32>,
        tpu.vector_store %arg7[%swap3A_1475, %swap3A_1476, %swap3A_1477], %get3A_1471 {strides = array<i32>} : memref<2x128x128xf32, #tpu.memory_space<vmem>>, vector<16xf32>,
        %mul3A_1479 = arith.constant 8 : i32
        %mul3A_1480 = arith.muli %scan3A_508, %mul3A_1479 : i32
        %add3A_1481 = arith.constant 6 : i32
        %add3A_1482 = arith.addi %mul3A_1480, %add3A_1481 : i32
        %get3A_1483 = arith.constant 1 : i32
        %get3A_1484 = arith.constant 6 : i32
        %get3A_1485 = arith.index_cast %get3A_1483 : i32 to index
        %get3A_1486 = arith.index_cast %get3A_1484 : i32 to index
        %get3A_1487 = arith.index_cast %add3A_1482 : i32 to index
        %get3A_1488 = arith.constant 0 : index
        %get3A_1489 = tpu.vector_load %arg6[%get3A_1485, %get3A_1486, %get3A_1487, %get3A_1488] {strides = array<i32>} : memref<2x8x128x16xf32, #tpu.memory_space<vmem>>, vector<16xf32>,
        %add3A_1490 = arith.constant 96 : i32
        %add3A_1491 = arith.addi %add3A_1490, %scan3A_508 : i32
        %swap3A_1492 = arith.constant 1 : i32
        %swap3A_1493 = arith.index_cast %swap3A_1492 : i32 to index
        %swap3A_1494 = arith.index_cast %add3A_1491 : i32 to index
        %swap3A_1495 = arith.constant 96 : index
        %swap3A_1496 = tpu.vector_load %arg7[%swap3A_1493, %swap3A_1494, %swap3A_1495] {strides = array<i32>} : memref<2x128x128xf32, #tpu.memory_space<vmem>>, vector<16xf32>,
        tpu.vector_store %arg7[%swap3A_1493, %swap3A_1494, %swap3A_1495], %get3A_1489 {strides = array<i32>} : memref<2x128x128xf32, #tpu.memory_space<vmem>>, vector<16xf32>,
        %mul3A_1497 = arith.constant 8 : i32
        %mul3A_1498 = arith.muli %scan3A_508, %mul3A_1497 : i32
        %add3A_1499 = arith.constant 7 : i32
        %add3A_1500 = arith.addi %mul3A_1498, %add3A_1499 : i32
        %get3A_1501 = arith.constant 1 : i32
        %get3A_1502 = arith.constant 6 : i32
        %get3A_1503 = arith.index_cast %get3A_1501 : i32 to index
        %get3A_1504 = arith.index_cast %get3A_1502 : i32 to index
        %get3A_1505 = arith.index_cast %add3A_1500 : i32 to index
        %get3A_1506 = arith.constant 0 : index
        %get3A_1507 = tpu.vector_load %arg6[%get3A_1503, %get3A_1504, %get3A_1505, %get3A_1506] {strides = array<i32>} : memref<2x8x128x16xf32, #tpu.memory_space<vmem>>, vector<16xf32>,
        %add3A_1508 = arith.constant 96 : i32
        %add3A_1509 = arith.addi %add3A_1508, %scan3A_508 : i32
        %swap3A_1510 = arith.constant 1 : i32
        %swap3A_1511 = arith.index_cast %swap3A_1510 : i32 to index
        %swap3A_1512 = arith.index_cast %add3A_1509 : i32 to index
        %swap3A_1513 = arith.constant 112 : index
        %swap3A_1514 = tpu.vector_load %arg7[%swap3A_1511, %swap3A_1512, %swap3A_1513] {strides = array<i32>} : memref<2x128x128xf32, #tpu.memory_space<vmem>>, vector<16xf32>,
        tpu.vector_store %arg7[%swap3A_1511, %swap3A_1512, %swap3A_1513], %get3A_1507 {strides = array<i32>} : memref<2x128x128xf32, #tpu.memory_space<vmem>>, vector<16xf32>,
        %mul3A_1515 = arith.constant 8 : i32
        %mul3A_1516 = arith.muli %scan3A_508, %mul3A_1515 : i32
        %add3A_1517 = arith.constant 0 : i32
        %add3A_1518 = arith.addi %mul3A_1516, %add3A_1517 : i32
        %get3A_1519 = arith.constant 1 : i32
        %get3A_1520 = arith.constant 7 : i32
        %get3A_1521 = arith.index_cast %get3A_1519 : i32 to index
        %get3A_1522 = arith.index_cast %get3A_1520 : i32 to index
        %get3A_1523 = arith.index_cast %add3A_1518 : i32 to index
        %get3A_1524 = arith.constant 0 : index
        %get3A_1525 = tpu.vector_load %arg6[%get3A_1521, %get3A_1522, %get3A_1523, %get3A_1524] {strides = array<i32>} : memref<2x8x128x16xf32, #tpu.memory_space<vmem>>, vector<16xf32>,
        %add3A_1526 = arith.constant 112 : i32
        %add3A_1527 = arith.addi %add3A_1526, %scan3A_508 : i32
        %swap3A_1528 = arith.constant 1 : i32
        %swap3A_1529 = arith.index_cast %swap3A_1528 : i32 to index
        %swap3A_1530 = arith.index_cast %add3A_1527 : i32 to index
        %swap3A_1531 = arith.constant 0 : index
        %swap3A_1532 = tpu.vector_load %arg7[%swap3A_1529, %swap3A_1530, %swap3A_1531] {strides = array<i32>} : memref<2x128x128xf32, #tpu.memory_space<vmem>>, vector<16xf32>,
        tpu.vector_store %arg7[%swap3A_1529, %swap3A_1530, %swap3A_1531], %get3A_1525 {strides = array<i32>} : memref<2x128x128xf32, #tpu.memory_space<vmem>>, vector<16xf32>,
        %mul3A_1533 = arith.constant 8 : i32
        %mul3A_1534 = arith.muli %scan3A_508, %mul3A_1533 : i32
        %add3A_1535 = arith.constant 1 : i32
        %add3A_1536 = arith.addi %mul3A_1534, %add3A_1535 : i32
        %get3A_1537 = arith.constant 1 : i32
        %get3A_1538 = arith.constant 7 : i32
        %get3A_1539 = arith.index_cast %get3A_1537 : i32 to index
        %get3A_1540 = arith.index_cast %get3A_1538 : i32 to index
        %get3A_1541 = arith.index_cast %add3A_1536 : i32 to index
        %get3A_1542 = arith.constant 0 : index
        %get3A_1543 = tpu.vector_load %arg6[%get3A_1539, %get3A_1540, %get3A_1541, %get3A_1542] {strides = array<i32>} : memref<2x8x128x16xf32, #tpu.memory_space<vmem>>, vector<16xf32>,
        %add3A_1544 = arith.constant 112 : i32
        %add3A_1545 = arith.addi %add3A_1544, %scan3A_508 : i32
        %swap3A_1546 = arith.constant 1 : i32
        %swap3A_1547 = arith.index_cast %swap3A_1546 : i32 to index
        %swap3A_1548 = arith.index_cast %add3A_1545 : i32 to index
        %swap3A_1549 = arith.constant 16 : index
        %swap3A_1550 = tpu.vector_load %arg7[%swap3A_1547, %swap3A_1548, %swap3A_1549] {strides = array<i32>} : memref<2x128x128xf32, #tpu.memory_space<vmem>>, vector<16xf32>,
        tpu.vector_store %arg7[%swap3A_1547, %swap3A_1548, %swap3A_1549], %get3A_1543 {strides = array<i32>} : memref<2x128x128xf32, #tpu.memory_space<vmem>>, vector<16xf32>,
        %mul3A_1551 = arith.constant 8 : i32
        %mul3A_1552 = arith.muli %scan3A_508, %mul3A_1551 : i32
        %add3A_1553 = arith.constant 2 : i32
        %add3A_1554 = arith.addi %mul3A_1552, %add3A_1553 : i32
        %get3A_1555 = arith.constant 1 : i32
        %get3A_1556 = arith.constant 7 : i32
        %get3A_1557 = arith.index_cast %get3A_1555 : i32 to index
        %get3A_1558 = arith.index_cast %get3A_1556 : i32 to index
        %get3A_1559 = arith.index_cast %add3A_1554 : i32 to index
        %get3A_1560 = arith.constant 0 : index
        %get3A_1561 = tpu.vector_load %arg6[%get3A_1557, %get3A_1558, %get3A_1559, %get3A_1560] {strides = array<i32>} : memref<2x8x128x16xf32, #tpu.memory_space<vmem>>, vector<16xf32>,
        %add3A_1562 = arith.constant 112 : i32
        %add3A_1563 = arith.addi %add3A_1562, %scan3A_508 : i32
        %swap3A_1564 = arith.constant 1 : i32
        %swap3A_1565 = arith.index_cast %swap3A_1564 : i32 to index
        %swap3A_1566 = arith.index_cast %add3A_1563 : i32 to index
        %swap3A_1567 = arith.constant 32 : index
        %swap3A_1568 = tpu.vector_load %arg7[%swap3A_1565, %swap3A_1566, %swap3A_1567] {strides = array<i32>} : memref<2x128x128xf32, #tpu.memory_space<vmem>>, vector<16xf32>,
        tpu.vector_store %arg7[%swap3A_1565, %swap3A_1566, %swap3A_1567], %get3A_1561 {strides = array<i32>} : memref<2x128x128xf32, #tpu.memory_space<vmem>>, vector<16xf32>,
        %mul3A_1569 = arith.constant 8 : i32
        %mul3A_1570 = arith.muli %scan3A_508, %mul3A_1569 : i32
        %add3A_1571 = arith.constant 3 : i32
        %add3A_1572 = arith.addi %mul3A_1570, %add3A_1571 : i32
        %get3A_1573 = arith.constant 1 : i32
        %get3A_1574 = arith.constant 7 : i32
        %get3A_1575 = arith.index_cast %get3A_1573 : i32 to index
        %get3A_1576 = arith.index_cast %get3A_1574 : i32 to index
        %get3A_1577 = arith.index_cast %add3A_1572 : i32 to index
        %get3A_1578 = arith.constant 0 : index
        %get3A_1579 = tpu.vector_load %arg6[%get3A_1575, %get3A_1576, %get3A_1577, %get3A_1578] {strides = array<i32>} : memref<2x8x128x16xf32, #tpu.memory_space<vmem>>, vector<16xf32>,
        %add3A_1580 = arith.constant 112 : i32
        %add3A_1581 = arith.addi %add3A_1580, %scan3A_508 : i32
        %swap3A_1582 = arith.constant 1 : i32
        %swap3A_1583 = arith.index_cast %swap3A_1582 : i32 to index
        %swap3A_1584 = arith.index_cast %add3A_1581 : i32 to index
        %swap3A_1585 = arith.constant 48 : index
        %swap3A_1586 = tpu.vector_load %arg7[%swap3A_1583, %swap3A_1584, %swap3A_1585] {strides = array<i32>} : memref<2x128x128xf32, #tpu.memory_space<vmem>>, vector<16xf32>,
        tpu.vector_store %arg7[%swap3A_1583, %swap3A_1584, %swap3A_1585], %get3A_1579 {strides = array<i32>} : memref<2x128x128xf32, #tpu.memory_space<vmem>>, vector<16xf32>,
        %mul3A_1587 = arith.constant 8 : i32
        %mul3A_1588 = arith.muli %scan3A_508, %mul3A_1587 : i32
        %add3A_1589 = arith.constant 4 : i32
        %add3A_1590 = arith.addi %mul3A_1588, %add3A_1589 : i32
        %get3A_1591 = arith.constant 1 : i32
        %get3A_1592 = arith.constant 7 : i32
        %get3A_1593 = arith.index_cast %get3A_1591 : i32 to index
        %get3A_1594 = arith.index_cast %get3A_1592 : i32 to index
        %get3A_1595 = arith.index_cast %add3A_1590 : i32 to index
        %get3A_1596 = arith.constant 0 : index
        %get3A_1597 = tpu.vector_load %arg6[%get3A_1593, %get3A_1594, %get3A_1595, %get3A_1596] {strides = array<i32>} : memref<2x8x128x16xf32, #tpu.memory_space<vmem>>, vector<16xf32>,
        %add3A_1598 = arith.constant 112 : i32
        %add3A_1599 = arith.addi %add3A_1598, %scan3A_508 : i32
        %swap3A_1600 = arith.constant 1 : i32
        %swap3A_1601 = arith.index_cast %swap3A_1600 : i32 to index
        %swap3A_1602 = arith.index_cast %add3A_1599 : i32 to index
        %swap3A_1603 = arith.constant 64 : index
        %swap3A_1604 = tpu.vector_load %arg7[%swap3A_1601, %swap3A_1602, %swap3A_1603] {strides = array<i32>} : memref<2x128x128xf32, #tpu.memory_space<vmem>>, vector<16xf32>,
        tpu.vector_store %arg7[%swap3A_1601, %swap3A_1602, %swap3A_1603], %get3A_1597 {strides = array<i32>} : memref<2x128x128xf32, #tpu.memory_space<vmem>>, vector<16xf32>,
        %mul3A_1605 = arith.constant 8 : i32
        %mul3A_1606 = arith.muli %scan3A_508, %mul3A_1605 : i32
        %add3A_1607 = arith.constant 5 : i32
        %add3A_1608 = arith.addi %mul3A_1606, %add3A_1607 : i32
        %get3A_1609 = arith.constant 1 : i32
        %get3A_1610 = arith.constant 7 : i32
        %get3A_1611 = arith.index_cast %get3A_1609 : i32 to index
        %get3A_1612 = arith.index_cast %get3A_1610 : i32 to index
        %get3A_1613 = arith.index_cast %add3A_1608 : i32 to index
        %get3A_1614 = arith.constant 0 : index
        %get3A_1615 = tpu.vector_load %arg6[%get3A_1611, %get3A_1612, %get3A_1613, %get3A_1614] {strides = array<i32>} : memref<2x8x128x16xf32, #tpu.memory_space<vmem>>, vector<16xf32>,
        %add3A_1616 = arith.constant 112 : i32
        %add3A_1617 = arith.addi %add3A_1616, %scan3A_508 : i32
        %swap3A_1618 = arith.constant 1 : i32
        %swap3A_1619 = arith.index_cast %swap3A_1618 : i32 to index
        %swap3A_1620 = arith.index_cast %add3A_1617 : i32 to index
        %swap3A_1621 = arith.constant 80 : index
        %swap3A_1622 = tpu.vector_load %arg7[%swap3A_1619, %swap3A_1620, %swap3A_1621] {strides = array<i32>} : memref<2x128x128xf32, #tpu.memory_space<vmem>>, vector<16xf32>,
        tpu.vector_store %arg7[%swap3A_1619, %swap3A_1620, %swap3A_1621], %get3A_1615 {strides = array<i32>} : memref<2x128x128xf32, #tpu.memory_space<vmem>>, vector<16xf32>,
        %mul3A_1623 = arith.constant 8 : i32
        %mul3A_1624 = arith.muli %scan3A_508, %mul3A_1623 : i32
        %add3A_1625 = arith.constant 6 : i32
        %add3A_1626 = arith.addi %mul3A_1624, %add3A_1625 : i32
        %get3A_1627 = arith.constant 1 : i32
        %get3A_1628 = arith.constant 7 : i32
        %get3A_1629 = arith.index_cast %get3A_1627 : i32 to index
        %get3A_1630 = arith.index_cast %get3A_1628 : i32 to index
        %get3A_1631 = arith.index_cast %add3A_1626 : i32 to index
        %get3A_1632 = arith.constant 0 : index
        %get3A_1633 = tpu.vector_load %arg6[%get3A_1629, %get3A_1630, %get3A_1631, %get3A_1632] {strides = array<i32>} : memref<2x8x128x16xf32, #tpu.memory_space<vmem>>, vector<16xf32>,
        %add3A_1634 = arith.constant 112 : i32
        %add3A_1635 = arith.addi %add3A_1634, %scan3A_508 : i32
        %swap3A_1636 = arith.constant 1 : i32
        %swap3A_1637 = arith.index_cast %swap3A_1636 : i32 to index
        %swap3A_1638 = arith.index_cast %add3A_1635 : i32 to index
        %swap3A_1639 = arith.constant 96 : index
        %swap3A_1640 = tpu.vector_load %arg7[%swap3A_1637, %swap3A_1638, %swap3A_1639] {strides = array<i32>} : memref<2x128x128xf32, #tpu.memory_space<vmem>>, vector<16xf32>,
        tpu.vector_store %arg7[%swap3A_1637, %swap3A_1638, %swap3A_1639], %get3A_1633 {strides = array<i32>} : memref<2x128x128xf32, #tpu.memory_space<vmem>>, vector<16xf32>,
        %mul3A_1641 = arith.constant 8 : i32
        %mul3A_1642 = arith.muli %scan3A_508, %mul3A_1641 : i32
        %add3A_1643 = arith.constant 7 : i32
        %add3A_1644 = arith.addi %mul3A_1642, %add3A_1643 : i32
        %get3A_1645 = arith.constant 1 : i32
        %get3A_1646 = arith.constant 7 : i32
        %get3A_1647 = arith.index_cast %get3A_1645 : i32 to index
        %get3A_1648 = arith.index_cast %get3A_1646 : i32 to index
        %get3A_1649 = arith.index_cast %add3A_1644 : i32 to index
        %get3A_1650 = arith.constant 0 : index
        %get3A_1651 = tpu.vector_load %arg6[%get3A_1647, %get3A_1648, %get3A_1649, %get3A_1650] {strides = array<i32>} : memref<2x8x128x16xf32, #tpu.memory_space<vmem>>, vector<16xf32>,
        %add3A_1652 = arith.constant 112 : i32
        %add3A_1653 = arith.addi %add3A_1652, %scan3A_508 : i32
        %swap3A_1654 = arith.constant 1 : i32
        %swap3A_1655 = arith.index_cast %swap3A_1654 : i32 to index
        %swap3A_1656 = arith.index_cast %add3A_1653 : i32 to index
        %swap3A_1657 = arith.constant 112 : index
        %swap3A_1658 = tpu.vector_load %arg7[%swap3A_1655, %swap3A_1656, %swap3A_1657] {strides = array<i32>} : memref<2x128x128xf32, #tpu.memory_space<vmem>>, vector<16xf32>,
        tpu.vector_store %arg7[%swap3A_1655, %swap3A_1656, %swap3A_1657], %get3A_1651 {strides = array<i32>} : memref<2x128x128xf32, #tpu.memory_space<vmem>>, vector<16xf32>,
      }
      %scan3A_492 = arith.constant 16 : i32
      %mul3A_493 = arith.constant 16 : i32
      %mul3A_494 = arith.muli %add3A_355, %mul3A_493 : i32
      %dma_start3A_495 = arith.constant 1 : i32
      %dma_start3A_496 = arith.constant 0 : i32
      %dma_start3A_497 = arith.constant 0 : i32
      %dma_start3A_498 = tpu.memref_slice %arg7[%dma_start3A_495, %dma_start3A_496, %dma_start3A_497] : memref<2x128x128xf32, #tpu.memory_space<vmem>> -> memref<1x128x128xf32, #tpu.memory_space<vmem>>
      %dma_start3A_499 = tpu.memref_squeeze %dma_start3A_498 : memref<1x128x128xf32, #tpu.memory_space<vmem>> -> memref<128x128xf32, #tpu.memory_space<vmem>>
      %dma_start3A_500 = arith.constant 0 : i32
      %dma_start3A_501 = tpu.memref_slice %arg4[%mul3A_494, %dma_start3A_500] : memref<409600x128xf32, #tpu.memory_space<hbm>> -> memref<128x128xf32, #tpu.memory_space<hbm>>
      %dma_start3A_502 = arith.constant 0 : i32
      %dma_start3A_503 = tpu.memref_slice %arg4[%mul3A_494, %dma_start3A_502] : memref<409600x128xf32, #tpu.memory_space<hbm>> -> memref<128x128xf32, #tpu.memory_space<hbm>>
      %dma_start3A_504 = arith.constant 0 : i32
      %dma_start3A_505 = arith.constant 0 : i32
      %dma_start3A_506 = tpu.memref_slice %arg7[%dma_start3A_495, %dma_start3A_504, %dma_start3A_505] : memref<2x128x128xf32, #tpu.memory_space<vmem>> -> memref<1x128x128xf32, #tpu.memory_space<vmem>>
      %dma_start3A_507 = tpu.memref_squeeze %dma_start3A_506 : memref<1x128x128xf32, #tpu.memory_space<vmem>> -> memref<128x128xf32, #tpu.memory_space<vmem>>
      tpu.enqueue_dma source(%dma_start3A_507 : memref<128x128xf32, #tpu.memory_space<vmem>>) target(%dma_start3A_503 : memref<128x128xf32, #tpu.memory_space<hbm>>) target_semaphore(%arg13 : memref<!tpu.dma_semaphore, #tpu.memory_space<semaphore_mem>>)
    }
    %scan3A_158 = arith.constant 50 : i32
    %add3A_159 = arith.constant 784 : i32
    %add3A_160 = arith.addi %mul3A_2, %add3A_159 : i32
    %mul3A_161 = arith.constant 16 : i32
    %mul3A_162 = arith.muli %add3A_160, %mul3A_161 : i32
    %dma_wait3A_163 = arith.constant 0 : i32
    %dma_wait3A_164 = arith.constant 0 : i32
    %dma_wait3A_165 = arith.constant 0 : i32
    %dma_wait3A_166 = tpu.memref_slice %arg7[%dma_wait3A_163, %dma_wait3A_164, %dma_wait3A_165] : memref<2x128x128xf32, #tpu.memory_space<vmem>> -> memref<1x128x128xf32, #tpu.memory_space<vmem>>
    %dma_wait3A_167 = tpu.memref_squeeze %dma_wait3A_166 : memref<1x128x128xf32, #tpu.memory_space<vmem>> -> memref<128x128xf32, #tpu.memory_space<vmem>>
    %dma_wait3A_168 = arith.constant 0 : i32
    %dma_wait3A_169 = tpu.memref_slice %arg4[%mul3A_162, %dma_wait3A_168] : memref<409600x128xf32, #tpu.memory_space<hbm>> -> memref<128x128xf32, #tpu.memory_space<hbm>>
    %dma_wait3A_170 = arith.constant 0 : i32
    %dma_wait3A_171 = tpu.memref_slice %arg4[%mul3A_162, %dma_wait3A_170] : memref<409600x128xf32, #tpu.memory_space<hbm>> -> memref<128x128xf32, #tpu.memory_space<hbm>>
    %dma_wait3A_172 = arith.constant 0 : i32
    %dma_wait3A_173 = arith.constant 0 : i32
    %dma_wait3A_174 = tpu.memref_slice %arg7[%dma_wait3A_163, %dma_wait3A_172, %dma_wait3A_173] : memref<2x128x128xf32, #tpu.memory_space<vmem>> -> memref<1x128x128xf32, #tpu.memory_space<vmem>>
    %dma_wait3A_175 = tpu.memref_squeeze %dma_wait3A_174 : memref<1x128x128xf32, #tpu.memory_space<vmem>> -> memref<128x128xf32, #tpu.memory_space<vmem>>
    tpu.wait_dma2 semaphore(%arg12 : memref<!tpu.dma_semaphore, #tpu.memory_space<semaphore_mem>>) src(%dma_wait3A_175 : memref<128x128xf32, #tpu.memory_space<vmem>>) dst(%dma_wait3A_171 : memref<128x128xf32, #tpu.memory_space<hbm>>)
    %add3A_176 = arith.constant 792 : i32
    %add3A_177 = arith.addi %mul3A_2, %add3A_176 : i32
    %mul3A_178 = arith.constant 16 : i32
    %mul3A_179 = arith.muli %add3A_177, %mul3A_178 : i32
    %dma_wait3A_180 = arith.constant 1 : i32
    %dma_wait3A_181 = arith.constant 0 : i32
    %dma_wait3A_182 = arith.constant 0 : i32
    %dma_wait3A_183 = tpu.memref_slice %arg7[%dma_wait3A_180, %dma_wait3A_181, %dma_wait3A_182] : memref<2x128x128xf32, #tpu.memory_space<vmem>> -> memref<1x128x128xf32, #tpu.memory_space<vmem>>
    %dma_wait3A_184 = tpu.memref_squeeze %dma_wait3A_183 : memref<1x128x128xf32, #tpu.memory_space<vmem>> -> memref<128x128xf32, #tpu.memory_space<vmem>>
    %dma_wait3A_185 = arith.constant 0 : i32
    %dma_wait3A_186 = tpu.memref_slice %arg4[%mul3A_179, %dma_wait3A_185] : memref<409600x128xf32, #tpu.memory_space<hbm>> -> memref<128x128xf32, #tpu.memory_space<hbm>>
    %dma_wait3A_187 = arith.constant 0 : i32
    %dma_wait3A_188 = tpu.memref_slice %arg4[%mul3A_179, %dma_wait3A_187] : memref<409600x128xf32, #tpu.memory_space<hbm>> -> memref<128x128xf32, #tpu.memory_space<hbm>>
    %dma_wait3A_189 = arith.constant 0 : i32
    %dma_wait3A_190 = arith.constant 0 : i32
    %dma_wait3A_191 = tpu.memref_slice %arg7[%dma_wait3A_180, %dma_wait3A_189, %dma_wait3A_190] : memref<2x128x128xf32, #tpu.memory_space<vmem>> -> memref<1x128x128xf32, #tpu.memory_space<vmem>>
    %dma_wait3A_192 = tpu.memref_squeeze %dma_wait3A_191 : memref<1x128x128xf32, #tpu.memory_space<vmem>> -> memref<128x128xf32, #tpu.memory_space<vmem>>
    tpu.wait_dma2 semaphore(%arg13 : memref<!tpu.dma_semaphore, #tpu.memory_space<semaphore_mem>>) src(%dma_wait3A_192 : memref<128x128xf32, #tpu.memory_space<vmem>>) dst(%dma_wait3A_188 : memref<128x128xf32, #tpu.memory_space<hbm>>)
    return
  }
}

module attributes {stable_mosaic.version = 14 : i64} {
  func.func @_fc_body(%arg0: memref<10000x100xf32, #tpu.memory_space<vmem>>, %arg1: memref<100x16xf32, #tpu.memory_space<vmem>>, %arg2: memref<1x16xf32, #tpu.memory_space<vmem>>, %arg3: memref<10000x16xf32, #tpu.memory_space<vmem>>) attributes {dimension_semantics = [], scalar_prefetch = 0 : i64, scratch_operands = 0 : i64, tpu.core_type = #tpu.core_type<tc>} {
    %get3A = arith.constant 0 : index
    %get3A_0 = arith.constant 0 : index
    %get3A_1 = vector.load %arg0[%get3A, %get3A_0] : memref<10000x100xf32, #tpu.memory_space<vmem>>, vector<10000x100xf32>
    %get3A_2 = arith.constant 0 : index
    %get3A_3 = arith.constant 0 : index
    %get3A_4 = vector.load %arg1[%get3A_2, %get3A_3] : memref<100x16xf32, #tpu.memory_space<vmem>>, vector<100x16xf32>
    %dot_general3A = arith.constant dense<0.000000e+00> : vector<10000x16xf32>
    %dot_general3A_5 = tpu.matmul %get3A_1, %get3A_4, %dot_general3A {dimension_numbers = #tpu.dot_dimension_numbers<[1], [0], [0], [1], [0, 0, 1, 1], [], []>, transpose_lhs_hint = false} : vector<10000x100xf32>, vector<100x16xf32>, vector<10000x16xf32> -> vector<10000x16xf32>
    %get3A_6 = arith.constant 0 : index
    %get3A_7 = arith.constant 0 : index
    %get3A_8 = vector.load %arg2[%get3A_6, %get3A_7] : memref<1x16xf32, #tpu.memory_space<vmem>>, vector<1x16xf32>
    %add3A = vector.broadcast %get3A_8 : vector<1x16xf32> to vector<10000x16xf32>
    %add3A_9 = arith.addf %dot_general3A_5, %add3A : vector<10000x16xf32>
    %swap3A = arith.constant 0 : index
    %swap3A_10 = arith.constant 0 : index
    %swap3A_11 = vector.load %arg3[%swap3A, %swap3A_10] : memref<10000x16xf32, #tpu.memory_space<vmem>>, vector<10000x16xf32>
    tpu.vector_store %arg3[%swap3A, %swap3A_10], %add3A_9 {strides = array<i32>} : memref<10000x16xf32, #tpu.memory_space<vmem>>, vector<10000x16xf32>,
    return
  }
}

module attributes {stable_mosaic.version = 14 : i64} {
  func.func @_tcompact_body(%arg0: i32, %arg1: i32, %arg2: memref<512x128xf32, #tpu.memory_space<vmem>>, %arg3: memref<10x8x16384xf32, #tpu.memory_space<vmem>>) attributes {dimension_semantics = [#tpu.dimension_semantics<arbitrary>, #tpu.dimension_semantics<arbitrary>], iteration_bounds = array<i64: 25, 32>, scalar_prefetch = 0 : i64, scratch_operands = 0 : i64, tpu.core_type = #tpu.core_type<tc>, window_params = [{transform_indices = @transform_0, window_bounds = array<i64: 512, 128>}, {transform_indices = @transform_1, window_bounds = array<i64: 10, 8, 16384>}]} {
    %jit3A = arith.constant 4 : i32
    %div3A = arith.divsi %arg1, %jit3A : i32
    %sign3A = arith.constant 0 : i32
    %sign3A_0 = arith.cmpi sgt, %arg1, %sign3A : i32
    %sign3A_1 = arith.extui %sign3A_0 : i1 to i32
    %sign3A_2 = arith.constant 0 : i32
    %sign3A_3 = arith.cmpi slt, %arg1, %sign3A_2 : i32
    %sign3A_4 = arith.extui %sign3A_3 : i1 to i32
    %sign3A_5 = arith.subi %sign3A_1, %sign3A_4 : i32
    %sign3A_6 = arith.constant 0 : i32
    %sign3A_7 = arith.cmpi sgt, %jit3A, %sign3A_6 : i32
    %sign3A_8 = arith.extui %sign3A_7 : i1 to i32
    %sign3A_9 = arith.constant 0 : i32
    %sign3A_10 = arith.cmpi slt, %jit3A, %sign3A_9 : i32
    %sign3A_11 = arith.extui %sign3A_10 : i1 to i32
    %sign3A_12 = arith.subi %sign3A_8, %sign3A_11 : i32
    %ne3A = arith.cmpi ne, %sign3A_5, %sign3A_12 : i32
    %rem3A = arith.remsi %arg1, %jit3A : i32
    %ne3A_13 = arith.constant 0 : i32
    %ne3A_14 = arith.cmpi ne, %rem3A, %ne3A_13 : i32
    %and3A = arith.andi %ne3A, %ne3A_14 : i1
    %sub3A = arith.constant 1 : i32
    %sub3A_15 = arith.subi %div3A, %sub3A : i32
    %select_n3A = arith.select %and3A, %sub3A_15, %div3A : i32
    %jit3A_16 = arith.constant 4 : i32
    %eq3A = arith.constant 0 : i32
    %eq3A_17 = arith.cmpi eq, %jit3A_16, %eq3A : i32
    %jit3A_18 = arith.constant 1 : i32
    %select_n3A_19 = arith.select %eq3A_17, %jit3A_18, %jit3A_16 : i32
    %rem3A_20 = arith.remsi %arg1, %select_n3A_19 : i32
    %ne3A_21 = arith.constant 0 : i32
    %ne3A_22 = arith.cmpi ne, %rem3A_20, %ne3A_21 : i32
    %lt3A = arith.constant 0 : i32
    %lt3A_23 = arith.cmpi slt, %rem3A_20, %lt3A : i32
    %lt3A_24 = arith.constant 0 : i32
    %lt3A_25 = arith.cmpi slt, %select_n3A_19, %lt3A_24 : i32
    %ne3A_26 = arith.xori %lt3A_23, %lt3A_25 : i1
    %and3A_27 = arith.andi %ne3A_26, %ne3A_22 : i1
    %add3A = arith.addi %rem3A_20, %select_n3A_19 : i32
    %select_n3A_28 = arith.select %and3A_27, %add3A, %rem3A_20 : i32
    %mul3A = arith.constant 4096 : i32
    %mul3A_29 = arith.muli %mul3A, %select_n3A_28 : i32
    %iota3A = tpu.iota {dimensions = array<i32: 0>} : vector<80x128xi32>
    %iota3A_30 = tpu.iota {dimensions = array<i32: 1>} : vector<80x128xi32>
    %jit3A_31 = arith.constant 10 : i32
    %div3A_32 = vector.broadcast %jit3A_31 : i32 to vector<80x128xi32>
    %div3A_33 = arith.divsi %iota3A, %div3A_32 : vector<80x128xi32>
    %sign3A_34 = arith.constant 0 : i32
    %sign3A_35 = vector.broadcast %sign3A_34 : i32 to vector<80x128xi32>
    %sign3A_36 = arith.cmpi sgt, %iota3A, %sign3A_35 : vector<80x128xi32>
    %sign3A_37 = arith.extui %sign3A_36 : vector<80x128xi1> to vector<80x128xi32>
    %sign3A_38 = arith.constant 0 : i32
    %sign3A_39 = vector.broadcast %sign3A_38 : i32 to vector<80x128xi32>
    %sign3A_40 = arith.cmpi slt, %iota3A, %sign3A_39 : vector<80x128xi32>
    %sign3A_41 = arith.extui %sign3A_40 : vector<80x128xi1> to vector<80x128xi32>
    %sign3A_42 = arith.subi %sign3A_37, %sign3A_41 : vector<80x128xi32>
    %sign3A_43 = arith.constant 0 : i32
    %sign3A_44 = arith.cmpi sgt, %jit3A_31, %sign3A_43 : i32
    %sign3A_45 = arith.extui %sign3A_44 : i1 to i32
    %sign3A_46 = arith.constant 0 : i32
    %sign3A_47 = arith.cmpi slt, %jit3A_31, %sign3A_46 : i32
    %sign3A_48 = arith.extui %sign3A_47 : i1 to i32
    %sign3A_49 = arith.subi %sign3A_45, %sign3A_48 : i32
    %ne3A_50 = vector.broadcast %sign3A_49 : i32 to vector<80x128xi32>
    %ne3A_51 = arith.cmpi ne, %sign3A_42, %ne3A_50 : vector<80x128xi32>
    %rem3A_52 = vector.broadcast %jit3A_31 : i32 to vector<80x128xi32>
    %rem3A_53 = arith.remsi %iota3A, %rem3A_52 : vector<80x128xi32>
    %ne3A_54 = arith.constant 0 : i32
    %ne3A_55 = vector.broadcast %ne3A_54 : i32 to vector<80x128xi32>
    %ne3A_56 = arith.cmpi ne, %rem3A_53, %ne3A_55 : vector<80x128xi32>
    %and3A_57 = arith.andi %ne3A_51, %ne3A_56 : vector<80x128xi1>
    %sub3A_58 = arith.constant 1 : i32
    %sub3A_59 = vector.broadcast %sub3A_58 : i32 to vector<80x128xi32>
    %sub3A_60 = arith.subi %div3A_33, %sub3A_59 : vector<80x128xi32>
    %select_n3A_61 = arith.select %and3A_57, %sub3A_60, %div3A_33 : vector<80x128xi1>, vector<80x128xi32>
    %mul3A_62 = arith.constant 16 : i32
    %mul3A_63 = vector.broadcast %mul3A_62 : i32 to vector<80x128xi32>
    %mul3A_64 = arith.muli %mul3A_63, %select_n3A_61 : vector<80x128xi32>
    %jit3A_65 = arith.constant 10 : i32
    %eq3A_66 = arith.constant 0 : i32
    %eq3A_67 = arith.cmpi eq, %jit3A_65, %eq3A_66 : i32
    %jit3A_68 = arith.constant 1 : i32
    %select_n3A_69 = arith.select %eq3A_67, %jit3A_68, %jit3A_65 : i32
    %rem3A_70 = vector.broadcast %select_n3A_69 : i32 to vector<80x128xi32>
    %rem3A_71 = arith.remsi %iota3A, %rem3A_70 : vector<80x128xi32>
    %ne3A_72 = arith.constant 0 : i32
    %ne3A_73 = vector.broadcast %ne3A_72 : i32 to vector<80x128xi32>
    %ne3A_74 = arith.cmpi ne, %rem3A_71, %ne3A_73 : vector<80x128xi32>
    %lt3A_75 = arith.constant 0 : i32
    %lt3A_76 = vector.broadcast %lt3A_75 : i32 to vector<80x128xi32>
    %lt3A_77 = arith.cmpi slt, %rem3A_71, %lt3A_76 : vector<80x128xi32>
    %lt3A_78 = arith.constant 0 : i32
    %lt3A_79 = arith.cmpi slt, %select_n3A_69, %lt3A_78 : i32
    %ne3A_80 = vector.broadcast %lt3A_79 : i1 to vector<80x128xi1>
    %ne3A_81 = vector.broadcast %ne3A_80 : vector<80x128xi1> to vector<80x128xi1>
    %ne3A_82 = arith.xori %lt3A_77, %ne3A_81 : vector<80x128xi1>
    %and3A_83 = arith.andi %ne3A_82, %ne3A_74 : vector<80x128xi1>
    %add3A_84 = vector.broadcast %select_n3A_69 : i32 to vector<80x128xi32>
    %add3A_85 = arith.addi %rem3A_71, %add3A_84 : vector<80x128xi32>
    %select_n3A_86 = arith.select %and3A_83, %add3A_85, %rem3A_71 : vector<80x128xi1>, vector<80x128xi32>
    %add3A_87 = arith.addi %mul3A_64, %select_n3A_86 : vector<80x128xi32>
    %eq3A_88 = arith.cmpi eq, %iota3A_30, %add3A_87 : vector<80x128xi32>
    %convert_element_type3A = arith.extui %eq3A_88 : vector<80x128xi1> to vector<80x128xi32>
    %convert_element_type3A_89 = arith.sitofp %convert_element_type3A : vector<80x128xi32> to vector<80x128xf32>
    %get3A = arith.constant 0 : index
    %get3A_90 = arith.constant 0 : index
    %get3A_91 = vector.load %arg2[%get3A, %get3A_90] : memref<512x128xf32, #tpu.memory_space<vmem>>, vector<512x128xf32>
    %dot_general3A = arith.constant dense<0.000000e+00> : vector<80x512xf32>
    %dot_general3A_92 = tpu.matmul %convert_element_type3A_89, %get3A_91, %dot_general3A {dimension_numbers = #tpu.dot_dimension_numbers<[1], [1], [0], [0], [0, 0, 1, 0], [], []>, transpose_lhs_hint = false} : vector<80x128xf32>, vector<512x128xf32>, vector<80x512xf32> -> vector<80x512xf32>
    %slice3A = vector.extract_strided_slice %dot_general3A_92 {offsets = [0, 0], sizes = [10, 512], strides = [1, 1]} : vector<80x512xf32> to vector<10x512xf32>
    %add3A_93 = arith.constant 0 : i32
    %add3A_94 = arith.addi %mul3A_29, %add3A_93 : i32
    %swap3A = arith.constant 0 : index
    %swap3A_95 = arith.index_cast %select_n3A : i32 to index
    %swap3A_96 = arith.index_cast %add3A_94 : i32 to index
    %swap3A_97 = vector.load %arg3[%swap3A, %swap3A_95, %swap3A_96] : memref<10x8x16384xf32, #tpu.memory_space<vmem>>, vector<10x1x512xf32>
    %swap3A_98 = vector.shape_cast %swap3A_97 : vector<10x1x512xf32> to vector<10x512xf32>
    %swap3A_99 = vector.shape_cast %slice3A : vector<10x512xf32> to vector<10x1x512xf32>
    tpu.vector_store %arg3[%swap3A, %swap3A_95, %swap3A_96], %swap3A_99 {strides = array<i32>} : memref<10x8x16384xf32, #tpu.memory_space<vmem>>, vector<10x1x512xf32>,
    %slice3A_100 = vector.extract_strided_slice %dot_general3A_92 {offsets = [10, 0], sizes = [10, 512], strides = [1, 1]} : vector<80x512xf32> to vector<10x512xf32>
    %add3A_101 = arith.constant 512 : i32
    %add3A_102 = arith.addi %mul3A_29, %add3A_101 : i32
    %swap3A_103 = arith.constant 0 : index
    %swap3A_104 = arith.index_cast %select_n3A : i32 to index
    %swap3A_105 = arith.index_cast %add3A_102 : i32 to index
    %swap3A_106 = vector.load %arg3[%swap3A_103, %swap3A_104, %swap3A_105] : memref<10x8x16384xf32, #tpu.memory_space<vmem>>, vector<10x1x512xf32>
    %swap3A_107 = vector.shape_cast %swap3A_106 : vector<10x1x512xf32> to vector<10x512xf32>
    %swap3A_108 = vector.shape_cast %slice3A_100 : vector<10x512xf32> to vector<10x1x512xf32>
    tpu.vector_store %arg3[%swap3A_103, %swap3A_104, %swap3A_105], %swap3A_108 {strides = array<i32>} : memref<10x8x16384xf32, #tpu.memory_space<vmem>>, vector<10x1x512xf32>,
    %slice3A_109 = vector.extract_strided_slice %dot_general3A_92 {offsets = [20, 0], sizes = [10, 512], strides = [1, 1]} : vector<80x512xf32> to vector<10x512xf32>
    %add3A_110 = arith.constant 1024 : i32
    %add3A_111 = arith.addi %mul3A_29, %add3A_110 : i32
    %swap3A_112 = arith.constant 0 : index
    %swap3A_113 = arith.index_cast %select_n3A : i32 to index
    %swap3A_114 = arith.index_cast %add3A_111 : i32 to index
    %swap3A_115 = vector.load %arg3[%swap3A_112, %swap3A_113, %swap3A_114] : memref<10x8x16384xf32, #tpu.memory_space<vmem>>, vector<10x1x512xf32>
    %swap3A_116 = vector.shape_cast %swap3A_115 : vector<10x1x512xf32> to vector<10x512xf32>
    %swap3A_117 = vector.shape_cast %slice3A_109 : vector<10x512xf32> to vector<10x1x512xf32>
    tpu.vector_store %arg3[%swap3A_112, %swap3A_113, %swap3A_114], %swap3A_117 {strides = array<i32>} : memref<10x8x16384xf32, #tpu.memory_space<vmem>>, vector<10x1x512xf32>,
    %slice3A_118 = vector.extract_strided_slice %dot_general3A_92 {offsets = [30, 0], sizes = [10, 512], strides = [1, 1]} : vector<80x512xf32> to vector<10x512xf32>
    %add3A_119 = arith.constant 1536 : i32
    %add3A_120 = arith.addi %mul3A_29, %add3A_119 : i32
    %swap3A_121 = arith.constant 0 : index
    %swap3A_122 = arith.index_cast %select_n3A : i32 to index
    %swap3A_123 = arith.index_cast %add3A_120 : i32 to index
    %swap3A_124 = vector.load %arg3[%swap3A_121, %swap3A_122, %swap3A_123] : memref<10x8x16384xf32, #tpu.memory_space<vmem>>, vector<10x1x512xf32>
    %swap3A_125 = vector.shape_cast %swap3A_124 : vector<10x1x512xf32> to vector<10x512xf32>
    %swap3A_126 = vector.shape_cast %slice3A_118 : vector<10x512xf32> to vector<10x1x512xf32>
    tpu.vector_store %arg3[%swap3A_121, %swap3A_122, %swap3A_123], %swap3A_126 {strides = array<i32>} : memref<10x8x16384xf32, #tpu.memory_space<vmem>>, vector<10x1x512xf32>,
    %slice3A_127 = vector.extract_strided_slice %dot_general3A_92 {offsets = [40, 0], sizes = [10, 512], strides = [1, 1]} : vector<80x512xf32> to vector<10x512xf32>
    %add3A_128 = arith.constant 2048 : i32
    %add3A_129 = arith.addi %mul3A_29, %add3A_128 : i32
    %swap3A_130 = arith.constant 0 : index
    %swap3A_131 = arith.index_cast %select_n3A : i32 to index
    %swap3A_132 = arith.index_cast %add3A_129 : i32 to index
    %swap3A_133 = vector.load %arg3[%swap3A_130, %swap3A_131, %swap3A_132] : memref<10x8x16384xf32, #tpu.memory_space<vmem>>, vector<10x1x512xf32>
    %swap3A_134 = vector.shape_cast %swap3A_133 : vector<10x1x512xf32> to vector<10x512xf32>
    %swap3A_135 = vector.shape_cast %slice3A_127 : vector<10x512xf32> to vector<10x1x512xf32>
    tpu.vector_store %arg3[%swap3A_130, %swap3A_131, %swap3A_132], %swap3A_135 {strides = array<i32>} : memref<10x8x16384xf32, #tpu.memory_space<vmem>>, vector<10x1x512xf32>,
    %slice3A_136 = vector.extract_strided_slice %dot_general3A_92 {offsets = [50, 0], sizes = [10, 512], strides = [1, 1]} : vector<80x512xf32> to vector<10x512xf32>
    %add3A_137 = arith.constant 2560 : i32
    %add3A_138 = arith.addi %mul3A_29, %add3A_137 : i32
    %swap3A_139 = arith.constant 0 : index
    %swap3A_140 = arith.index_cast %select_n3A : i32 to index
    %swap3A_141 = arith.index_cast %add3A_138 : i32 to index
    %swap3A_142 = vector.load %arg3[%swap3A_139, %swap3A_140, %swap3A_141] : memref<10x8x16384xf32, #tpu.memory_space<vmem>>, vector<10x1x512xf32>
    %swap3A_143 = vector.shape_cast %swap3A_142 : vector<10x1x512xf32> to vector<10x512xf32>
    %swap3A_144 = vector.shape_cast %slice3A_136 : vector<10x512xf32> to vector<10x1x512xf32>
    tpu.vector_store %arg3[%swap3A_139, %swap3A_140, %swap3A_141], %swap3A_144 {strides = array<i32>} : memref<10x8x16384xf32, #tpu.memory_space<vmem>>, vector<10x1x512xf32>,
    %slice3A_145 = vector.extract_strided_slice %dot_general3A_92 {offsets = [60, 0], sizes = [10, 512], strides = [1, 1]} : vector<80x512xf32> to vector<10x512xf32>
    %add3A_146 = arith.constant 3072 : i32
    %add3A_147 = arith.addi %mul3A_29, %add3A_146 : i32
    %swap3A_148 = arith.constant 0 : index
    %swap3A_149 = arith.index_cast %select_n3A : i32 to index
    %swap3A_150 = arith.index_cast %add3A_147 : i32 to index
    %swap3A_151 = vector.load %arg3[%swap3A_148, %swap3A_149, %swap3A_150] : memref<10x8x16384xf32, #tpu.memory_space<vmem>>, vector<10x1x512xf32>
    %swap3A_152 = vector.shape_cast %swap3A_151 : vector<10x1x512xf32> to vector<10x512xf32>
    %swap3A_153 = vector.shape_cast %slice3A_145 : vector<10x512xf32> to vector<10x1x512xf32>
    tpu.vector_store %arg3[%swap3A_148, %swap3A_149, %swap3A_150], %swap3A_153 {strides = array<i32>} : memref<10x8x16384xf32, #tpu.memory_space<vmem>>, vector<10x1x512xf32>,
    %slice3A_154 = vector.extract_strided_slice %dot_general3A_92 {offsets = [70, 0], sizes = [10, 512], strides = [1, 1]} : vector<80x512xf32> to vector<10x512xf32>
    %add3A_155 = arith.constant 3584 : i32
    %add3A_156 = arith.addi %mul3A_29, %add3A_155 : i32
    %swap3A_157 = arith.constant 0 : index
    %swap3A_158 = arith.index_cast %select_n3A : i32 to index
    %swap3A_159 = arith.index_cast %add3A_156 : i32 to index
    %swap3A_160 = vector.load %arg3[%swap3A_157, %swap3A_158, %swap3A_159] : memref<10x8x16384xf32, #tpu.memory_space<vmem>>, vector<10x1x512xf32>
    %swap3A_161 = vector.shape_cast %swap3A_160 : vector<10x1x512xf32> to vector<10x512xf32>
    %swap3A_162 = vector.shape_cast %slice3A_154 : vector<10x512xf32> to vector<10x1x512xf32>
    tpu.vector_store %arg3[%swap3A_157, %swap3A_158, %swap3A_159], %swap3A_162 {strides = array<i32>} : memref<10x8x16384xf32, #tpu.memory_space<vmem>>, vector<10x1x512xf32>,
    return
  }
  func.func @transform_0(%arg0: i32, %arg1: i32) -> (i32, i32) {
    %mul3A = arith.constant 32 : i32
    %mul3A_0 = arith.muli %arg0, %mul3A : i32
    %add3A = arith.addi %mul3A_0, %arg1 : i32
    %c0_i32 = arith.constant 0 : i32
    %c0_i32_1 = arith.constant 0 : i32
    return %add3A, %c0_i32 : i32, i32
  }
  func.func @transform_1(%arg0: i32, %arg1: i32) -> (i32, i32, i32) {
    %c0_i32 = arith.constant 0 : i32
    %c0_i32_0 = arith.constant 0 : i32
    %c0_i32_1 = arith.constant 0 : i32
    return %c0_i32, %arg0, %c0_i32_0 : i32, i32, i32
  }
}

</mosaic_0001>

<sc_bundles>
// kernel: kernel.5.cloned.1.call-start
scs
__scs_entry_jumppad:
0x0: {  	(pc) =	sbr.rel $0x88, $3  }
0x1: {  	(tag) =	ssettag $0x0;
	lr =	simm.s32 $0x1  }
0x2: {  	[smem:$0x3F9D] =	sst lr;
	_ =	strace $0xD0000000  }
0x3: {  	_ = 	snop  }
0x4: {  	_ = 	snop  }
0x5: {  	_ = 	snop  }
0x6: {  	_ = 	snop  }
0x7: {  	_ = 	snop  }
__scs_overlays_trampoline_lowered:
0x8: {  	[smem:$0x3FAC] =	sst s0  }
0x9: {  	[smem:$0x3FAD] =	sst s1  }
0xa: {  	[smem:$0x3FAE] =	sst s2  }
0xb: {  	[smem:$0x3FAF] =	sst s3  }
0xc: {  	[smem:$0x3FB0] =	sst s4  }
0xd: {  	[smem:$0x3FB1] =	sst s5  }
0xe: {  	[smem:$0x3FB2] =	sst s6  }
0xf: {  	[smem:$0x3FB3] =	sst s7  }
0x10: {  	[smem:$0x3FB4] =	sst s8  }
0x11: {  	[smem:$0x3FB5] =	sst s9;
	s0 =	simm.s32 @!p0 $0x0  }
0x12: {  	s1 =	sld [smem:$0x3F9B];
	s0 =	simm.s32 @p0 $0x1  }
0x13: {  	[smem:$0x3FB6] =	sst s0;
	s0 =	simm.s32 @!p1 $0x0  }
0x14: {  	s2 =	sld [smem:$0x3F9A];
	s0 =	simm.s32 @p1 $0x1  }
0x15: {  	[smem:$0x3FB7] =	sst s0;
	s0 =	simm.s32 @!p2 $0x0  }
0x16: {  	s3 =	sld [smem:$0x3FDB];
	s0 =	simm.s32 @p2 $0x1  }
0x17: {  	s4 =	simm.s32 $0x1BF5;
	[smem:$0x3FB9] =	sst s0  }
0x18: {  	s0 =	sld [smem:$0x3F9C];
	_ =	swait.ge [sflag:s4], $0x0  }
0x19: {  	s7 =	sld [smem:$0x3F9D]  }
0x1a: {  	s8 =	sadd.s32 $0xFFFFE003, lr  }
0x1b: {  	s9 =	sadd.s32 $0xFFFFFEF7, lr;
	s5 =	simm.s32 $0xFFFFFFFF;
	p2 =	slt.u32 s8, $0xFFFFF086  }
0x1c: {  	p1 =	slt.u32 s9, $0xF7A;
	s5 =	simm.s32 @!p2 $0x0  }
0x1d: {  	s5 =	simm.s32 @p1 $0x1;
	p0 =	seq.s32 s7, s2  }
0x1e: {  	s7 =	smul.u32 @!p0 $0xF7A, s2;
	p2 =	seq.s32 @!p0 s5, $0x0  }
0x1f: {  	s9 =	smul.u32 $0xF7A, s1;
	s8 =	simm.s32 @!p0 $0x1BF5;
	p2 =	por !p2, p0  }
0x20: {  	[sflag:s8] =	ssyncset.s32 @!p0 $0xFFFFF086;
	s6 =	sadd.s32 @!p0 s3, s7;
	s7 =	simm.s32 @!p0 $0x108  }
0x21: {  	s3 =	sadd.s32 s3, s9;
	s6 =	sadd.s32 @!p0 $0x88, s6;
	s7 =	simm.s32 @p2 $0x1082  }
0x22: {  	[simem:s7], [sflag:s8] =	dma.local @!p0 [hbm:s6], $0xF7A  }
0x23: {  	s9 =	sor.u32 $0xD0000000, s2;
	s6 =	simm.s32 $0x108;
	_ =	swait.ge @!p0 [sflag:s8], $0x0  }
0x24: {  	s3 =	sadd.s32 $0x88, s3;
	s6 =	simm.s32 @!p1 $0x1082;
	[sflag:s4] =	ssyncset.s32 $0xFFFFF086  }
0x25: {  	[simem:s6], [sflag:s4] =	dma.local [hbm:s3], $0xF7A  }
0x26: {  	[smem:$0x3F9D] =	sst s1;
	(tag) =	ssettag s2;
	_ =	strace s9  }
0x27: {  	s1 =	sld [smem:$0x3FAD]  }
0x28: {  	s2 =	sld [smem:$0x3FAE]  }
0x29: {  	s4 =	sld [smem:$0x3FB0]  }
0x2a: {  	p0 =	seq.s32 s5, $0x0;
	s5 =	sld [smem:$0x3FB1]  }
0x2b: {  	s6 =	sld [smem:$0x3FB2]  }
0x2c: {  	s7 =	sld [smem:$0x3FB3]  }
0x2d: {  	s3 =	simm.s32 $0x108;
	s8 =	sld [smem:$0x3FB4]  }
0x2e: {  	s3 =	simm.s32 @!p0 $0x1082;
	s9 =	sld [smem:$0x3FB5]  }
0x2f: {  	lr =	sadd.s32 s0, s3;
	s0 =	sld [smem:$0x3FAC]  }
0x30: {  	s3 =	sld [smem:$0x3FAF]  }
0x31: {  	[smem:$0x3FB8] =	sst s10  }
0x32: {  	s10 =	sld [smem:$0x3FB6];
	_ =	sdelay $0x3  }
0x33: {  	p0 =	seq.s32 s10, $0x1;
	s10 =	sld [smem:$0x3FB8];
	_ =	sdelay $0x3  }
0x34: {  	[smem:$0x3FB8] =	sst s10  }
0x35: {  	s10 =	sld [smem:$0x3FB7];
	_ =	sdelay $0x3  }
0x36: {  	p1 =	seq.s32 s10, $0x1;
	s10 =	sld [smem:$0x3FB8];
	_ =	sdelay $0x3  }
0x37: {  	[smem:$0x3FB8] =	sst s10  }
0x38: {  	s10 =	sld [smem:$0x3FB9]  }
0x39: {  	_ = 	snop;
	(pc) =	sbr.ind lr, $3  }
0x3a: {  	_ = 	snop  }
0x3b: {  	_ = 	snop  }
0x3c: {  	p2 =	seq.s32 s10, $0x1;
	s10 =	sld [smem:$0x3FB8]  }
0x3d: {  	_ =	shalt  }
0x3e: {  	_ =	shalt  }
0x3f: {  	_ =	shalt  }
0x40: {  	_ =	shalt  }
0x41: {  	_ =	shalt  }
0x42: {  	_ =	shalt  }
0x43: {  	_ =	shalt  }
0x44: {  	_ =	shalt  }
0x45: {  	_ =	shalt  }
0x46: {  	_ =	shalt  }
0x47: {  	_ =	shalt  }
0x48: {  	_ =	shalt  }
0x49: {  	_ =	shalt  }
0x4a: {  	_ =	shalt  }
0x4b: {  	_ =	shalt  }
0x4c: {  	_ =	shalt  }
0x4d: {  	_ =	shalt  }
0x4e: {  	_ =	shalt  }
0x4f: {  	_ =	shalt  }
0x50: {  	_ =	shalt  }
0x51: {  	_ =	shalt  }
0x52: {  	_ =	shalt  }
0x53: {  	_ =	shalt  }
0x54: {  	_ =	shalt  }
0x55: {  	_ =	shalt  }
0x56: {  	_ =	shalt  }
0x57: {  	_ =	shalt  }
0x58: {  	_ =	shalt  }
0x59: {  	_ =	shalt  }
0x5a: {  	_ =	shalt  }
0x5b: {  	_ =	shalt  }
0x5c: {  	_ =	shalt  }
0x5d: {  	_ =	shalt  }
0x5e: {  	_ =	shalt  }
0x5f: {  	_ =	shalt  }
0x60: {  	_ =	shalt  }
0x61: {  	_ =	shalt  }
0x62: {  	_ =	shalt  }
0x63: {  	_ =	shalt  }
0x64: {  	_ =	shalt  }
0x65: {  	_ =	shalt  }
0x66: {  	_ =	shalt  }
0x67: {  	_ =	shalt  }
0x68: {  	_ =	shalt  }
0x69: {  	_ =	shalt  }
0x6a: {  	_ =	shalt  }
0x6b: {  	_ =	shalt  }
0x6c: {  	_ =	shalt  }
0x6d: {  	_ =	shalt  }
0x6e: {  	_ =	shalt  }
0x6f: {  	_ =	shalt  }
0x70: {  	_ =	shalt  }
0x71: {  	_ =	shalt  }
0x72: {  	_ =	shalt  }
0x73: {  	_ =	shalt  }
0x74: {  	_ =	shalt  }
0x75: {  	_ =	shalt  }
0x76: {  	_ =	shalt  }
0x77: {  	_ =	shalt  }
0x78: {  	_ =	shalt  }
0x79: {  	_ =	shalt  }
0x7a: {  	_ =	shalt  }
0x7b: {  	_ =	shalt  }
0x7c: {  	_ =	shalt  }
0x7d: {  	_ =	shalt  }
0x7e: {  	_ =	shalt  }
0x7f: {  	_ =	shalt  }
0x80: {  	_ =	shalt  }
0x81: {  	_ =	shalt  }
0x82: {  	_ =	shalt  }
0x83: {  	_ =	shalt  }
0x84: {  	_ =	shalt  }
0x85: {  	_ =	shalt  }
0x86: {  	_ =	shalt  }
0x87: {  	_ =	shalt  }
.Lfunc_end0:
.L_simem_size_0:
called_computation_lowered:
.L_overlay_start_0:
0x88: {  	s2 =	sld [smem:$0x3FD9]  }
0x89: {  	s3 =	sld [smem:$0x3FFE];
	_ =	sdelay $0x1  }
0x8a: {  	s1 =	srdreg.scid  }
0x8b: {  	s0 =	sand.u32 $0x1, s1  }
0x8c: {  	s17 =	sshll.u32 s0, $0xA;
	s2 =	sadd.s32 s3, s2  }
0x8d: {  	s2 =	sadd.s32 s2, s17  }
0x8e: {  	[smem:$0x3FC4] =	sst s2  }
0x8f: {  	_ = 	snop  }
0x90: {  	s2 =	sld [smem:$0x3FD0];
	(tm) =	ssettm $0x1  }
0x91: {  	s18 =	sld [smem:$0x3FFB];
	_ =	sdelay $0x3  }
0x92: {  	_ =	strace s18  }
0x93: {  	s3 =	sld [smem:$0x3FFC];
	_ =	sdelay $0x3  }
0x94: {  	_ =	strace s3  }
0x95: {  	s3 =	sld [smem:$0x3FFD];
	_ =	sdelay $0x3  }
0x96: {  	_ =	strace s3  }
0x97: {  	_ =	strace $0x8FFFFFFF  }
0x98: {  	s19 =	sld [smem:$0x3FDB];
	_ =	sdelay $0x1  }
0x99: {  	s4 =	simm.s32 $_scs_section_size  }
0x9a: {  	s5 =	simm.s32 $_size__tile_overlayer_lowered;
	s6 =	simm.s32 $_tile_overlayer_lowered  }
0x9b: {  	s22 =	simm.s32 $0x1BFF;
	s21 =	sshll.u32 s6, $0x1;
	s3 =	sadd.s32 s4, s19  }
0x9c: {  	s7 =	simm.s32 $0x0;
	s20 =	sshll.u32 s5, $0x1;
	s5 =	sadd.s32 s21, s3  }
0x9d: {  	[timem:s7], [sflag:s22] =	dma.local [hbm:s5], s20  }
0x9e: {  	_ =	swait.ge [sflag:s22], s20  }
0x9f: {  	s4 =	ssub.s32 $0x0, s20;
	[sflag:s22] =	ssyncset.done $0x0  }
0xa0: {  	[sflag:s22] =	ssyncadd.s32 s4;
	_ =	sdelay $0x1  }
0xa1: {  	s23 =	simm.s32 $0x1B8B  }
0xa2: {  	_ =	swait.ge [sflag:s23], $0x1  }
0xa3: {  	[sflag:s23] =	ssyncset.done $0x0  }
0xa4: {  	s25 =	simm.s32 $0x1B8E;
	s24 =	sld [smem:$0x3FFE];
	[sflag:s23] =	ssyncadd.s32 $0xFFFFFFFF  }
0xa5: {  	s26 =	simm.s32 $execute0_lowered;
	[smem:$0x3FD2] =	sst s25  }
0xa6: {  	s5 =	sshll.u32 s26, $0x1;
	_ =	strace $0x80000046;
	[dreg:$0x1] =	wrdreg $0xFFFFFFFF  }
0xa7: {  	s28 =	simm.s32 $_size_execute0_lowered;
	s3 =	sadd.s32 s3, s5;
	[dreg:$0x0] =	wrdreg $0x0  }
0xa8: {  	s5 =	sshll.u32 s28, $0x1;
	[dreg:$0x2] =	wrdreg s3  }
0xa9: {  	[dreg:$0x3] =	wrdreg s5  }
0xaa: {  	[dreg:$0x4] =	wrdreg $0xC0  }
0xab: {  	_ =	task [dreg:s7], $0x5FFFF  }
0xac: {  	[dreg:$0x1] =	wrdreg $0xFFFFFFFF  }
0xad: {  	[dreg:$0x0] =	wrdreg $0x60  }
0xae: {  	[dreg:$0x2] =	wrdreg s24  }
0xaf: {  	[dreg:$0x3] =	wrdreg s2  }
0xb0: {  	[dreg:$0x4] =	wrdreg $0x9  }
0xb1: {  	_ =	task.clear_ibuf [dreg:s7], $0x5FFFF;
	_ =	strace $0x90000046  }
0xb2: {  	s29 =	simm.s32 $0x9;
	_ =	strace $0x80000048  }
0xb3: {  	_ =	swait.ge [sflag:s29], $0x1  }
0xb4: {  	[sflag:s29] =	ssyncadd.s32 $0xFFFFFFFF  }
0xb5: {  	_ =	strace $0x90000048  }
0xb6: {  	_ =	sfence  }
0xb7: {  	s30 =	sld [smem:$0x0];
	_ =	sdelay $0x2  }
0xb8: {  	s31 =	sshll.u32 s1, $0xD;
	s1 =	sshrl.u32 s1, $0x2  }
0xb9: {  	s3 =	sand.u32 $0x4000, s31;
	s1 =	sadd.s32 s1, s30  }
0xba: {  	s0 =	sor.u32 s3, s0;
	s1 =	sshll.u32 s1, $0x11  }
0xbb: {  	s0 =	sor.u32 s1, s0  }
0xbc: {  	s0 =	sadd.s32 $0x8F2B, s0  }
0xbd: {  	[sflag:s0] =	ssyncadd.remote.s32 $0x1  }
0xbe: {  	_ =	sfence.sel $0xFFFF  }
0xbf: {  	[dreg:$0x0] =	wrdreg $0xFFFFFFFF;
	(pc) =	sbr.abs _section_cstart, $3  }
0xc0: {  	[dreg:$0x1] =	wrdreg $0xFFFFFFFF  }
0xc1: {  	_ =	task.clear_ibuf [dreg:s7], $0x2FFFF;
	_ =	strace $0x9FFFFFFF  }
0xc2: {  	(tm) =	ssettm $0x7FFFFFFF  }
0xc3: {  	_ =	shalt  }
tec
execute0_lowered:
.L_overlay_start_1:
0x0: {  	(tag) =	ssettag $0x1  }
0x1: {  	s0 =	rddreg [dreg:$0x0]  }
0x2: {  	s2 =	rddreg [dreg:$0x1]  }
0x3: {  	s3 =	simm.s32 $0x0;
	s1 =	srdreg.scid;
	s4 =	stileid.u32  }
0x4: {  	s14 =	simm.s32 $0x80;
	s30 =	simm.s32 $0x400;
	s31 =	simm.s32 $0x3  }
0x5: {  	s22 =	simm.s32 $0x6800;
	s23 =	simm.s32 $0x680;
	s24 =	simm.s32 $0x7000  }
0x6: {  	s28 =	simm.s32 $0x780;
	s29 =	simm.s32 $0x8000;
	s12 =	simm.s32 $0x4  }
0x7: {  	s13 =	simm.s32 $0x5;
	s1 =	sand.u32 $0x1, s1;
	s4 =	sshll.u32 s4, $0x1  }
0x8: {  	s16 =	simm.s32 $0x0;
	[smem:$0x7FF] =	sst s3;
	s6 =	sor.u32 s1, s4  }
0x9: {  	s5 =	sadd.s32 $0x6400, s0;
	s1 =	ssub.s32 $0x2, s1;
	s7 =	smul.u32 $0x3200, s6  }
0xa: {  	_ =	strace $0x80000047;
	s25 =	sshrl.u32 s1, $0x1;
	s8 =	smul.u32 $0x19000, s6  }
0xb: {  	s4 =	sadd.s32 $0x1400, s0;
	s0 =	ssub.s32 s1, s25;
	s25 =	simm.s32 $0x700  }
0xc: {  	s26 =	sadd.s32 s2, s7;
	s7 =	smul.u32 $0x190000, s6;
	s9 =	sor.u32 $0x800, s8  }
0xd: {  	s10 =	sor.u32 $0xC00, s8;
	s0 =	smax.u32 s0, $0x1;
	s8 =	simm.s32 $0x8800  }
0xe: {  	s6 =	simm.s32 $0xC800;
	[dreg:$0x3] =	wrdreg s26;
	s1 =	sadd.s32 $0x80, s26  }
0xf: {  	[dreg:$0x5] =	wrdreg s0;
	s0 =	simm.s32 $0x2;
	s26 =	simm.s32 $0x7800  }
0x10: {  	[dreg:$0x4] =	wrdreg s1;
	s11 =	sor.u32 $0x4000, s7;
	s1 =	simm.s32 $0x6  }
.LBB2_1:
0x11: {  	[dreg:$0x6] =	wrdreg s16  }
0x12: {  	s15 =	rddreg [dreg:$0x3];
	s17 =	simm.s32 $0x1  }
0x13: {  	[tilespmem:s3], [sflag:$0x1] =	stream.linear.gather [hbm4b:s15+s3], $0x400, $0x38;
	[tilespmem:$0x10800] =	vst v63  }
0x14: {  	_ =	swait.ge [sflag:s17], $0x400  }
0x15: {  	[sflag:s17] =	ssyncset.done $0x0  }
0x16: {  	s18 =	simm.s32 $0x800;
	[sflag:s17] =	ssyncadd.s32 $0xFFFFFC00  }
0x17: {  	[tilespmem:s18], [sflag:$0x3] =	stream.indirect.gather [hbm4b:s4+s14], $0x10, s3, s14, $0xb8;
	[tilespmem:$0x10800] =	vst v63  }
0x18: {  	s19 =	simm.s32 $0x1000  }
0x19: {  	[tilespmem:s19], [sflag:$0x3] =	stream.indirect.gather [hbm4b:s4+s14], $0x10, s14, s14, $0xb8;
	[tilespmem:$0x10800] =	vst v63  }
0x1a: {  	s20 =	simm.s32 $0x100;
	s21 =	simm.s32 $0x1800  }
0x1b: {  	[tilespmem:s21], [sflag:$0x3] =	stream.indirect.gather [hbm4b:s4+s14], $0x10, s20, s14, $0xb8;
	[tilespmem:$0x10800] =	vst v63  }
0x1c: {  	s16 =	simm.s32 $0x180;
	s17 =	simm.s32 $0x2000  }
0x1d: {  	[tilespmem:s17], [sflag:$0x3] =	stream.indirect.gather [hbm4b:s4+s14], $0x10, s16, s14, $0xb8;
	[tilespmem:$0x10800] =	vst v63  }
0x1e: {  	s18 =	simm.s32 $0x200;
	s19 =	simm.s32 $0x2800  }
0x1f: {  	[tilespmem:s19], [sflag:$0x3] =	stream.indirect.gather [hbm4b:s4+s14], $0x10, s18, s14, $0xb8;
	[tilespmem:$0x10800] =	vst v63  }
0x20: {  	s20 =	simm.s32 $0x280;
	s21 =	simm.s32 $0x3000  }
0x21: {  	[tilespmem:s21], [sflag:$0x3] =	stream.indirect.gather [hbm4b:s4+s14], $0x10, s20, s14, $0xb8;
	[tilespmem:$0x10800] =	vst v63  }
0x22: {  	s17 =	simm.s32 $0x300;
	s18 =	simm.s32 $0x3800  }
0x23: {  	[tilespmem:s18], [sflag:$0x3] =	stream.indirect.gather [hbm4b:s4+s14], $0x10, s17, s14, $0xb8;
	[tilespmem:$0x10800] =	vst v63  }
0x24: {  	s19 =	simm.s32 $0x380;
	s20 =	simm.s32 $0x4000  }
0x25: {  	[tilespmem:s20], [sflag:$0x3] =	stream.indirect.gather [hbm4b:s4+s14], $0x10, s19, s14, $0xb8;
	[tilespmem:$0x10800] =	vst v63  }
0x26: {  	s15 =	simm.s32 $0x0;
	s21 =	rddreg [dreg:$0x4]  }
0x27: {  	[tilespmem:s30], [sflag:$0x2] =	stream.linear.gather [hbm4b:s21+s3], $0x400, $0x38;
	[tilespmem:$0x10800] =	vst v63  }
.LBB2_2:
0x28: {  	_ =	swait.ge [sflag:s31], $0x800  }
0x29: {  	[sflag:s31] =	ssyncset.done $0x0  }
0x2a: {  	[sflag:s31] =	ssyncadd.s32 $0xFFFFF800  }
0x2b: {  	_ =	swait.ge [sflag:s31], $0x800  }
0x2c: {  	[sflag:s31] =	ssyncset.done $0x0  }
0x2d: {  	[sflag:s31] =	ssyncadd.s32 $0xFFFFF800  }
0x2e: {  	_ =	swait.ge [sflag:s31], $0x800  }
0x2f: {  	[sflag:s31] =	ssyncset.done $0x0  }
0x30: {  	[sflag:s31] =	ssyncadd.s32 $0xFFFFF800  }
0x31: {  	_ =	swait.ge [sflag:s31], $0x800  }
0x32: {  	[sflag:s31] =	ssyncset.done $0x0  }
0x33: {  	[sflag:s31] =	ssyncadd.s32 $0xFFFFF800  }
0x34: {  	_ =	swait.ge [sflag:s31], $0x800  }
0x35: {  	[sflag:s31] =	ssyncset.done $0x0  }
0x36: {  	[sflag:s31] =	ssyncadd.s32 $0xFFFFF800  }
0x37: {  	_ =	swait.ge [sflag:s31], $0x800  }
0x38: {  	[sflag:s31] =	ssyncset.done $0x0  }
0x39: {  	[sflag:s31] =	ssyncadd.s32 $0xFFFFF800  }
0x3a: {  	_ =	swait.ge [sflag:s31], $0x800  }
0x3b: {  	[sflag:s31] =	ssyncset.done $0x0  }
0x3c: {  	[sflag:s31] =	ssyncadd.s32 $0xFFFFF800  }
0x3d: {  	_ =	swait.ge [sflag:s31], $0x800  }
0x3e: {  	[sflag:s31] =	ssyncset.done $0x0  }
0x3f: {  	[sflag:s31] =	ssyncadd.s32 $0xFFFFF800  }
0x40: {  	_ =	swait.ge [sflag:s0], $0x400  }
0x41: {  	[sflag:s0] =	ssyncset.done $0x0  }
0x42: {  	s16 =	simm.s32 $0x4800;
	[sflag:s0] =	ssyncadd.s32 $0xFFFFFC00  }
0x43: {  	[tilespmem:s16], [sflag:$0x4] =	stream.indirect.gather [hbm4b:s4+s14], $0x10, s30, s14, $0xb8;
	[tilespmem:$0x10800] =	vst v63  }
0x44: {  	s21 =	simm.s32 $0x480;
	s17 =	simm.s32 $0x5000  }
0x45: {  	[tilespmem:s17], [sflag:$0x4] =	stream.indirect.gather [hbm4b:s4+s14], $0x10, s21, s14, $0xb8;
	[tilespmem:$0x10800] =	vst v63  }
0x46: {  	s18 =	simm.s32 $0x5800;
	s17 =	simm.s32 $0x500  }
0x47: {  	[tilespmem:s18], [sflag:$0x4] =	stream.indirect.gather [hbm4b:s4+s14], $0x10, s17, s14, $0xb8;
	[tilespmem:$0x10800] =	vst v63  }
0x48: {  	s19 =	simm.s32 $0x580;
	s20 =	simm.s32 $0x6000  }
0x49: {  	[tilespmem:s20], [sflag:$0x4] =	stream.indirect.gather [hbm4b:s4+s14], $0x10, s19, s14, $0xb8;
	[tilespmem:$0x10800] =	vst v63  }
0x4a: {  	p0 =	seq.s32 s15, $0x31;
	s21 =	simm.s32 $0x600  }
0x4b: {  	[tilespmem:s22], [sflag:$0x4] =	stream.indirect.gather [hbm4b:s4+s14], $0x10, s21, s14, $0xb8;
	[tilespmem:$0x10800] =	vst v63  }
0x4c: {  	p1 =	seq.s32 @!p0 s15, $0x0  }
0x4d: {  	[tilespmem:s24], [sflag:$0x4] =	stream.indirect.gather [hbm4b:s4+s14], $0x10, s23, s14, $0xb8;
	[tilespmem:$0x10800] =	vst v63  }
0x4e: {  	p1 =	por p0, !p1;
	s17 =	sshll.u32 @!p0 s15, $0xB  }
0x4f: {  	[tilespmem:s26], [sflag:$0x4] =	stream.indirect.gather [hbm4b:s4+s14], $0x10, s25, s14, $0xb8;
	[tilespmem:$0x10800] =	vst v63  }
.Ltmp0:
0x50: {  	s16 =	sadd.s32 @!p0 s17, s9;
	(pc) =	sbr.rel @!p1 .LBB2_3-.Ltmp0, $4  }
0x51: {  	s16 =	sshrl.u32 @!p0 s16, $0x3  }
0x52: {  	[tilespmem:s29], [sflag:$0x4] =	stream.indirect.gather [hbm4b:s4+s14], $0x10, s28, s14, $0xb8;
	[tilespmem:$0x10800] =	vst v63  }
0x53: {  	s18 =	simm.s32 @!p0 $0x0;
	s16 =	sadd.s32 @!p0 s2, s16  }
0x54: {  	[tilespmem:s18], [sflag:$0x1] =	stream.linear.gather @!p0 [hbm4b:s16+s18], $0x400, $0x38;
	[tilespmem:$0x10800] =	vst v63  }
.Ltmp1:
0x55: {  	(pc) =	sbr.rel .LBB2_5-.Ltmp1, $4  }
0x56: {  	_ = 	snop  }
0x57: {  	_ =	swait.ge [sflag:s13], $0x4000  }
0x58: {  	[sflag:s13] =	ssyncset.done $0x0  }
0x59: {  	p1 =	por $0x0, $0x0;
	[sflag:s13] =	ssyncadd.s32 $0xFFFFC000  }
.LBB2_3:
0x5a: {  	p1 =	por @!p0 $0x1, $0x1  }
.LBB2_5:
0x5b: {  	s18 =	simm.s32 $0xFFFFF800  }
0x5c: {  	v0 =	vld [tilespmem:s18+$0x4870]  }
0x5d: {  	v1 =	vld [tilespmem:s18+$0x1000]  }
0x5e: {  	v2 =	vld [tilespmem:s18+$0x1010]  }
0x5f: {  	v3 =	vld [tilespmem:s18+$0x1020]  }
0x60: {  	v4 =	vld [tilespmem:s18+$0x1030]  }
0x61: {  	v5 =	vld [tilespmem:s18+$0x1040];
	[tilespmem:s18+$0xC870] =	vst v0  }
0x62: {  	v6 =	vld [tilespmem:s18+$0x4800];
	[tilespmem:s18+$0x9000] =	vst v1  }
0x63: {  	v7 =	vld [tilespmem:s18+$0x4810];
	[tilespmem:s18+$0x9010] =	vst v2  }
0x64: {  	v0 =	vld [tilespmem:s18+$0x1050];
	[tilespmem:s18+$0x9020] =	vst v3  }
0x65: {  	v1 =	vld [tilespmem:s18+$0x1060];
	[tilespmem:s18+$0x9030] =	vst v4  }
0x66: {  	v2 =	vld [tilespmem:s18+$0x1070];
	[tilespmem:s18+$0x9040] =	vst v5  }
0x67: {  	v3 =	vld [tilespmem:s18+$0x1800];
	[tilespmem:s18+$0xC800] =	vst v6  }
0x68: {  	v4 =	vld [tilespmem:s18+$0x1810];
	[tilespmem:s18+$0xC810] =	vst v7  }
0x69: {  	v5 =	vld [tilespmem:s18+$0x4070];
	[tilespmem:s18+$0x9050] =	vst v0  }
0x6a: {  	v0 =	vld [tilespmem:s18+$0x1820];
	[tilespmem:s18+$0x9060] =	vst v1  }
0x6b: {  	v1 =	vld [tilespmem:s18+$0x1830];
	[tilespmem:s18+$0x9070] =	vst v2  }
0x6c: {  	v2 =	vld [tilespmem:s18+$0x1840];
	[tilespmem:s18+$0x9800] =	vst v3  }
0x6d: {  	v3 =	vld [tilespmem:s18+$0x1850];
	[tilespmem:s18+$0x9810] =	vst v4  }
0x6e: {  	v4 =	vld [tilespmem:s18+$0x1860];
	[tilespmem:s18+$0xC070] =	vst v5  }
0x6f: {  	[tilespmem:s18+$0x9820] =	vst v0;
	v0 =	vld [tilespmem:s18+$0x1870]  }
0x70: {  	[tilespmem:s18+$0x9830] =	vst v1;
	v1 =	vld [tilespmem:s18+$0x2000]  }
0x71: {  	[tilespmem:s18+$0x9840] =	vst v2;
	v2 =	vld [tilespmem:s18+$0x2010]  }
0x72: {  	[tilespmem:s18+$0x9850] =	vst v3;
	v3 =	vld [tilespmem:s18+$0x2020]  }
0x73: {  	[tilespmem:s18+$0x9860] =	vst v4;
	v4 =	vld [tilespmem:s18+$0x2030]  }
0x74: {  	[tilespmem:s18+$0x9870] =	vst v0;
	v0 =	vld [tilespmem:s18+$0x2040]  }
0x75: {  	[tilespmem:s18+$0xA000] =	vst v1;
	v1 =	vld [tilespmem:s18+$0x2050]  }
0x76: {  	[tilespmem:s18+$0xA010] =	vst v2;
	v2 =	vld [tilespmem:s18+$0x2060]  }
0x77: {  	[tilespmem:s18+$0xA020] =	vst v3;
	v3 =	vld [tilespmem:s18+$0x2070]  }
0x78: {  	[tilespmem:s18+$0xA030] =	vst v4;
	v4 =	vld [tilespmem:s18+$0x2800]  }
0x79: {  	[tilespmem:s18+$0xA040] =	vst v0;
	v0 =	vld [tilespmem:s18+$0x2810]  }
0x7a: {  	[tilespmem:s18+$0xA050] =	vst v1;
	v1 =	vld [tilespmem:s18+$0x2820]  }
0x7b: {  	[tilespmem:s18+$0xA060] =	vst v2;
	v2 =	vld [tilespmem:s18+$0x2830]  }
0x7c: {  	[tilespmem:s18+$0xA070] =	vst v3;
	v3 =	vld [tilespmem:s18+$0x2840]  }
0x7d: {  	[tilespmem:s18+$0xA800] =	vst v4;
	v4 =	vld [tilespmem:s18+$0x2850]  }
0x7e: {  	[tilespmem:s18+$0xA810] =	vst v0;
	v0 =	vld [tilespmem:s18+$0x2860]  }
0x7f: {  	[tilespmem:s18+$0xA820] =	vst v1;
	v1 =	vld [tilespmem:s18+$0x2870]  }
0x80: {  	[tilespmem:s18+$0xA830] =	vst v2;
	v2 =	vld [tilespmem:s18+$0x3000]  }
0x81: {  	[tilespmem:s18+$0xA840] =	vst v3;
	v3 =	vld [tilespmem:s18+$0x3010]  }
0x82: {  	[tilespmem:s18+$0xA850] =	vst v4;
	v4 =	vld [tilespmem:s18+$0x3020]  }
0x83: {  	[tilespmem:s18+$0xA860] =	vst v0;
	v0 =	vld [tilespmem:s18+$0x3030]  }
0x84: {  	[tilespmem:s18+$0xA870] =	vst v1;
	v1 =	vld [tilespmem:s18+$0x3040]  }
0x85: {  	[tilespmem:s18+$0xB000] =	vst v2;
	v2 =	vld [tilespmem:s18+$0x3050]  }
0x86: {  	[tilespmem:s18+$0xB010] =	vst v3;
	v3 =	vld [tilespmem:s18+$0x3060]  }
0x87: {  	[tilespmem:s18+$0xB020] =	vst v4;
	v4 =	vld [tilespmem:s18+$0x3070]  }
0x88: {  	[tilespmem:s18+$0xB030] =	vst v0;
	v0 =	vld [tilespmem:s18+$0x3800]  }
0x89: {  	[tilespmem:s18+$0xB040] =	vst v1;
	v1 =	vld [tilespmem:s18+$0x3810]  }
0x8a: {  	[tilespmem:s18+$0xB050] =	vst v2;
	v2 =	vld [tilespmem:s18+$0x3820]  }
0x8b: {  	[tilespmem:s18+$0xB060] =	vst v3;
	v3 =	vld [tilespmem:s18+$0x3830]  }
0x8c: {  	[tilespmem:s18+$0xB070] =	vst v4;
	v4 =	vld [tilespmem:s18+$0x3840]  }
0x8d: {  	[tilespmem:s18+$0xB800] =	vst v0;
	v0 =	vld [tilespmem:s18+$0x3850]  }
0x8e: {  	[tilespmem:s18+$0xB810] =	vst v1;
	v1 =	vld [tilespmem:s18+$0x3860]  }
0x8f: {  	[tilespmem:s18+$0xB820] =	vst v2;
	v2 =	vld [tilespmem:s18+$0x3870]  }
0x90: {  	[tilespmem:s18+$0xB830] =	vst v3;
	v3 =	vld [tilespmem:s18+$0x4000]  }
0x91: {  	[tilespmem:s18+$0xB840] =	vst v4;
	v4 =	vld [tilespmem:s18+$0x4010]  }
0x92: {  	[tilespmem:s18+$0xB850] =	vst v0;
	v0 =	vld [tilespmem:s18+$0x4020]  }
0x93: {  	[tilespmem:s18+$0xB860] =	vst v1;
	v1 =	vld [tilespmem:s18+$0x4030]  }
0x94: {  	[tilespmem:s18+$0xB870] =	vst v2;
	v2 =	vld [tilespmem:s18+$0x4040]  }
0x95: {  	[tilespmem:s18+$0xC000] =	vst v3;
	v3 =	vld [tilespmem:s18+$0x4050]  }
0x96: {  	[tilespmem:s18+$0xC010] =	vst v4;
	v4 =	vld [tilespmem:s18+$0x4060]  }
0x97: {  	[tilespmem:s18+$0xC020] =	vst v0;
	v0 =	vld [tilespmem:s18+$0x4820]  }
0x98: {  	[tilespmem:s18+$0xC030] =	vst v1;
	v1 =	vld [tilespmem:s18+$0x4830]  }
0x99: {  	[tilespmem:s18+$0xC040] =	vst v2;
	v2 =	vld [tilespmem:s18+$0x4840]  }
0x9a: {  	[tilespmem:s18+$0xC050] =	vst v3;
	v3 =	vld [tilespmem:s18+$0x4850]  }
0x9b: {  	s16 =	sshll.u32 s15, $0xF;
	s20 =	simm.s32 $0xFFFFF880;
	s19 =	simm.s32 $0xFFFFE400;
	[tilespmem:s18+$0xC060] =	vst v4;
	v4 =	vld [tilespmem:s18+$0x4860]  }
.LBB2_6:
0x9c: {  	p2 =	sne.s32 s19, $0xFFFFFE00;
	v5 =	vld [tilespmem:s20+$0x4870];
	[tilespmem:s18+$0xC820] =	vst v0  }
0x9d: {  	v0 =	vld [tilespmem:s20+$0x1000];
	[tilespmem:s18+$0xC830] =	vst v1  }
0x9e: {  	v1 =	vld [tilespmem:s20+$0x1010];
	[tilespmem:s18+$0xC840] =	vst v2  }
0x9f: {  	v2 =	vld [tilespmem:s20+$0x1020];
	[tilespmem:s18+$0xC850] =	vst v3  }
0xa0: {  	v3 =	vld [tilespmem:s20+$0x1030];
	[tilespmem:s18+$0xC860] =	vst v4;
	s18 =	smov.u32 s20  }
0xa1: {  	v4 =	vld [tilespmem:s18+$0x1040];
	[tilespmem:s18+$0xC870] =	vst v5  }
0xa2: {  	[tilespmem:s18+$0x9000] =	vst v0;
	v0 =	vld [tilespmem:s18+$0x1050]  }
0xa3: {  	[tilespmem:s18+$0x9010] =	vst v1;
	v1 =	vld [tilespmem:s18+$0x1060]  }
0xa4: {  	[tilespmem:s18+$0x9020] =	vst v2;
	v2 =	vld [tilespmem:s18+$0x1070]  }
0xa5: {  	[tilespmem:s18+$0x9030] =	vst v3;
	v3 =	vld [tilespmem:s18+$0x1800]  }
0xa6: {  	[tilespmem:s18+$0x9040] =	vst v4;
	v4 =	vld [tilespmem:s18+$0x1810]  }
0xa7: {  	[tilespmem:s18+$0x9050] =	vst v0;
	v0 =	vld [tilespmem:s18+$0x1820]  }
0xa8: {  	[tilespmem:s18+$0x9060] =	vst v1;
	v1 =	vld [tilespmem:s18+$0x1830]  }
0xa9: {  	[tilespmem:s18+$0x9070] =	vst v2;
	v2 =	vld [tilespmem:s18+$0x1840]  }
0xaa: {  	[tilespmem:s18+$0x9800] =	vst v3;
	v3 =	vld [tilespmem:s18+$0x1850]  }
0xab: {  	[tilespmem:s18+$0x9810] =	vst v4;
	v4 =	vld [tilespmem:s18+$0x1860]  }
0xac: {  	[tilespmem:s18+$0x9820] =	vst v0;
	v0 =	vld [tilespmem:s18+$0x1870]  }
0xad: {  	[tilespmem:s18+$0x9830] =	vst v1;
	v1 =	vld [tilespmem:s18+$0x2000]  }
0xae: {  	[tilespmem:s18+$0x9840] =	vst v2;
	v2 =	vld [tilespmem:s18+$0x2010]  }
0xaf: {  	[tilespmem:s18+$0x9850] =	vst v3;
	v3 =	vld [tilespmem:s18+$0x2020]  }
0xb0: {  	[tilespmem:s18+$0x9860] =	vst v4;
	v4 =	vld [tilespmem:s18+$0x2030]  }
0xb1: {  	[tilespmem:s18+$0x9870] =	vst v0;
	v0 =	vld [tilespmem:s18+$0x2040]  }
0xb2: {  	[tilespmem:s18+$0xA000] =	vst v1;
	v1 =	vld [tilespmem:s18+$0x2050]  }
0xb3: {  	[tilespmem:s18+$0xA010] =	vst v2;
	v2 =	vld [tilespmem:s18+$0x2060]  }
0xb4: {  	[tilespmem:s18+$0xA020] =	vst v3;
	v3 =	vld [tilespmem:s18+$0x2070]  }
0xb5: {  	[tilespmem:s18+$0xA030] =	vst v4;
	v4 =	vld [tilespmem:s18+$0x2800]  }
0xb6: {  	[tilespmem:s18+$0xA040] =	vst v0;
	v0 =	vld [tilespmem:s18+$0x2810]  }
0xb7: {  	[tilespmem:s18+$0xA050] =	vst v1;
	v1 =	vld [tilespmem:s18+$0x2820]  }
0xb8: {  	[tilespmem:s18+$0xA060] =	vst v2;
	v2 =	vld [tilespmem:s18+$0x2830]  }
0xb9: {  	[tilespmem:s18+$0xA070] =	vst v3;
	v3 =	vld [tilespmem:s18+$0x2840]  }
0xba: {  	[tilespmem:s18+$0xA800] =	vst v4;
	v4 =	vld [tilespmem:s18+$0x2850]  }
0xbb: {  	[tilespmem:s18+$0xA810] =	vst v0;
	v0 =	vld [tilespmem:s18+$0x2860]  }
0xbc: {  	[tilespmem:s18+$0xA820] =	vst v1;
	v1 =	vld [tilespmem:s18+$0x2870]  }
0xbd: {  	[tilespmem:s18+$0xA830] =	vst v2;
	v2 =	vld [tilespmem:s18+$0x3000]  }
0xbe: {  	[tilespmem:s18+$0xA840] =	vst v3;
	v3 =	vld [tilespmem:s18+$0x3010]  }
0xbf: {  	[tilespmem:s18+$0xA850] =	vst v4;
	v4 =	vld [tilespmem:s18+$0x3020]  }
0xc0: {  	[tilespmem:s18+$0xA860] =	vst v0;
	v0 =	vld [tilespmem:s18+$0x3030]  }
0xc1: {  	[tilespmem:s18+$0xA870] =	vst v1;
	v1 =	vld [tilespmem:s18+$0x3040]  }
0xc2: {  	[tilespmem:s18+$0xB000] =	vst v2;
	v2 =	vld [tilespmem:s18+$0x3050]  }
0xc3: {  	[tilespmem:s18+$0xB010] =	vst v3;
	v3 =	vld [tilespmem:s18+$0x3060]  }
0xc4: {  	[tilespmem:s18+$0xB020] =	vst v4;
	v4 =	vld [tilespmem:s18+$0x3070]  }
0xc5: {  	[tilespmem:s18+$0xB030] =	vst v0;
	v0 =	vld [tilespmem:s18+$0x3800]  }
0xc6: {  	[tilespmem:s18+$0xB040] =	vst v1;
	v1 =	vld [tilespmem:s18+$0x3810]  }
0xc7: {  	[tilespmem:s18+$0xB050] =	vst v2;
	v2 =	vld [tilespmem:s18+$0x3820]  }
0xc8: {  	[tilespmem:s18+$0xB060] =	vst v3;
	v3 =	vld [tilespmem:s18+$0x3830]  }
0xc9: {  	[tilespmem:s18+$0xB070] =	vst v4;
	v4 =	vld [tilespmem:s18+$0x3840]  }
0xca: {  	[tilespmem:s18+$0xB800] =	vst v0;
	v0 =	vld [tilespmem:s18+$0x3850]  }
0xcb: {  	[tilespmem:s18+$0xB810] =	vst v1;
	v1 =	vld [tilespmem:s18+$0x3860]  }
0xcc: {  	[tilespmem:s18+$0xB820] =	vst v2;
	v2 =	vld [tilespmem:s18+$0x3870]  }
0xcd: {  	[tilespmem:s18+$0xB830] =	vst v3;
	v3 =	vld [tilespmem:s18+$0x4000]  }
0xce: {  	[tilespmem:s18+$0xB840] =	vst v4;
	v4 =	vld [tilespmem:s18+$0x4010]  }
0xcf: {  	[tilespmem:s18+$0xB850] =	vst v0;
	v0 =	vld [tilespmem:s18+$0x4020]  }
0xd0: {  	[tilespmem:s18+$0xB860] =	vst v1;
	v1 =	vld [tilespmem:s18+$0x4030]  }
0xd1: {  	[tilespmem:s18+$0xB870] =	vst v2;
	v2 =	vld [tilespmem:s18+$0x4040]  }
0xd2: {  	[tilespmem:s18+$0xC000] =	vst v3;
	v3 =	vld [tilespmem:s18+$0x4050]  }
0xd3: {  	[tilespmem:s18+$0xC010] =	vst v4;
	v4 =	vld [tilespmem:s18+$0x4060]  }
0xd4: {  	[tilespmem:s18+$0xC020] =	vst v0;
	v5 =	vld [tilespmem:s18+$0x4070]  }
0xd5: {  	[tilespmem:s18+$0xC030] =	vst v1;
	v6 =	vld [tilespmem:s18+$0x4800]  }
0xd6: {  	[tilespmem:s18+$0xC040] =	vst v2;
	v7 =	vld [tilespmem:s18+$0x4810]  }
.Ltmp2:
0xd7: {  	[tilespmem:s18+$0xC050] =	vst v3;
	v0 =	vld [tilespmem:s18+$0x4820];
	(pc) =	sbr.rel @p2 .LBB2_6-.Ltmp2, $4  }
0xd8: {  	[tilespmem:s18+$0xC060] =	vst v4;
	v1 =	vld [tilespmem:s18+$0x4830]  }
0xd9: {  	[tilespmem:s18+$0xC070] =	vst v5;
	v2 =	vld [tilespmem:s18+$0x4840]  }
0xda: {  	[tilespmem:s18+$0xC800] =	vst v6;
	v3 =	vld [tilespmem:s18+$0x4850]  }
0xdb: {  	s20 =	sshra.s32 s19, $0x2;
	s19 =	sadd.s32 $0x200, s19;
	[tilespmem:s18+$0xC810] =	vst v7;
	v4 =	vld [tilespmem:s18+$0x4860]  }
0xdc: {  	v5 =	vld [tilespmem:s20+$0x4870];
	[tilespmem:s18+$0xC820] =	vst v0  }
0xdd: {  	v0 =	vld [tilespmem:s20+$0x1000];
	[tilespmem:s18+$0xC830] =	vst v1  }
0xde: {  	v1 =	vld [tilespmem:s20+$0x1010];
	[tilespmem:s18+$0xC840] =	vst v2  }
0xdf: {  	v2 =	vld [tilespmem:s20+$0x1020];
	[tilespmem:s18+$0xC850] =	vst v3  }
0xe0: {  	v3 =	vld [tilespmem:s20+$0x1030];
	[tilespmem:s18+$0xC860] =	vst v4  }
0xe1: {  	v4 =	vld [tilespmem:s20+$0x1040];
	[tilespmem:s20+$0xC870] =	vst v5  }
0xe2: {  	[tilespmem:s20+$0x9000] =	vst v0;
	v0 =	vld [tilespmem:s20+$0x1050]  }
0xe3: {  	[tilespmem:s20+$0x9010] =	vst v1;
	v1 =	vld [tilespmem:s20+$0x1060]  }
0xe4: {  	[tilespmem:s20+$0x9020] =	vst v2;
	v2 =	vld [tilespmem:s20+$0x1070]  }
0xe5: {  	[tilespmem:s20+$0x9030] =	vst v3;
	v3 =	vld [tilespmem:s20+$0x1800]  }
0xe6: {  	[tilespmem:s20+$0x9040] =	vst v4;
	v4 =	vld [tilespmem:s20+$0x1810]  }
0xe7: {  	[tilespmem:s20+$0x9050] =	vst v0;
	v0 =	vld [tilespmem:s20+$0x1820]  }
0xe8: {  	[tilespmem:s20+$0x9060] =	vst v1;
	v1 =	vld [tilespmem:s20+$0x1830]  }
0xe9: {  	[tilespmem:s20+$0x9070] =	vst v2;
	v2 =	vld [tilespmem:s20+$0x1840]  }
0xea: {  	[tilespmem:s20+$0x9800] =	vst v3;
	v3 =	vld [tilespmem:s20+$0x1850]  }
0xeb: {  	[tilespmem:s20+$0x9810] =	vst v4;
	v4 =	vld [tilespmem:s20+$0x1860]  }
0xec: {  	[tilespmem:s20+$0x9820] =	vst v0;
	v0 =	vld [tilespmem:s20+$0x1870]  }
0xed: {  	[tilespmem:s20+$0x9830] =	vst v1;
	v1 =	vld [tilespmem:s20+$0x2000]  }
0xee: {  	[tilespmem:s20+$0x9840] =	vst v2;
	v2 =	vld [tilespmem:s20+$0x2010]  }
0xef: {  	[tilespmem:s20+$0x9850] =	vst v3;
	v3 =	vld [tilespmem:s20+$0x2020]  }
0xf0: {  	[tilespmem:s20+$0x9860] =	vst v4;
	v4 =	vld [tilespmem:s20+$0x2030]  }
0xf1: {  	[tilespmem:s20+$0x9870] =	vst v0;
	v0 =	vld [tilespmem:s20+$0x2040]  }
0xf2: {  	[tilespmem:s20+$0xA000] =	vst v1;
	v1 =	vld [tilespmem:s20+$0x2050]  }
0xf3: {  	[tilespmem:s20+$0xA010] =	vst v2;
	v2 =	vld [tilespmem:s20+$0x2060]  }
0xf4: {  	[tilespmem:s20+$0xA020] =	vst v3;
	v3 =	vld [tilespmem:s20+$0x2070]  }
0xf5: {  	[tilespmem:s20+$0xA030] =	vst v4;
	v4 =	vld [tilespmem:s20+$0x2800]  }
0xf6: {  	[tilespmem:s20+$0xA040] =	vst v0;
	v0 =	vld [tilespmem:s20+$0x2810]  }
0xf7: {  	[tilespmem:s20+$0xA050] =	vst v1;
	v1 =	vld [tilespmem:s20+$0x2820]  }
0xf8: {  	[tilespmem:s20+$0xA060] =	vst v2;
	v2 =	vld [tilespmem:s20+$0x2830]  }
0xf9: {  	[tilespmem:s20+$0xA070] =	vst v3;
	v3 =	vld [tilespmem:s20+$0x2840]  }
0xfa: {  	[tilespmem:s20+$0xA800] =	vst v4;
	v4 =	vld [tilespmem:s20+$0x2850]  }
0xfb: {  	[tilespmem:s20+$0xA810] =	vst v0;
	v0 =	vld [tilespmem:s20+$0x2860]  }
0xfc: {  	[tilespmem:s20+$0xA820] =	vst v1;
	v1 =	vld [tilespmem:s20+$0x2870]  }
0xfd: {  	[tilespmem:s20+$0xA830] =	vst v2;
	v2 =	vld [tilespmem:s20+$0x3000]  }
0xfe: {  	[tilespmem:s20+$0xA840] =	vst v3;
	v3 =	vld [tilespmem:s20+$0x3010]  }
0xff: {  	[tilespmem:s20+$0xA850] =	vst v4;
	v4 =	vld [tilespmem:s20+$0x3020]  }
0x100: {  	[tilespmem:s20+$0xA860] =	vst v0;
	v0 =	vld [tilespmem:s20+$0x3030]  }
0x101: {  	[tilespmem:s20+$0xA870] =	vst v1;
	v1 =	vld [tilespmem:s20+$0x3040]  }
0x102: {  	[tilespmem:s20+$0xB000] =	vst v2;
	v2 =	vld [tilespmem:s20+$0x3050]  }
0x103: {  	[tilespmem:s20+$0xB010] =	vst v3;
	v3 =	vld [tilespmem:s20+$0x3060]  }
0x104: {  	[tilespmem:s20+$0xB020] =	vst v4;
	v4 =	vld [tilespmem:s20+$0x3070]  }
0x105: {  	[tilespmem:s20+$0xB030] =	vst v0;
	v0 =	vld [tilespmem:s20+$0x3800]  }
0x106: {  	[tilespmem:s20+$0xB040] =	vst v1;
	v1 =	vld [tilespmem:s20+$0x3810]  }
0x107: {  	[tilespmem:s20+$0xB050] =	vst v2;
	v2 =	vld [tilespmem:s20+$0x3820]  }
0x108: {  	[tilespmem:s20+$0xB060] =	vst v3;
	v3 =	vld [tilespmem:s20+$0x3830]  }
0x109: {  	[tilespmem:s20+$0xB070] =	vst v4;
	v4 =	vld [tilespmem:s20+$0x3840]  }
0x10a: {  	[tilespmem:s20+$0xB800] =	vst v0;
	v0 =	vld [tilespmem:s20+$0x3850]  }
0x10b: {  	[tilespmem:s20+$0xB810] =	vst v1;
	v1 =	vld [tilespmem:s20+$0x3860]  }
0x10c: {  	[tilespmem:s20+$0xB820] =	vst v2;
	v2 =	vld [tilespmem:s20+$0x3870]  }
0x10d: {  	[tilespmem:s20+$0xB830] =	vst v3;
	v3 =	vld [tilespmem:s20+$0x4000]  }
0x10e: {  	[tilespmem:s20+$0xB840] =	vst v4;
	v4 =	vld [tilespmem:s20+$0x4010]  }
0x10f: {  	[tilespmem:s20+$0xB850] =	vst v0;
	v0 =	vld [tilespmem:s20+$0x4020]  }
0x110: {  	[tilespmem:s20+$0xB860] =	vst v1;
	v1 =	vld [tilespmem:s20+$0x4030]  }
0x111: {  	[tilespmem:s20+$0xB870] =	vst v2;
	v2 =	vld [tilespmem:s20+$0x4040]  }
0x112: {  	[tilespmem:s20+$0xC000] =	vst v3;
	v3 =	vld [tilespmem:s20+$0x4050]  }
0x113: {  	[tilespmem:s20+$0xC010] =	vst v4;
	v4 =	vld [tilespmem:s20+$0x4060]  }
0x114: {  	[tilespmem:s20+$0xC020] =	vst v0;
	v0 =	vld [tilespmem:s20+$0x4070]  }
0x115: {  	[tilespmem:s20+$0xC030] =	vst v1;
	v1 =	vld [tilespmem:s20+$0x4800]  }
0x116: {  	[tilespmem:s20+$0xC040] =	vst v2;
	v2 =	vld [tilespmem:s20+$0x4810]  }
0x117: {  	[tilespmem:s20+$0xC050] =	vst v3;
	v3 =	vld [tilespmem:s20+$0x4820]  }
0x118: {  	[tilespmem:s20+$0xC060] =	vst v4;
	v4 =	vld [tilespmem:s20+$0x4830]  }
0x119: {  	[tilespmem:s20+$0xC070] =	vst v0;
	v0 =	vld [tilespmem:s20+$0x4840]  }
0x11a: {  	[tilespmem:s20+$0xC800] =	vst v1;
	v1 =	vld [tilespmem:s20+$0x4850]  }
0x11b: {  	[tilespmem:s20+$0xC810] =	vst v2;
	v2 =	vld [tilespmem:s20+$0x4860]  }
0x11c: {  	[tilespmem:s20+$0xC820] =	vst v3  }
0x11d: {  	[tilespmem:s20+$0xC830] =	vst v4  }
0x11e: {  	s21 =	sadd.s32 s7, s16;
	[tilespmem:s20+$0xC840] =	vst v0  }
0x11f: {  	s18 =	sshrl.u32 s21, $0x3;
	[tilespmem:s20+$0xC850] =	vst v1  }
0x120: {  	s18 =	sadd.s32 s5, s18;
	[tilespmem:s20+$0xC860] =	vst v2  }
0x121: {  	[hbm4b:s18+s3] =	stream.linear.scatter [tilespmem:s8], [sflag:$0x5], $0x4000, $0x38;
	[tilespmem:$0x10800] =	vst v63  }
0x122: {  	_ =	swait.ge [sflag:s12], $0x800  }
0x123: {  	[sflag:s12] =	ssyncset.done $0x0  }
0x124: {  	[sflag:s12] =	ssyncadd.s32 $0xFFFFF800  }
0x125: {  	_ =	swait.ge [sflag:s12], $0x800  }
0x126: {  	[sflag:s12] =	ssyncset.done $0x0  }
0x127: {  	[sflag:s12] =	ssyncadd.s32 $0xFFFFF800  }
0x128: {  	_ =	swait.ge [sflag:s12], $0x800  }
0x129: {  	[sflag:s12] =	ssyncset.done $0x0  }
0x12a: {  	[sflag:s12] =	ssyncadd.s32 $0xFFFFF800  }
0x12b: {  	_ =	swait.ge [sflag:s12], $0x800  }
0x12c: {  	[sflag:s12] =	ssyncset.done $0x0  }
0x12d: {  	[sflag:s12] =	ssyncadd.s32 $0xFFFFF800  }
0x12e: {  	_ =	swait.ge [sflag:s12], $0x800  }
0x12f: {  	[sflag:s12] =	ssyncset.done $0x0  }
0x130: {  	[sflag:s12] =	ssyncadd.s32 $0xFFFFF800  }
0x131: {  	_ =	swait.ge [sflag:s12], $0x800  }
0x132: {  	[sflag:s12] =	ssyncset.done $0x0  }
0x133: {  	[sflag:s12] =	ssyncadd.s32 $0xFFFFF800  }
0x134: {  	_ =	swait.ge [sflag:s12], $0x800  }
0x135: {  	[sflag:s12] =	ssyncset.done $0x0  }
0x136: {  	[sflag:s12] =	ssyncadd.s32 $0xFFFFF800  }
0x137: {  	_ =	swait.ge [sflag:s12], $0x800  }
0x138: {  	[sflag:s12] =	ssyncset.done $0x0  }
0x139: {  	s18 =	simm.s32 @!p0 $0x1;
	[sflag:s12] =	ssyncadd.s32 $0xFFFFF800  }
0x13a: {  	_ =	swait.ge @!p0 [sflag:s18], $0x400  }
0x13b: {  	s19 =	simm.s32 @!p0 $0x0;
	[sflag:s18] =	ssyncset.done @!p0 $0x0  }
0x13c: {  	s20 =	simm.s32 @!p0 $0x800;
	[sflag:s18] =	ssyncadd.s32 @!p0 $0xFFFFFC00;
	s18 =	simm.s32 @!p0 $0x80  }
0x13d: {  	[tilespmem:s20], [sflag:$0x3] =	stream.indirect.gather @!p0 [hbm4b:s4+s18], $0x10, s19, s18, $0xb8;
	[tilespmem:$0x10800] =	vst v63  }
0x13e: {  	s20 =	simm.s32 @!p0 $0x1000  }
0x13f: {  	[tilespmem:s20], [sflag:$0x3] =	stream.indirect.gather @!p0 [hbm4b:s4+s18], $0x10, s18, s18, $0xb8;
	[tilespmem:$0x10800] =	vst v63  }
0x140: {  	s21 =	simm.s32 @!p0 $0x1800;
	s20 =	simm.s32 @!p0 $0x100  }
0x141: {  	[tilespmem:s21], [sflag:$0x3] =	stream.indirect.gather @!p0 [hbm4b:s4+s18], $0x10, s20, s18, $0xb8;
	[tilespmem:$0x10800] =	vst v63  }
0x142: {  	s20 =	simm.s32 @!p0 $0x180;
	s21 =	simm.s32 @!p0 $0x2000  }
0x143: {  	[tilespmem:s21], [sflag:$0x3] =	stream.indirect.gather @!p0 [hbm4b:s4+s18], $0x10, s20, s18, $0xb8;
	[tilespmem:$0x10800] =	vst v63  }
0x144: {  	s20 =	simm.s32 @!p0 $0x200;
	s21 =	simm.s32 @!p0 $0x2800  }
0x145: {  	[tilespmem:s21], [sflag:$0x3] =	stream.indirect.gather @!p0 [hbm4b:s4+s18], $0x10, s20, s18, $0xb8;
	[tilespmem:$0x10800] =	vst v63  }
0x146: {  	s20 =	simm.s32 @!p0 $0x280;
	s21 =	simm.s32 @!p0 $0x3000  }
0x147: {  	[tilespmem:s21], [sflag:$0x3] =	stream.indirect.gather @!p0 [hbm4b:s4+s18], $0x10, s20, s18, $0xb8;
	[tilespmem:$0x10800] =	vst v63  }
0x148: {  	s17 =	sadd.s32 @!p0 s17, s10;
	s20 =	simm.s32 @!p0 $0x300;
	s21 =	simm.s32 @!p0 $0x3800  }
0x149: {  	[tilespmem:s21], [sflag:$0x3] =	stream.indirect.gather @!p0 [hbm4b:s4+s18], $0x10, s20, s18, $0xb8;
	[tilespmem:$0x10800] =	vst v63  }
0x14a: {  	s17 =	sshrl.u32 @!p0 s17, $0x3;
	s20 =	simm.s32 @!p0 $0x380;
	s21 =	simm.s32 @!p0 $0x4000  }
0x14b: {  	[tilespmem:s21], [sflag:$0x3] =	stream.indirect.gather @!p0 [hbm4b:s4+s18], $0x10, s20, s18, $0xb8;
	[tilespmem:$0x10800] =	vst v63  }
0x14c: {  	s17 =	sadd.s32 @!p0 s2, s17;
	s18 =	simm.s32 @!p0 $0x400  }
0x14d: {  	[tilespmem:s18], [sflag:$0x2] =	stream.linear.gather @!p0 [hbm4b:s17+s19], $0x400, $0x38;
	[tilespmem:$0x10800] =	vst v63  }
0x14e: {  	p0 =	por p0, !p1  }
0x14f: {  	_ =	swait.ge @p0 [sflag:s1], $0x4000  }
0x150: {  	[sflag:s1] =	ssyncset.done @p0 $0x0  }
0x151: {  	s17 =	simm.s32 $0x0;
	[sflag:s1] =	ssyncadd.s32 @p0 $0xFFFFC000  }
0x152: {  	v0 =	vld [tilespmem:s17+$0x8070]  }
0x153: {  	v1 =	vld [tilespmem:s17+$0x4800]  }
0x154: {  	v2 =	vld [tilespmem:s17+$0x4810]  }
0x155: {  	v3 =	vld [tilespmem:s17+$0x4820]  }
0x156: {  	v4 =	vld [tilespmem:s17+$0x4830]  }
0x157: {  	v5 =	vld [tilespmem:s17+$0x4840];
	[tilespmem:s17+$0x10070] =	vst v0  }
0x158: {  	v6 =	vld [tilespmem:s17+$0x8000];
	[tilespmem:s17+$0xC800] =	vst v1  }
0x159: {  	v7 =	vld [tilespmem:s17+$0x8010];
	[tilespmem:s17+$0xC810] =	vst v2  }
0x15a: {  	v0 =	vld [tilespmem:s17+$0x4850];
	[tilespmem:s17+$0xC820] =	vst v3  }
0x15b: {  	v1 =	vld [tilespmem:s17+$0x4860];
	[tilespmem:s17+$0xC830] =	vst v4  }
0x15c: {  	v2 =	vld [tilespmem:s17+$0x4870];
	[tilespmem:s17+$0xC840] =	vst v5  }
0x15d: {  	v3 =	vld [tilespmem:s17+$0x5000];
	[tilespmem:s17+$0x10000] =	vst v6  }
0x15e: {  	v4 =	vld [tilespmem:s17+$0x5010];
	[tilespmem:s17+$0x10010] =	vst v7  }
0x15f: {  	v5 =	vld [tilespmem:s17+$0x7870];
	[tilespmem:s17+$0xC850] =	vst v0  }
0x160: {  	v0 =	vld [tilespmem:s17+$0x5020];
	[tilespmem:s17+$0xC860] =	vst v1  }
0x161: {  	v1 =	vld [tilespmem:s17+$0x5030];
	[tilespmem:s17+$0xC870] =	vst v2  }
0x162: {  	v2 =	vld [tilespmem:s17+$0x5040];
	[tilespmem:s17+$0xD000] =	vst v3  }
0x163: {  	v3 =	vld [tilespmem:s17+$0x5050];
	[tilespmem:s17+$0xD010] =	vst v4  }
0x164: {  	v4 =	vld [tilespmem:s17+$0x5060];
	[tilespmem:s17+$0xF870] =	vst v5  }
0x165: {  	[tilespmem:s17+$0xD020] =	vst v0;
	v0 =	vld [tilespmem:s17+$0x5070]  }
0x166: {  	[tilespmem:s17+$0xD030] =	vst v1;
	v1 =	vld [tilespmem:s17+$0x5800]  }
0x167: {  	[tilespmem:s17+$0xD040] =	vst v2;
	v2 =	vld [tilespmem:s17+$0x5810]  }
0x168: {  	[tilespmem:s17+$0xD050] =	vst v3;
	v3 =	vld [tilespmem:s17+$0x5820]  }
0x169: {  	[tilespmem:s17+$0xD060] =	vst v4;
	v4 =	vld [tilespmem:s17+$0x5830]  }
0x16a: {  	[tilespmem:s17+$0xD070] =	vst v0;
	v0 =	vld [tilespmem:s17+$0x5840]  }
0x16b: {  	[tilespmem:s17+$0xD800] =	vst v1;
	v1 =	vld [tilespmem:s17+$0x5850]  }
0x16c: {  	[tilespmem:s17+$0xD810] =	vst v2;
	v2 =	vld [tilespmem:s17+$0x5860]  }
0x16d: {  	[tilespmem:s17+$0xD820] =	vst v3;
	v3 =	vld [tilespmem:s17+$0x5870]  }
0x16e: {  	[tilespmem:s17+$0xD830] =	vst v4;
	v4 =	vld [tilespmem:s17+$0x6000]  }
0x16f: {  	[tilespmem:s17+$0xD840] =	vst v0;
	v0 =	vld [tilespmem:s17+$0x6010]  }
0x170: {  	[tilespmem:s17+$0xD850] =	vst v1;
	v1 =	vld [tilespmem:s17+$0x6020]  }
0x171: {  	[tilespmem:s17+$0xD860] =	vst v2;
	v2 =	vld [tilespmem:s17+$0x6030]  }
0x172: {  	[tilespmem:s17+$0xD870] =	vst v3;
	v3 =	vld [tilespmem:s17+$0x6040]  }
0x173: {  	[tilespmem:s17+$0xE000] =	vst v4;
	v4 =	vld [tilespmem:s17+$0x6050]  }
0x174: {  	[tilespmem:s17+$0xE010] =	vst v0;
	v0 =	vld [tilespmem:s17+$0x6060]  }
0x175: {  	[tilespmem:s17+$0xE020] =	vst v1;
	v1 =	vld [tilespmem:s17+$0x6070]  }
0x176: {  	[tilespmem:s17+$0xE030] =	vst v2;
	v2 =	vld [tilespmem:s17+$0x6800]  }
0x177: {  	[tilespmem:s17+$0xE040] =	vst v3;
	v3 =	vld [tilespmem:s17+$0x6810]  }
0x178: {  	[tilespmem:s17+$0xE050] =	vst v4;
	v4 =	vld [tilespmem:s17+$0x6820]  }
0x179: {  	[tilespmem:s17+$0xE060] =	vst v0;
	v0 =	vld [tilespmem:s17+$0x6830]  }
0x17a: {  	[tilespmem:s17+$0xE070] =	vst v1;
	v1 =	vld [tilespmem:s17+$0x6840]  }
0x17b: {  	[tilespmem:s17+$0xE800] =	vst v2;
	v2 =	vld [tilespmem:s17+$0x6850]  }
0x17c: {  	[tilespmem:s17+$0xE810] =	vst v3;
	v3 =	vld [tilespmem:s17+$0x6860]  }
0x17d: {  	[tilespmem:s17+$0xE820] =	vst v4;
	v4 =	vld [tilespmem:s17+$0x6870]  }
0x17e: {  	[tilespmem:s17+$0xE830] =	vst v0;
	v0 =	vld [tilespmem:s17+$0x7000]  }
0x17f: {  	[tilespmem:s17+$0xE840] =	vst v1;
	v1 =	vld [tilespmem:s17+$0x7010]  }
0x180: {  	[tilespmem:s17+$0xE850] =	vst v2;
	v2 =	vld [tilespmem:s17+$0x7020]  }
0x181: {  	[tilespmem:s17+$0xE860] =	vst v3;
	v3 =	vld [tilespmem:s17+$0x7030]  }
0x182: {  	[tilespmem:s17+$0xE870] =	vst v4;
	v4 =	vld [tilespmem:s17+$0x7040]  }
0x183: {  	[tilespmem:s17+$0xF000] =	vst v0;
	v0 =	vld [tilespmem:s17+$0x7050]  }
0x184: {  	[tilespmem:s17+$0xF010] =	vst v1;
	v1 =	vld [tilespmem:s17+$0x7060]  }
0x185: {  	[tilespmem:s17+$0xF020] =	vst v2;
	v2 =	vld [tilespmem:s17+$0x7070]  }
0x186: {  	[tilespmem:s17+$0xF030] =	vst v3;
	v3 =	vld [tilespmem:s17+$0x7800]  }
0x187: {  	[tilespmem:s17+$0xF040] =	vst v4;
	v4 =	vld [tilespmem:s17+$0x7810]  }
0x188: {  	[tilespmem:s17+$0xF050] =	vst v0;
	v0 =	vld [tilespmem:s17+$0x7820]  }
0x189: {  	[tilespmem:s17+$0xF060] =	vst v1;
	v1 =	vld [tilespmem:s17+$0x7830]  }
0x18a: {  	[tilespmem:s17+$0xF070] =	vst v2;
	v2 =	vld [tilespmem:s17+$0x7840]  }
0x18b: {  	[tilespmem:s17+$0xF800] =	vst v3;
	v3 =	vld [tilespmem:s17+$0x7850]  }
0x18c: {  	[tilespmem:s17+$0xF810] =	vst v4;
	v4 =	vld [tilespmem:s17+$0x7860]  }
0x18d: {  	[tilespmem:s17+$0xF820] =	vst v0;
	v0 =	vld [tilespmem:s17+$0x8020]  }
0x18e: {  	[tilespmem:s17+$0xF830] =	vst v1;
	v1 =	vld [tilespmem:s17+$0x8030]  }
0x18f: {  	[tilespmem:s17+$0xF840] =	vst v2;
	v2 =	vld [tilespmem:s17+$0x8040]  }
0x190: {  	[tilespmem:s17+$0xF850] =	vst v3;
	v3 =	vld [tilespmem:s17+$0x8050]  }
0x191: {  	s19 =	simm.s32 $0x80;
	s18 =	simm.s32 $0x400;
	[tilespmem:s17+$0xF860] =	vst v4;
	v4 =	vld [tilespmem:s17+$0x8060]  }
.LBB2_8:
0x192: {  	p0 =	sne.s32 s18, $0x1E00;
	v5 =	vld [tilespmem:s19+$0x8070];
	[tilespmem:s17+$0x10020] =	vst v0  }
0x193: {  	v0 =	vld [tilespmem:s19+$0x4800];
	[tilespmem:s17+$0x10030] =	vst v1  }
0x194: {  	v1 =	vld [tilespmem:s19+$0x4810];
	[tilespmem:s17+$0x10040] =	vst v2  }
0x195: {  	v2 =	vld [tilespmem:s19+$0x4820];
	[tilespmem:s17+$0x10050] =	vst v3  }
0x196: {  	v3 =	vld [tilespmem:s19+$0x4830];
	[tilespmem:s17+$0x10060] =	vst v4;
	s17 =	smov.u32 s19  }
0x197: {  	v4 =	vld [tilespmem:s17+$0x4840];
	[tilespmem:s17+$0x10070] =	vst v5  }
0x198: {  	[tilespmem:s17+$0xC800] =	vst v0;
	v0 =	vld [tilespmem:s17+$0x4850]  }
0x199: {  	[tilespmem:s17+$0xC810] =	vst v1;
	v1 =	vld [tilespmem:s17+$0x4860]  }
0x19a: {  	[tilespmem:s17+$0xC820] =	vst v2;
	v2 =	vld [tilespmem:s17+$0x4870]  }
0x19b: {  	[tilespmem:s17+$0xC830] =	vst v3;
	v3 =	vld [tilespmem:s17+$0x5000]  }
0x19c: {  	[tilespmem:s17+$0xC840] =	vst v4;
	v4 =	vld [tilespmem:s17+$0x5010]  }
0x19d: {  	[tilespmem:s17+$0xC850] =	vst v0;
	v0 =	vld [tilespmem:s17+$0x5020]  }
0x19e: {  	[tilespmem:s17+$0xC860] =	vst v1;
	v1 =	vld [tilespmem:s17+$0x5030]  }
0x19f: {  	[tilespmem:s17+$0xC870] =	vst v2;
	v2 =	vld [tilespmem:s17+$0x5040]  }
0x1a0: {  	[tilespmem:s17+$0xD000] =	vst v3;
	v3 =	vld [tilespmem:s17+$0x5050]  }
0x1a1: {  	[tilespmem:s17+$0xD010] =	vst v4;
	v4 =	vld [tilespmem:s17+$0x5060]  }
0x1a2: {  	[tilespmem:s17+$0xD020] =	vst v0;
	v0 =	vld [tilespmem:s17+$0x5070]  }
0x1a3: {  	[tilespmem:s17+$0xD030] =	vst v1;
	v1 =	vld [tilespmem:s17+$0x5800]  }
0x1a4: {  	[tilespmem:s17+$0xD040] =	vst v2;
	v2 =	vld [tilespmem:s17+$0x5810]  }
0x1a5: {  	[tilespmem:s17+$0xD050] =	vst v3;
	v3 =	vld [tilespmem:s17+$0x5820]  }
0x1a6: {  	[tilespmem:s17+$0xD060] =	vst v4;
	v4 =	vld [tilespmem:s17+$0x5830]  }
0x1a7: {  	[tilespmem:s17+$0xD070] =	vst v0;
	v0 =	vld [tilespmem:s17+$0x5840]  }
0x1a8: {  	[tilespmem:s17+$0xD800] =	vst v1;
	v1 =	vld [tilespmem:s17+$0x5850]  }
0x1a9: {  	[tilespmem:s17+$0xD810] =	vst v2;
	v2 =	vld [tilespmem:s17+$0x5860]  }
0x1aa: {  	[tilespmem:s17+$0xD820] =	vst v3;
	v3 =	vld [tilespmem:s17+$0x5870]  }
0x1ab: {  	[tilespmem:s17+$0xD830] =	vst v4;
	v4 =	vld [tilespmem:s17+$0x6000]  }
0x1ac: {  	[tilespmem:s17+$0xD840] =	vst v0;
	v0 =	vld [tilespmem:s17+$0x6010]  }
0x1ad: {  	[tilespmem:s17+$0xD850] =	vst v1;
	v1 =	vld [tilespmem:s17+$0x6020]  }
0x1ae: {  	[tilespmem:s17+$0xD860] =	vst v2;
	v2 =	vld [tilespmem:s17+$0x6030]  }
0x1af: {  	[tilespmem:s17+$0xD870] =	vst v3;
	v3 =	vld [tilespmem:s17+$0x6040]  }
0x1b0: {  	[tilespmem:s17+$0xE000] =	vst v4;
	v4 =	vld [tilespmem:s17+$0x6050]  }
0x1b1: {  	[tilespmem:s17+$0xE010] =	vst v0;
	v0 =	vld [tilespmem:s17+$0x6060]  }
0x1b2: {  	[tilespmem:s17+$0xE020] =	vst v1;
	v1 =	vld [tilespmem:s17+$0x6070]  }
0x1b3: {  	[tilespmem:s17+$0xE030] =	vst v2;
	v2 =	vld [tilespmem:s17+$0x6800]  }
0x1b4: {  	[tilespmem:s17+$0xE040] =	vst v3;
	v3 =	vld [tilespmem:s17+$0x6810]  }
0x1b5: {  	[tilespmem:s17+$0xE050] =	vst v4;
	v4 =	vld [tilespmem:s17+$0x6820]  }
0x1b6: {  	[tilespmem:s17+$0xE060] =	vst v0;
	v0 =	vld [tilespmem:s17+$0x6830]  }
0x1b7: {  	[tilespmem:s17+$0xE070] =	vst v1;
	v1 =	vld [tilespmem:s17+$0x6840]  }
0x1b8: {  	[tilespmem:s17+$0xE800] =	vst v2;
	v2 =	vld [tilespmem:s17+$0x6850]  }
0x1b9: {  	[tilespmem:s17+$0xE810] =	vst v3;
	v3 =	vld [tilespmem:s17+$0x6860]  }
0x1ba: {  	[tilespmem:s17+$0xE820] =	vst v4;
	v4 =	vld [tilespmem:s17+$0x6870]  }
0x1bb: {  	[tilespmem:s17+$0xE830] =	vst v0;
	v0 =	vld [tilespmem:s17+$0x7000]  }
0x1bc: {  	[tilespmem:s17+$0xE840] =	vst v1;
	v1 =	vld [tilespmem:s17+$0x7010]  }
0x1bd: {  	[tilespmem:s17+$0xE850] =	vst v2;
	v2 =	vld [tilespmem:s17+$0x7020]  }
0x1be: {  	[tilespmem:s17+$0xE860] =	vst v3;
	v3 =	vld [tilespmem:s17+$0x7030]  }
0x1bf: {  	[tilespmem:s17+$0xE870] =	vst v4;
	v4 =	vld [tilespmem:s17+$0x7040]  }
0x1c0: {  	[tilespmem:s17+$0xF000] =	vst v0;
	v0 =	vld [tilespmem:s17+$0x7050]  }
0x1c1: {  	[tilespmem:s17+$0xF010] =	vst v1;
	v1 =	vld [tilespmem:s17+$0x7060]  }
0x1c2: {  	[tilespmem:s17+$0xF020] =	vst v2;
	v2 =	vld [tilespmem:s17+$0x7070]  }
0x1c3: {  	[tilespmem:s17+$0xF030] =	vst v3;
	v3 =	vld [tilespmem:s17+$0x7800]  }
0x1c4: {  	[tilespmem:s17+$0xF040] =	vst v4;
	v4 =	vld [tilespmem:s17+$0x7810]  }
0x1c5: {  	[tilespmem:s17+$0xF050] =	vst v0;
	v0 =	vld [tilespmem:s17+$0x7820]  }
0x1c6: {  	[tilespmem:s17+$0xF060] =	vst v1;
	v1 =	vld [tilespmem:s17+$0x7830]  }
0x1c7: {  	[tilespmem:s17+$0xF070] =	vst v2;
	v2 =	vld [tilespmem:s17+$0x7840]  }
0x1c8: {  	[tilespmem:s17+$0xF800] =	vst v3;
	v3 =	vld [tilespmem:s17+$0x7850]  }
0x1c9: {  	[tilespmem:s17+$0xF810] =	vst v4;
	v4 =	vld [tilespmem:s17+$0x7860]  }
0x1ca: {  	[tilespmem:s17+$0xF820] =	vst v0;
	v5 =	vld [tilespmem:s17+$0x7870]  }
0x1cb: {  	[tilespmem:s17+$0xF830] =	vst v1;
	v6 =	vld [tilespmem:s17+$0x8000]  }
0x1cc: {  	[tilespmem:s17+$0xF840] =	vst v2;
	v7 =	vld [tilespmem:s17+$0x8010]  }
.Ltmp3:
0x1cd: {  	[tilespmem:s17+$0xF850] =	vst v3;
	v0 =	vld [tilespmem:s17+$0x8020];
	(pc) =	sbr.rel @p0 .LBB2_8-.Ltmp3, $4  }
0x1ce: {  	[tilespmem:s17+$0xF860] =	vst v4;
	v1 =	vld [tilespmem:s17+$0x8030]  }
0x1cf: {  	[tilespmem:s17+$0xF870] =	vst v5;
	v2 =	vld [tilespmem:s17+$0x8040]  }
0x1d0: {  	[tilespmem:s17+$0x10000] =	vst v6;
	v3 =	vld [tilespmem:s17+$0x8050]  }
0x1d1: {  	s19 =	sshra.s32 s18, $0x2;
	s18 =	sadd.s32 $0x200, s18;
	[tilespmem:s17+$0x10010] =	vst v7;
	v4 =	vld [tilespmem:s17+$0x8060]  }
0x1d2: {  	v5 =	vld [tilespmem:s19+$0x8070];
	[tilespmem:s17+$0x10020] =	vst v0  }
0x1d3: {  	v0 =	vld [tilespmem:s19+$0x4800];
	[tilespmem:s17+$0x10030] =	vst v1  }
0x1d4: {  	v1 =	vld [tilespmem:s19+$0x4810];
	[tilespmem:s17+$0x10040] =	vst v2  }
0x1d5: {  	v2 =	vld [tilespmem:s19+$0x4820];
	[tilespmem:s17+$0x10050] =	vst v3  }
0x1d6: {  	v3 =	vld [tilespmem:s19+$0x4830];
	[tilespmem:s17+$0x10060] =	vst v4  }
0x1d7: {  	v4 =	vld [tilespmem:s19+$0x4840];
	[tilespmem:s19+$0x10070] =	vst v5  }
0x1d8: {  	v62 =	vld [tilespmem:s19+$0x4850];
	[tilespmem:s19+$0xC800] =	vst v0  }
0x1d9: {  	v63 =	vld [tilespmem:s19+$0x4860];
	[tilespmem:s19+$0xC810] =	vst v1  }
0x1da: {  	v8 =	vld [tilespmem:s19+$0x4870];
	[tilespmem:s19+$0xC820] =	vst v2  }
0x1db: {  	v9 =	vld [tilespmem:s19+$0x5000];
	[tilespmem:s19+$0xC830] =	vst v3  }
0x1dc: {  	v10 =	vld [tilespmem:s19+$0x5010];
	[tilespmem:s19+$0xC840] =	vst v4  }
0x1dd: {  	v11 =	vld [tilespmem:s19+$0x5020];
	[tilespmem:s19+$0xC850] =	vst v62  }
0x1de: {  	v12 =	vld [tilespmem:s19+$0x5030];
	[tilespmem:s19+$0xC860] =	vst v63  }
0x1df: {  	v13 =	vld [tilespmem:s19+$0x5040];
	[tilespmem:s19+$0xC870] =	vst v8  }
0x1e0: {  	v14 =	vld [tilespmem:s19+$0x5050];
	[tilespmem:s19+$0xD000] =	vst v9  }
0x1e1: {  	v15 =	vld [tilespmem:s19+$0x5060];
	[tilespmem:s19+$0xD010] =	vst v10  }
0x1e2: {  	v16 =	vld [tilespmem:s19+$0x5070];
	[tilespmem:s19+$0xD020] =	vst v11  }
0x1e3: {  	v17 =	vld [tilespmem:s19+$0x5800];
	[tilespmem:s19+$0xD030] =	vst v12  }
0x1e4: {  	v18 =	vld [tilespmem:s19+$0x5810];
	[tilespmem:s19+$0xD040] =	vst v13  }
0x1e5: {  	v19 =	vld [tilespmem:s19+$0x5820];
	[tilespmem:s19+$0xD050] =	vst v14  }
0x1e6: {  	v20 =	vld [tilespmem:s19+$0x5830];
	[tilespmem:s19+$0xD060] =	vst v15  }
0x1e7: {  	v21 =	vld [tilespmem:s19+$0x5840];
	[tilespmem:s19+$0xD070] =	vst v16  }
0x1e8: {  	v22 =	vld [tilespmem:s19+$0x5850];
	[tilespmem:s19+$0xD800] =	vst v17  }
0x1e9: {  	v23 =	vld [tilespmem:s19+$0x5860];
	[tilespmem:s19+$0xD810] =	vst v18  }
0x1ea: {  	v24 =	vld [tilespmem:s19+$0x5870];
	[tilespmem:s19+$0xD820] =	vst v19  }
0x1eb: {  	v25 =	vld [tilespmem:s19+$0x6000];
	[tilespmem:s19+$0xD830] =	vst v20  }
0x1ec: {  	v26 =	vld [tilespmem:s19+$0x6010];
	[tilespmem:s19+$0xD840] =	vst v21  }
0x1ed: {  	v27 =	vld [tilespmem:s19+$0x6020];
	[tilespmem:s19+$0xD850] =	vst v22  }
0x1ee: {  	v28 =	vld [tilespmem:s19+$0x6030];
	[tilespmem:s19+$0xD860] =	vst v23  }
0x1ef: {  	v29 =	vld [tilespmem:s19+$0x6040];
	[tilespmem:s19+$0xD870] =	vst v24  }
0x1f0: {  	v30 =	vld [tilespmem:s19+$0x6050];
	[tilespmem:s19+$0xE000] =	vst v25  }
0x1f1: {  	v31 =	vld [tilespmem:s19+$0x6060];
	[tilespmem:s19+$0xE010] =	vst v26  }
0x1f2: {  	v32 =	vld [tilespmem:s19+$0x6070];
	[tilespmem:s19+$0xE020] =	vst v27  }
0x1f3: {  	v33 =	vld [tilespmem:s19+$0x6800];
	[tilespmem:s19+$0xE030] =	vst v28  }
0x1f4: {  	v34 =	vld [tilespmem:s19+$0x6810];
	[tilespmem:s19+$0xE040] =	vst v29  }
0x1f5: {  	v35 =	vld [tilespmem:s19+$0x6820];
	[tilespmem:s19+$0xE050] =	vst v30  }
0x1f6: {  	v36 =	vld [tilespmem:s19+$0x6830];
	[tilespmem:s19+$0xE060] =	vst v31  }
0x1f7: {  	v37 =	vld [tilespmem:s19+$0x6840];
	[tilespmem:s19+$0xE070] =	vst v32  }
0x1f8: {  	v38 =	vld [tilespmem:s19+$0x6850];
	[tilespmem:s19+$0xE800] =	vst v33  }
0x1f9: {  	v39 =	vld [tilespmem:s19+$0x6860];
	[tilespmem:s19+$0xE810] =	vst v34  }
0x1fa: {  	v40 =	vld [tilespmem:s19+$0x6870];
	[tilespmem:s19+$0xE820] =	vst v35  }
0x1fb: {  	v41 =	vld [tilespmem:s19+$0x7000];
	[tilespmem:s19+$0xE830] =	vst v36  }
0x1fc: {  	v42 =	vld [tilespmem:s19+$0x7010];
	[tilespmem:s19+$0xE840] =	vst v37  }
0x1fd: {  	v43 =	vld [tilespmem:s19+$0x7020];
	[tilespmem:s19+$0xE850] =	vst v38  }
0x1fe: {  	v44 =	vld [tilespmem:s19+$0x7030];
	[tilespmem:s19+$0xE860] =	vst v39  }
0x1ff: {  	v45 =	vld [tilespmem:s19+$0x7040];
	[tilespmem:s19+$0xE870] =	vst v40  }
0x200: {  	v46 =	vld [tilespmem:s19+$0x7050];
	[tilespmem:s19+$0xF000] =	vst v41  }
0x201: {  	v47 =	vld [tilespmem:s19+$0x7060];
	[tilespmem:s19+$0xF010] =	vst v42  }
0x202: {  	v48 =	vld [tilespmem:s19+$0x7070];
	[tilespmem:s19+$0xF020] =	vst v43  }
0x203: {  	v49 =	vld [tilespmem:s19+$0x7800];
	[tilespmem:s19+$0xF030] =	vst v44  }
0x204: {  	v50 =	vld [tilespmem:s19+$0x7810];
	[tilespmem:s19+$0xF040] =	vst v45  }
0x205: {  	v51 =	vld [tilespmem:s19+$0x7820];
	[tilespmem:s19+$0xF050] =	vst v46  }
0x206: {  	v52 =	vld [tilespmem:s19+$0x7830];
	[tilespmem:s19+$0xF060] =	vst v47  }
0x207: {  	v53 =	vld [tilespmem:s19+$0x7840];
	[tilespmem:s19+$0xF070] =	vst v48  }
0x208: {  	v54 =	vld [tilespmem:s19+$0x7850];
	[tilespmem:s19+$0xF800] =	vst v49  }
0x209: {  	v55 =	vld [tilespmem:s19+$0x7860];
	[tilespmem:s19+$0xF810] =	vst v50  }
0x20a: {  	v56 =	vld [tilespmem:s19+$0x7870];
	[tilespmem:s19+$0xF820] =	vst v51  }
0x20b: {  	v57 =	vld [tilespmem:s19+$0x8000];
	[tilespmem:s19+$0xF830] =	vst v52  }
0x20c: {  	v58 =	vld [tilespmem:s19+$0x8010];
	[tilespmem:s19+$0xF840] =	vst v53  }
0x20d: {  	v59 =	vld [tilespmem:s19+$0x8020];
	[tilespmem:s19+$0xF850] =	vst v54  }
0x20e: {  	v60 =	vld [tilespmem:s19+$0x8030];
	[tilespmem:s19+$0xF860] =	vst v55  }
0x20f: {  	v61 =	vld [tilespmem:s19+$0x8040];
	[tilespmem:s19+$0xF870] =	vst v56  }
0x210: {  	[tilespmem:s19+$0x10000] =	vst v57;
	v62 =	vld [tilespmem:s19+$0x8050]  }
0x211: {  	s15 =	sadd.s32 $0x1, s15;
	[tilespmem:s19+$0x10010] =	vst v58;
	v63 =	vld [tilespmem:s19+$0x8060]  }
0x212: {  	p0 =	sne.s32 s15, $0x32;
	[tilespmem:s19+$0x10020] =	vst v59  }
.Ltmp4:
0x213: {  	[tilespmem:s19+$0x10030] =	vst v60;
	(pc) =	sbr.rel @p0 .LBB2_2-.Ltmp4, $4  }
0x214: {  	s16 =	sadd.s32 s16, s11;
	[tilespmem:s19+$0x10040] =	vst v61  }
0x215: {  	s16 =	sshrl.u32 s16, $0x3;
	[tilespmem:s19+$0x10050] =	vst v62  }
0x216: {  	s16 =	sadd.s32 s5, s16;
	[tilespmem:s19+$0x10060] =	vst v63  }
0x217: {  	[hbm4b:s16+s3] =	stream.linear.scatter [tilespmem:s6], [sflag:$0x6], $0x4000, $0x38;
	[tilespmem:$0x10800] =	vst v63  }
0x218: {  	_ =	swait.ge [sflag:s13], $0x4000  }
0x219: {  	[sflag:s13] =	ssyncset.done $0x0  }
0x21a: {  	[sflag:s13] =	ssyncadd.s32 $0xFFFFC000  }
0x21b: {  	_ =	swait.ge [sflag:s1], $0x4000  }
0x21c: {  	s16 =	rddreg [dreg:$0x6]  }
0x21d: {  	s15 =	rddreg [dreg:$0x5];
	s16 =	sadd.s32 $0x1, s16  }
0x21e: {  	p0 =	sne.s32 s16, s15  }
.Ltmp5:
0x21f: {  	_ = 	snop;
	(pc) =	sbr.rel @p0 .LBB2_1-.Ltmp5, $3  }
0x220: {  	_ =	sdelay $0x1  }
0x221: {  	[sflag:s1] =	ssyncset.done $0x0  }
0x222: {  	[sflag:s1] =	ssyncadd.s32 $0xFFFFC000  }
0x223: {  	_ =	sfence.sel $0x180000  }
0x224: {  	[bflag:$0x0] =	sbarrier.arrive $0xFFFF  }
0x225: {  	_ =	strace $0x90000047  }
0x226: {  	s0 =	stileid.u32;
	[bflag:$0x2] =	sbarrier.arrive $0xFFFF  }
0x227: {  	p0 =	sne.s32 s0, $0x0;
	s0 =	rddreg [dreg:$0x2]  }
0x228: {  	s0 =	sadd.s32 @!p0 $0x100000, s0  }
0x229: {  	[sflag:s0] =	ssyncadd.tile.s32 @!p0 $0x1;
	_ =	shalt  }
.Lfunc_end2:
_tile_overlayer_lowered:
.L_overlay_start_2:
0x22a: {  	(tag) =	ssettag $0x2  }
0x22b: {  	s0 =	rddreg [dreg:$0x0];
	s2 =	stileid.u32  }
0x22c: {  	s1 =	rddreg [dreg:$0x1];
	p0 =	sne.s32 s2, $0x0  }
0x22d: {  	s3 =	rddreg [dreg:$0x2];
	[bflag:$0x3] =	sbarrier.arrive $0xFFFF;
	s2 =	simm.s32 @!p0 $0x1C07  }
0x22e: {  	[timem:s3], [sflag:s2] =	dma.local @!p0 [hbm:s0], s1  }
0x22f: {  	s0 =	simm.s32 @!p0 $0x7  }
0x230: {  	_ =	swait.ge @!p0 [sflag:s0], s1  }
0x231: {  	s1 =	ssub.s32 @!p0 $0x0, s1;
	[sflag:s0] =	ssyncset.done @!p0 $0x0  }
0x232: {  	[sflag:s0] =	ssyncadd.s32 @!p0 s1  }
0x233: {  	[bflag:$0x3] =	sbarrier.arrive $0xFFFF  }
0x234: {  	_ =	shalt  }

</sc_bundles>
